<compile_context>
chip_gen: v7x
topology: tpu7x:2x2x1
jax: 0.10.2.dev20260603
libtpu: 0.0.44.dev20260713+nightly
codegen_flags: <defaults>
</compile_context>

<pallas_src>
import functools

import jax
import jax.numpy as jnp
from jax import lax
from jax.experimental import pallas as pl
from jax.experimental.pallas import tpu as pltpu
from jax.experimental.pallas import tpu_sc as plsc

NUM_ROWS = 1000000
DIM = 64
N_EX = 16384
N_TOK = 200

N_WORKERS = 32
EX_PER_W = N_EX // N_WORKERS
EX_CHUNK = 128
N_BC = EX_PER_W // EX_CHUNK
TV_STRIDE = EX_CHUNK + 5
NG = 4


def _make_kernel():
    mesh = plsc.VectorSubcoreMesh(core_axis_name="c", subcore_axis_name="s")
    nc = plsc.get_sparse_core_info().num_cores

    @functools.partial(
        pl.kernel,
        mesh=mesh,
        out_type=jax.ShapeDtypeStruct((N_TOK, 8, N_EX // 128, 8, 128), jnp.float32),
        scratch_types=[
            pltpu.VMEM((EX_CHUNK * N_TOK,), jnp.int32),
            [pltpu.VMEM((EX_CHUNK,), jnp.int32) for _ in range(NG)],
            [pltpu.VMEM((EX_CHUNK, DIM), jnp.float32) for _ in range(NG)],
            [pltpu.VMEM((8, 8, TV_STRIDE), jnp.float32) for _ in range(2)],
            [pltpu.SemaphoreType.DMA for _ in range(NG)],
            [pltpu.SemaphoreType.DMA for _ in range(2)],
        ],
        compiler_params=pltpu.CompilerParams(
            needs_layout_passes=False, use_tc_tiling_on_sc=False
        ),
    )
    def emb_kernel(idx_hbm, table_hbm, out_hbm, idx_v, lv, gv, tv, sg, so):
        wid = lax.axis_index("s") * nc + lax.axis_index("c")
        iota = lax.iota(jnp.int32, 16)
        iota_tok = iota * N_TOK
        zero16 = iota * 0

        def bc_body(bc, _):
            ex0 = wid * EX_PER_W + bc * EX_CHUNK
            del ex0
            pltpu.sync_copy(
                idx_hbm.at[
                    pl.ds(
                        pl.multiple_of(
                            (wid * EX_PER_W + bc * EX_CHUNK) * N_TOK, 8
                        ),
                        EX_CHUNK * N_TOK,
                    )
                ],
                idx_v,
            )

            def prep_and_gather(t, j):
                for b16 in range(EX_CHUNK // 16):
                    v = plsc.load_gather(idx_v, [iota_tok + (b16 * 16 * N_TOK + t)])
                    lv[j][pl.ds(b16 * 16, 16)] = v
                pltpu.make_async_copy(table_hbm.at[lv[j]], gv[j], sg[j]).start()

            def transpose(j, p):
                @plsc.parallel_loop(0, EX_CHUNK, unroll=16)
                def _(r):
                    rv = zero16 + r
                    for q in range(DIM // 16):
                        dvec = iota + q * 16
                        plsc.store_scatter(
                            tv[p],
                            [dvec // 8, dvec % 8, rv],
                            gv[j][r, pl.ds(q * 16, 16)],
                        )

            def store_copy(t, p):
                bcol = wid * N_BC + bc
                return pltpu.make_async_copy(
                    tv[p].at[:, :, pl.ds(0, EX_CHUNK)],
                    out_hbm.at[t, :, bcol, :, :],
                    so[p],
                )

            def gather_wait(j):
                pltpu.make_async_copy(table_hbm.at[lv[j]], gv[j], sg[j]).wait()

            for j in range(NG):
                prep_and_gather(j, j)

            def tc_body(t, _):
                for j in range(NG):
                    g = NG * t + j
                    p = j % 2
                    gather_wait(j)
                    if j < 2:
                        @pl.when(t > 0)
                        def _():
                            store_copy(g - 2, p).wait()
                    else:
                        store_copy(g - 2, p).wait()
                    transpose(j, p)
                    store_copy(g, p).start()

                    @pl.when(t < N_TOK // NG - 1)
                    def _():
                        prep_and_gather(g + NG, j)

                return 0

            lax.fori_loop(0, N_TOK // NG, tc_body, 0)
            store_copy(N_TOK - 2, 0).wait()
            store_copy(N_TOK - 1, 1).wait()
            return 0

        lax.fori_loop(0, N_BC, bc_body, 0)

    return emb_kernel


def kernel(indices, weight):
    idx_flat = indices.reshape(-1).astype(jnp.int32)
    out5 = _make_kernel()(idx_flat, weight)
    return jnp.transpose(out5, (2, 4, 0, 1, 3)).reshape(N_EX, N_TOK, DIM)

# --- scband reference (transcript-rebuilt; emitter-appended) ---
"""Pipeline reference for scband-embedding-34067680592365 (READ-ONLY COPY).

The authoritative reference and input builder live on the scoring server;
editing this copy changes nothing except your own understanding.
"""

import jax, jax.numpy as jnp
import numpy as np

NUM_EMBEDDINGS = 1000000
EMBEDDING_DIM = 64


def setup_inputs(seed: int = 0) -> dict:
    key = jax.random.key(seed)
    k_idx, k_w = jax.random.split(key)
    indices = jax.random.randint(k_idx, (16384, 200), 0, NUM_EMBEDDINGS, dtype=jnp.int64 if jax.config.jax_enable_x64 else jnp.int32)
    weight = jax.random.normal(k_w, (NUM_EMBEDDINGS, EMBEDDING_DIM), dtype=jnp.float32) * 0.02
    return {"indices": indices, "weight": weight}


def reference(indices, weight):
    # F.embedding(indices, weight) -> gather rows of the embedding table
    return jnp.take(weight, indices, axis=0)

if __name__ == "__main__":
    import jax
    _d = setup_inputs()
    print(jax.jit(kernel)(*tuple(_d.values())))

</pallas_src>

<mosaic_0001>
#map = affine_map<(d0, d1) -> (0)>
#map1 = affine_map<(d0, d1) -> (0, 0)>
#map2 = affine_map<(d0, d1) -> (0, 0, 0, 0, 0)>
module attributes {stable_mosaic.version = 14 : i64} {
  func.func @emb_kernel(%arg0: i32, %arg1: i32, %arg2: memref<3276800xi32, #tpu.memory_space<hbm>>, %arg3: memref<1000000x64xf32, #tpu.memory_space<hbm>>, %arg4: memref<200x8x128x8x128xf32, #tpu.memory_space<hbm>>, %arg5: memref<25600xi32, #tpu.memory_space<vmem>>, %arg6: memref<128xi32, #tpu.memory_space<vmem>>, %arg7: memref<128xi32, #tpu.memory_space<vmem>>, %arg8: memref<128xi32, #tpu.memory_space<vmem>>, %arg9: memref<128xi32, #tpu.memory_space<vmem>>, %arg10: memref<128x64xf32, #tpu.memory_space<vmem>>, %arg11: memref<128x64xf32, #tpu.memory_space<vmem>>, %arg12: memref<128x64xf32, #tpu.memory_space<vmem>>, %arg13: memref<128x64xf32, #tpu.memory_space<vmem>>, %arg14: memref<8x8x133xf32, #tpu.memory_space<vmem>>, %arg15: memref<8x8x133xf32, #tpu.memory_space<vmem>>, %arg16: memref<!tpu.dma_semaphore, #tpu.memory_space<semaphore_mem>>, %arg17: memref<!tpu.dma_semaphore, #tpu.memory_space<semaphore_mem>>, %arg18: memref<!tpu.dma_semaphore, #tpu.memory_space<semaphore_mem>>, %arg19: memref<!tpu.dma_semaphore, #tpu.memory_space<semaphore_mem>>, %arg20: memref<!tpu.dma_semaphore, #tpu.memory_space<semaphore_mem>>, %arg21: memref<!tpu.dma_semaphore, #tpu.memory_space<semaphore_mem>>) attributes {dimension_semantics = [#tpu.dimension_semantics<core_parallel>, #tpu.dimension_semantics<subcore_parallel>], iteration_bounds = array<i64: 2, 16>, scalar_prefetch = 0 : i64, scratch_operands = 17 : i64, tpu.core_type = #tpu.core_type<sc_vector_subcore>, window_params = [{transform_indices = #map}, {transform_indices = #map1}, {transform_indices = #map2}]} {
    %mul3A = arith.constant 2 : i32
    %mul3A_0 = arith.muli %arg1, %mul3A : i32
    %add3A = arith.addi %mul3A_0, %arg0 : i32
    %iota3A = tpu.iota {dimensions = array<i32: 0>} : vector<16xi32>
    %mul3A_1 = arith.constant 200 : i32
    %mul3A_2 = vector.broadcast %mul3A_1 : i32 to vector<16xi32>
    %mul3A_3 = arith.muli %iota3A, %mul3A_2 : vector<16xi32>
    %mul3A_4 = arith.constant 0 : i32
    %mul3A_5 = vector.broadcast %mul3A_4 : i32 to vector<16xi32>
    %mul3A_6 = arith.muli %iota3A, %mul3A_5 : vector<16xi32>
    %scan3A = arith.constant 0 : i32
    %scan3A_7 = arith.constant 0 : i32
    %scan3A_8 = arith.constant 4 : i32
    %scan3A_9 = arith.addi %scan3A_7, %scan3A_8 : i32
    %scan3A_10 = arith.constant 1 : i32
    %scan3A_11 = scf.for %scan3A_13 = %scan3A_7 to %scan3A_9 step %scan3A_10 iter_args(%scan3A_14 = %scan3A) -> (i32)  : i32 {
      %mul3A_15 = arith.constant 512 : i32
      %mul3A_16 = arith.muli %add3A, %mul3A_15 : i32
      %mul3A_17 = arith.constant 128 : i32
      %mul3A_18 = arith.muli %scan3A_13, %mul3A_17 : i32
      %add3A_19 = arith.addi %mul3A_16, %mul3A_18 : i32
      %mul3A_20 = arith.constant 512 : i32
      %mul3A_21 = arith.muli %add3A, %mul3A_20 : i32
      %mul3A_22 = arith.constant 128 : i32
      %mul3A_23 = arith.muli %scan3A_13, %mul3A_22 : i32
      %add3A_24 = arith.addi %mul3A_21, %mul3A_23 : i32
      %mul3A_25 = arith.constant 200 : i32
      %mul3A_26 = arith.muli %add3A_24, %mul3A_25 : i32
      %multiple_of3A = tpu.assume_multiple %mul3A_26, 8 : i32
      "tpu.region"() ({
        %run_scoped3A = tpu.sem_alloc : memref<!tpu.dma_semaphore, #tpu.memory_space<semaphore_mem>>
        %dma_start3A_279 = tpu.memref_slice %arg2[%multiple_of3A] : memref<3276800xi32, #tpu.memory_space<hbm>> -> memref<25600xi32, #tpu.memory_space<hbm>>
        %dma_start3A_280 = tpu.memref_slice %arg2[%multiple_of3A] : memref<3276800xi32, #tpu.memory_space<hbm>> -> memref<25600xi32, #tpu.memory_space<hbm>>
        tpu.enqueue_dma source(%dma_start3A_280 : memref<25600xi32, #tpu.memory_space<hbm>>) target(%arg5 : memref<25600xi32, #tpu.memory_space<vmem>>) target_semaphore(%run_scoped3A : memref<!tpu.dma_semaphore, #tpu.memory_space<semaphore_mem>>)
        %dma_wait3A_281 = tpu.memref_slice %arg2[%multiple_of3A] : memref<3276800xi32, #tpu.memory_space<hbm>> -> memref<25600xi32, #tpu.memory_space<hbm>>
        %dma_wait3A_282 = tpu.memref_slice %arg2[%multiple_of3A] : memref<3276800xi32, #tpu.memory_space<hbm>> -> memref<25600xi32, #tpu.memory_space<hbm>>
        tpu.wait_dma2 semaphore(%run_scoped3A : memref<!tpu.dma_semaphore, #tpu.memory_space<semaphore_mem>>) src(%dma_wait3A_282 : memref<25600xi32, #tpu.memory_space<hbm>>) dst(%arg5 : memref<25600xi32, #tpu.memory_space<vmem>>)
        tpu.yield
      }) : () -> ()
      %add3A_27 = arith.constant 0 : i32
      %add3A_28 = vector.broadcast %add3A_27 : i32 to vector<16xi32>
      %add3A_29 = arith.addi %mul3A_3, %add3A_28 : vector<16xi32>
      %gather3A = tpu.vector_load_idx %arg5[%add3A_29] : memref<25600xi32, #tpu.memory_space<vmem>>[vector<16xi32>], vector<16xi32>,
      %swap3A = arith.constant 0 : index
      %swap3A_30 = tpu.vector_load %arg6[%swap3A] {strides = array<i32>} : memref<128xi32, #tpu.memory_space<vmem>>, vector<16xi32>,
      tpu.vector_store %arg6[%swap3A], %gather3A {strides = array<i32>} : memref<128xi32, #tpu.memory_space<vmem>>, vector<16xi32>,
      %add3A_31 = arith.constant 3200 : i32
      %add3A_32 = vector.broadcast %add3A_31 : i32 to vector<16xi32>
      %add3A_33 = arith.addi %mul3A_3, %add3A_32 : vector<16xi32>
      %gather3A_34 = tpu.vector_load_idx %arg5[%add3A_33] : memref<25600xi32, #tpu.memory_space<vmem>>[vector<16xi32>], vector<16xi32>,
      %swap3A_35 = arith.constant 16 : index
      %swap3A_36 = tpu.vector_load %arg6[%swap3A_35] {strides = array<i32>} : memref<128xi32, #tpu.memory_space<vmem>>, vector<16xi32>,
      tpu.vector_store %arg6[%swap3A_35], %gather3A_34 {strides = array<i32>} : memref<128xi32, #tpu.memory_space<vmem>>, vector<16xi32>,
      %add3A_37 = arith.constant 6400 : i32
      %add3A_38 = vector.broadcast %add3A_37 : i32 to vector<16xi32>
      %add3A_39 = arith.addi %mul3A_3, %add3A_38 : vector<16xi32>
      %gather3A_40 = tpu.vector_load_idx %arg5[%add3A_39] : memref<25600xi32, #tpu.memory_space<vmem>>[vector<16xi32>], vector<16xi32>,
      %swap3A_41 = arith.constant 32 : index
      %swap3A_42 = tpu.vector_load %arg6[%swap3A_41] {strides = array<i32>} : memref<128xi32, #tpu.memory_space<vmem>>, vector<16xi32>,
      tpu.vector_store %arg6[%swap3A_41], %gather3A_40 {strides = array<i32>} : memref<128xi32, #tpu.memory_space<vmem>>, vector<16xi32>,
      %add3A_43 = arith.constant 9600 : i32
      %add3A_44 = vector.broadcast %add3A_43 : i32 to vector<16xi32>
      %add3A_45 = arith.addi %mul3A_3, %add3A_44 : vector<16xi32>
      %gather3A_46 = tpu.vector_load_idx %arg5[%add3A_45] : memref<25600xi32, #tpu.memory_space<vmem>>[vector<16xi32>], vector<16xi32>,
      %swap3A_47 = arith.constant 48 : index
      %swap3A_48 = tpu.vector_load %arg6[%swap3A_47] {strides = array<i32>} : memref<128xi32, #tpu.memory_space<vmem>>, vector<16xi32>,
      tpu.vector_store %arg6[%swap3A_47], %gather3A_46 {strides = array<i32>} : memref<128xi32, #tpu.memory_space<vmem>>, vector<16xi32>,
      %add3A_49 = arith.constant 12800 : i32
      %add3A_50 = vector.broadcast %add3A_49 : i32 to vector<16xi32>
      %add3A_51 = arith.addi %mul3A_3, %add3A_50 : vector<16xi32>
      %gather3A_52 = tpu.vector_load_idx %arg5[%add3A_51] : memref<25600xi32, #tpu.memory_space<vmem>>[vector<16xi32>], vector<16xi32>,
      %swap3A_53 = arith.constant 64 : index
      %swap3A_54 = tpu.vector_load %arg6[%swap3A_53] {strides = array<i32>} : memref<128xi32, #tpu.memory_space<vmem>>, vector<16xi32>,
      tpu.vector_store %arg6[%swap3A_53], %gather3A_52 {strides = array<i32>} : memref<128xi32, #tpu.memory_space<vmem>>, vector<16xi32>,
      %add3A_55 = arith.constant 16000 : i32
      %add3A_56 = vector.broadcast %add3A_55 : i32 to vector<16xi32>
      %add3A_57 = arith.addi %mul3A_3, %add3A_56 : vector<16xi32>
      %gather3A_58 = tpu.vector_load_idx %arg5[%add3A_57] : memref<25600xi32, #tpu.memory_space<vmem>>[vector<16xi32>], vector<16xi32>,
      %swap3A_59 = arith.constant 80 : index
      %swap3A_60 = tpu.vector_load %arg6[%swap3A_59] {strides = array<i32>} : memref<128xi32, #tpu.memory_space<vmem>>, vector<16xi32>,
      tpu.vector_store %arg6[%swap3A_59], %gather3A_58 {strides = array<i32>} : memref<128xi32, #tpu.memory_space<vmem>>, vector<16xi32>,
      %add3A_61 = arith.constant 19200 : i32
      %add3A_62 = vector.broadcast %add3A_61 : i32 to vector<16xi32>
      %add3A_63 = arith.addi %mul3A_3, %add3A_62 : vector<16xi32>
      %gather3A_64 = tpu.vector_load_idx %arg5[%add3A_63] : memref<25600xi32, #tpu.memory_space<vmem>>[vector<16xi32>], vector<16xi32>,
      %swap3A_65 = arith.constant 96 : index
      %swap3A_66 = tpu.vector_load %arg6[%swap3A_65] {strides = array<i32>} : memref<128xi32, #tpu.memory_space<vmem>>, vector<16xi32>,
      tpu.vector_store %arg6[%swap3A_65], %gather3A_64 {strides = array<i32>} : memref<128xi32, #tpu.memory_space<vmem>>, vector<16xi32>,
      %add3A_67 = arith.constant 22400 : i32
      %add3A_68 = vector.broadcast %add3A_67 : i32 to vector<16xi32>
      %add3A_69 = arith.addi %mul3A_3, %add3A_68 : vector<16xi32>
      %gather3A_70 = tpu.vector_load_idx %arg5[%add3A_69] : memref<25600xi32, #tpu.memory_space<vmem>>[vector<16xi32>], vector<16xi32>,
      %swap3A_71 = arith.constant 112 : index
      %swap3A_72 = tpu.vector_load %arg6[%swap3A_71] {strides = array<i32>} : memref<128xi32, #tpu.memory_space<vmem>>, vector<16xi32>,
      tpu.vector_store %arg6[%swap3A_71], %gather3A_70 {strides = array<i32>} : memref<128xi32, #tpu.memory_space<vmem>>, vector<16xi32>,
      %dma_start3A = arith.constant 0 : i32
      %dma_start3A_73 = arith.constant 0 : i32
      %dma_start3A_74 = tpu.memref_slice %arg3[%dma_start3A, %dma_start3A_73] : memref<1000000x64xf32, #tpu.memory_space<hbm>> -> memref<1000000x64xf32, #tpu.memory_space<hbm>>
      tpu.enqueue_indirect_dma source(%dma_start3A_74 : memref<1000000x64xf32, #tpu.memory_space<hbm>>) target(%arg10 : memref<128x64xf32, #tpu.memory_space<vmem>>) offsets(%arg6 : memref<128xi32, #tpu.memory_space<vmem>>) semaphore(%arg16 : memref<!tpu.dma_semaphore, #tpu.memory_space<semaphore_mem>>)
      %add3A_75 = arith.constant 1 : i32
      %add3A_76 = vector.broadcast %add3A_75 : i32 to vector<16xi32>
      %add3A_77 = arith.addi %mul3A_3, %add3A_76 : vector<16xi32>
      %gather3A_78 = tpu.vector_load_idx %arg5[%add3A_77] : memref<25600xi32, #tpu.memory_space<vmem>>[vector<16xi32>], vector<16xi32>,
      %swap3A_79 = arith.constant 0 : index
      %swap3A_80 = tpu.vector_load %arg7[%swap3A_79] {strides = array<i32>} : memref<128xi32, #tpu.memory_space<vmem>>, vector<16xi32>,
      tpu.vector_store %arg7[%swap3A_79], %gather3A_78 {strides = array<i32>} : memref<128xi32, #tpu.memory_space<vmem>>, vector<16xi32>,
      %add3A_81 = arith.constant 3201 : i32
      %add3A_82 = vector.broadcast %add3A_81 : i32 to vector<16xi32>
      %add3A_83 = arith.addi %mul3A_3, %add3A_82 : vector<16xi32>
      %gather3A_84 = tpu.vector_load_idx %arg5[%add3A_83] : memref<25600xi32, #tpu.memory_space<vmem>>[vector<16xi32>], vector<16xi32>,
      %swap3A_85 = arith.constant 16 : index
      %swap3A_86 = tpu.vector_load %arg7[%swap3A_85] {strides = array<i32>} : memref<128xi32, #tpu.memory_space<vmem>>, vector<16xi32>,
      tpu.vector_store %arg7[%swap3A_85], %gather3A_84 {strides = array<i32>} : memref<128xi32, #tpu.memory_space<vmem>>, vector<16xi32>,
      %add3A_87 = arith.constant 6401 : i32
      %add3A_88 = vector.broadcast %add3A_87 : i32 to vector<16xi32>
      %add3A_89 = arith.addi %mul3A_3, %add3A_88 : vector<16xi32>
      %gather3A_90 = tpu.vector_load_idx %arg5[%add3A_89] : memref<25600xi32, #tpu.memory_space<vmem>>[vector<16xi32>], vector<16xi32>,
      %swap3A_91 = arith.constant 32 : index
      %swap3A_92 = tpu.vector_load %arg7[%swap3A_91] {strides = array<i32>} : memref<128xi32, #tpu.memory_space<vmem>>, vector<16xi32>,
      tpu.vector_store %arg7[%swap3A_91], %gather3A_90 {strides = array<i32>} : memref<128xi32, #tpu.memory_space<vmem>>, vector<16xi32>,
      %add3A_93 = arith.constant 9601 : i32
      %add3A_94 = vector.broadcast %add3A_93 : i32 to vector<16xi32>
      %add3A_95 = arith.addi %mul3A_3, %add3A_94 : vector<16xi32>
      %gather3A_96 = tpu.vector_load_idx %arg5[%add3A_95] : memref<25600xi32, #tpu.memory_space<vmem>>[vector<16xi32>], vector<16xi32>,
      %swap3A_97 = arith.constant 48 : index
      %swap3A_98 = tpu.vector_load %arg7[%swap3A_97] {strides = array<i32>} : memref<128xi32, #tpu.memory_space<vmem>>, vector<16xi32>,
      tpu.vector_store %arg7[%swap3A_97], %gather3A_96 {strides = array<i32>} : memref<128xi32, #tpu.memory_space<vmem>>, vector<16xi32>,
      %add3A_99 = arith.constant 12801 : i32
      %add3A_100 = vector.broadcast %add3A_99 : i32 to vector<16xi32>
      %add3A_101 = arith.addi %mul3A_3, %add3A_100 : vector<16xi32>
      %gather3A_102 = tpu.vector_load_idx %arg5[%add3A_101] : memref<25600xi32, #tpu.memory_space<vmem>>[vector<16xi32>], vector<16xi32>,
      %swap3A_103 = arith.constant 64 : index
      %swap3A_104 = tpu.vector_load %arg7[%swap3A_103] {strides = array<i32>} : memref<128xi32, #tpu.memory_space<vmem>>, vector<16xi32>,
      tpu.vector_store %arg7[%swap3A_103], %gather3A_102 {strides = array<i32>} : memref<128xi32, #tpu.memory_space<vmem>>, vector<16xi32>,
      %add3A_105 = arith.constant 16001 : i32
      %add3A_106 = vector.broadcast %add3A_105 : i32 to vector<16xi32>
      %add3A_107 = arith.addi %mul3A_3, %add3A_106 : vector<16xi32>
      %gather3A_108 = tpu.vector_load_idx %arg5[%add3A_107] : memref<25600xi32, #tpu.memory_space<vmem>>[vector<16xi32>], vector<16xi32>,
      %swap3A_109 = arith.constant 80 : index
      %swap3A_110 = tpu.vector_load %arg7[%swap3A_109] {strides = array<i32>} : memref<128xi32, #tpu.memory_space<vmem>>, vector<16xi32>,
      tpu.vector_store %arg7[%swap3A_109], %gather3A_108 {strides = array<i32>} : memref<128xi32, #tpu.memory_space<vmem>>, vector<16xi32>,
      %add3A_111 = arith.constant 19201 : i32
      %add3A_112 = vector.broadcast %add3A_111 : i32 to vector<16xi32>
      %add3A_113 = arith.addi %mul3A_3, %add3A_112 : vector<16xi32>
      %gather3A_114 = tpu.vector_load_idx %arg5[%add3A_113] : memref<25600xi32, #tpu.memory_space<vmem>>[vector<16xi32>], vector<16xi32>,
      %swap3A_115 = arith.constant 96 : index
      %swap3A_116 = tpu.vector_load %arg7[%swap3A_115] {strides = array<i32>} : memref<128xi32, #tpu.memory_space<vmem>>, vector<16xi32>,
      tpu.vector_store %arg7[%swap3A_115], %gather3A_114 {strides = array<i32>} : memref<128xi32, #tpu.memory_space<vmem>>, vector<16xi32>,
      %add3A_117 = arith.constant 22401 : i32
      %add3A_118 = vector.broadcast %add3A_117 : i32 to vector<16xi32>
      %add3A_119 = arith.addi %mul3A_3, %add3A_118 : vector<16xi32>
      %gather3A_120 = tpu.vector_load_idx %arg5[%add3A_119] : memref<25600xi32, #tpu.memory_space<vmem>>[vector<16xi32>], vector<16xi32>,
      %swap3A_121 = arith.constant 112 : index
      %swap3A_122 = tpu.vector_load %arg7[%swap3A_121] {strides = array<i32>} : memref<128xi32, #tpu.memory_space<vmem>>, vector<16xi32>,
      tpu.vector_store %arg7[%swap3A_121], %gather3A_120 {strides = array<i32>} : memref<128xi32, #tpu.memory_space<vmem>>, vector<16xi32>,
      %dma_start3A_123 = arith.constant 0 : i32
      %dma_start3A_124 = arith.constant 0 : i32
      %dma_start3A_125 = tpu.memref_slice %arg3[%dma_start3A_123, %dma_start3A_124] : memref<1000000x64xf32, #tpu.memory_space<hbm>> -> memref<1000000x64xf32, #tpu.memory_space<hbm>>
      tpu.enqueue_indirect_dma source(%dma_start3A_125 : memref<1000000x64xf32, #tpu.memory_space<hbm>>) target(%arg11 : memref<128x64xf32, #tpu.memory_space<vmem>>) offsets(%arg7 : memref<128xi32, #tpu.memory_space<vmem>>) semaphore(%arg17 : memref<!tpu.dma_semaphore, #tpu.memory_space<semaphore_mem>>)
      %add3A_126 = arith.constant 2 : i32
      %add3A_127 = vector.broadcast %add3A_126 : i32 to vector<16xi32>
      %add3A_128 = arith.addi %mul3A_3, %add3A_127 : vector<16xi32>
      %gather3A_129 = tpu.vector_load_idx %arg5[%add3A_128] : memref<25600xi32, #tpu.memory_space<vmem>>[vector<16xi32>], vector<16xi32>,
      %swap3A_130 = arith.constant 0 : index
      %swap3A_131 = tpu.vector_load %arg8[%swap3A_130] {strides = array<i32>} : memref<128xi32, #tpu.memory_space<vmem>>, vector<16xi32>,
      tpu.vector_store %arg8[%swap3A_130], %gather3A_129 {strides = array<i32>} : memref<128xi32, #tpu.memory_space<vmem>>, vector<16xi32>,
      %add3A_132 = arith.constant 3202 : i32
      %add3A_133 = vector.broadcast %add3A_132 : i32 to vector<16xi32>
      %add3A_134 = arith.addi %mul3A_3, %add3A_133 : vector<16xi32>
      %gather3A_135 = tpu.vector_load_idx %arg5[%add3A_134] : memref<25600xi32, #tpu.memory_space<vmem>>[vector<16xi32>], vector<16xi32>,
      %swap3A_136 = arith.constant 16 : index
      %swap3A_137 = tpu.vector_load %arg8[%swap3A_136] {strides = array<i32>} : memref<128xi32, #tpu.memory_space<vmem>>, vector<16xi32>,
      tpu.vector_store %arg8[%swap3A_136], %gather3A_135 {strides = array<i32>} : memref<128xi32, #tpu.memory_space<vmem>>, vector<16xi32>,
      %add3A_138 = arith.constant 6402 : i32
      %add3A_139 = vector.broadcast %add3A_138 : i32 to vector<16xi32>
      %add3A_140 = arith.addi %mul3A_3, %add3A_139 : vector<16xi32>
      %gather3A_141 = tpu.vector_load_idx %arg5[%add3A_140] : memref<25600xi32, #tpu.memory_space<vmem>>[vector<16xi32>], vector<16xi32>,
      %swap3A_142 = arith.constant 32 : index
      %swap3A_143 = tpu.vector_load %arg8[%swap3A_142] {strides = array<i32>} : memref<128xi32, #tpu.memory_space<vmem>>, vector<16xi32>,
      tpu.vector_store %arg8[%swap3A_142], %gather3A_141 {strides = array<i32>} : memref<128xi32, #tpu.memory_space<vmem>>, vector<16xi32>,
      %add3A_144 = arith.constant 9602 : i32
      %add3A_145 = vector.broadcast %add3A_144 : i32 to vector<16xi32>
      %add3A_146 = arith.addi %mul3A_3, %add3A_145 : vector<16xi32>
      %gather3A_147 = tpu.vector_load_idx %arg5[%add3A_146] : memref<25600xi32, #tpu.memory_space<vmem>>[vector<16xi32>], vector<16xi32>,
      %swap3A_148 = arith.constant 48 : index
      %swap3A_149 = tpu.vector_load %arg8[%swap3A_148] {strides = array<i32>} : memref<128xi32, #tpu.memory_space<vmem>>, vector<16xi32>,
      tpu.vector_store %arg8[%swap3A_148], %gather3A_147 {strides = array<i32>} : memref<128xi32, #tpu.memory_space<vmem>>, vector<16xi32>,
      %add3A_150 = arith.constant 12802 : i32
      %add3A_151 = vector.broadcast %add3A_150 : i32 to vector<16xi32>
      %add3A_152 = arith.addi %mul3A_3, %add3A_151 : vector<16xi32>
      %gather3A_153 = tpu.vector_load_idx %arg5[%add3A_152] : memref<25600xi32, #tpu.memory_space<vmem>>[vector<16xi32>], vector<16xi32>,
      %swap3A_154 = arith.constant 64 : index
      %swap3A_155 = tpu.vector_load %arg8[%swap3A_154] {strides = array<i32>} : memref<128xi32, #tpu.memory_space<vmem>>, vector<16xi32>,
      tpu.vector_store %arg8[%swap3A_154], %gather3A_153 {strides = array<i32>} : memref<128xi32, #tpu.memory_space<vmem>>, vector<16xi32>,
      %add3A_156 = arith.constant 16002 : i32
      %add3A_157 = vector.broadcast %add3A_156 : i32 to vector<16xi32>
      %add3A_158 = arith.addi %mul3A_3, %add3A_157 : vector<16xi32>
      %gather3A_159 = tpu.vector_load_idx %arg5[%add3A_158] : memref<25600xi32, #tpu.memory_space<vmem>>[vector<16xi32>], vector<16xi32>,
      %swap3A_160 = arith.constant 80 : index
      %swap3A_161 = tpu.vector_load %arg8[%swap3A_160] {strides = array<i32>} : memref<128xi32, #tpu.memory_space<vmem>>, vector<16xi32>,
      tpu.vector_store %arg8[%swap3A_160], %gather3A_159 {strides = array<i32>} : memref<128xi32, #tpu.memory_space<vmem>>, vector<16xi32>,
      %add3A_162 = arith.constant 19202 : i32
      %add3A_163 = vector.broadcast %add3A_162 : i32 to vector<16xi32>
      %add3A_164 = arith.addi %mul3A_3, %add3A_163 : vector<16xi32>
      %gather3A_165 = tpu.vector_load_idx %arg5[%add3A_164] : memref<25600xi32, #tpu.memory_space<vmem>>[vector<16xi32>], vector<16xi32>,
      %swap3A_166 = arith.constant 96 : index
      %swap3A_167 = tpu.vector_load %arg8[%swap3A_166] {strides = array<i32>} : memref<128xi32, #tpu.memory_space<vmem>>, vector<16xi32>,
      tpu.vector_store %arg8[%swap3A_166], %gather3A_165 {strides = array<i32>} : memref<128xi32, #tpu.memory_space<vmem>>, vector<16xi32>,
      %add3A_168 = arith.constant 22402 : i32
      %add3A_169 = vector.broadcast %add3A_168 : i32 to vector<16xi32>
      %add3A_170 = arith.addi %mul3A_3, %add3A_169 : vector<16xi32>
      %gather3A_171 = tpu.vector_load_idx %arg5[%add3A_170] : memref<25600xi32, #tpu.memory_space<vmem>>[vector<16xi32>], vector<16xi32>,
      %swap3A_172 = arith.constant 112 : index
      %swap3A_173 = tpu.vector_load %arg8[%swap3A_172] {strides = array<i32>} : memref<128xi32, #tpu.memory_space<vmem>>, vector<16xi32>,
      tpu.vector_store %arg8[%swap3A_172], %gather3A_171 {strides = array<i32>} : memref<128xi32, #tpu.memory_space<vmem>>, vector<16xi32>,
      %dma_start3A_174 = arith.constant 0 : i32
      %dma_start3A_175 = arith.constant 0 : i32
      %dma_start3A_176 = tpu.memref_slice %arg3[%dma_start3A_174, %dma_start3A_175] : memref<1000000x64xf32, #tpu.memory_space<hbm>> -> memref<1000000x64xf32, #tpu.memory_space<hbm>>
      tpu.enqueue_indirect_dma source(%dma_start3A_176 : memref<1000000x64xf32, #tpu.memory_space<hbm>>) target(%arg12 : memref<128x64xf32, #tpu.memory_space<vmem>>) offsets(%arg8 : memref<128xi32, #tpu.memory_space<vmem>>) semaphore(%arg18 : memref<!tpu.dma_semaphore, #tpu.memory_space<semaphore_mem>>)
      %add3A_177 = arith.constant 3 : i32
      %add3A_178 = vector.broadcast %add3A_177 : i32 to vector<16xi32>
      %add3A_179 = arith.addi %mul3A_3, %add3A_178 : vector<16xi32>
      %gather3A_180 = tpu.vector_load_idx %arg5[%add3A_179] : memref<25600xi32, #tpu.memory_space<vmem>>[vector<16xi32>], vector<16xi32>,
      %swap3A_181 = arith.constant 0 : index
      %swap3A_182 = tpu.vector_load %arg9[%swap3A_181] {strides = array<i32>} : memref<128xi32, #tpu.memory_space<vmem>>, vector<16xi32>,
      tpu.vector_store %arg9[%swap3A_181], %gather3A_180 {strides = array<i32>} : memref<128xi32, #tpu.memory_space<vmem>>, vector<16xi32>,
      %add3A_183 = arith.constant 3203 : i32
      %add3A_184 = vector.broadcast %add3A_183 : i32 to vector<16xi32>
      %add3A_185 = arith.addi %mul3A_3, %add3A_184 : vector<16xi32>
      %gather3A_186 = tpu.vector_load_idx %arg5[%add3A_185] : memref<25600xi32, #tpu.memory_space<vmem>>[vector<16xi32>], vector<16xi32>,
      %swap3A_187 = arith.constant 16 : index
      %swap3A_188 = tpu.vector_load %arg9[%swap3A_187] {strides = array<i32>} : memref<128xi32, #tpu.memory_space<vmem>>, vector<16xi32>,
      tpu.vector_store %arg9[%swap3A_187], %gather3A_186 {strides = array<i32>} : memref<128xi32, #tpu.memory_space<vmem>>, vector<16xi32>,
      %add3A_189 = arith.constant 6403 : i32
      %add3A_190 = vector.broadcast %add3A_189 : i32 to vector<16xi32>
      %add3A_191 = arith.addi %mul3A_3, %add3A_190 : vector<16xi32>
      %gather3A_192 = tpu.vector_load_idx %arg5[%add3A_191] : memref<25600xi32, #tpu.memory_space<vmem>>[vector<16xi32>], vector<16xi32>,
      %swap3A_193 = arith.constant 32 : index
      %swap3A_194 = tpu.vector_load %arg9[%swap3A_193] {strides = array<i32>} : memref<128xi32, #tpu.memory_space<vmem>>, vector<16xi32>,
      tpu.vector_store %arg9[%swap3A_193], %gather3A_192 {strides = array<i32>} : memref<128xi32, #tpu.memory_space<vmem>>, vector<16xi32>,
      %add3A_195 = arith.constant 9603 : i32
      %add3A_196 = vector.broadcast %add3A_195 : i32 to vector<16xi32>
      %add3A_197 = arith.addi %mul3A_3, %add3A_196 : vector<16xi32>
      %gather3A_198 = tpu.vector_load_idx %arg5[%add3A_197] : memref<25600xi32, #tpu.memory_space<vmem>>[vector<16xi32>], vector<16xi32>,
      %swap3A_199 = arith.constant 48 : index
      %swap3A_200 = tpu.vector_load %arg9[%swap3A_199] {strides = array<i32>} : memref<128xi32, #tpu.memory_space<vmem>>, vector<16xi32>,
      tpu.vector_store %arg9[%swap3A_199], %gather3A_198 {strides = array<i32>} : memref<128xi32, #tpu.memory_space<vmem>>, vector<16xi32>,
      %add3A_201 = arith.constant 12803 : i32
      %add3A_202 = vector.broadcast %add3A_201 : i32 to vector<16xi32>
      %add3A_203 = arith.addi %mul3A_3, %add3A_202 : vector<16xi32>
      %gather3A_204 = tpu.vector_load_idx %arg5[%add3A_203] : memref<25600xi32, #tpu.memory_space<vmem>>[vector<16xi32>], vector<16xi32>,
      %swap3A_205 = arith.constant 64 : index
      %swap3A_206 = tpu.vector_load %arg9[%swap3A_205] {strides = array<i32>} : memref<128xi32, #tpu.memory_space<vmem>>, vector<16xi32>,
      tpu.vector_store %arg9[%swap3A_205], %gather3A_204 {strides = array<i32>} : memref<128xi32, #tpu.memory_space<vmem>>, vector<16xi32>,
      %add3A_207 = arith.constant 16003 : i32
      %add3A_208 = vector.broadcast %add3A_207 : i32 to vector<16xi32>
      %add3A_209 = arith.addi %mul3A_3, %add3A_208 : vector<16xi32>
      %gather3A_210 = tpu.vector_load_idx %arg5[%add3A_209] : memref<25600xi32, #tpu.memory_space<vmem>>[vector<16xi32>], vector<16xi32>,
      %swap3A_211 = arith.constant 80 : index
      %swap3A_212 = tpu.vector_load %arg9[%swap3A_211] {strides = array<i32>} : memref<128xi32, #tpu.memory_space<vmem>>, vector<16xi32>,
      tpu.vector_store %arg9[%swap3A_211], %gather3A_210 {strides = array<i32>} : memref<128xi32, #tpu.memory_space<vmem>>, vector<16xi32>,
      %add3A_213 = arith.constant 19203 : i32
      %add3A_214 = vector.broadcast %add3A_213 : i32 to vector<16xi32>
      %add3A_215 = arith.addi %mul3A_3, %add3A_214 : vector<16xi32>
      %gather3A_216 = tpu.vector_load_idx %arg5[%add3A_215] : memref<25600xi32, #tpu.memory_space<vmem>>[vector<16xi32>], vector<16xi32>,
      %swap3A_217 = arith.constant 96 : index
      %swap3A_218 = tpu.vector_load %arg9[%swap3A_217] {strides = array<i32>} : memref<128xi32, #tpu.memory_space<vmem>>, vector<16xi32>,
      tpu.vector_store %arg9[%swap3A_217], %gather3A_216 {strides = array<i32>} : memref<128xi32, #tpu.memory_space<vmem>>, vector<16xi32>,
      %add3A_219 = arith.constant 22403 : i32
      %add3A_220 = vector.broadcast %add3A_219 : i32 to vector<16xi32>
      %add3A_221 = arith.addi %mul3A_3, %add3A_220 : vector<16xi32>
      %gather3A_222 = tpu.vector_load_idx %arg5[%add3A_221] : memref<25600xi32, #tpu.memory_space<vmem>>[vector<16xi32>], vector<16xi32>,
      %swap3A_223 = arith.constant 112 : index
      %swap3A_224 = tpu.vector_load %arg9[%swap3A_223] {strides = array<i32>} : memref<128xi32, #tpu.memory_space<vmem>>, vector<16xi32>,
      tpu.vector_store %arg9[%swap3A_223], %gather3A_222 {strides = array<i32>} : memref<128xi32, #tpu.memory_space<vmem>>, vector<16xi32>,
      %dma_start3A_225 = arith.constant 0 : i32
      %dma_start3A_226 = arith.constant 0 : i32
      %dma_start3A_227 = tpu.memref_slice %arg3[%dma_start3A_225, %dma_start3A_226] : memref<1000000x64xf32, #tpu.memory_space<hbm>> -> memref<1000000x64xf32, #tpu.memory_space<hbm>>
      tpu.enqueue_indirect_dma source(%dma_start3A_227 : memref<1000000x64xf32, #tpu.memory_space<hbm>>) target(%arg13 : memref<128x64xf32, #tpu.memory_space<vmem>>) offsets(%arg9 : memref<128xi32, #tpu.memory_space<vmem>>) semaphore(%arg19 : memref<!tpu.dma_semaphore, #tpu.memory_space<semaphore_mem>>)
      %scan3A_228 = arith.constant 0 : i32
      %scan3A_229 = arith.constant 0 : i32
      %scan3A_230 = arith.constant 50 : i32
      %scan3A_231 = arith.addi %scan3A_229, %scan3A_230 : i32
      %scan3A_232 = arith.constant 1 : i32
      %scan3A_233 = scf.for %scan3A_279 = %scan3A_229 to %scan3A_231 step %scan3A_232 iter_args(%scan3A_280 = %scan3A_228) -> (i32)  : i32 {
        %mul3A_281 = arith.constant 4 : i32
        %mul3A_282 = arith.muli %mul3A_281, %scan3A_279 : i32
        %add3A_283 = arith.constant 0 : i32
        %add3A_284 = arith.addi %mul3A_282, %add3A_283 : i32
        %dma_wait3A_285 = arith.constant 0 : i32
        %dma_wait3A_286 = arith.constant 0 : i32
        %dma_wait3A_287 = tpu.memref_slice %arg3[%dma_wait3A_285, %dma_wait3A_286] : memref<1000000x64xf32, #tpu.memory_space<hbm>> -> memref<1000000x64xf32, #tpu.memory_space<hbm>>
        tpu.wait_indirect_dma semaphore(%arg16 : memref<!tpu.dma_semaphore, #tpu.memory_space<semaphore_mem>>) src(%dma_wait3A_287 : memref<1000000x64xf32, #tpu.memory_space<hbm>>) dst(%arg10 : memref<128x64xf32, #tpu.memory_space<vmem>>)
        %gt3A = arith.constant 0 : i32
        %gt3A_288 = arith.cmpi sgt, %scan3A_279, %gt3A : i32
        %convert_element_type3A = arith.extui %gt3A_288 : i1 to i32
        %cond3A = arith.constant 0 : i32
        %cond3A_289 = arith.cmpi ne, %convert_element_type3A, %cond3A : i32
        scf.if %cond3A_289 {
          %sub3A_476 = arith.constant 2 : i32
          %sub3A_477 = arith.subi %add3A_284, %sub3A_476 : i32
          %mul3A_478 = arith.constant 4 : i32
          %mul3A_479 = arith.muli %add3A, %mul3A_478 : i32
          %add3A_480 = arith.addi %mul3A_479, %scan3A_13 : i32
          %dma_wait3A_481 = arith.constant 0 : i32
          %dma_wait3A_482 = arith.constant 0 : i32
          %dma_wait3A_483 = arith.constant 0 : i32
          %dma_wait3A_484 = tpu.memref_slice %arg14[%dma_wait3A_481, %dma_wait3A_482, %dma_wait3A_483] : memref<8x8x133xf32, #tpu.memory_space<vmem>> -> memref<8x8x128xf32, #tpu.memory_space<vmem>>
          %dma_wait3A_485 = arith.constant 0 : i32
          %dma_wait3A_486 = arith.constant 0 : i32
          %dma_wait3A_487 = arith.constant 0 : i32
          %dma_wait3A_488 = tpu.memref_slice %arg4[%sub3A_477, %dma_wait3A_485, %add3A_480, %dma_wait3A_486, %dma_wait3A_487] : memref<200x8x128x8x128xf32, #tpu.memory_space<hbm>> -> memref<1x8x1x8x128xf32, #tpu.memory_space<hbm>>
          %dma_wait3A_489 = tpu.memref_squeeze %dma_wait3A_488 : memref<1x8x1x8x128xf32, #tpu.memory_space<hbm>> -> memref<8x8x128xf32, #tpu.memory_space<hbm>>
          %dma_wait3A_490 = arith.constant 0 : i32
          %dma_wait3A_491 = arith.constant 0 : i32
          %dma_wait3A_492 = arith.constant 0 : i32
          %dma_wait3A_493 = tpu.memref_slice %arg4[%sub3A_477, %dma_wait3A_490, %add3A_480, %dma_wait3A_491, %dma_wait3A_492] : memref<200x8x128x8x128xf32, #tpu.memory_space<hbm>> -> memref<1x8x1x8x128xf32, #tpu.memory_space<hbm>>
          %dma_wait3A_494 = tpu.memref_squeeze %dma_wait3A_493 : memref<1x8x1x8x128xf32, #tpu.memory_space<hbm>> -> memref<8x8x128xf32, #tpu.memory_space<hbm>>
          %dma_wait3A_495 = arith.constant 0 : i32
          %dma_wait3A_496 = arith.constant 0 : i32
          %dma_wait3A_497 = arith.constant 0 : i32
          %dma_wait3A_498 = tpu.memref_slice %arg14[%dma_wait3A_495, %dma_wait3A_496, %dma_wait3A_497] : memref<8x8x133xf32, #tpu.memory_space<vmem>> -> memref<8x8x128xf32, #tpu.memory_space<vmem>>
          tpu.wait_dma2 semaphore(%arg20 : memref<!tpu.dma_semaphore, #tpu.memory_space<semaphore_mem>>) src(%dma_wait3A_498 : memref<8x8x128xf32, #tpu.memory_space<vmem>>) dst(%dma_wait3A_494 : memref<8x8x128xf32, #tpu.memory_space<hbm>>)
        } else {
        }
        %parallel_loop3A = arith.constant 0 : i32
        %parallel_loop3A_290 = arith.constant 128 : i32
        %parallel_loop3A_291 = arith.constant 1 : i32
        scf.for %parallel_loop3A_476 = %parallel_loop3A to %parallel_loop3A_290 step %parallel_loop3A_291  : i32 {
          %parallel_loop3A_477 = vector.broadcast %parallel_loop3A_476 : i32 to vector<16xi32>
          %parallel_loop3A_478 = arith.addi %mul3A_6, %parallel_loop3A_477 : vector<16xi32>
          %parallel_loop3A_479 = arith.constant 0 : i32
          %parallel_loop3A_480 = vector.broadcast %parallel_loop3A_479 : i32 to vector<16xi32>
          %parallel_loop3A_481 = arith.addi %iota3A, %parallel_loop3A_480 : vector<16xi32>
          %parallel_loop3A_482 = arith.constant 8 : i32
          %parallel_loop3A_483 = vector.broadcast %parallel_loop3A_482 : i32 to vector<16xi32>
          %parallel_loop3A_484 = arith.divsi %parallel_loop3A_481, %parallel_loop3A_483 : vector<16xi32>
          %parallel_loop3A_485 = arith.constant 0 : i32
          %parallel_loop3A_486 = vector.broadcast %parallel_loop3A_485 : i32 to vector<16xi32>
          %parallel_loop3A_487 = arith.cmpi sgt, %parallel_loop3A_481, %parallel_loop3A_486 : vector<16xi32>
          %parallel_loop3A_488 = arith.extui %parallel_loop3A_487 : vector<16xi1> to vector<16xi32>
          %parallel_loop3A_489 = arith.constant 0 : i32
          %parallel_loop3A_490 = vector.broadcast %parallel_loop3A_489 : i32 to vector<16xi32>
          %parallel_loop3A_491 = arith.cmpi slt, %parallel_loop3A_481, %parallel_loop3A_490 : vector<16xi32>
          %parallel_loop3A_492 = arith.extui %parallel_loop3A_491 : vector<16xi1> to vector<16xi32>
          %parallel_loop3A_493 = arith.subi %parallel_loop3A_488, %parallel_loop3A_492 : vector<16xi32>
          %parallel_loop3A_494 = arith.constant 0 : i32
          %parallel_loop3A_495 = arith.cmpi sgt, %parallel_loop3A_482, %parallel_loop3A_494 : i32
          %parallel_loop3A_496 = arith.extui %parallel_loop3A_495 : i1 to i32
          %parallel_loop3A_497 = arith.constant 0 : i32
          %parallel_loop3A_498 = arith.cmpi slt, %parallel_loop3A_482, %parallel_loop3A_497 : i32
          %parallel_loop3A_499 = arith.extui %parallel_loop3A_498 : i1 to i32
          %parallel_loop3A_500 = arith.subi %parallel_loop3A_496, %parallel_loop3A_499 : i32
          %parallel_loop3A_501 = vector.broadcast %parallel_loop3A_500 : i32 to vector<16xi32>
          %parallel_loop3A_502 = arith.cmpi ne, %parallel_loop3A_493, %parallel_loop3A_501 : vector<16xi32>
          %parallel_loop3A_503 = vector.broadcast %parallel_loop3A_482 : i32 to vector<16xi32>
          %parallel_loop3A_504 = arith.remsi %parallel_loop3A_481, %parallel_loop3A_503 : vector<16xi32>
          %parallel_loop3A_505 = arith.constant 0 : i32
          %parallel_loop3A_506 = vector.broadcast %parallel_loop3A_505 : i32 to vector<16xi32>
          %parallel_loop3A_507 = arith.cmpi ne, %parallel_loop3A_504, %parallel_loop3A_506 : vector<16xi32>
          %parallel_loop3A_508 = arith.andi %parallel_loop3A_502, %parallel_loop3A_507 : vector<16xi1>
          %parallel_loop3A_509 = arith.constant 1 : i32
          %parallel_loop3A_510 = vector.broadcast %parallel_loop3A_509 : i32 to vector<16xi32>
          %parallel_loop3A_511 = arith.subi %parallel_loop3A_484, %parallel_loop3A_510 : vector<16xi32>
          %parallel_loop3A_512 = arith.select %parallel_loop3A_508, %parallel_loop3A_511, %parallel_loop3A_484 : vector<16xi1>, vector<16xi32>
          %parallel_loop3A_513 = arith.constant 8 : i32
          %parallel_loop3A_514 = arith.constant 0 : i32
          %parallel_loop3A_515 = arith.cmpi eq, %parallel_loop3A_513, %parallel_loop3A_514 : i32
          %parallel_loop3A_516 = arith.constant 1 : i32
          %parallel_loop3A_517 = arith.select %parallel_loop3A_515, %parallel_loop3A_516, %parallel_loop3A_513 : i32
          %parallel_loop3A_518 = vector.broadcast %parallel_loop3A_517 : i32 to vector<16xi32>
          %parallel_loop3A_519 = arith.remsi %parallel_loop3A_481, %parallel_loop3A_518 : vector<16xi32>
          %parallel_loop3A_520 = arith.constant 0 : i32
          %parallel_loop3A_521 = vector.broadcast %parallel_loop3A_520 : i32 to vector<16xi32>
          %parallel_loop3A_522 = arith.cmpi ne, %parallel_loop3A_519, %parallel_loop3A_521 : vector<16xi32>
          %parallel_loop3A_523 = arith.constant 0 : i32
          %parallel_loop3A_524 = vector.broadcast %parallel_loop3A_523 : i32 to vector<16xi32>
          %parallel_loop3A_525 = arith.cmpi slt, %parallel_loop3A_519, %parallel_loop3A_524 : vector<16xi32>
          %parallel_loop3A_526 = arith.constant 0 : i32
          %parallel_loop3A_527 = arith.cmpi slt, %parallel_loop3A_517, %parallel_loop3A_526 : i32
          %parallel_loop3A_528 = vector.broadcast %parallel_loop3A_527 : i1 to vector<16xi1>
          %parallel_loop3A_529 = vector.broadcast %parallel_loop3A_528 : vector<16xi1> to vector<16xi1>
          %parallel_loop3A_530 = arith.xori %parallel_loop3A_525, %parallel_loop3A_529 : vector<16xi1>
          %parallel_loop3A_531 = arith.andi %parallel_loop3A_530, %parallel_loop3A_522 : vector<16xi1>
          %parallel_loop3A_532 = vector.broadcast %parallel_loop3A_517 : i32 to vector<16xi32>
          %parallel_loop3A_533 = arith.addi %parallel_loop3A_519, %parallel_loop3A_532 : vector<16xi32>
          %parallel_loop3A_534 = arith.select %parallel_loop3A_531, %parallel_loop3A_533, %parallel_loop3A_519 : vector<16xi1>, vector<16xi32>
          %parallel_loop3A_535 = arith.index_cast %parallel_loop3A_476 : i32 to index
          %parallel_loop3A_536 = arith.constant 0 : index
          %parallel_loop3A_537 = tpu.vector_load %arg10[%parallel_loop3A_535, %parallel_loop3A_536] {strides = array<i32>} : memref<128x64xf32, #tpu.memory_space<vmem>>, vector<16xf32>,
          tpu.vector_store_idx %arg14[%parallel_loop3A_512, %parallel_loop3A_534, %parallel_loop3A_478], %parallel_loop3A_537 : memref<8x8x133xf32, #tpu.memory_space<vmem>>[vector<16xi32>, vector<16xi32>, vector<16xi32>], vector<16xf32>,
          %parallel_loop3A_538 = arith.constant 16 : i32
          %parallel_loop3A_539 = vector.broadcast %parallel_loop3A_538 : i32 to vector<16xi32>
          %parallel_loop3A_540 = arith.addi %iota3A, %parallel_loop3A_539 : vector<16xi32>
          %parallel_loop3A_541 = arith.constant 8 : i32
          %parallel_loop3A_542 = vector.broadcast %parallel_loop3A_541 : i32 to vector<16xi32>
          %parallel_loop3A_543 = arith.divsi %parallel_loop3A_540, %parallel_loop3A_542 : vector<16xi32>
          %parallel_loop3A_544 = arith.constant 0 : i32
          %parallel_loop3A_545 = vector.broadcast %parallel_loop3A_544 : i32 to vector<16xi32>
          %parallel_loop3A_546 = arith.cmpi sgt, %parallel_loop3A_540, %parallel_loop3A_545 : vector<16xi32>
          %parallel_loop3A_547 = arith.extui %parallel_loop3A_546 : vector<16xi1> to vector<16xi32>
          %parallel_loop3A_548 = arith.constant 0 : i32
          %parallel_loop3A_549 = vector.broadcast %parallel_loop3A_548 : i32 to vector<16xi32>
          %parallel_loop3A_550 = arith.cmpi slt, %parallel_loop3A_540, %parallel_loop3A_549 : vector<16xi32>
          %parallel_loop3A_551 = arith.extui %parallel_loop3A_550 : vector<16xi1> to vector<16xi32>
          %parallel_loop3A_552 = arith.subi %parallel_loop3A_547, %parallel_loop3A_551 : vector<16xi32>
          %parallel_loop3A_553 = arith.constant 0 : i32
          %parallel_loop3A_554 = arith.cmpi sgt, %parallel_loop3A_541, %parallel_loop3A_553 : i32
          %parallel_loop3A_555 = arith.extui %parallel_loop3A_554 : i1 to i32
          %parallel_loop3A_556 = arith.constant 0 : i32
          %parallel_loop3A_557 = arith.cmpi slt, %parallel_loop3A_541, %parallel_loop3A_556 : i32
          %parallel_loop3A_558 = arith.extui %parallel_loop3A_557 : i1 to i32
          %parallel_loop3A_559 = arith.subi %parallel_loop3A_555, %parallel_loop3A_558 : i32
          %parallel_loop3A_560 = vector.broadcast %parallel_loop3A_559 : i32 to vector<16xi32>
          %parallel_loop3A_561 = arith.cmpi ne, %parallel_loop3A_552, %parallel_loop3A_560 : vector<16xi32>
          %parallel_loop3A_562 = vector.broadcast %parallel_loop3A_541 : i32 to vector<16xi32>
          %parallel_loop3A_563 = arith.remsi %parallel_loop3A_540, %parallel_loop3A_562 : vector<16xi32>
          %parallel_loop3A_564 = arith.constant 0 : i32
          %parallel_loop3A_565 = vector.broadcast %parallel_loop3A_564 : i32 to vector<16xi32>
          %parallel_loop3A_566 = arith.cmpi ne, %parallel_loop3A_563, %parallel_loop3A_565 : vector<16xi32>
          %parallel_loop3A_567 = arith.andi %parallel_loop3A_561, %parallel_loop3A_566 : vector<16xi1>
          %parallel_loop3A_568 = arith.constant 1 : i32
          %parallel_loop3A_569 = vector.broadcast %parallel_loop3A_568 : i32 to vector<16xi32>
          %parallel_loop3A_570 = arith.subi %parallel_loop3A_543, %parallel_loop3A_569 : vector<16xi32>
          %parallel_loop3A_571 = arith.select %parallel_loop3A_567, %parallel_loop3A_570, %parallel_loop3A_543 : vector<16xi1>, vector<16xi32>
          %parallel_loop3A_572 = arith.constant 8 : i32
          %parallel_loop3A_573 = arith.constant 0 : i32
          %parallel_loop3A_574 = arith.cmpi eq, %parallel_loop3A_572, %parallel_loop3A_573 : i32
          %parallel_loop3A_575 = arith.constant 1 : i32
          %parallel_loop3A_576 = arith.select %parallel_loop3A_574, %parallel_loop3A_575, %parallel_loop3A_572 : i32
          %parallel_loop3A_577 = vector.broadcast %parallel_loop3A_576 : i32 to vector<16xi32>
          %parallel_loop3A_578 = arith.remsi %parallel_loop3A_540, %parallel_loop3A_577 : vector<16xi32>
          %parallel_loop3A_579 = arith.constant 0 : i32
          %parallel_loop3A_580 = vector.broadcast %parallel_loop3A_579 : i32 to vector<16xi32>
          %parallel_loop3A_581 = arith.cmpi ne, %parallel_loop3A_578, %parallel_loop3A_580 : vector<16xi32>
          %parallel_loop3A_582 = arith.constant 0 : i32
          %parallel_loop3A_583 = vector.broadcast %parallel_loop3A_582 : i32 to vector<16xi32>
          %parallel_loop3A_584 = arith.cmpi slt, %parallel_loop3A_578, %parallel_loop3A_583 : vector<16xi32>
          %parallel_loop3A_585 = arith.constant 0 : i32
          %parallel_loop3A_586 = arith.cmpi slt, %parallel_loop3A_576, %parallel_loop3A_585 : i32
          %parallel_loop3A_587 = vector.broadcast %parallel_loop3A_586 : i1 to vector<16xi1>
          %parallel_loop3A_588 = vector.broadcast %parallel_loop3A_587 : vector<16xi1> to vector<16xi1>
          %parallel_loop3A_589 = arith.xori %parallel_loop3A_584, %parallel_loop3A_588 : vector<16xi1>
          %parallel_loop3A_590 = arith.andi %parallel_loop3A_589, %parallel_loop3A_581 : vector<16xi1>
          %parallel_loop3A_591 = vector.broadcast %parallel_loop3A_576 : i32 to vector<16xi32>
          %parallel_loop3A_592 = arith.addi %parallel_loop3A_578, %parallel_loop3A_591 : vector<16xi32>
          %parallel_loop3A_593 = arith.select %parallel_loop3A_590, %parallel_loop3A_592, %parallel_loop3A_578 : vector<16xi1>, vector<16xi32>
          %parallel_loop3A_594 = arith.index_cast %parallel_loop3A_476 : i32 to index
          %parallel_loop3A_595 = arith.constant 16 : index
          %parallel_loop3A_596 = tpu.vector_load %arg10[%parallel_loop3A_594, %parallel_loop3A_595] {strides = array<i32>} : memref<128x64xf32, #tpu.memory_space<vmem>>, vector<16xf32>,
          tpu.vector_store_idx %arg14[%parallel_loop3A_571, %parallel_loop3A_593, %parallel_loop3A_478], %parallel_loop3A_596 : memref<8x8x133xf32, #tpu.memory_space<vmem>>[vector<16xi32>, vector<16xi32>, vector<16xi32>], vector<16xf32>,
          %parallel_loop3A_597 = arith.constant 32 : i32
          %parallel_loop3A_598 = vector.broadcast %parallel_loop3A_597 : i32 to vector<16xi32>
          %parallel_loop3A_599 = arith.addi %iota3A, %parallel_loop3A_598 : vector<16xi32>
          %parallel_loop3A_600 = arith.constant 8 : i32
          %parallel_loop3A_601 = vector.broadcast %parallel_loop3A_600 : i32 to vector<16xi32>
          %parallel_loop3A_602 = arith.divsi %parallel_loop3A_599, %parallel_loop3A_601 : vector<16xi32>
          %parallel_loop3A_603 = arith.constant 0 : i32
          %parallel_loop3A_604 = vector.broadcast %parallel_loop3A_603 : i32 to vector<16xi32>
          %parallel_loop3A_605 = arith.cmpi sgt, %parallel_loop3A_599, %parallel_loop3A_604 : vector<16xi32>
          %parallel_loop3A_606 = arith.extui %parallel_loop3A_605 : vector<16xi1> to vector<16xi32>
          %parallel_loop3A_607 = arith.constant 0 : i32
          %parallel_loop3A_608 = vector.broadcast %parallel_loop3A_607 : i32 to vector<16xi32>
          %parallel_loop3A_609 = arith.cmpi slt, %parallel_loop3A_599, %parallel_loop3A_608 : vector<16xi32>
          %parallel_loop3A_610 = arith.extui %parallel_loop3A_609 : vector<16xi1> to vector<16xi32>
          %parallel_loop3A_611 = arith.subi %parallel_loop3A_606, %parallel_loop3A_610 : vector<16xi32>
          %parallel_loop3A_612 = arith.constant 0 : i32
          %parallel_loop3A_613 = arith.cmpi sgt, %parallel_loop3A_600, %parallel_loop3A_612 : i32
          %parallel_loop3A_614 = arith.extui %parallel_loop3A_613 : i1 to i32
          %parallel_loop3A_615 = arith.constant 0 : i32
          %parallel_loop3A_616 = arith.cmpi slt, %parallel_loop3A_600, %parallel_loop3A_615 : i32
          %parallel_loop3A_617 = arith.extui %parallel_loop3A_616 : i1 to i32
          %parallel_loop3A_618 = arith.subi %parallel_loop3A_614, %parallel_loop3A_617 : i32
          %parallel_loop3A_619 = vector.broadcast %parallel_loop3A_618 : i32 to vector<16xi32>
          %parallel_loop3A_620 = arith.cmpi ne, %parallel_loop3A_611, %parallel_loop3A_619 : vector<16xi32>
          %parallel_loop3A_621 = vector.broadcast %parallel_loop3A_600 : i32 to vector<16xi32>
          %parallel_loop3A_622 = arith.remsi %parallel_loop3A_599, %parallel_loop3A_621 : vector<16xi32>
          %parallel_loop3A_623 = arith.constant 0 : i32
          %parallel_loop3A_624 = vector.broadcast %parallel_loop3A_623 : i32 to vector<16xi32>
          %parallel_loop3A_625 = arith.cmpi ne, %parallel_loop3A_622, %parallel_loop3A_624 : vector<16xi32>
          %parallel_loop3A_626 = arith.andi %parallel_loop3A_620, %parallel_loop3A_625 : vector<16xi1>
          %parallel_loop3A_627 = arith.constant 1 : i32
          %parallel_loop3A_628 = vector.broadcast %parallel_loop3A_627 : i32 to vector<16xi32>
          %parallel_loop3A_629 = arith.subi %parallel_loop3A_602, %parallel_loop3A_628 : vector<16xi32>
          %parallel_loop3A_630 = arith.select %parallel_loop3A_626, %parallel_loop3A_629, %parallel_loop3A_602 : vector<16xi1>, vector<16xi32>
          %parallel_loop3A_631 = arith.constant 8 : i32
          %parallel_loop3A_632 = arith.constant 0 : i32
          %parallel_loop3A_633 = arith.cmpi eq, %parallel_loop3A_631, %parallel_loop3A_632 : i32
          %parallel_loop3A_634 = arith.constant 1 : i32
          %parallel_loop3A_635 = arith.select %parallel_loop3A_633, %parallel_loop3A_634, %parallel_loop3A_631 : i32
          %parallel_loop3A_636 = vector.broadcast %parallel_loop3A_635 : i32 to vector<16xi32>
          %parallel_loop3A_637 = arith.remsi %parallel_loop3A_599, %parallel_loop3A_636 : vector<16xi32>
          %parallel_loop3A_638 = arith.constant 0 : i32
          %parallel_loop3A_639 = vector.broadcast %parallel_loop3A_638 : i32 to vector<16xi32>
          %parallel_loop3A_640 = arith.cmpi ne, %parallel_loop3A_637, %parallel_loop3A_639 : vector<16xi32>
          %parallel_loop3A_641 = arith.constant 0 : i32
          %parallel_loop3A_642 = vector.broadcast %parallel_loop3A_641 : i32 to vector<16xi32>
          %parallel_loop3A_643 = arith.cmpi slt, %parallel_loop3A_637, %parallel_loop3A_642 : vector<16xi32>
          %parallel_loop3A_644 = arith.constant 0 : i32
          %parallel_loop3A_645 = arith.cmpi slt, %parallel_loop3A_635, %parallel_loop3A_644 : i32
          %parallel_loop3A_646 = vector.broadcast %parallel_loop3A_645 : i1 to vector<16xi1>
          %parallel_loop3A_647 = vector.broadcast %parallel_loop3A_646 : vector<16xi1> to vector<16xi1>
          %parallel_loop3A_648 = arith.xori %parallel_loop3A_643, %parallel_loop3A_647 : vector<16xi1>
          %parallel_loop3A_649 = arith.andi %parallel_loop3A_648, %parallel_loop3A_640 : vector<16xi1>
          %parallel_loop3A_650 = vector.broadcast %parallel_loop3A_635 : i32 to vector<16xi32>
          %parallel_loop3A_651 = arith.addi %parallel_loop3A_637, %parallel_loop3A_650 : vector<16xi32>
          %parallel_loop3A_652 = arith.select %parallel_loop3A_649, %parallel_loop3A_651, %parallel_loop3A_637 : vector<16xi1>, vector<16xi32>
          %parallel_loop3A_653 = arith.index_cast %parallel_loop3A_476 : i32 to index
          %parallel_loop3A_654 = arith.constant 32 : index
          %parallel_loop3A_655 = tpu.vector_load %arg10[%parallel_loop3A_653, %parallel_loop3A_654] {strides = array<i32>} : memref<128x64xf32, #tpu.memory_space<vmem>>, vector<16xf32>,
          tpu.vector_store_idx %arg14[%parallel_loop3A_630, %parallel_loop3A_652, %parallel_loop3A_478], %parallel_loop3A_655 : memref<8x8x133xf32, #tpu.memory_space<vmem>>[vector<16xi32>, vector<16xi32>, vector<16xi32>], vector<16xf32>,
          %parallel_loop3A_656 = arith.constant 48 : i32
          %parallel_loop3A_657 = vector.broadcast %parallel_loop3A_656 : i32 to vector<16xi32>
          %parallel_loop3A_658 = arith.addi %iota3A, %parallel_loop3A_657 : vector<16xi32>
          %parallel_loop3A_659 = arith.constant 8 : i32
          %parallel_loop3A_660 = vector.broadcast %parallel_loop3A_659 : i32 to vector<16xi32>
          %parallel_loop3A_661 = arith.divsi %parallel_loop3A_658, %parallel_loop3A_660 : vector<16xi32>
          %parallel_loop3A_662 = arith.constant 0 : i32
          %parallel_loop3A_663 = vector.broadcast %parallel_loop3A_662 : i32 to vector<16xi32>
          %parallel_loop3A_664 = arith.cmpi sgt, %parallel_loop3A_658, %parallel_loop3A_663 : vector<16xi32>
          %parallel_loop3A_665 = arith.extui %parallel_loop3A_664 : vector<16xi1> to vector<16xi32>
          %parallel_loop3A_666 = arith.constant 0 : i32
          %parallel_loop3A_667 = vector.broadcast %parallel_loop3A_666 : i32 to vector<16xi32>
          %parallel_loop3A_668 = arith.cmpi slt, %parallel_loop3A_658, %parallel_loop3A_667 : vector<16xi32>
          %parallel_loop3A_669 = arith.extui %parallel_loop3A_668 : vector<16xi1> to vector<16xi32>
          %parallel_loop3A_670 = arith.subi %parallel_loop3A_665, %parallel_loop3A_669 : vector<16xi32>
          %parallel_loop3A_671 = arith.constant 0 : i32
          %parallel_loop3A_672 = arith.cmpi sgt, %parallel_loop3A_659, %parallel_loop3A_671 : i32
          %parallel_loop3A_673 = arith.extui %parallel_loop3A_672 : i1 to i32
          %parallel_loop3A_674 = arith.constant 0 : i32
          %parallel_loop3A_675 = arith.cmpi slt, %parallel_loop3A_659, %parallel_loop3A_674 : i32
          %parallel_loop3A_676 = arith.extui %parallel_loop3A_675 : i1 to i32
          %parallel_loop3A_677 = arith.subi %parallel_loop3A_673, %parallel_loop3A_676 : i32
          %parallel_loop3A_678 = vector.broadcast %parallel_loop3A_677 : i32 to vector<16xi32>
          %parallel_loop3A_679 = arith.cmpi ne, %parallel_loop3A_670, %parallel_loop3A_678 : vector<16xi32>
          %parallel_loop3A_680 = vector.broadcast %parallel_loop3A_659 : i32 to vector<16xi32>
          %parallel_loop3A_681 = arith.remsi %parallel_loop3A_658, %parallel_loop3A_680 : vector<16xi32>
          %parallel_loop3A_682 = arith.constant 0 : i32
          %parallel_loop3A_683 = vector.broadcast %parallel_loop3A_682 : i32 to vector<16xi32>
          %parallel_loop3A_684 = arith.cmpi ne, %parallel_loop3A_681, %parallel_loop3A_683 : vector<16xi32>
          %parallel_loop3A_685 = arith.andi %parallel_loop3A_679, %parallel_loop3A_684 : vector<16xi1>
          %parallel_loop3A_686 = arith.constant 1 : i32
          %parallel_loop3A_687 = vector.broadcast %parallel_loop3A_686 : i32 to vector<16xi32>
          %parallel_loop3A_688 = arith.subi %parallel_loop3A_661, %parallel_loop3A_687 : vector<16xi32>
          %parallel_loop3A_689 = arith.select %parallel_loop3A_685, %parallel_loop3A_688, %parallel_loop3A_661 : vector<16xi1>, vector<16xi32>
          %parallel_loop3A_690 = arith.constant 8 : i32
          %parallel_loop3A_691 = arith.constant 0 : i32
          %parallel_loop3A_692 = arith.cmpi eq, %parallel_loop3A_690, %parallel_loop3A_691 : i32
          %parallel_loop3A_693 = arith.constant 1 : i32
          %parallel_loop3A_694 = arith.select %parallel_loop3A_692, %parallel_loop3A_693, %parallel_loop3A_690 : i32
          %parallel_loop3A_695 = vector.broadcast %parallel_loop3A_694 : i32 to vector<16xi32>
          %parallel_loop3A_696 = arith.remsi %parallel_loop3A_658, %parallel_loop3A_695 : vector<16xi32>
          %parallel_loop3A_697 = arith.constant 0 : i32
          %parallel_loop3A_698 = vector.broadcast %parallel_loop3A_697 : i32 to vector<16xi32>
          %parallel_loop3A_699 = arith.cmpi ne, %parallel_loop3A_696, %parallel_loop3A_698 : vector<16xi32>
          %parallel_loop3A_700 = arith.constant 0 : i32
          %parallel_loop3A_701 = vector.broadcast %parallel_loop3A_700 : i32 to vector<16xi32>
          %parallel_loop3A_702 = arith.cmpi slt, %parallel_loop3A_696, %parallel_loop3A_701 : vector<16xi32>
          %parallel_loop3A_703 = arith.constant 0 : i32
          %parallel_loop3A_704 = arith.cmpi slt, %parallel_loop3A_694, %parallel_loop3A_703 : i32
          %parallel_loop3A_705 = vector.broadcast %parallel_loop3A_704 : i1 to vector<16xi1>
          %parallel_loop3A_706 = vector.broadcast %parallel_loop3A_705 : vector<16xi1> to vector<16xi1>
          %parallel_loop3A_707 = arith.xori %parallel_loop3A_702, %parallel_loop3A_706 : vector<16xi1>
          %parallel_loop3A_708 = arith.andi %parallel_loop3A_707, %parallel_loop3A_699 : vector<16xi1>
          %parallel_loop3A_709 = vector.broadcast %parallel_loop3A_694 : i32 to vector<16xi32>
          %parallel_loop3A_710 = arith.addi %parallel_loop3A_696, %parallel_loop3A_709 : vector<16xi32>
          %parallel_loop3A_711 = arith.select %parallel_loop3A_708, %parallel_loop3A_710, %parallel_loop3A_696 : vector<16xi1>, vector<16xi32>
          %parallel_loop3A_712 = arith.index_cast %parallel_loop3A_476 : i32 to index
          %parallel_loop3A_713 = arith.constant 48 : index
          %parallel_loop3A_714 = tpu.vector_load %arg10[%parallel_loop3A_712, %parallel_loop3A_713] {strides = array<i32>} : memref<128x64xf32, #tpu.memory_space<vmem>>, vector<16xf32>,
          tpu.vector_store_idx %arg14[%parallel_loop3A_689, %parallel_loop3A_711, %parallel_loop3A_478], %parallel_loop3A_714 : memref<8x8x133xf32, #tpu.memory_space<vmem>>[vector<16xi32>, vector<16xi32>, vector<16xi32>], vector<16xf32>,
        } {sc.loop_unroll_factor = 16 : i64, sc.parallel_access}
        %mul3A_292 = arith.constant 4 : i32
        %mul3A_293 = arith.muli %add3A, %mul3A_292 : i32
        %add3A_294 = arith.addi %mul3A_293, %scan3A_13 : i32
        %dma_start3A_295 = arith.constant 0 : i32
        %dma_start3A_296 = arith.constant 0 : i32
        %dma_start3A_297 = arith.constant 0 : i32
        %dma_start3A_298 = tpu.memref_slice %arg14[%dma_start3A_295, %dma_start3A_296, %dma_start3A_297] : memref<8x8x133xf32, #tpu.memory_space<vmem>> -> memref<8x8x128xf32, #tpu.memory_space<vmem>>
        %dma_start3A_299 = arith.constant 0 : i32
        %dma_start3A_300 = arith.constant 0 : i32
        %dma_start3A_301 = arith.constant 0 : i32
        %dma_start3A_302 = tpu.memref_slice %arg4[%add3A_284, %dma_start3A_299, %add3A_294, %dma_start3A_300, %dma_start3A_301] : memref<200x8x128x8x128xf32, #tpu.memory_space<hbm>> -> memref<1x8x1x8x128xf32, #tpu.memory_space<hbm>>
        %dma_start3A_303 = tpu.memref_squeeze %dma_start3A_302 : memref<1x8x1x8x128xf32, #tpu.memory_space<hbm>> -> memref<8x8x128xf32, #tpu.memory_space<hbm>>
        %dma_start3A_304 = arith.constant 0 : i32
        %dma_start3A_305 = arith.constant 0 : i32
        %dma_start3A_306 = arith.constant 0 : i32
        %dma_start3A_307 = tpu.memref_slice %arg4[%add3A_284, %dma_start3A_304, %add3A_294, %dma_start3A_305, %dma_start3A_306] : memref<200x8x128x8x128xf32, #tpu.memory_space<hbm>> -> memref<1x8x1x8x128xf32, #tpu.memory_space<hbm>>
        %dma_start3A_308 = tpu.memref_squeeze %dma_start3A_307 : memref<1x8x1x8x128xf32, #tpu.memory_space<hbm>> -> memref<8x8x128xf32, #tpu.memory_space<hbm>>
        %dma_start3A_309 = arith.constant 0 : i32
        %dma_start3A_310 = arith.constant 0 : i32
        %dma_start3A_311 = arith.constant 0 : i32
        %dma_start3A_312 = tpu.memref_slice %arg14[%dma_start3A_309, %dma_start3A_310, %dma_start3A_311] : memref<8x8x133xf32, #tpu.memory_space<vmem>> -> memref<8x8x128xf32, #tpu.memory_space<vmem>>
        tpu.enqueue_dma source(%dma_start3A_312 : memref<8x8x128xf32, #tpu.memory_space<vmem>>) target(%dma_start3A_308 : memref<8x8x128xf32, #tpu.memory_space<hbm>>) target_semaphore(%arg20 : memref<!tpu.dma_semaphore, #tpu.memory_space<semaphore_mem>>)
        %lt3A = arith.constant 49 : i32
        %lt3A_313 = arith.cmpi slt, %scan3A_279, %lt3A : i32
        %convert_element_type3A_314 = arith.extui %lt3A_313 : i1 to i32
        %cond3A_315 = arith.constant 0 : i32
        %cond3A_316 = arith.cmpi ne, %convert_element_type3A_314, %cond3A_315 : i32
        scf.if %cond3A_316 {
          %add3A_476 = arith.constant 4 : i32
          %add3A_477 = arith.addi %add3A_284, %add3A_476 : i32
          %add3A_478 = arith.constant 0 : i32
          %add3A_479 = arith.addi %add3A_478, %add3A_477 : i32
          %add3A_480 = vector.broadcast %add3A_479 : i32 to vector<16xi32>
          %add3A_481 = arith.addi %mul3A_3, %add3A_480 : vector<16xi32>
          %gather3A_482 = tpu.vector_load_idx %arg5[%add3A_481] : memref<25600xi32, #tpu.memory_space<vmem>>[vector<16xi32>], vector<16xi32>,
          %swap3A_483 = arith.constant 0 : index
          %swap3A_484 = tpu.vector_load %arg6[%swap3A_483] {strides = array<i32>} : memref<128xi32, #tpu.memory_space<vmem>>, vector<16xi32>,
          tpu.vector_store %arg6[%swap3A_483], %gather3A_482 {strides = array<i32>} : memref<128xi32, #tpu.memory_space<vmem>>, vector<16xi32>,
          %add3A_485 = arith.constant 3200 : i32
          %add3A_486 = arith.addi %add3A_485, %add3A_477 : i32
          %add3A_487 = vector.broadcast %add3A_486 : i32 to vector<16xi32>
          %add3A_488 = arith.addi %mul3A_3, %add3A_487 : vector<16xi32>
          %gather3A_489 = tpu.vector_load_idx %arg5[%add3A_488] : memref<25600xi32, #tpu.memory_space<vmem>>[vector<16xi32>], vector<16xi32>,
          %swap3A_490 = arith.constant 16 : index
          %swap3A_491 = tpu.vector_load %arg6[%swap3A_490] {strides = array<i32>} : memref<128xi32, #tpu.memory_space<vmem>>, vector<16xi32>,
          tpu.vector_store %arg6[%swap3A_490], %gather3A_489 {strides = array<i32>} : memref<128xi32, #tpu.memory_space<vmem>>, vector<16xi32>,
          %add3A_492 = arith.constant 6400 : i32
          %add3A_493 = arith.addi %add3A_492, %add3A_477 : i32
          %add3A_494 = vector.broadcast %add3A_493 : i32 to vector<16xi32>
          %add3A_495 = arith.addi %mul3A_3, %add3A_494 : vector<16xi32>
          %gather3A_496 = tpu.vector_load_idx %arg5[%add3A_495] : memref<25600xi32, #tpu.memory_space<vmem>>[vector<16xi32>], vector<16xi32>,
          %swap3A_497 = arith.constant 32 : index
          %swap3A_498 = tpu.vector_load %arg6[%swap3A_497] {strides = array<i32>} : memref<128xi32, #tpu.memory_space<vmem>>, vector<16xi32>,
          tpu.vector_store %arg6[%swap3A_497], %gather3A_496 {strides = array<i32>} : memref<128xi32, #tpu.memory_space<vmem>>, vector<16xi32>,
          %add3A_499 = arith.constant 9600 : i32
          %add3A_500 = arith.addi %add3A_499, %add3A_477 : i32
          %add3A_501 = vector.broadcast %add3A_500 : i32 to vector<16xi32>
          %add3A_502 = arith.addi %mul3A_3, %add3A_501 : vector<16xi32>
          %gather3A_503 = tpu.vector_load_idx %arg5[%add3A_502] : memref<25600xi32, #tpu.memory_space<vmem>>[vector<16xi32>], vector<16xi32>,
          %swap3A_504 = arith.constant 48 : index
          %swap3A_505 = tpu.vector_load %arg6[%swap3A_504] {strides = array<i32>} : memref<128xi32, #tpu.memory_space<vmem>>, vector<16xi32>,
          tpu.vector_store %arg6[%swap3A_504], %gather3A_503 {strides = array<i32>} : memref<128xi32, #tpu.memory_space<vmem>>, vector<16xi32>,
          %add3A_506 = arith.constant 12800 : i32
          %add3A_507 = arith.addi %add3A_506, %add3A_477 : i32
          %add3A_508 = vector.broadcast %add3A_507 : i32 to vector<16xi32>
          %add3A_509 = arith.addi %mul3A_3, %add3A_508 : vector<16xi32>
          %gather3A_510 = tpu.vector_load_idx %arg5[%add3A_509] : memref<25600xi32, #tpu.memory_space<vmem>>[vector<16xi32>], vector<16xi32>,
          %swap3A_511 = arith.constant 64 : index
          %swap3A_512 = tpu.vector_load %arg6[%swap3A_511] {strides = array<i32>} : memref<128xi32, #tpu.memory_space<vmem>>, vector<16xi32>,
          tpu.vector_store %arg6[%swap3A_511], %gather3A_510 {strides = array<i32>} : memref<128xi32, #tpu.memory_space<vmem>>, vector<16xi32>,
          %add3A_513 = arith.constant 16000 : i32
          %add3A_514 = arith.addi %add3A_513, %add3A_477 : i32
          %add3A_515 = vector.broadcast %add3A_514 : i32 to vector<16xi32>
          %add3A_516 = arith.addi %mul3A_3, %add3A_515 : vector<16xi32>
          %gather3A_517 = tpu.vector_load_idx %arg5[%add3A_516] : memref<25600xi32, #tpu.memory_space<vmem>>[vector<16xi32>], vector<16xi32>,
          %swap3A_518 = arith.constant 80 : index
          %swap3A_519 = tpu.vector_load %arg6[%swap3A_518] {strides = array<i32>} : memref<128xi32, #tpu.memory_space<vmem>>, vector<16xi32>,
          tpu.vector_store %arg6[%swap3A_518], %gather3A_517 {strides = array<i32>} : memref<128xi32, #tpu.memory_space<vmem>>, vector<16xi32>,
          %add3A_520 = arith.constant 19200 : i32
          %add3A_521 = arith.addi %add3A_520, %add3A_477 : i32
          %add3A_522 = vector.broadcast %add3A_521 : i32 to vector<16xi32>
          %add3A_523 = arith.addi %mul3A_3, %add3A_522 : vector<16xi32>
          %gather3A_524 = tpu.vector_load_idx %arg5[%add3A_523] : memref<25600xi32, #tpu.memory_space<vmem>>[vector<16xi32>], vector<16xi32>,
          %swap3A_525 = arith.constant 96 : index
          %swap3A_526 = tpu.vector_load %arg6[%swap3A_525] {strides = array<i32>} : memref<128xi32, #tpu.memory_space<vmem>>, vector<16xi32>,
          tpu.vector_store %arg6[%swap3A_525], %gather3A_524 {strides = array<i32>} : memref<128xi32, #tpu.memory_space<vmem>>, vector<16xi32>,
          %add3A_527 = arith.constant 22400 : i32
          %add3A_528 = arith.addi %add3A_527, %add3A_477 : i32
          %add3A_529 = vector.broadcast %add3A_528 : i32 to vector<16xi32>
          %add3A_530 = arith.addi %mul3A_3, %add3A_529 : vector<16xi32>
          %gather3A_531 = tpu.vector_load_idx %arg5[%add3A_530] : memref<25600xi32, #tpu.memory_space<vmem>>[vector<16xi32>], vector<16xi32>,
          %swap3A_532 = arith.constant 112 : index
          %swap3A_533 = tpu.vector_load %arg6[%swap3A_532] {strides = array<i32>} : memref<128xi32, #tpu.memory_space<vmem>>, vector<16xi32>,
          tpu.vector_store %arg6[%swap3A_532], %gather3A_531 {strides = array<i32>} : memref<128xi32, #tpu.memory_space<vmem>>, vector<16xi32>,
          %dma_start3A_534 = arith.constant 0 : i32
          %dma_start3A_535 = arith.constant 0 : i32
          %dma_start3A_536 = tpu.memref_slice %arg3[%dma_start3A_534, %dma_start3A_535] : memref<1000000x64xf32, #tpu.memory_space<hbm>> -> memref<1000000x64xf32, #tpu.memory_space<hbm>>
          tpu.enqueue_indirect_dma source(%dma_start3A_536 : memref<1000000x64xf32, #tpu.memory_space<hbm>>) target(%arg10 : memref<128x64xf32, #tpu.memory_space<vmem>>) offsets(%arg6 : memref<128xi32, #tpu.memory_space<vmem>>) semaphore(%arg16 : memref<!tpu.dma_semaphore, #tpu.memory_space<semaphore_mem>>)
        } else {
        }
        %mul3A_317 = arith.constant 4 : i32
        %mul3A_318 = arith.muli %mul3A_317, %scan3A_279 : i32
        %add3A_319 = arith.constant 1 : i32
        %add3A_320 = arith.addi %mul3A_318, %add3A_319 : i32
        %dma_wait3A_321 = arith.constant 0 : i32
        %dma_wait3A_322 = arith.constant 0 : i32
        %dma_wait3A_323 = tpu.memref_slice %arg3[%dma_wait3A_321, %dma_wait3A_322] : memref<1000000x64xf32, #tpu.memory_space<hbm>> -> memref<1000000x64xf32, #tpu.memory_space<hbm>>
        tpu.wait_indirect_dma semaphore(%arg17 : memref<!tpu.dma_semaphore, #tpu.memory_space<semaphore_mem>>) src(%dma_wait3A_323 : memref<1000000x64xf32, #tpu.memory_space<hbm>>) dst(%arg11 : memref<128x64xf32, #tpu.memory_space<vmem>>)
        %gt3A_324 = arith.constant 0 : i32
        %gt3A_325 = arith.cmpi sgt, %scan3A_279, %gt3A_324 : i32
        %convert_element_type3A_326 = arith.extui %gt3A_325 : i1 to i32
        %cond3A_327 = arith.constant 0 : i32
        %cond3A_328 = arith.cmpi ne, %convert_element_type3A_326, %cond3A_327 : i32
        scf.if %cond3A_328 {
          %sub3A_476 = arith.constant 2 : i32
          %sub3A_477 = arith.subi %add3A_320, %sub3A_476 : i32
          %mul3A_478 = arith.constant 4 : i32
          %mul3A_479 = arith.muli %add3A, %mul3A_478 : i32
          %add3A_480 = arith.addi %mul3A_479, %scan3A_13 : i32
          %dma_wait3A_481 = arith.constant 0 : i32
          %dma_wait3A_482 = arith.constant 0 : i32
          %dma_wait3A_483 = arith.constant 0 : i32
          %dma_wait3A_484 = tpu.memref_slice %arg15[%dma_wait3A_481, %dma_wait3A_482, %dma_wait3A_483] : memref<8x8x133xf32, #tpu.memory_space<vmem>> -> memref<8x8x128xf32, #tpu.memory_space<vmem>>
          %dma_wait3A_485 = arith.constant 0 : i32
          %dma_wait3A_486 = arith.constant 0 : i32
          %dma_wait3A_487 = arith.constant 0 : i32
          %dma_wait3A_488 = tpu.memref_slice %arg4[%sub3A_477, %dma_wait3A_485, %add3A_480, %dma_wait3A_486, %dma_wait3A_487] : memref<200x8x128x8x128xf32, #tpu.memory_space<hbm>> -> memref<1x8x1x8x128xf32, #tpu.memory_space<hbm>>
          %dma_wait3A_489 = tpu.memref_squeeze %dma_wait3A_488 : memref<1x8x1x8x128xf32, #tpu.memory_space<hbm>> -> memref<8x8x128xf32, #tpu.memory_space<hbm>>
          %dma_wait3A_490 = arith.constant 0 : i32
          %dma_wait3A_491 = arith.constant 0 : i32
          %dma_wait3A_492 = arith.constant 0 : i32
          %dma_wait3A_493 = tpu.memref_slice %arg4[%sub3A_477, %dma_wait3A_490, %add3A_480, %dma_wait3A_491, %dma_wait3A_492] : memref<200x8x128x8x128xf32, #tpu.memory_space<hbm>> -> memref<1x8x1x8x128xf32, #tpu.memory_space<hbm>>
          %dma_wait3A_494 = tpu.memref_squeeze %dma_wait3A_493 : memref<1x8x1x8x128xf32, #tpu.memory_space<hbm>> -> memref<8x8x128xf32, #tpu.memory_space<hbm>>
          %dma_wait3A_495 = arith.constant 0 : i32
          %dma_wait3A_496 = arith.constant 0 : i32
          %dma_wait3A_497 = arith.constant 0 : i32
          %dma_wait3A_498 = tpu.memref_slice %arg15[%dma_wait3A_495, %dma_wait3A_496, %dma_wait3A_497] : memref<8x8x133xf32, #tpu.memory_space<vmem>> -> memref<8x8x128xf32, #tpu.memory_space<vmem>>
          tpu.wait_dma2 semaphore(%arg21 : memref<!tpu.dma_semaphore, #tpu.memory_space<semaphore_mem>>) src(%dma_wait3A_498 : memref<8x8x128xf32, #tpu.memory_space<vmem>>) dst(%dma_wait3A_494 : memref<8x8x128xf32, #tpu.memory_space<hbm>>)
        } else {
        }
        %parallel_loop3A_329 = arith.constant 0 : i32
        %parallel_loop3A_330 = arith.constant 128 : i32
        %parallel_loop3A_331 = arith.constant 1 : i32
        scf.for %parallel_loop3A_476 = %parallel_loop3A_329 to %parallel_loop3A_330 step %parallel_loop3A_331  : i32 {
          %parallel_loop3A_477 = vector.broadcast %parallel_loop3A_476 : i32 to vector<16xi32>
          %parallel_loop3A_478 = arith.addi %mul3A_6, %parallel_loop3A_477 : vector<16xi32>
          %parallel_loop3A_479 = arith.constant 0 : i32
          %parallel_loop3A_480 = vector.broadcast %parallel_loop3A_479 : i32 to vector<16xi32>
          %parallel_loop3A_481 = arith.addi %iota3A, %parallel_loop3A_480 : vector<16xi32>
          %parallel_loop3A_482 = arith.constant 8 : i32
          %parallel_loop3A_483 = vector.broadcast %parallel_loop3A_482 : i32 to vector<16xi32>
          %parallel_loop3A_484 = arith.divsi %parallel_loop3A_481, %parallel_loop3A_483 : vector<16xi32>
          %parallel_loop3A_485 = arith.constant 0 : i32
          %parallel_loop3A_486 = vector.broadcast %parallel_loop3A_485 : i32 to vector<16xi32>
          %parallel_loop3A_487 = arith.cmpi sgt, %parallel_loop3A_481, %parallel_loop3A_486 : vector<16xi32>
          %parallel_loop3A_488 = arith.extui %parallel_loop3A_487 : vector<16xi1> to vector<16xi32>
          %parallel_loop3A_489 = arith.constant 0 : i32
          %parallel_loop3A_490 = vector.broadcast %parallel_loop3A_489 : i32 to vector<16xi32>
          %parallel_loop3A_491 = arith.cmpi slt, %parallel_loop3A_481, %parallel_loop3A_490 : vector<16xi32>
          %parallel_loop3A_492 = arith.extui %parallel_loop3A_491 : vector<16xi1> to vector<16xi32>
          %parallel_loop3A_493 = arith.subi %parallel_loop3A_488, %parallel_loop3A_492 : vector<16xi32>
          %parallel_loop3A_494 = arith.constant 0 : i32
          %parallel_loop3A_495 = arith.cmpi sgt, %parallel_loop3A_482, %parallel_loop3A_494 : i32
          %parallel_loop3A_496 = arith.extui %parallel_loop3A_495 : i1 to i32
          %parallel_loop3A_497 = arith.constant 0 : i32
          %parallel_loop3A_498 = arith.cmpi slt, %parallel_loop3A_482, %parallel_loop3A_497 : i32
          %parallel_loop3A_499 = arith.extui %parallel_loop3A_498 : i1 to i32
          %parallel_loop3A_500 = arith.subi %parallel_loop3A_496, %parallel_loop3A_499 : i32
          %parallel_loop3A_501 = vector.broadcast %parallel_loop3A_500 : i32 to vector<16xi32>
          %parallel_loop3A_502 = arith.cmpi ne, %parallel_loop3A_493, %parallel_loop3A_501 : vector<16xi32>
          %parallel_loop3A_503 = vector.broadcast %parallel_loop3A_482 : i32 to vector<16xi32>
          %parallel_loop3A_504 = arith.remsi %parallel_loop3A_481, %parallel_loop3A_503 : vector<16xi32>
          %parallel_loop3A_505 = arith.constant 0 : i32
          %parallel_loop3A_506 = vector.broadcast %parallel_loop3A_505 : i32 to vector<16xi32>
          %parallel_loop3A_507 = arith.cmpi ne, %parallel_loop3A_504, %parallel_loop3A_506 : vector<16xi32>
          %parallel_loop3A_508 = arith.andi %parallel_loop3A_502, %parallel_loop3A_507 : vector<16xi1>
          %parallel_loop3A_509 = arith.constant 1 : i32
          %parallel_loop3A_510 = vector.broadcast %parallel_loop3A_509 : i32 to vector<16xi32>
          %parallel_loop3A_511 = arith.subi %parallel_loop3A_484, %parallel_loop3A_510 : vector<16xi32>
          %parallel_loop3A_512 = arith.select %parallel_loop3A_508, %parallel_loop3A_511, %parallel_loop3A_484 : vector<16xi1>, vector<16xi32>
          %parallel_loop3A_513 = arith.constant 8 : i32
          %parallel_loop3A_514 = arith.constant 0 : i32
          %parallel_loop3A_515 = arith.cmpi eq, %parallel_loop3A_513, %parallel_loop3A_514 : i32
          %parallel_loop3A_516 = arith.constant 1 : i32
          %parallel_loop3A_517 = arith.select %parallel_loop3A_515, %parallel_loop3A_516, %parallel_loop3A_513 : i32
          %parallel_loop3A_518 = vector.broadcast %parallel_loop3A_517 : i32 to vector<16xi32>
          %parallel_loop3A_519 = arith.remsi %parallel_loop3A_481, %parallel_loop3A_518 : vector<16xi32>
          %parallel_loop3A_520 = arith.constant 0 : i32
          %parallel_loop3A_521 = vector.broadcast %parallel_loop3A_520 : i32 to vector<16xi32>
          %parallel_loop3A_522 = arith.cmpi ne, %parallel_loop3A_519, %parallel_loop3A_521 : vector<16xi32>
          %parallel_loop3A_523 = arith.constant 0 : i32
          %parallel_loop3A_524 = vector.broadcast %parallel_loop3A_523 : i32 to vector<16xi32>
          %parallel_loop3A_525 = arith.cmpi slt, %parallel_loop3A_519, %parallel_loop3A_524 : vector<16xi32>
          %parallel_loop3A_526 = arith.constant 0 : i32
          %parallel_loop3A_527 = arith.cmpi slt, %parallel_loop3A_517, %parallel_loop3A_526 : i32
          %parallel_loop3A_528 = vector.broadcast %parallel_loop3A_527 : i1 to vector<16xi1>
          %parallel_loop3A_529 = vector.broadcast %parallel_loop3A_528 : vector<16xi1> to vector<16xi1>
          %parallel_loop3A_530 = arith.xori %parallel_loop3A_525, %parallel_loop3A_529 : vector<16xi1>
          %parallel_loop3A_531 = arith.andi %parallel_loop3A_530, %parallel_loop3A_522 : vector<16xi1>
          %parallel_loop3A_532 = vector.broadcast %parallel_loop3A_517 : i32 to vector<16xi32>
          %parallel_loop3A_533 = arith.addi %parallel_loop3A_519, %parallel_loop3A_532 : vector<16xi32>
          %parallel_loop3A_534 = arith.select %parallel_loop3A_531, %parallel_loop3A_533, %parallel_loop3A_519 : vector<16xi1>, vector<16xi32>
          %parallel_loop3A_535 = arith.index_cast %parallel_loop3A_476 : i32 to index
          %parallel_loop3A_536 = arith.constant 0 : index
          %parallel_loop3A_537 = tpu.vector_load %arg11[%parallel_loop3A_535, %parallel_loop3A_536] {strides = array<i32>} : memref<128x64xf32, #tpu.memory_space<vmem>>, vector<16xf32>,
          tpu.vector_store_idx %arg15[%parallel_loop3A_512, %parallel_loop3A_534, %parallel_loop3A_478], %parallel_loop3A_537 : memref<8x8x133xf32, #tpu.memory_space<vmem>>[vector<16xi32>, vector<16xi32>, vector<16xi32>], vector<16xf32>,
          %parallel_loop3A_538 = arith.constant 16 : i32
          %parallel_loop3A_539 = vector.broadcast %parallel_loop3A_538 : i32 to vector<16xi32>
          %parallel_loop3A_540 = arith.addi %iota3A, %parallel_loop3A_539 : vector<16xi32>
          %parallel_loop3A_541 = arith.constant 8 : i32
          %parallel_loop3A_542 = vector.broadcast %parallel_loop3A_541 : i32 to vector<16xi32>
          %parallel_loop3A_543 = arith.divsi %parallel_loop3A_540, %parallel_loop3A_542 : vector<16xi32>
          %parallel_loop3A_544 = arith.constant 0 : i32
          %parallel_loop3A_545 = vector.broadcast %parallel_loop3A_544 : i32 to vector<16xi32>
          %parallel_loop3A_546 = arith.cmpi sgt, %parallel_loop3A_540, %parallel_loop3A_545 : vector<16xi32>
          %parallel_loop3A_547 = arith.extui %parallel_loop3A_546 : vector<16xi1> to vector<16xi32>
          %parallel_loop3A_548 = arith.constant 0 : i32
          %parallel_loop3A_549 = vector.broadcast %parallel_loop3A_548 : i32 to vector<16xi32>
          %parallel_loop3A_550 = arith.cmpi slt, %parallel_loop3A_540, %parallel_loop3A_549 : vector<16xi32>
          %parallel_loop3A_551 = arith.extui %parallel_loop3A_550 : vector<16xi1> to vector<16xi32>
          %parallel_loop3A_552 = arith.subi %parallel_loop3A_547, %parallel_loop3A_551 : vector<16xi32>
          %parallel_loop3A_553 = arith.constant 0 : i32
          %parallel_loop3A_554 = arith.cmpi sgt, %parallel_loop3A_541, %parallel_loop3A_553 : i32
          %parallel_loop3A_555 = arith.extui %parallel_loop3A_554 : i1 to i32
          %parallel_loop3A_556 = arith.constant 0 : i32
          %parallel_loop3A_557 = arith.cmpi slt, %parallel_loop3A_541, %parallel_loop3A_556 : i32
          %parallel_loop3A_558 = arith.extui %parallel_loop3A_557 : i1 to i32
          %parallel_loop3A_559 = arith.subi %parallel_loop3A_555, %parallel_loop3A_558 : i32
          %parallel_loop3A_560 = vector.broadcast %parallel_loop3A_559 : i32 to vector<16xi32>
          %parallel_loop3A_561 = arith.cmpi ne, %parallel_loop3A_552, %parallel_loop3A_560 : vector<16xi32>
          %parallel_loop3A_562 = vector.broadcast %parallel_loop3A_541 : i32 to vector<16xi32>
          %parallel_loop3A_563 = arith.remsi %parallel_loop3A_540, %parallel_loop3A_562 : vector<16xi32>
          %parallel_loop3A_564 = arith.constant 0 : i32
          %parallel_loop3A_565 = vector.broadcast %parallel_loop3A_564 : i32 to vector<16xi32>
          %parallel_loop3A_566 = arith.cmpi ne, %parallel_loop3A_563, %parallel_loop3A_565 : vector<16xi32>
          %parallel_loop3A_567 = arith.andi %parallel_loop3A_561, %parallel_loop3A_566 : vector<16xi1>
          %parallel_loop3A_568 = arith.constant 1 : i32
          %parallel_loop3A_569 = vector.broadcast %parallel_loop3A_568 : i32 to vector<16xi32>
          %parallel_loop3A_570 = arith.subi %parallel_loop3A_543, %parallel_loop3A_569 : vector<16xi32>
          %parallel_loop3A_571 = arith.select %parallel_loop3A_567, %parallel_loop3A_570, %parallel_loop3A_543 : vector<16xi1>, vector<16xi32>
          %parallel_loop3A_572 = arith.constant 8 : i32
          %parallel_loop3A_573 = arith.constant 0 : i32
          %parallel_loop3A_574 = arith.cmpi eq, %parallel_loop3A_572, %parallel_loop3A_573 : i32
          %parallel_loop3A_575 = arith.constant 1 : i32
          %parallel_loop3A_576 = arith.select %parallel_loop3A_574, %parallel_loop3A_575, %parallel_loop3A_572 : i32
          %parallel_loop3A_577 = vector.broadcast %parallel_loop3A_576 : i32 to vector<16xi32>
          %parallel_loop3A_578 = arith.remsi %parallel_loop3A_540, %parallel_loop3A_577 : vector<16xi32>
          %parallel_loop3A_579 = arith.constant 0 : i32
          %parallel_loop3A_580 = vector.broadcast %parallel_loop3A_579 : i32 to vector<16xi32>
          %parallel_loop3A_581 = arith.cmpi ne, %parallel_loop3A_578, %parallel_loop3A_580 : vector<16xi32>
          %parallel_loop3A_582 = arith.constant 0 : i32
          %parallel_loop3A_583 = vector.broadcast %parallel_loop3A_582 : i32 to vector<16xi32>
          %parallel_loop3A_584 = arith.cmpi slt, %parallel_loop3A_578, %parallel_loop3A_583 : vector<16xi32>
          %parallel_loop3A_585 = arith.constant 0 : i32
          %parallel_loop3A_586 = arith.cmpi slt, %parallel_loop3A_576, %parallel_loop3A_585 : i32
          %parallel_loop3A_587 = vector.broadcast %parallel_loop3A_586 : i1 to vector<16xi1>
          %parallel_loop3A_588 = vector.broadcast %parallel_loop3A_587 : vector<16xi1> to vector<16xi1>
          %parallel_loop3A_589 = arith.xori %parallel_loop3A_584, %parallel_loop3A_588 : vector<16xi1>
          %parallel_loop3A_590 = arith.andi %parallel_loop3A_589, %parallel_loop3A_581 : vector<16xi1>
          %parallel_loop3A_591 = vector.broadcast %parallel_loop3A_576 : i32 to vector<16xi32>
          %parallel_loop3A_592 = arith.addi %parallel_loop3A_578, %parallel_loop3A_591 : vector<16xi32>
          %parallel_loop3A_593 = arith.select %parallel_loop3A_590, %parallel_loop3A_592, %parallel_loop3A_578 : vector<16xi1>, vector<16xi32>
          %parallel_loop3A_594 = arith.index_cast %parallel_loop3A_476 : i32 to index
          %parallel_loop3A_595 = arith.constant 16 : index
          %parallel_loop3A_596 = tpu.vector_load %arg11[%parallel_loop3A_594, %parallel_loop3A_595] {strides = array<i32>} : memref<128x64xf32, #tpu.memory_space<vmem>>, vector<16xf32>,
          tpu.vector_store_idx %arg15[%parallel_loop3A_571, %parallel_loop3A_593, %parallel_loop3A_478], %parallel_loop3A_596 : memref<8x8x133xf32, #tpu.memory_space<vmem>>[vector<16xi32>, vector<16xi32>, vector<16xi32>], vector<16xf32>,
          %parallel_loop3A_597 = arith.constant 32 : i32
          %parallel_loop3A_598 = vector.broadcast %parallel_loop3A_597 : i32 to vector<16xi32>
          %parallel_loop3A_599 = arith.addi %iota3A, %parallel_loop3A_598 : vector<16xi32>
          %parallel_loop3A_600 = arith.constant 8 : i32
          %parallel_loop3A_601 = vector.broadcast %parallel_loop3A_600 : i32 to vector<16xi32>
          %parallel_loop3A_602 = arith.divsi %parallel_loop3A_599, %parallel_loop3A_601 : vector<16xi32>
          %parallel_loop3A_603 = arith.constant 0 : i32
          %parallel_loop3A_604 = vector.broadcast %parallel_loop3A_603 : i32 to vector<16xi32>
          %parallel_loop3A_605 = arith.cmpi sgt, %parallel_loop3A_599, %parallel_loop3A_604 : vector<16xi32>
          %parallel_loop3A_606 = arith.extui %parallel_loop3A_605 : vector<16xi1> to vector<16xi32>
          %parallel_loop3A_607 = arith.constant 0 : i32
          %parallel_loop3A_608 = vector.broadcast %parallel_loop3A_607 : i32 to vector<16xi32>
          %parallel_loop3A_609 = arith.cmpi slt, %parallel_loop3A_599, %parallel_loop3A_608 : vector<16xi32>
          %parallel_loop3A_610 = arith.extui %parallel_loop3A_609 : vector<16xi1> to vector<16xi32>
          %parallel_loop3A_611 = arith.subi %parallel_loop3A_606, %parallel_loop3A_610 : vector<16xi32>
          %parallel_loop3A_612 = arith.constant 0 : i32
          %parallel_loop3A_613 = arith.cmpi sgt, %parallel_loop3A_600, %parallel_loop3A_612 : i32
          %parallel_loop3A_614 = arith.extui %parallel_loop3A_613 : i1 to i32
          %parallel_loop3A_615 = arith.constant 0 : i32
          %parallel_loop3A_616 = arith.cmpi slt, %parallel_loop3A_600, %parallel_loop3A_615 : i32
          %parallel_loop3A_617 = arith.extui %parallel_loop3A_616 : i1 to i32
          %parallel_loop3A_618 = arith.subi %parallel_loop3A_614, %parallel_loop3A_617 : i32
          %parallel_loop3A_619 = vector.broadcast %parallel_loop3A_618 : i32 to vector<16xi32>
          %parallel_loop3A_620 = arith.cmpi ne, %parallel_loop3A_611, %parallel_loop3A_619 : vector<16xi32>
          %parallel_loop3A_621 = vector.broadcast %parallel_loop3A_600 : i32 to vector<16xi32>
          %parallel_loop3A_622 = arith.remsi %parallel_loop3A_599, %parallel_loop3A_621 : vector<16xi32>
          %parallel_loop3A_623 = arith.constant 0 : i32
          %parallel_loop3A_624 = vector.broadcast %parallel_loop3A_623 : i32 to vector<16xi32>
          %parallel_loop3A_625 = arith.cmpi ne, %parallel_loop3A_622, %parallel_loop3A_624 : vector<16xi32>
          %parallel_loop3A_626 = arith.andi %parallel_loop3A_620, %parallel_loop3A_625 : vector<16xi1>
          %parallel_loop3A_627 = arith.constant 1 : i32
          %parallel_loop3A_628 = vector.broadcast %parallel_loop3A_627 : i32 to vector<16xi32>
          %parallel_loop3A_629 = arith.subi %parallel_loop3A_602, %parallel_loop3A_628 : vector<16xi32>
          %parallel_loop3A_630 = arith.select %parallel_loop3A_626, %parallel_loop3A_629, %parallel_loop3A_602 : vector<16xi1>, vector<16xi32>
          %parallel_loop3A_631 = arith.constant 8 : i32
          %parallel_loop3A_632 = arith.constant 0 : i32
          %parallel_loop3A_633 = arith.cmpi eq, %parallel_loop3A_631, %parallel_loop3A_632 : i32
          %parallel_loop3A_634 = arith.constant 1 : i32
          %parallel_loop3A_635 = arith.select %parallel_loop3A_633, %parallel_loop3A_634, %parallel_loop3A_631 : i32
          %parallel_loop3A_636 = vector.broadcast %parallel_loop3A_635 : i32 to vector<16xi32>
          %parallel_loop3A_637 = arith.remsi %parallel_loop3A_599, %parallel_loop3A_636 : vector<16xi32>
          %parallel_loop3A_638 = arith.constant 0 : i32
          %parallel_loop3A_639 = vector.broadcast %parallel_loop3A_638 : i32 to vector<16xi32>
          %parallel_loop3A_640 = arith.cmpi ne, %parallel_loop3A_637, %parallel_loop3A_639 : vector<16xi32>
          %parallel_loop3A_641 = arith.constant 0 : i32
          %parallel_loop3A_642 = vector.broadcast %parallel_loop3A_641 : i32 to vector<16xi32>
          %parallel_loop3A_643 = arith.cmpi slt, %parallel_loop3A_637, %parallel_loop3A_642 : vector<16xi32>
          %parallel_loop3A_644 = arith.constant 0 : i32
          %parallel_loop3A_645 = arith.cmpi slt, %parallel_loop3A_635, %parallel_loop3A_644 : i32
          %parallel_loop3A_646 = vector.broadcast %parallel_loop3A_645 : i1 to vector<16xi1>
          %parallel_loop3A_647 = vector.broadcast %parallel_loop3A_646 : vector<16xi1> to vector<16xi1>
          %parallel_loop3A_648 = arith.xori %parallel_loop3A_643, %parallel_loop3A_647 : vector<16xi1>
          %parallel_loop3A_649 = arith.andi %parallel_loop3A_648, %parallel_loop3A_640 : vector<16xi1>
          %parallel_loop3A_650 = vector.broadcast %parallel_loop3A_635 : i32 to vector<16xi32>
          %parallel_loop3A_651 = arith.addi %parallel_loop3A_637, %parallel_loop3A_650 : vector<16xi32>
          %parallel_loop3A_652 = arith.select %parallel_loop3A_649, %parallel_loop3A_651, %parallel_loop3A_637 : vector<16xi1>, vector<16xi32>
          %parallel_loop3A_653 = arith.index_cast %parallel_loop3A_476 : i32 to index
          %parallel_loop3A_654 = arith.constant 32 : index
          %parallel_loop3A_655 = tpu.vector_load %arg11[%parallel_loop3A_653, %parallel_loop3A_654] {strides = array<i32>} : memref<128x64xf32, #tpu.memory_space<vmem>>, vector<16xf32>,
          tpu.vector_store_idx %arg15[%parallel_loop3A_630, %parallel_loop3A_652, %parallel_loop3A_478], %parallel_loop3A_655 : memref<8x8x133xf32, #tpu.memory_space<vmem>>[vector<16xi32>, vector<16xi32>, vector<16xi32>], vector<16xf32>,
          %parallel_loop3A_656 = arith.constant 48 : i32
          %parallel_loop3A_657 = vector.broadcast %parallel_loop3A_656 : i32 to vector<16xi32>
          %parallel_loop3A_658 = arith.addi %iota3A, %parallel_loop3A_657 : vector<16xi32>
          %parallel_loop3A_659 = arith.constant 8 : i32
          %parallel_loop3A_660 = vector.broadcast %parallel_loop3A_659 : i32 to vector<16xi32>
          %parallel_loop3A_661 = arith.divsi %parallel_loop3A_658, %parallel_loop3A_660 : vector<16xi32>
          %parallel_loop3A_662 = arith.constant 0 : i32
          %parallel_loop3A_663 = vector.broadcast %parallel_loop3A_662 : i32 to vector<16xi32>
          %parallel_loop3A_664 = arith.cmpi sgt, %parallel_loop3A_658, %parallel_loop3A_663 : vector<16xi32>
          %parallel_loop3A_665 = arith.extui %parallel_loop3A_664 : vector<16xi1> to vector<16xi32>
          %parallel_loop3A_666 = arith.constant 0 : i32
          %parallel_loop3A_667 = vector.broadcast %parallel_loop3A_666 : i32 to vector<16xi32>
          %parallel_loop3A_668 = arith.cmpi slt, %parallel_loop3A_658, %parallel_loop3A_667 : vector<16xi32>
          %parallel_loop3A_669 = arith.extui %parallel_loop3A_668 : vector<16xi1> to vector<16xi32>
          %parallel_loop3A_670 = arith.subi %parallel_loop3A_665, %parallel_loop3A_669 : vector<16xi32>
          %parallel_loop3A_671 = arith.constant 0 : i32
          %parallel_loop3A_672 = arith.cmpi sgt, %parallel_loop3A_659, %parallel_loop3A_671 : i32
          %parallel_loop3A_673 = arith.extui %parallel_loop3A_672 : i1 to i32
          %parallel_loop3A_674 = arith.constant 0 : i32
          %parallel_loop3A_675 = arith.cmpi slt, %parallel_loop3A_659, %parallel_loop3A_674 : i32
          %parallel_loop3A_676 = arith.extui %parallel_loop3A_675 : i1 to i32
          %parallel_loop3A_677 = arith.subi %parallel_loop3A_673, %parallel_loop3A_676 : i32
          %parallel_loop3A_678 = vector.broadcast %parallel_loop3A_677 : i32 to vector<16xi32>
          %parallel_loop3A_679 = arith.cmpi ne, %parallel_loop3A_670, %parallel_loop3A_678 : vector<16xi32>
          %parallel_loop3A_680 = vector.broadcast %parallel_loop3A_659 : i32 to vector<16xi32>
          %parallel_loop3A_681 = arith.remsi %parallel_loop3A_658, %parallel_loop3A_680 : vector<16xi32>
          %parallel_loop3A_682 = arith.constant 0 : i32
          %parallel_loop3A_683 = vector.broadcast %parallel_loop3A_682 : i32 to vector<16xi32>
          %parallel_loop3A_684 = arith.cmpi ne, %parallel_loop3A_681, %parallel_loop3A_683 : vector<16xi32>
          %parallel_loop3A_685 = arith.andi %parallel_loop3A_679, %parallel_loop3A_684 : vector<16xi1>
          %parallel_loop3A_686 = arith.constant 1 : i32
          %parallel_loop3A_687 = vector.broadcast %parallel_loop3A_686 : i32 to vector<16xi32>
          %parallel_loop3A_688 = arith.subi %parallel_loop3A_661, %parallel_loop3A_687 : vector<16xi32>
          %parallel_loop3A_689 = arith.select %parallel_loop3A_685, %parallel_loop3A_688, %parallel_loop3A_661 : vector<16xi1>, vector<16xi32>
          %parallel_loop3A_690 = arith.constant 8 : i32
          %parallel_loop3A_691 = arith.constant 0 : i32
          %parallel_loop3A_692 = arith.cmpi eq, %parallel_loop3A_690, %parallel_loop3A_691 : i32
          %parallel_loop3A_693 = arith.constant 1 : i32
          %parallel_loop3A_694 = arith.select %parallel_loop3A_692, %parallel_loop3A_693, %parallel_loop3A_690 : i32
          %parallel_loop3A_695 = vector.broadcast %parallel_loop3A_694 : i32 to vector<16xi32>
          %parallel_loop3A_696 = arith.remsi %parallel_loop3A_658, %parallel_loop3A_695 : vector<16xi32>
          %parallel_loop3A_697 = arith.constant 0 : i32
          %parallel_loop3A_698 = vector.broadcast %parallel_loop3A_697 : i32 to vector<16xi32>
          %parallel_loop3A_699 = arith.cmpi ne, %parallel_loop3A_696, %parallel_loop3A_698 : vector<16xi32>
          %parallel_loop3A_700 = arith.constant 0 : i32
          %parallel_loop3A_701 = vector.broadcast %parallel_loop3A_700 : i32 to vector<16xi32>
          %parallel_loop3A_702 = arith.cmpi slt, %parallel_loop3A_696, %parallel_loop3A_701 : vector<16xi32>
          %parallel_loop3A_703 = arith.constant 0 : i32
          %parallel_loop3A_704 = arith.cmpi slt, %parallel_loop3A_694, %parallel_loop3A_703 : i32
          %parallel_loop3A_705 = vector.broadcast %parallel_loop3A_704 : i1 to vector<16xi1>
          %parallel_loop3A_706 = vector.broadcast %parallel_loop3A_705 : vector<16xi1> to vector<16xi1>
          %parallel_loop3A_707 = arith.xori %parallel_loop3A_702, %parallel_loop3A_706 : vector<16xi1>
          %parallel_loop3A_708 = arith.andi %parallel_loop3A_707, %parallel_loop3A_699 : vector<16xi1>
          %parallel_loop3A_709 = vector.broadcast %parallel_loop3A_694 : i32 to vector<16xi32>
          %parallel_loop3A_710 = arith.addi %parallel_loop3A_696, %parallel_loop3A_709 : vector<16xi32>
          %parallel_loop3A_711 = arith.select %parallel_loop3A_708, %parallel_loop3A_710, %parallel_loop3A_696 : vector<16xi1>, vector<16xi32>
          %parallel_loop3A_712 = arith.index_cast %parallel_loop3A_476 : i32 to index
          %parallel_loop3A_713 = arith.constant 48 : index
          %parallel_loop3A_714 = tpu.vector_load %arg11[%parallel_loop3A_712, %parallel_loop3A_713] {strides = array<i32>} : memref<128x64xf32, #tpu.memory_space<vmem>>, vector<16xf32>,
          tpu.vector_store_idx %arg15[%parallel_loop3A_689, %parallel_loop3A_711, %parallel_loop3A_478], %parallel_loop3A_714 : memref<8x8x133xf32, #tpu.memory_space<vmem>>[vector<16xi32>, vector<16xi32>, vector<16xi32>], vector<16xf32>,
        } {sc.loop_unroll_factor = 16 : i64, sc.parallel_access}
        %mul3A_332 = arith.constant 4 : i32
        %mul3A_333 = arith.muli %add3A, %mul3A_332 : i32
        %add3A_334 = arith.addi %mul3A_333, %scan3A_13 : i32
        %dma_start3A_335 = arith.constant 0 : i32
        %dma_start3A_336 = arith.constant 0 : i32
        %dma_start3A_337 = arith.constant 0 : i32
        %dma_start3A_338 = tpu.memref_slice %arg15[%dma_start3A_335, %dma_start3A_336, %dma_start3A_337] : memref<8x8x133xf32, #tpu.memory_space<vmem>> -> memref<8x8x128xf32, #tpu.memory_space<vmem>>
        %dma_start3A_339 = arith.constant 0 : i32
        %dma_start3A_340 = arith.constant 0 : i32
        %dma_start3A_341 = arith.constant 0 : i32
        %dma_start3A_342 = tpu.memref_slice %arg4[%add3A_320, %dma_start3A_339, %add3A_334, %dma_start3A_340, %dma_start3A_341] : memref<200x8x128x8x128xf32, #tpu.memory_space<hbm>> -> memref<1x8x1x8x128xf32, #tpu.memory_space<hbm>>
        %dma_start3A_343 = tpu.memref_squeeze %dma_start3A_342 : memref<1x8x1x8x128xf32, #tpu.memory_space<hbm>> -> memref<8x8x128xf32, #tpu.memory_space<hbm>>
        %dma_start3A_344 = arith.constant 0 : i32
        %dma_start3A_345 = arith.constant 0 : i32
        %dma_start3A_346 = arith.constant 0 : i32
        %dma_start3A_347 = tpu.memref_slice %arg4[%add3A_320, %dma_start3A_344, %add3A_334, %dma_start3A_345, %dma_start3A_346] : memref<200x8x128x8x128xf32, #tpu.memory_space<hbm>> -> memref<1x8x1x8x128xf32, #tpu.memory_space<hbm>>
        %dma_start3A_348 = tpu.memref_squeeze %dma_start3A_347 : memref<1x8x1x8x128xf32, #tpu.memory_space<hbm>> -> memref<8x8x128xf32, #tpu.memory_space<hbm>>
        %dma_start3A_349 = arith.constant 0 : i32
        %dma_start3A_350 = arith.constant 0 : i32
        %dma_start3A_351 = arith.constant 0 : i32
        %dma_start3A_352 = tpu.memref_slice %arg15[%dma_start3A_349, %dma_start3A_350, %dma_start3A_351] : memref<8x8x133xf32, #tpu.memory_space<vmem>> -> memref<8x8x128xf32, #tpu.memory_space<vmem>>
        tpu.enqueue_dma source(%dma_start3A_352 : memref<8x8x128xf32, #tpu.memory_space<vmem>>) target(%dma_start3A_348 : memref<8x8x128xf32, #tpu.memory_space<hbm>>) target_semaphore(%arg21 : memref<!tpu.dma_semaphore, #tpu.memory_space<semaphore_mem>>)
        %lt3A_353 = arith.constant 49 : i32
        %lt3A_354 = arith.cmpi slt, %scan3A_279, %lt3A_353 : i32
        %convert_element_type3A_355 = arith.extui %lt3A_354 : i1 to i32
        %cond3A_356 = arith.constant 0 : i32
        %cond3A_357 = arith.cmpi ne, %convert_element_type3A_355, %cond3A_356 : i32
        scf.if %cond3A_357 {
          %add3A_476 = arith.constant 4 : i32
          %add3A_477 = arith.addi %add3A_320, %add3A_476 : i32
          %add3A_478 = arith.constant 0 : i32
          %add3A_479 = arith.addi %add3A_478, %add3A_477 : i32
          %add3A_480 = vector.broadcast %add3A_479 : i32 to vector<16xi32>
          %add3A_481 = arith.addi %mul3A_3, %add3A_480 : vector<16xi32>
          %gather3A_482 = tpu.vector_load_idx %arg5[%add3A_481] : memref<25600xi32, #tpu.memory_space<vmem>>[vector<16xi32>], vector<16xi32>,
          %swap3A_483 = arith.constant 0 : index
          %swap3A_484 = tpu.vector_load %arg7[%swap3A_483] {strides = array<i32>} : memref<128xi32, #tpu.memory_space<vmem>>, vector<16xi32>,
          tpu.vector_store %arg7[%swap3A_483], %gather3A_482 {strides = array<i32>} : memref<128xi32, #tpu.memory_space<vmem>>, vector<16xi32>,
          %add3A_485 = arith.constant 3200 : i32
          %add3A_486 = arith.addi %add3A_485, %add3A_477 : i32
          %add3A_487 = vector.broadcast %add3A_486 : i32 to vector<16xi32>
          %add3A_488 = arith.addi %mul3A_3, %add3A_487 : vector<16xi32>
          %gather3A_489 = tpu.vector_load_idx %arg5[%add3A_488] : memref<25600xi32, #tpu.memory_space<vmem>>[vector<16xi32>], vector<16xi32>,
          %swap3A_490 = arith.constant 16 : index
          %swap3A_491 = tpu.vector_load %arg7[%swap3A_490] {strides = array<i32>} : memref<128xi32, #tpu.memory_space<vmem>>, vector<16xi32>,
          tpu.vector_store %arg7[%swap3A_490], %gather3A_489 {strides = array<i32>} : memref<128xi32, #tpu.memory_space<vmem>>, vector<16xi32>,
          %add3A_492 = arith.constant 6400 : i32
          %add3A_493 = arith.addi %add3A_492, %add3A_477 : i32
          %add3A_494 = vector.broadcast %add3A_493 : i32 to vector<16xi32>
          %add3A_495 = arith.addi %mul3A_3, %add3A_494 : vector<16xi32>
          %gather3A_496 = tpu.vector_load_idx %arg5[%add3A_495] : memref<25600xi32, #tpu.memory_space<vmem>>[vector<16xi32>], vector<16xi32>,
          %swap3A_497 = arith.constant 32 : index
          %swap3A_498 = tpu.vector_load %arg7[%swap3A_497] {strides = array<i32>} : memref<128xi32, #tpu.memory_space<vmem>>, vector<16xi32>,
          tpu.vector_store %arg7[%swap3A_497], %gather3A_496 {strides = array<i32>} : memref<128xi32, #tpu.memory_space<vmem>>, vector<16xi32>,
          %add3A_499 = arith.constant 9600 : i32
          %add3A_500 = arith.addi %add3A_499, %add3A_477 : i32
          %add3A_501 = vector.broadcast %add3A_500 : i32 to vector<16xi32>
          %add3A_502 = arith.addi %mul3A_3, %add3A_501 : vector<16xi32>
          %gather3A_503 = tpu.vector_load_idx %arg5[%add3A_502] : memref<25600xi32, #tpu.memory_space<vmem>>[vector<16xi32>], vector<16xi32>,
          %swap3A_504 = arith.constant 48 : index
          %swap3A_505 = tpu.vector_load %arg7[%swap3A_504] {strides = array<i32>} : memref<128xi32, #tpu.memory_space<vmem>>, vector<16xi32>,
          tpu.vector_store %arg7[%swap3A_504], %gather3A_503 {strides = array<i32>} : memref<128xi32, #tpu.memory_space<vmem>>, vector<16xi32>,
          %add3A_506 = arith.constant 12800 : i32
          %add3A_507 = arith.addi %add3A_506, %add3A_477 : i32
          %add3A_508 = vector.broadcast %add3A_507 : i32 to vector<16xi32>
          %add3A_509 = arith.addi %mul3A_3, %add3A_508 : vector<16xi32>
          %gather3A_510 = tpu.vector_load_idx %arg5[%add3A_509] : memref<25600xi32, #tpu.memory_space<vmem>>[vector<16xi32>], vector<16xi32>,
          %swap3A_511 = arith.constant 64 : index
          %swap3A_512 = tpu.vector_load %arg7[%swap3A_511] {strides = array<i32>} : memref<128xi32, #tpu.memory_space<vmem>>, vector<16xi32>,
          tpu.vector_store %arg7[%swap3A_511], %gather3A_510 {strides = array<i32>} : memref<128xi32, #tpu.memory_space<vmem>>, vector<16xi32>,
          %add3A_513 = arith.constant 16000 : i32
          %add3A_514 = arith.addi %add3A_513, %add3A_477 : i32
          %add3A_515 = vector.broadcast %add3A_514 : i32 to vector<16xi32>
          %add3A_516 = arith.addi %mul3A_3, %add3A_515 : vector<16xi32>
          %gather3A_517 = tpu.vector_load_idx %arg5[%add3A_516] : memref<25600xi32, #tpu.memory_space<vmem>>[vector<16xi32>], vector<16xi32>,
          %swap3A_518 = arith.constant 80 : index
          %swap3A_519 = tpu.vector_load %arg7[%swap3A_518] {strides = array<i32>} : memref<128xi32, #tpu.memory_space<vmem>>, vector<16xi32>,
          tpu.vector_store %arg7[%swap3A_518], %gather3A_517 {strides = array<i32>} : memref<128xi32, #tpu.memory_space<vmem>>, vector<16xi32>,
          %add3A_520 = arith.constant 19200 : i32
          %add3A_521 = arith.addi %add3A_520, %add3A_477 : i32
          %add3A_522 = vector.broadcast %add3A_521 : i32 to vector<16xi32>
          %add3A_523 = arith.addi %mul3A_3, %add3A_522 : vector<16xi32>
          %gather3A_524 = tpu.vector_load_idx %arg5[%add3A_523] : memref<25600xi32, #tpu.memory_space<vmem>>[vector<16xi32>], vector<16xi32>,
          %swap3A_525 = arith.constant 96 : index
          %swap3A_526 = tpu.vector_load %arg7[%swap3A_525] {strides = array<i32>} : memref<128xi32, #tpu.memory_space<vmem>>, vector<16xi32>,
          tpu.vector_store %arg7[%swap3A_525], %gather3A_524 {strides = array<i32>} : memref<128xi32, #tpu.memory_space<vmem>>, vector<16xi32>,
          %add3A_527 = arith.constant 22400 : i32
          %add3A_528 = arith.addi %add3A_527, %add3A_477 : i32
          %add3A_529 = vector.broadcast %add3A_528 : i32 to vector<16xi32>
          %add3A_530 = arith.addi %mul3A_3, %add3A_529 : vector<16xi32>
          %gather3A_531 = tpu.vector_load_idx %arg5[%add3A_530] : memref<25600xi32, #tpu.memory_space<vmem>>[vector<16xi32>], vector<16xi32>,
          %swap3A_532 = arith.constant 112 : index
          %swap3A_533 = tpu.vector_load %arg7[%swap3A_532] {strides = array<i32>} : memref<128xi32, #tpu.memory_space<vmem>>, vector<16xi32>,
          tpu.vector_store %arg7[%swap3A_532], %gather3A_531 {strides = array<i32>} : memref<128xi32, #tpu.memory_space<vmem>>, vector<16xi32>,
          %dma_start3A_534 = arith.constant 0 : i32
          %dma_start3A_535 = arith.constant 0 : i32
          %dma_start3A_536 = tpu.memref_slice %arg3[%dma_start3A_534, %dma_start3A_535] : memref<1000000x64xf32, #tpu.memory_space<hbm>> -> memref<1000000x64xf32, #tpu.memory_space<hbm>>
          tpu.enqueue_indirect_dma source(%dma_start3A_536 : memref<1000000x64xf32, #tpu.memory_space<hbm>>) target(%arg11 : memref<128x64xf32, #tpu.memory_space<vmem>>) offsets(%arg7 : memref<128xi32, #tpu.memory_space<vmem>>) semaphore(%arg17 : memref<!tpu.dma_semaphore, #tpu.memory_space<semaphore_mem>>)
        } else {
        }
        %mul3A_358 = arith.constant 4 : i32
        %mul3A_359 = arith.muli %mul3A_358, %scan3A_279 : i32
        %add3A_360 = arith.constant 2 : i32
        %add3A_361 = arith.addi %mul3A_359, %add3A_360 : i32
        %dma_wait3A_362 = arith.constant 0 : i32
        %dma_wait3A_363 = arith.constant 0 : i32
        %dma_wait3A_364 = tpu.memref_slice %arg3[%dma_wait3A_362, %dma_wait3A_363] : memref<1000000x64xf32, #tpu.memory_space<hbm>> -> memref<1000000x64xf32, #tpu.memory_space<hbm>>
        tpu.wait_indirect_dma semaphore(%arg18 : memref<!tpu.dma_semaphore, #tpu.memory_space<semaphore_mem>>) src(%dma_wait3A_364 : memref<1000000x64xf32, #tpu.memory_space<hbm>>) dst(%arg12 : memref<128x64xf32, #tpu.memory_space<vmem>>)
        %sub3A = arith.constant 2 : i32
        %sub3A_365 = arith.subi %add3A_361, %sub3A : i32
        %mul3A_366 = arith.constant 4 : i32
        %mul3A_367 = arith.muli %add3A, %mul3A_366 : i32
        %add3A_368 = arith.addi %mul3A_367, %scan3A_13 : i32
        %dma_wait3A_369 = arith.constant 0 : i32
        %dma_wait3A_370 = arith.constant 0 : i32
        %dma_wait3A_371 = arith.constant 0 : i32
        %dma_wait3A_372 = tpu.memref_slice %arg14[%dma_wait3A_369, %dma_wait3A_370, %dma_wait3A_371] : memref<8x8x133xf32, #tpu.memory_space<vmem>> -> memref<8x8x128xf32, #tpu.memory_space<vmem>>
        %dma_wait3A_373 = arith.constant 0 : i32
        %dma_wait3A_374 = arith.constant 0 : i32
        %dma_wait3A_375 = arith.constant 0 : i32
        %dma_wait3A_376 = tpu.memref_slice %arg4[%sub3A_365, %dma_wait3A_373, %add3A_368, %dma_wait3A_374, %dma_wait3A_375] : memref<200x8x128x8x128xf32, #tpu.memory_space<hbm>> -> memref<1x8x1x8x128xf32, #tpu.memory_space<hbm>>
        %dma_wait3A_377 = tpu.memref_squeeze %dma_wait3A_376 : memref<1x8x1x8x128xf32, #tpu.memory_space<hbm>> -> memref<8x8x128xf32, #tpu.memory_space<hbm>>
        %dma_wait3A_378 = arith.constant 0 : i32
        %dma_wait3A_379 = arith.constant 0 : i32
        %dma_wait3A_380 = arith.constant 0 : i32
        %dma_wait3A_381 = tpu.memref_slice %arg4[%sub3A_365, %dma_wait3A_378, %add3A_368, %dma_wait3A_379, %dma_wait3A_380] : memref<200x8x128x8x128xf32, #tpu.memory_space<hbm>> -> memref<1x8x1x8x128xf32, #tpu.memory_space<hbm>>
        %dma_wait3A_382 = tpu.memref_squeeze %dma_wait3A_381 : memref<1x8x1x8x128xf32, #tpu.memory_space<hbm>> -> memref<8x8x128xf32, #tpu.memory_space<hbm>>
        %dma_wait3A_383 = arith.constant 0 : i32
        %dma_wait3A_384 = arith.constant 0 : i32
        %dma_wait3A_385 = arith.constant 0 : i32
        %dma_wait3A_386 = tpu.memref_slice %arg14[%dma_wait3A_383, %dma_wait3A_384, %dma_wait3A_385] : memref<8x8x133xf32, #tpu.memory_space<vmem>> -> memref<8x8x128xf32, #tpu.memory_space<vmem>>
        tpu.wait_dma2 semaphore(%arg20 : memref<!tpu.dma_semaphore, #tpu.memory_space<semaphore_mem>>) src(%dma_wait3A_386 : memref<8x8x128xf32, #tpu.memory_space<vmem>>) dst(%dma_wait3A_382 : memref<8x8x128xf32, #tpu.memory_space<hbm>>)
        %parallel_loop3A_387 = arith.constant 0 : i32
        %parallel_loop3A_388 = arith.constant 128 : i32
        %parallel_loop3A_389 = arith.constant 1 : i32
        scf.for %parallel_loop3A_476 = %parallel_loop3A_387 to %parallel_loop3A_388 step %parallel_loop3A_389  : i32 {
          %parallel_loop3A_477 = vector.broadcast %parallel_loop3A_476 : i32 to vector<16xi32>
          %parallel_loop3A_478 = arith.addi %mul3A_6, %parallel_loop3A_477 : vector<16xi32>
          %parallel_loop3A_479 = arith.constant 0 : i32
          %parallel_loop3A_480 = vector.broadcast %parallel_loop3A_479 : i32 to vector<16xi32>
          %parallel_loop3A_481 = arith.addi %iota3A, %parallel_loop3A_480 : vector<16xi32>
          %parallel_loop3A_482 = arith.constant 8 : i32
          %parallel_loop3A_483 = vector.broadcast %parallel_loop3A_482 : i32 to vector<16xi32>
          %parallel_loop3A_484 = arith.divsi %parallel_loop3A_481, %parallel_loop3A_483 : vector<16xi32>
          %parallel_loop3A_485 = arith.constant 0 : i32
          %parallel_loop3A_486 = vector.broadcast %parallel_loop3A_485 : i32 to vector<16xi32>
          %parallel_loop3A_487 = arith.cmpi sgt, %parallel_loop3A_481, %parallel_loop3A_486 : vector<16xi32>
          %parallel_loop3A_488 = arith.extui %parallel_loop3A_487 : vector<16xi1> to vector<16xi32>
          %parallel_loop3A_489 = arith.constant 0 : i32
          %parallel_loop3A_490 = vector.broadcast %parallel_loop3A_489 : i32 to vector<16xi32>
          %parallel_loop3A_491 = arith.cmpi slt, %parallel_loop3A_481, %parallel_loop3A_490 : vector<16xi32>
          %parallel_loop3A_492 = arith.extui %parallel_loop3A_491 : vector<16xi1> to vector<16xi32>
          %parallel_loop3A_493 = arith.subi %parallel_loop3A_488, %parallel_loop3A_492 : vector<16xi32>
          %parallel_loop3A_494 = arith.constant 0 : i32
          %parallel_loop3A_495 = arith.cmpi sgt, %parallel_loop3A_482, %parallel_loop3A_494 : i32
          %parallel_loop3A_496 = arith.extui %parallel_loop3A_495 : i1 to i32
          %parallel_loop3A_497 = arith.constant 0 : i32
          %parallel_loop3A_498 = arith.cmpi slt, %parallel_loop3A_482, %parallel_loop3A_497 : i32
          %parallel_loop3A_499 = arith.extui %parallel_loop3A_498 : i1 to i32
          %parallel_loop3A_500 = arith.subi %parallel_loop3A_496, %parallel_loop3A_499 : i32
          %parallel_loop3A_501 = vector.broadcast %parallel_loop3A_500 : i32 to vector<16xi32>
          %parallel_loop3A_502 = arith.cmpi ne, %parallel_loop3A_493, %parallel_loop3A_501 : vector<16xi32>
          %parallel_loop3A_503 = vector.broadcast %parallel_loop3A_482 : i32 to vector<16xi32>
          %parallel_loop3A_504 = arith.remsi %parallel_loop3A_481, %parallel_loop3A_503 : vector<16xi32>
          %parallel_loop3A_505 = arith.constant 0 : i32
          %parallel_loop3A_506 = vector.broadcast %parallel_loop3A_505 : i32 to vector<16xi32>
          %parallel_loop3A_507 = arith.cmpi ne, %parallel_loop3A_504, %parallel_loop3A_506 : vector<16xi32>
          %parallel_loop3A_508 = arith.andi %parallel_loop3A_502, %parallel_loop3A_507 : vector<16xi1>
          %parallel_loop3A_509 = arith.constant 1 : i32
          %parallel_loop3A_510 = vector.broadcast %parallel_loop3A_509 : i32 to vector<16xi32>
          %parallel_loop3A_511 = arith.subi %parallel_loop3A_484, %parallel_loop3A_510 : vector<16xi32>
          %parallel_loop3A_512 = arith.select %parallel_loop3A_508, %parallel_loop3A_511, %parallel_loop3A_484 : vector<16xi1>, vector<16xi32>
          %parallel_loop3A_513 = arith.constant 8 : i32
          %parallel_loop3A_514 = arith.constant 0 : i32
          %parallel_loop3A_515 = arith.cmpi eq, %parallel_loop3A_513, %parallel_loop3A_514 : i32
          %parallel_loop3A_516 = arith.constant 1 : i32
          %parallel_loop3A_517 = arith.select %parallel_loop3A_515, %parallel_loop3A_516, %parallel_loop3A_513 : i32
          %parallel_loop3A_518 = vector.broadcast %parallel_loop3A_517 : i32 to vector<16xi32>
          %parallel_loop3A_519 = arith.remsi %parallel_loop3A_481, %parallel_loop3A_518 : vector<16xi32>
          %parallel_loop3A_520 = arith.constant 0 : i32
          %parallel_loop3A_521 = vector.broadcast %parallel_loop3A_520 : i32 to vector<16xi32>
          %parallel_loop3A_522 = arith.cmpi ne, %parallel_loop3A_519, %parallel_loop3A_521 : vector<16xi32>
          %parallel_loop3A_523 = arith.constant 0 : i32
          %parallel_loop3A_524 = vector.broadcast %parallel_loop3A_523 : i32 to vector<16xi32>
          %parallel_loop3A_525 = arith.cmpi slt, %parallel_loop3A_519, %parallel_loop3A_524 : vector<16xi32>
          %parallel_loop3A_526 = arith.constant 0 : i32
          %parallel_loop3A_527 = arith.cmpi slt, %parallel_loop3A_517, %parallel_loop3A_526 : i32
          %parallel_loop3A_528 = vector.broadcast %parallel_loop3A_527 : i1 to vector<16xi1>
          %parallel_loop3A_529 = vector.broadcast %parallel_loop3A_528 : vector<16xi1> to vector<16xi1>
          %parallel_loop3A_530 = arith.xori %parallel_loop3A_525, %parallel_loop3A_529 : vector<16xi1>
          %parallel_loop3A_531 = arith.andi %parallel_loop3A_530, %parallel_loop3A_522 : vector<16xi1>
          %parallel_loop3A_532 = vector.broadcast %parallel_loop3A_517 : i32 to vector<16xi32>
          %parallel_loop3A_533 = arith.addi %parallel_loop3A_519, %parallel_loop3A_532 : vector<16xi32>
          %parallel_loop3A_534 = arith.select %parallel_loop3A_531, %parallel_loop3A_533, %parallel_loop3A_519 : vector<16xi1>, vector<16xi32>
          %parallel_loop3A_535 = arith.index_cast %parallel_loop3A_476 : i32 to index
          %parallel_loop3A_536 = arith.constant 0 : index
          %parallel_loop3A_537 = tpu.vector_load %arg12[%parallel_loop3A_535, %parallel_loop3A_536] {strides = array<i32>} : memref<128x64xf32, #tpu.memory_space<vmem>>, vector<16xf32>,
          tpu.vector_store_idx %arg14[%parallel_loop3A_512, %parallel_loop3A_534, %parallel_loop3A_478], %parallel_loop3A_537 : memref<8x8x133xf32, #tpu.memory_space<vmem>>[vector<16xi32>, vector<16xi32>, vector<16xi32>], vector<16xf32>,
          %parallel_loop3A_538 = arith.constant 16 : i32
          %parallel_loop3A_539 = vector.broadcast %parallel_loop3A_538 : i32 to vector<16xi32>
          %parallel_loop3A_540 = arith.addi %iota3A, %parallel_loop3A_539 : vector<16xi32>
          %parallel_loop3A_541 = arith.constant 8 : i32
          %parallel_loop3A_542 = vector.broadcast %parallel_loop3A_541 : i32 to vector<16xi32>
          %parallel_loop3A_543 = arith.divsi %parallel_loop3A_540, %parallel_loop3A_542 : vector<16xi32>
          %parallel_loop3A_544 = arith.constant 0 : i32
          %parallel_loop3A_545 = vector.broadcast %parallel_loop3A_544 : i32 to vector<16xi32>
          %parallel_loop3A_546 = arith.cmpi sgt, %parallel_loop3A_540, %parallel_loop3A_545 : vector<16xi32>
          %parallel_loop3A_547 = arith.extui %parallel_loop3A_546 : vector<16xi1> to vector<16xi32>
          %parallel_loop3A_548 = arith.constant 0 : i32
          %parallel_loop3A_549 = vector.broadcast %parallel_loop3A_548 : i32 to vector<16xi32>
          %parallel_loop3A_550 = arith.cmpi slt, %parallel_loop3A_540, %parallel_loop3A_549 : vector<16xi32>
          %parallel_loop3A_551 = arith.extui %parallel_loop3A_550 : vector<16xi1> to vector<16xi32>
          %parallel_loop3A_552 = arith.subi %parallel_loop3A_547, %parallel_loop3A_551 : vector<16xi32>
          %parallel_loop3A_553 = arith.constant 0 : i32
          %parallel_loop3A_554 = arith.cmpi sgt, %parallel_loop3A_541, %parallel_loop3A_553 : i32
          %parallel_loop3A_555 = arith.extui %parallel_loop3A_554 : i1 to i32
          %parallel_loop3A_556 = arith.constant 0 : i32
          %parallel_loop3A_557 = arith.cmpi slt, %parallel_loop3A_541, %parallel_loop3A_556 : i32
          %parallel_loop3A_558 = arith.extui %parallel_loop3A_557 : i1 to i32
          %parallel_loop3A_559 = arith.subi %parallel_loop3A_555, %parallel_loop3A_558 : i32
          %parallel_loop3A_560 = vector.broadcast %parallel_loop3A_559 : i32 to vector<16xi32>
          %parallel_loop3A_561 = arith.cmpi ne, %parallel_loop3A_552, %parallel_loop3A_560 : vector<16xi32>
          %parallel_loop3A_562 = vector.broadcast %parallel_loop3A_541 : i32 to vector<16xi32>
          %parallel_loop3A_563 = arith.remsi %parallel_loop3A_540, %parallel_loop3A_562 : vector<16xi32>
          %parallel_loop3A_564 = arith.constant 0 : i32
          %parallel_loop3A_565 = vector.broadcast %parallel_loop3A_564 : i32 to vector<16xi32>
          %parallel_loop3A_566 = arith.cmpi ne, %parallel_loop3A_563, %parallel_loop3A_565 : vector<16xi32>
          %parallel_loop3A_567 = arith.andi %parallel_loop3A_561, %parallel_loop3A_566 : vector<16xi1>
          %parallel_loop3A_568 = arith.constant 1 : i32
          %parallel_loop3A_569 = vector.broadcast %parallel_loop3A_568 : i32 to vector<16xi32>
          %parallel_loop3A_570 = arith.subi %parallel_loop3A_543, %parallel_loop3A_569 : vector<16xi32>
          %parallel_loop3A_571 = arith.select %parallel_loop3A_567, %parallel_loop3A_570, %parallel_loop3A_543 : vector<16xi1>, vector<16xi32>
          %parallel_loop3A_572 = arith.constant 8 : i32
          %parallel_loop3A_573 = arith.constant 0 : i32
          %parallel_loop3A_574 = arith.cmpi eq, %parallel_loop3A_572, %parallel_loop3A_573 : i32
          %parallel_loop3A_575 = arith.constant 1 : i32
          %parallel_loop3A_576 = arith.select %parallel_loop3A_574, %parallel_loop3A_575, %parallel_loop3A_572 : i32
          %parallel_loop3A_577 = vector.broadcast %parallel_loop3A_576 : i32 to vector<16xi32>
          %parallel_loop3A_578 = arith.remsi %parallel_loop3A_540, %parallel_loop3A_577 : vector<16xi32>
          %parallel_loop3A_579 = arith.constant 0 : i32
          %parallel_loop3A_580 = vector.broadcast %parallel_loop3A_579 : i32 to vector<16xi32>
          %parallel_loop3A_581 = arith.cmpi ne, %parallel_loop3A_578, %parallel_loop3A_580 : vector<16xi32>
          %parallel_loop3A_582 = arith.constant 0 : i32
          %parallel_loop3A_583 = vector.broadcast %parallel_loop3A_582 : i32 to vector<16xi32>
          %parallel_loop3A_584 = arith.cmpi slt, %parallel_loop3A_578, %parallel_loop3A_583 : vector<16xi32>
          %parallel_loop3A_585 = arith.constant 0 : i32
          %parallel_loop3A_586 = arith.cmpi slt, %parallel_loop3A_576, %parallel_loop3A_585 : i32
          %parallel_loop3A_587 = vector.broadcast %parallel_loop3A_586 : i1 to vector<16xi1>
          %parallel_loop3A_588 = vector.broadcast %parallel_loop3A_587 : vector<16xi1> to vector<16xi1>
          %parallel_loop3A_589 = arith.xori %parallel_loop3A_584, %parallel_loop3A_588 : vector<16xi1>
          %parallel_loop3A_590 = arith.andi %parallel_loop3A_589, %parallel_loop3A_581 : vector<16xi1>
          %parallel_loop3A_591 = vector.broadcast %parallel_loop3A_576 : i32 to vector<16xi32>
          %parallel_loop3A_592 = arith.addi %parallel_loop3A_578, %parallel_loop3A_591 : vector<16xi32>
          %parallel_loop3A_593 = arith.select %parallel_loop3A_590, %parallel_loop3A_592, %parallel_loop3A_578 : vector<16xi1>, vector<16xi32>
          %parallel_loop3A_594 = arith.index_cast %parallel_loop3A_476 : i32 to index
          %parallel_loop3A_595 = arith.constant 16 : index
          %parallel_loop3A_596 = tpu.vector_load %arg12[%parallel_loop3A_594, %parallel_loop3A_595] {strides = array<i32>} : memref<128x64xf32, #tpu.memory_space<vmem>>, vector<16xf32>,
          tpu.vector_store_idx %arg14[%parallel_loop3A_571, %parallel_loop3A_593, %parallel_loop3A_478], %parallel_loop3A_596 : memref<8x8x133xf32, #tpu.memory_space<vmem>>[vector<16xi32>, vector<16xi32>, vector<16xi32>], vector<16xf32>,
          %parallel_loop3A_597 = arith.constant 32 : i32
          %parallel_loop3A_598 = vector.broadcast %parallel_loop3A_597 : i32 to vector<16xi32>
          %parallel_loop3A_599 = arith.addi %iota3A, %parallel_loop3A_598 : vector<16xi32>
          %parallel_loop3A_600 = arith.constant 8 : i32
          %parallel_loop3A_601 = vector.broadcast %parallel_loop3A_600 : i32 to vector<16xi32>
          %parallel_loop3A_602 = arith.divsi %parallel_loop3A_599, %parallel_loop3A_601 : vector<16xi32>
          %parallel_loop3A_603 = arith.constant 0 : i32
          %parallel_loop3A_604 = vector.broadcast %parallel_loop3A_603 : i32 to vector<16xi32>
          %parallel_loop3A_605 = arith.cmpi sgt, %parallel_loop3A_599, %parallel_loop3A_604 : vector<16xi32>
          %parallel_loop3A_606 = arith.extui %parallel_loop3A_605 : vector<16xi1> to vector<16xi32>
          %parallel_loop3A_607 = arith.constant 0 : i32
          %parallel_loop3A_608 = vector.broadcast %parallel_loop3A_607 : i32 to vector<16xi32>
          %parallel_loop3A_609 = arith.cmpi slt, %parallel_loop3A_599, %parallel_loop3A_608 : vector<16xi32>
          %parallel_loop3A_610 = arith.extui %parallel_loop3A_609 : vector<16xi1> to vector<16xi32>
          %parallel_loop3A_611 = arith.subi %parallel_loop3A_606, %parallel_loop3A_610 : vector<16xi32>
          %parallel_loop3A_612 = arith.constant 0 : i32
          %parallel_loop3A_613 = arith.cmpi sgt, %parallel_loop3A_600, %parallel_loop3A_612 : i32
          %parallel_loop3A_614 = arith.extui %parallel_loop3A_613 : i1 to i32
          %parallel_loop3A_615 = arith.constant 0 : i32
          %parallel_loop3A_616 = arith.cmpi slt, %parallel_loop3A_600, %parallel_loop3A_615 : i32
          %parallel_loop3A_617 = arith.extui %parallel_loop3A_616 : i1 to i32
          %parallel_loop3A_618 = arith.subi %parallel_loop3A_614, %parallel_loop3A_617 : i32
          %parallel_loop3A_619 = vector.broadcast %parallel_loop3A_618 : i32 to vector<16xi32>
          %parallel_loop3A_620 = arith.cmpi ne, %parallel_loop3A_611, %parallel_loop3A_619 : vector<16xi32>
          %parallel_loop3A_621 = vector.broadcast %parallel_loop3A_600 : i32 to vector<16xi32>
          %parallel_loop3A_622 = arith.remsi %parallel_loop3A_599, %parallel_loop3A_621 : vector<16xi32>
          %parallel_loop3A_623 = arith.constant 0 : i32
          %parallel_loop3A_624 = vector.broadcast %parallel_loop3A_623 : i32 to vector<16xi32>
          %parallel_loop3A_625 = arith.cmpi ne, %parallel_loop3A_622, %parallel_loop3A_624 : vector<16xi32>
          %parallel_loop3A_626 = arith.andi %parallel_loop3A_620, %parallel_loop3A_625 : vector<16xi1>
          %parallel_loop3A_627 = arith.constant 1 : i32
          %parallel_loop3A_628 = vector.broadcast %parallel_loop3A_627 : i32 to vector<16xi32>
          %parallel_loop3A_629 = arith.subi %parallel_loop3A_602, %parallel_loop3A_628 : vector<16xi32>
          %parallel_loop3A_630 = arith.select %parallel_loop3A_626, %parallel_loop3A_629, %parallel_loop3A_602 : vector<16xi1>, vector<16xi32>
          %parallel_loop3A_631 = arith.constant 8 : i32
          %parallel_loop3A_632 = arith.constant 0 : i32
          %parallel_loop3A_633 = arith.cmpi eq, %parallel_loop3A_631, %parallel_loop3A_632 : i32
          %parallel_loop3A_634 = arith.constant 1 : i32
          %parallel_loop3A_635 = arith.select %parallel_loop3A_633, %parallel_loop3A_634, %parallel_loop3A_631 : i32
          %parallel_loop3A_636 = vector.broadcast %parallel_loop3A_635 : i32 to vector<16xi32>
          %parallel_loop3A_637 = arith.remsi %parallel_loop3A_599, %parallel_loop3A_636 : vector<16xi32>
          %parallel_loop3A_638 = arith.constant 0 : i32
          %parallel_loop3A_639 = vector.broadcast %parallel_loop3A_638 : i32 to vector<16xi32>
          %parallel_loop3A_640 = arith.cmpi ne, %parallel_loop3A_637, %parallel_loop3A_639 : vector<16xi32>
          %parallel_loop3A_641 = arith.constant 0 : i32
          %parallel_loop3A_642 = vector.broadcast %parallel_loop3A_641 : i32 to vector<16xi32>
          %parallel_loop3A_643 = arith.cmpi slt, %parallel_loop3A_637, %parallel_loop3A_642 : vector<16xi32>
          %parallel_loop3A_644 = arith.constant 0 : i32
          %parallel_loop3A_645 = arith.cmpi slt, %parallel_loop3A_635, %parallel_loop3A_644 : i32
          %parallel_loop3A_646 = vector.broadcast %parallel_loop3A_645 : i1 to vector<16xi1>
          %parallel_loop3A_647 = vector.broadcast %parallel_loop3A_646 : vector<16xi1> to vector<16xi1>
          %parallel_loop3A_648 = arith.xori %parallel_loop3A_643, %parallel_loop3A_647 : vector<16xi1>
          %parallel_loop3A_649 = arith.andi %parallel_loop3A_648, %parallel_loop3A_640 : vector<16xi1>
          %parallel_loop3A_650 = vector.broadcast %parallel_loop3A_635 : i32 to vector<16xi32>
          %parallel_loop3A_651 = arith.addi %parallel_loop3A_637, %parallel_loop3A_650 : vector<16xi32>
          %parallel_loop3A_652 = arith.select %parallel_loop3A_649, %parallel_loop3A_651, %parallel_loop3A_637 : vector<16xi1>, vector<16xi32>
          %parallel_loop3A_653 = arith.index_cast %parallel_loop3A_476 : i32 to index
          %parallel_loop3A_654 = arith.constant 32 : index
          %parallel_loop3A_655 = tpu.vector_load %arg12[%parallel_loop3A_653, %parallel_loop3A_654] {strides = array<i32>} : memref<128x64xf32, #tpu.memory_space<vmem>>, vector<16xf32>,
          tpu.vector_store_idx %arg14[%parallel_loop3A_630, %parallel_loop3A_652, %parallel_loop3A_478], %parallel_loop3A_655 : memref<8x8x133xf32, #tpu.memory_space<vmem>>[vector<16xi32>, vector<16xi32>, vector<16xi32>], vector<16xf32>,
          %parallel_loop3A_656 = arith.constant 48 : i32
          %parallel_loop3A_657 = vector.broadcast %parallel_loop3A_656 : i32 to vector<16xi32>
          %parallel_loop3A_658 = arith.addi %iota3A, %parallel_loop3A_657 : vector<16xi32>
          %parallel_loop3A_659 = arith.constant 8 : i32
          %parallel_loop3A_660 = vector.broadcast %parallel_loop3A_659 : i32 to vector<16xi32>
          %parallel_loop3A_661 = arith.divsi %parallel_loop3A_658, %parallel_loop3A_660 : vector<16xi32>
          %parallel_loop3A_662 = arith.constant 0 : i32
          %parallel_loop3A_663 = vector.broadcast %parallel_loop3A_662 : i32 to vector<16xi32>
          %parallel_loop3A_664 = arith.cmpi sgt, %parallel_loop3A_658, %parallel_loop3A_663 : vector<16xi32>
          %parallel_loop3A_665 = arith.extui %parallel_loop3A_664 : vector<16xi1> to vector<16xi32>
          %parallel_loop3A_666 = arith.constant 0 : i32
          %parallel_loop3A_667 = vector.broadcast %parallel_loop3A_666 : i32 to vector<16xi32>
          %parallel_loop3A_668 = arith.cmpi slt, %parallel_loop3A_658, %parallel_loop3A_667 : vector<16xi32>
          %parallel_loop3A_669 = arith.extui %parallel_loop3A_668 : vector<16xi1> to vector<16xi32>
          %parallel_loop3A_670 = arith.subi %parallel_loop3A_665, %parallel_loop3A_669 : vector<16xi32>
          %parallel_loop3A_671 = arith.constant 0 : i32
          %parallel_loop3A_672 = arith.cmpi sgt, %parallel_loop3A_659, %parallel_loop3A_671 : i32
          %parallel_loop3A_673 = arith.extui %parallel_loop3A_672 : i1 to i32
          %parallel_loop3A_674 = arith.constant 0 : i32
          %parallel_loop3A_675 = arith.cmpi slt, %parallel_loop3A_659, %parallel_loop3A_674 : i32
          %parallel_loop3A_676 = arith.extui %parallel_loop3A_675 : i1 to i32
          %parallel_loop3A_677 = arith.subi %parallel_loop3A_673, %parallel_loop3A_676 : i32
          %parallel_loop3A_678 = vector.broadcast %parallel_loop3A_677 : i32 to vector<16xi32>
          %parallel_loop3A_679 = arith.cmpi ne, %parallel_loop3A_670, %parallel_loop3A_678 : vector<16xi32>
          %parallel_loop3A_680 = vector.broadcast %parallel_loop3A_659 : i32 to vector<16xi32>
          %parallel_loop3A_681 = arith.remsi %parallel_loop3A_658, %parallel_loop3A_680 : vector<16xi32>
          %parallel_loop3A_682 = arith.constant 0 : i32
          %parallel_loop3A_683 = vector.broadcast %parallel_loop3A_682 : i32 to vector<16xi32>
          %parallel_loop3A_684 = arith.cmpi ne, %parallel_loop3A_681, %parallel_loop3A_683 : vector<16xi32>
          %parallel_loop3A_685 = arith.andi %parallel_loop3A_679, %parallel_loop3A_684 : vector<16xi1>
          %parallel_loop3A_686 = arith.constant 1 : i32
          %parallel_loop3A_687 = vector.broadcast %parallel_loop3A_686 : i32 to vector<16xi32>
          %parallel_loop3A_688 = arith.subi %parallel_loop3A_661, %parallel_loop3A_687 : vector<16xi32>
          %parallel_loop3A_689 = arith.select %parallel_loop3A_685, %parallel_loop3A_688, %parallel_loop3A_661 : vector<16xi1>, vector<16xi32>
          %parallel_loop3A_690 = arith.constant 8 : i32
          %parallel_loop3A_691 = arith.constant 0 : i32
          %parallel_loop3A_692 = arith.cmpi eq, %parallel_loop3A_690, %parallel_loop3A_691 : i32
          %parallel_loop3A_693 = arith.constant 1 : i32
          %parallel_loop3A_694 = arith.select %parallel_loop3A_692, %parallel_loop3A_693, %parallel_loop3A_690 : i32
          %parallel_loop3A_695 = vector.broadcast %parallel_loop3A_694 : i32 to vector<16xi32>
          %parallel_loop3A_696 = arith.remsi %parallel_loop3A_658, %parallel_loop3A_695 : vector<16xi32>
          %parallel_loop3A_697 = arith.constant 0 : i32
          %parallel_loop3A_698 = vector.broadcast %parallel_loop3A_697 : i32 to vector<16xi32>
          %parallel_loop3A_699 = arith.cmpi ne, %parallel_loop3A_696, %parallel_loop3A_698 : vector<16xi32>
          %parallel_loop3A_700 = arith.constant 0 : i32
          %parallel_loop3A_701 = vector.broadcast %parallel_loop3A_700 : i32 to vector<16xi32>
          %parallel_loop3A_702 = arith.cmpi slt, %parallel_loop3A_696, %parallel_loop3A_701 : vector<16xi32>
          %parallel_loop3A_703 = arith.constant 0 : i32
          %parallel_loop3A_704 = arith.cmpi slt, %parallel_loop3A_694, %parallel_loop3A_703 : i32
          %parallel_loop3A_705 = vector.broadcast %parallel_loop3A_704 : i1 to vector<16xi1>
          %parallel_loop3A_706 = vector.broadcast %parallel_loop3A_705 : vector<16xi1> to vector<16xi1>
          %parallel_loop3A_707 = arith.xori %parallel_loop3A_702, %parallel_loop3A_706 : vector<16xi1>
          %parallel_loop3A_708 = arith.andi %parallel_loop3A_707, %parallel_loop3A_699 : vector<16xi1>
          %parallel_loop3A_709 = vector.broadcast %parallel_loop3A_694 : i32 to vector<16xi32>
          %parallel_loop3A_710 = arith.addi %parallel_loop3A_696, %parallel_loop3A_709 : vector<16xi32>
          %parallel_loop3A_711 = arith.select %parallel_loop3A_708, %parallel_loop3A_710, %parallel_loop3A_696 : vector<16xi1>, vector<16xi32>
          %parallel_loop3A_712 = arith.index_cast %parallel_loop3A_476 : i32 to index
          %parallel_loop3A_713 = arith.constant 48 : index
          %parallel_loop3A_714 = tpu.vector_load %arg12[%parallel_loop3A_712, %parallel_loop3A_713] {strides = array<i32>} : memref<128x64xf32, #tpu.memory_space<vmem>>, vector<16xf32>,
          tpu.vector_store_idx %arg14[%parallel_loop3A_689, %parallel_loop3A_711, %parallel_loop3A_478], %parallel_loop3A_714 : memref<8x8x133xf32, #tpu.memory_space<vmem>>[vector<16xi32>, vector<16xi32>, vector<16xi32>], vector<16xf32>,
        } {sc.loop_unroll_factor = 16 : i64, sc.parallel_access}
        %mul3A_390 = arith.constant 4 : i32
        %mul3A_391 = arith.muli %add3A, %mul3A_390 : i32
        %add3A_392 = arith.addi %mul3A_391, %scan3A_13 : i32
        %dma_start3A_393 = arith.constant 0 : i32
        %dma_start3A_394 = arith.constant 0 : i32
        %dma_start3A_395 = arith.constant 0 : i32
        %dma_start3A_396 = tpu.memref_slice %arg14[%dma_start3A_393, %dma_start3A_394, %dma_start3A_395] : memref<8x8x133xf32, #tpu.memory_space<vmem>> -> memref<8x8x128xf32, #tpu.memory_space<vmem>>
        %dma_start3A_397 = arith.constant 0 : i32
        %dma_start3A_398 = arith.constant 0 : i32
        %dma_start3A_399 = arith.constant 0 : i32
        %dma_start3A_400 = tpu.memref_slice %arg4[%add3A_361, %dma_start3A_397, %add3A_392, %dma_start3A_398, %dma_start3A_399] : memref<200x8x128x8x128xf32, #tpu.memory_space<hbm>> -> memref<1x8x1x8x128xf32, #tpu.memory_space<hbm>>
        %dma_start3A_401 = tpu.memref_squeeze %dma_start3A_400 : memref<1x8x1x8x128xf32, #tpu.memory_space<hbm>> -> memref<8x8x128xf32, #tpu.memory_space<hbm>>
        %dma_start3A_402 = arith.constant 0 : i32
        %dma_start3A_403 = arith.constant 0 : i32
        %dma_start3A_404 = arith.constant 0 : i32
        %dma_start3A_405 = tpu.memref_slice %arg4[%add3A_361, %dma_start3A_402, %add3A_392, %dma_start3A_403, %dma_start3A_404] : memref<200x8x128x8x128xf32, #tpu.memory_space<hbm>> -> memref<1x8x1x8x128xf32, #tpu.memory_space<hbm>>
        %dma_start3A_406 = tpu.memref_squeeze %dma_start3A_405 : memref<1x8x1x8x128xf32, #tpu.memory_space<hbm>> -> memref<8x8x128xf32, #tpu.memory_space<hbm>>
        %dma_start3A_407 = arith.constant 0 : i32
        %dma_start3A_408 = arith.constant 0 : i32
        %dma_start3A_409 = arith.constant 0 : i32
        %dma_start3A_410 = tpu.memref_slice %arg14[%dma_start3A_407, %dma_start3A_408, %dma_start3A_409] : memref<8x8x133xf32, #tpu.memory_space<vmem>> -> memref<8x8x128xf32, #tpu.memory_space<vmem>>
        tpu.enqueue_dma source(%dma_start3A_410 : memref<8x8x128xf32, #tpu.memory_space<vmem>>) target(%dma_start3A_406 : memref<8x8x128xf32, #tpu.memory_space<hbm>>) target_semaphore(%arg20 : memref<!tpu.dma_semaphore, #tpu.memory_space<semaphore_mem>>)
        %lt3A_411 = arith.constant 49 : i32
        %lt3A_412 = arith.cmpi slt, %scan3A_279, %lt3A_411 : i32
        %convert_element_type3A_413 = arith.extui %lt3A_412 : i1 to i32
        %cond3A_414 = arith.constant 0 : i32
        %cond3A_415 = arith.cmpi ne, %convert_element_type3A_413, %cond3A_414 : i32
        scf.if %cond3A_415 {
          %add3A_476 = arith.constant 4 : i32
          %add3A_477 = arith.addi %add3A_361, %add3A_476 : i32
          %add3A_478 = arith.constant 0 : i32
          %add3A_479 = arith.addi %add3A_478, %add3A_477 : i32
          %add3A_480 = vector.broadcast %add3A_479 : i32 to vector<16xi32>
          %add3A_481 = arith.addi %mul3A_3, %add3A_480 : vector<16xi32>
          %gather3A_482 = tpu.vector_load_idx %arg5[%add3A_481] : memref<25600xi32, #tpu.memory_space<vmem>>[vector<16xi32>], vector<16xi32>,
          %swap3A_483 = arith.constant 0 : index
          %swap3A_484 = tpu.vector_load %arg8[%swap3A_483] {strides = array<i32>} : memref<128xi32, #tpu.memory_space<vmem>>, vector<16xi32>,
          tpu.vector_store %arg8[%swap3A_483], %gather3A_482 {strides = array<i32>} : memref<128xi32, #tpu.memory_space<vmem>>, vector<16xi32>,
          %add3A_485 = arith.constant 3200 : i32
          %add3A_486 = arith.addi %add3A_485, %add3A_477 : i32
          %add3A_487 = vector.broadcast %add3A_486 : i32 to vector<16xi32>
          %add3A_488 = arith.addi %mul3A_3, %add3A_487 : vector<16xi32>
          %gather3A_489 = tpu.vector_load_idx %arg5[%add3A_488] : memref<25600xi32, #tpu.memory_space<vmem>>[vector<16xi32>], vector<16xi32>,
          %swap3A_490 = arith.constant 16 : index
          %swap3A_491 = tpu.vector_load %arg8[%swap3A_490] {strides = array<i32>} : memref<128xi32, #tpu.memory_space<vmem>>, vector<16xi32>,
          tpu.vector_store %arg8[%swap3A_490], %gather3A_489 {strides = array<i32>} : memref<128xi32, #tpu.memory_space<vmem>>, vector<16xi32>,
          %add3A_492 = arith.constant 6400 : i32
          %add3A_493 = arith.addi %add3A_492, %add3A_477 : i32
          %add3A_494 = vector.broadcast %add3A_493 : i32 to vector<16xi32>
          %add3A_495 = arith.addi %mul3A_3, %add3A_494 : vector<16xi32>
          %gather3A_496 = tpu.vector_load_idx %arg5[%add3A_495] : memref<25600xi32, #tpu.memory_space<vmem>>[vector<16xi32>], vector<16xi32>,
          %swap3A_497 = arith.constant 32 : index
          %swap3A_498 = tpu.vector_load %arg8[%swap3A_497] {strides = array<i32>} : memref<128xi32, #tpu.memory_space<vmem>>, vector<16xi32>,
          tpu.vector_store %arg8[%swap3A_497], %gather3A_496 {strides = array<i32>} : memref<128xi32, #tpu.memory_space<vmem>>, vector<16xi32>,
          %add3A_499 = arith.constant 9600 : i32
          %add3A_500 = arith.addi %add3A_499, %add3A_477 : i32
          %add3A_501 = vector.broadcast %add3A_500 : i32 to vector<16xi32>
          %add3A_502 = arith.addi %mul3A_3, %add3A_501 : vector<16xi32>
          %gather3A_503 = tpu.vector_load_idx %arg5[%add3A_502] : memref<25600xi32, #tpu.memory_space<vmem>>[vector<16xi32>], vector<16xi32>,
          %swap3A_504 = arith.constant 48 : index
          %swap3A_505 = tpu.vector_load %arg8[%swap3A_504] {strides = array<i32>} : memref<128xi32, #tpu.memory_space<vmem>>, vector<16xi32>,
          tpu.vector_store %arg8[%swap3A_504], %gather3A_503 {strides = array<i32>} : memref<128xi32, #tpu.memory_space<vmem>>, vector<16xi32>,
          %add3A_506 = arith.constant 12800 : i32
          %add3A_507 = arith.addi %add3A_506, %add3A_477 : i32
          %add3A_508 = vector.broadcast %add3A_507 : i32 to vector<16xi32>
          %add3A_509 = arith.addi %mul3A_3, %add3A_508 : vector<16xi32>
          %gather3A_510 = tpu.vector_load_idx %arg5[%add3A_509] : memref<25600xi32, #tpu.memory_space<vmem>>[vector<16xi32>], vector<16xi32>,
          %swap3A_511 = arith.constant 64 : index
          %swap3A_512 = tpu.vector_load %arg8[%swap3A_511] {strides = array<i32>} : memref<128xi32, #tpu.memory_space<vmem>>, vector<16xi32>,
          tpu.vector_store %arg8[%swap3A_511], %gather3A_510 {strides = array<i32>} : memref<128xi32, #tpu.memory_space<vmem>>, vector<16xi32>,
          %add3A_513 = arith.constant 16000 : i32
          %add3A_514 = arith.addi %add3A_513, %add3A_477 : i32
          %add3A_515 = vector.broadcast %add3A_514 : i32 to vector<16xi32>
          %add3A_516 = arith.addi %mul3A_3, %add3A_515 : vector<16xi32>
          %gather3A_517 = tpu.vector_load_idx %arg5[%add3A_516] : memref<25600xi32, #tpu.memory_space<vmem>>[vector<16xi32>], vector<16xi32>,
          %swap3A_518 = arith.constant 80 : index
          %swap3A_519 = tpu.vector_load %arg8[%swap3A_518] {strides = array<i32>} : memref<128xi32, #tpu.memory_space<vmem>>, vector<16xi32>,
          tpu.vector_store %arg8[%swap3A_518], %gather3A_517 {strides = array<i32>} : memref<128xi32, #tpu.memory_space<vmem>>, vector<16xi32>,
          %add3A_520 = arith.constant 19200 : i32
          %add3A_521 = arith.addi %add3A_520, %add3A_477 : i32
          %add3A_522 = vector.broadcast %add3A_521 : i32 to vector<16xi32>
          %add3A_523 = arith.addi %mul3A_3, %add3A_522 : vector<16xi32>
          %gather3A_524 = tpu.vector_load_idx %arg5[%add3A_523] : memref<25600xi32, #tpu.memory_space<vmem>>[vector<16xi32>], vector<16xi32>,
          %swap3A_525 = arith.constant 96 : index
          %swap3A_526 = tpu.vector_load %arg8[%swap3A_525] {strides = array<i32>} : memref<128xi32, #tpu.memory_space<vmem>>, vector<16xi32>,
          tpu.vector_store %arg8[%swap3A_525], %gather3A_524 {strides = array<i32>} : memref<128xi32, #tpu.memory_space<vmem>>, vector<16xi32>,
          %add3A_527 = arith.constant 22400 : i32
          %add3A_528 = arith.addi %add3A_527, %add3A_477 : i32
          %add3A_529 = vector.broadcast %add3A_528 : i32 to vector<16xi32>
          %add3A_530 = arith.addi %mul3A_3, %add3A_529 : vector<16xi32>
          %gather3A_531 = tpu.vector_load_idx %arg5[%add3A_530] : memref<25600xi32, #tpu.memory_space<vmem>>[vector<16xi32>], vector<16xi32>,
          %swap3A_532 = arith.constant 112 : index
          %swap3A_533 = tpu.vector_load %arg8[%swap3A_532] {strides = array<i32>} : memref<128xi32, #tpu.memory_space<vmem>>, vector<16xi32>,
          tpu.vector_store %arg8[%swap3A_532], %gather3A_531 {strides = array<i32>} : memref<128xi32, #tpu.memory_space<vmem>>, vector<16xi32>,
          %dma_start3A_534 = arith.constant 0 : i32
          %dma_start3A_535 = arith.constant 0 : i32
          %dma_start3A_536 = tpu.memref_slice %arg3[%dma_start3A_534, %dma_start3A_535] : memref<1000000x64xf32, #tpu.memory_space<hbm>> -> memref<1000000x64xf32, #tpu.memory_space<hbm>>
          tpu.enqueue_indirect_dma source(%dma_start3A_536 : memref<1000000x64xf32, #tpu.memory_space<hbm>>) target(%arg12 : memref<128x64xf32, #tpu.memory_space<vmem>>) offsets(%arg8 : memref<128xi32, #tpu.memory_space<vmem>>) semaphore(%arg18 : memref<!tpu.dma_semaphore, #tpu.memory_space<semaphore_mem>>)
        } else {
        }
        %mul3A_416 = arith.constant 4 : i32
        %mul3A_417 = arith.muli %mul3A_416, %scan3A_279 : i32
        %add3A_418 = arith.constant 3 : i32
        %add3A_419 = arith.addi %mul3A_417, %add3A_418 : i32
        %dma_wait3A_420 = arith.constant 0 : i32
        %dma_wait3A_421 = arith.constant 0 : i32
        %dma_wait3A_422 = tpu.memref_slice %arg3[%dma_wait3A_420, %dma_wait3A_421] : memref<1000000x64xf32, #tpu.memory_space<hbm>> -> memref<1000000x64xf32, #tpu.memory_space<hbm>>
        tpu.wait_indirect_dma semaphore(%arg19 : memref<!tpu.dma_semaphore, #tpu.memory_space<semaphore_mem>>) src(%dma_wait3A_422 : memref<1000000x64xf32, #tpu.memory_space<hbm>>) dst(%arg13 : memref<128x64xf32, #tpu.memory_space<vmem>>)
        %sub3A_423 = arith.constant 2 : i32
        %sub3A_424 = arith.subi %add3A_419, %sub3A_423 : i32
        %mul3A_425 = arith.constant 4 : i32
        %mul3A_426 = arith.muli %add3A, %mul3A_425 : i32
        %add3A_427 = arith.addi %mul3A_426, %scan3A_13 : i32
        %dma_wait3A_428 = arith.constant 0 : i32
        %dma_wait3A_429 = arith.constant 0 : i32
        %dma_wait3A_430 = arith.constant 0 : i32
        %dma_wait3A_431 = tpu.memref_slice %arg15[%dma_wait3A_428, %dma_wait3A_429, %dma_wait3A_430] : memref<8x8x133xf32, #tpu.memory_space<vmem>> -> memref<8x8x128xf32, #tpu.memory_space<vmem>>
        %dma_wait3A_432 = arith.constant 0 : i32
        %dma_wait3A_433 = arith.constant 0 : i32
        %dma_wait3A_434 = arith.constant 0 : i32
        %dma_wait3A_435 = tpu.memref_slice %arg4[%sub3A_424, %dma_wait3A_432, %add3A_427, %dma_wait3A_433, %dma_wait3A_434] : memref<200x8x128x8x128xf32, #tpu.memory_space<hbm>> -> memref<1x8x1x8x128xf32, #tpu.memory_space<hbm>>
        %dma_wait3A_436 = tpu.memref_squeeze %dma_wait3A_435 : memref<1x8x1x8x128xf32, #tpu.memory_space<hbm>> -> memref<8x8x128xf32, #tpu.memory_space<hbm>>
        %dma_wait3A_437 = arith.constant 0 : i32
        %dma_wait3A_438 = arith.constant 0 : i32
        %dma_wait3A_439 = arith.constant 0 : i32
        %dma_wait3A_440 = tpu.memref_slice %arg4[%sub3A_424, %dma_wait3A_437, %add3A_427, %dma_wait3A_438, %dma_wait3A_439] : memref<200x8x128x8x128xf32, #tpu.memory_space<hbm>> -> memref<1x8x1x8x128xf32, #tpu.memory_space<hbm>>
        %dma_wait3A_441 = tpu.memref_squeeze %dma_wait3A_440 : memref<1x8x1x8x128xf32, #tpu.memory_space<hbm>> -> memref<8x8x128xf32, #tpu.memory_space<hbm>>
        %dma_wait3A_442 = arith.constant 0 : i32
        %dma_wait3A_443 = arith.constant 0 : i32
        %dma_wait3A_444 = arith.constant 0 : i32
        %dma_wait3A_445 = tpu.memref_slice %arg15[%dma_wait3A_442, %dma_wait3A_443, %dma_wait3A_444] : memref<8x8x133xf32, #tpu.memory_space<vmem>> -> memref<8x8x128xf32, #tpu.memory_space<vmem>>
        tpu.wait_dma2 semaphore(%arg21 : memref<!tpu.dma_semaphore, #tpu.memory_space<semaphore_mem>>) src(%dma_wait3A_445 : memref<8x8x128xf32, #tpu.memory_space<vmem>>) dst(%dma_wait3A_441 : memref<8x8x128xf32, #tpu.memory_space<hbm>>)
        %parallel_loop3A_446 = arith.constant 0 : i32
        %parallel_loop3A_447 = arith.constant 128 : i32
        %parallel_loop3A_448 = arith.constant 1 : i32
        scf.for %parallel_loop3A_476 = %parallel_loop3A_446 to %parallel_loop3A_447 step %parallel_loop3A_448  : i32 {
          %parallel_loop3A_477 = vector.broadcast %parallel_loop3A_476 : i32 to vector<16xi32>
          %parallel_loop3A_478 = arith.addi %mul3A_6, %parallel_loop3A_477 : vector<16xi32>
          %parallel_loop3A_479 = arith.constant 0 : i32
          %parallel_loop3A_480 = vector.broadcast %parallel_loop3A_479 : i32 to vector<16xi32>
          %parallel_loop3A_481 = arith.addi %iota3A, %parallel_loop3A_480 : vector<16xi32>
          %parallel_loop3A_482 = arith.constant 8 : i32
          %parallel_loop3A_483 = vector.broadcast %parallel_loop3A_482 : i32 to vector<16xi32>
          %parallel_loop3A_484 = arith.divsi %parallel_loop3A_481, %parallel_loop3A_483 : vector<16xi32>
          %parallel_loop3A_485 = arith.constant 0 : i32
          %parallel_loop3A_486 = vector.broadcast %parallel_loop3A_485 : i32 to vector<16xi32>
          %parallel_loop3A_487 = arith.cmpi sgt, %parallel_loop3A_481, %parallel_loop3A_486 : vector<16xi32>
          %parallel_loop3A_488 = arith.extui %parallel_loop3A_487 : vector<16xi1> to vector<16xi32>
          %parallel_loop3A_489 = arith.constant 0 : i32
          %parallel_loop3A_490 = vector.broadcast %parallel_loop3A_489 : i32 to vector<16xi32>
          %parallel_loop3A_491 = arith.cmpi slt, %parallel_loop3A_481, %parallel_loop3A_490 : vector<16xi32>
          %parallel_loop3A_492 = arith.extui %parallel_loop3A_491 : vector<16xi1> to vector<16xi32>
          %parallel_loop3A_493 = arith.subi %parallel_loop3A_488, %parallel_loop3A_492 : vector<16xi32>
          %parallel_loop3A_494 = arith.constant 0 : i32
          %parallel_loop3A_495 = arith.cmpi sgt, %parallel_loop3A_482, %parallel_loop3A_494 : i32
          %parallel_loop3A_496 = arith.extui %parallel_loop3A_495 : i1 to i32
          %parallel_loop3A_497 = arith.constant 0 : i32
          %parallel_loop3A_498 = arith.cmpi slt, %parallel_loop3A_482, %parallel_loop3A_497 : i32
          %parallel_loop3A_499 = arith.extui %parallel_loop3A_498 : i1 to i32
          %parallel_loop3A_500 = arith.subi %parallel_loop3A_496, %parallel_loop3A_499 : i32
          %parallel_loop3A_501 = vector.broadcast %parallel_loop3A_500 : i32 to vector<16xi32>
          %parallel_loop3A_502 = arith.cmpi ne, %parallel_loop3A_493, %parallel_loop3A_501 : vector<16xi32>
          %parallel_loop3A_503 = vector.broadcast %parallel_loop3A_482 : i32 to vector<16xi32>
          %parallel_loop3A_504 = arith.remsi %parallel_loop3A_481, %parallel_loop3A_503 : vector<16xi32>
          %parallel_loop3A_505 = arith.constant 0 : i32
          %parallel_loop3A_506 = vector.broadcast %parallel_loop3A_505 : i32 to vector<16xi32>
          %parallel_loop3A_507 = arith.cmpi ne, %parallel_loop3A_504, %parallel_loop3A_506 : vector<16xi32>
          %parallel_loop3A_508 = arith.andi %parallel_loop3A_502, %parallel_loop3A_507 : vector<16xi1>
          %parallel_loop3A_509 = arith.constant 1 : i32
          %parallel_loop3A_510 = vector.broadcast %parallel_loop3A_509 : i32 to vector<16xi32>
          %parallel_loop3A_511 = arith.subi %parallel_loop3A_484, %parallel_loop3A_510 : vector<16xi32>
          %parallel_loop3A_512 = arith.select %parallel_loop3A_508, %parallel_loop3A_511, %parallel_loop3A_484 : vector<16xi1>, vector<16xi32>
          %parallel_loop3A_513 = arith.constant 8 : i32
          %parallel_loop3A_514 = arith.constant 0 : i32
          %parallel_loop3A_515 = arith.cmpi eq, %parallel_loop3A_513, %parallel_loop3A_514 : i32
          %parallel_loop3A_516 = arith.constant 1 : i32
          %parallel_loop3A_517 = arith.select %parallel_loop3A_515, %parallel_loop3A_516, %parallel_loop3A_513 : i32
          %parallel_loop3A_518 = vector.broadcast %parallel_loop3A_517 : i32 to vector<16xi32>
          %parallel_loop3A_519 = arith.remsi %parallel_loop3A_481, %parallel_loop3A_518 : vector<16xi32>
          %parallel_loop3A_520 = arith.constant 0 : i32
          %parallel_loop3A_521 = vector.broadcast %parallel_loop3A_520 : i32 to vector<16xi32>
          %parallel_loop3A_522 = arith.cmpi ne, %parallel_loop3A_519, %parallel_loop3A_521 : vector<16xi32>
          %parallel_loop3A_523 = arith.constant 0 : i32
          %parallel_loop3A_524 = vector.broadcast %parallel_loop3A_523 : i32 to vector<16xi32>
          %parallel_loop3A_525 = arith.cmpi slt, %parallel_loop3A_519, %parallel_loop3A_524 : vector<16xi32>
          %parallel_loop3A_526 = arith.constant 0 : i32
          %parallel_loop3A_527 = arith.cmpi slt, %parallel_loop3A_517, %parallel_loop3A_526 : i32
          %parallel_loop3A_528 = vector.broadcast %parallel_loop3A_527 : i1 to vector<16xi1>
          %parallel_loop3A_529 = vector.broadcast %parallel_loop3A_528 : vector<16xi1> to vector<16xi1>
          %parallel_loop3A_530 = arith.xori %parallel_loop3A_525, %parallel_loop3A_529 : vector<16xi1>
          %parallel_loop3A_531 = arith.andi %parallel_loop3A_530, %parallel_loop3A_522 : vector<16xi1>
          %parallel_loop3A_532 = vector.broadcast %parallel_loop3A_517 : i32 to vector<16xi32>
          %parallel_loop3A_533 = arith.addi %parallel_loop3A_519, %parallel_loop3A_532 : vector<16xi32>
          %parallel_loop3A_534 = arith.select %parallel_loop3A_531, %parallel_loop3A_533, %parallel_loop3A_519 : vector<16xi1>, vector<16xi32>
          %parallel_loop3A_535 = arith.index_cast %parallel_loop3A_476 : i32 to index
          %parallel_loop3A_536 = arith.constant 0 : index
          %parallel_loop3A_537 = tpu.vector_load %arg13[%parallel_loop3A_535, %parallel_loop3A_536] {strides = array<i32>} : memref<128x64xf32, #tpu.memory_space<vmem>>, vector<16xf32>,
          tpu.vector_store_idx %arg15[%parallel_loop3A_512, %parallel_loop3A_534, %parallel_loop3A_478], %parallel_loop3A_537 : memref<8x8x133xf32, #tpu.memory_space<vmem>>[vector<16xi32>, vector<16xi32>, vector<16xi32>], vector<16xf32>,
          %parallel_loop3A_538 = arith.constant 16 : i32
          %parallel_loop3A_539 = vector.broadcast %parallel_loop3A_538 : i32 to vector<16xi32>
          %parallel_loop3A_540 = arith.addi %iota3A, %parallel_loop3A_539 : vector<16xi32>
          %parallel_loop3A_541 = arith.constant 8 : i32
          %parallel_loop3A_542 = vector.broadcast %parallel_loop3A_541 : i32 to vector<16xi32>
          %parallel_loop3A_543 = arith.divsi %parallel_loop3A_540, %parallel_loop3A_542 : vector<16xi32>
          %parallel_loop3A_544 = arith.constant 0 : i32
          %parallel_loop3A_545 = vector.broadcast %parallel_loop3A_544 : i32 to vector<16xi32>
          %parallel_loop3A_546 = arith.cmpi sgt, %parallel_loop3A_540, %parallel_loop3A_545 : vector<16xi32>
          %parallel_loop3A_547 = arith.extui %parallel_loop3A_546 : vector<16xi1> to vector<16xi32>
          %parallel_loop3A_548 = arith.constant 0 : i32
          %parallel_loop3A_549 = vector.broadcast %parallel_loop3A_548 : i32 to vector<16xi32>
          %parallel_loop3A_550 = arith.cmpi slt, %parallel_loop3A_540, %parallel_loop3A_549 : vector<16xi32>
          %parallel_loop3A_551 = arith.extui %parallel_loop3A_550 : vector<16xi1> to vector<16xi32>
          %parallel_loop3A_552 = arith.subi %parallel_loop3A_547, %parallel_loop3A_551 : vector<16xi32>
          %parallel_loop3A_553 = arith.constant 0 : i32
          %parallel_loop3A_554 = arith.cmpi sgt, %parallel_loop3A_541, %parallel_loop3A_553 : i32
          %parallel_loop3A_555 = arith.extui %parallel_loop3A_554 : i1 to i32
          %parallel_loop3A_556 = arith.constant 0 : i32
          %parallel_loop3A_557 = arith.cmpi slt, %parallel_loop3A_541, %parallel_loop3A_556 : i32
          %parallel_loop3A_558 = arith.extui %parallel_loop3A_557 : i1 to i32
          %parallel_loop3A_559 = arith.subi %parallel_loop3A_555, %parallel_loop3A_558 : i32
          %parallel_loop3A_560 = vector.broadcast %parallel_loop3A_559 : i32 to vector<16xi32>
          %parallel_loop3A_561 = arith.cmpi ne, %parallel_loop3A_552, %parallel_loop3A_560 : vector<16xi32>
          %parallel_loop3A_562 = vector.broadcast %parallel_loop3A_541 : i32 to vector<16xi32>
          %parallel_loop3A_563 = arith.remsi %parallel_loop3A_540, %parallel_loop3A_562 : vector<16xi32>
          %parallel_loop3A_564 = arith.constant 0 : i32
          %parallel_loop3A_565 = vector.broadcast %parallel_loop3A_564 : i32 to vector<16xi32>
          %parallel_loop3A_566 = arith.cmpi ne, %parallel_loop3A_563, %parallel_loop3A_565 : vector<16xi32>
          %parallel_loop3A_567 = arith.andi %parallel_loop3A_561, %parallel_loop3A_566 : vector<16xi1>
          %parallel_loop3A_568 = arith.constant 1 : i32
          %parallel_loop3A_569 = vector.broadcast %parallel_loop3A_568 : i32 to vector<16xi32>
          %parallel_loop3A_570 = arith.subi %parallel_loop3A_543, %parallel_loop3A_569 : vector<16xi32>
          %parallel_loop3A_571 = arith.select %parallel_loop3A_567, %parallel_loop3A_570, %parallel_loop3A_543 : vector<16xi1>, vector<16xi32>
          %parallel_loop3A_572 = arith.constant 8 : i32
          %parallel_loop3A_573 = arith.constant 0 : i32
          %parallel_loop3A_574 = arith.cmpi eq, %parallel_loop3A_572, %parallel_loop3A_573 : i32
          %parallel_loop3A_575 = arith.constant 1 : i32
          %parallel_loop3A_576 = arith.select %parallel_loop3A_574, %parallel_loop3A_575, %parallel_loop3A_572 : i32
          %parallel_loop3A_577 = vector.broadcast %parallel_loop3A_576 : i32 to vector<16xi32>
          %parallel_loop3A_578 = arith.remsi %parallel_loop3A_540, %parallel_loop3A_577 : vector<16xi32>
          %parallel_loop3A_579 = arith.constant 0 : i32
          %parallel_loop3A_580 = vector.broadcast %parallel_loop3A_579 : i32 to vector<16xi32>
          %parallel_loop3A_581 = arith.cmpi ne, %parallel_loop3A_578, %parallel_loop3A_580 : vector<16xi32>
          %parallel_loop3A_582 = arith.constant 0 : i32
          %parallel_loop3A_583 = vector.broadcast %parallel_loop3A_582 : i32 to vector<16xi32>
          %parallel_loop3A_584 = arith.cmpi slt, %parallel_loop3A_578, %parallel_loop3A_583 : vector<16xi32>
          %parallel_loop3A_585 = arith.constant 0 : i32
          %parallel_loop3A_586 = arith.cmpi slt, %parallel_loop3A_576, %parallel_loop3A_585 : i32
          %parallel_loop3A_587 = vector.broadcast %parallel_loop3A_586 : i1 to vector<16xi1>
          %parallel_loop3A_588 = vector.broadcast %parallel_loop3A_587 : vector<16xi1> to vector<16xi1>
          %parallel_loop3A_589 = arith.xori %parallel_loop3A_584, %parallel_loop3A_588 : vector<16xi1>
          %parallel_loop3A_590 = arith.andi %parallel_loop3A_589, %parallel_loop3A_581 : vector<16xi1>
          %parallel_loop3A_591 = vector.broadcast %parallel_loop3A_576 : i32 to vector<16xi32>
          %parallel_loop3A_592 = arith.addi %parallel_loop3A_578, %parallel_loop3A_591 : vector<16xi32>
          %parallel_loop3A_593 = arith.select %parallel_loop3A_590, %parallel_loop3A_592, %parallel_loop3A_578 : vector<16xi1>, vector<16xi32>
          %parallel_loop3A_594 = arith.index_cast %parallel_loop3A_476 : i32 to index
          %parallel_loop3A_595 = arith.constant 16 : index
          %parallel_loop3A_596 = tpu.vector_load %arg13[%parallel_loop3A_594, %parallel_loop3A_595] {strides = array<i32>} : memref<128x64xf32, #tpu.memory_space<vmem>>, vector<16xf32>,
          tpu.vector_store_idx %arg15[%parallel_loop3A_571, %parallel_loop3A_593, %parallel_loop3A_478], %parallel_loop3A_596 : memref<8x8x133xf32, #tpu.memory_space<vmem>>[vector<16xi32>, vector<16xi32>, vector<16xi32>], vector<16xf32>,
          %parallel_loop3A_597 = arith.constant 32 : i32
          %parallel_loop3A_598 = vector.broadcast %parallel_loop3A_597 : i32 to vector<16xi32>
          %parallel_loop3A_599 = arith.addi %iota3A, %parallel_loop3A_598 : vector<16xi32>
          %parallel_loop3A_600 = arith.constant 8 : i32
          %parallel_loop3A_601 = vector.broadcast %parallel_loop3A_600 : i32 to vector<16xi32>
          %parallel_loop3A_602 = arith.divsi %parallel_loop3A_599, %parallel_loop3A_601 : vector<16xi32>
          %parallel_loop3A_603 = arith.constant 0 : i32
          %parallel_loop3A_604 = vector.broadcast %parallel_loop3A_603 : i32 to vector<16xi32>
          %parallel_loop3A_605 = arith.cmpi sgt, %parallel_loop3A_599, %parallel_loop3A_604 : vector<16xi32>
          %parallel_loop3A_606 = arith.extui %parallel_loop3A_605 : vector<16xi1> to vector<16xi32>
          %parallel_loop3A_607 = arith.constant 0 : i32
          %parallel_loop3A_608 = vector.broadcast %parallel_loop3A_607 : i32 to vector<16xi32>
          %parallel_loop3A_609 = arith.cmpi slt, %parallel_loop3A_599, %parallel_loop3A_608 : vector<16xi32>
          %parallel_loop3A_610 = arith.extui %parallel_loop3A_609 : vector<16xi1> to vector<16xi32>
          %parallel_loop3A_611 = arith.subi %parallel_loop3A_606, %parallel_loop3A_610 : vector<16xi32>
          %parallel_loop3A_612 = arith.constant 0 : i32
          %parallel_loop3A_613 = arith.cmpi sgt, %parallel_loop3A_600, %parallel_loop3A_612 : i32
          %parallel_loop3A_614 = arith.extui %parallel_loop3A_613 : i1 to i32
          %parallel_loop3A_615 = arith.constant 0 : i32
          %parallel_loop3A_616 = arith.cmpi slt, %parallel_loop3A_600, %parallel_loop3A_615 : i32
          %parallel_loop3A_617 = arith.extui %parallel_loop3A_616 : i1 to i32
          %parallel_loop3A_618 = arith.subi %parallel_loop3A_614, %parallel_loop3A_617 : i32
          %parallel_loop3A_619 = vector.broadcast %parallel_loop3A_618 : i32 to vector<16xi32>
          %parallel_loop3A_620 = arith.cmpi ne, %parallel_loop3A_611, %parallel_loop3A_619 : vector<16xi32>
          %parallel_loop3A_621 = vector.broadcast %parallel_loop3A_600 : i32 to vector<16xi32>
          %parallel_loop3A_622 = arith.remsi %parallel_loop3A_599, %parallel_loop3A_621 : vector<16xi32>
          %parallel_loop3A_623 = arith.constant 0 : i32
          %parallel_loop3A_624 = vector.broadcast %parallel_loop3A_623 : i32 to vector<16xi32>
          %parallel_loop3A_625 = arith.cmpi ne, %parallel_loop3A_622, %parallel_loop3A_624 : vector<16xi32>
          %parallel_loop3A_626 = arith.andi %parallel_loop3A_620, %parallel_loop3A_625 : vector<16xi1>
          %parallel_loop3A_627 = arith.constant 1 : i32
          %parallel_loop3A_628 = vector.broadcast %parallel_loop3A_627 : i32 to vector<16xi32>
          %parallel_loop3A_629 = arith.subi %parallel_loop3A_602, %parallel_loop3A_628 : vector<16xi32>
          %parallel_loop3A_630 = arith.select %parallel_loop3A_626, %parallel_loop3A_629, %parallel_loop3A_602 : vector<16xi1>, vector<16xi32>
          %parallel_loop3A_631 = arith.constant 8 : i32
          %parallel_loop3A_632 = arith.constant 0 : i32
          %parallel_loop3A_633 = arith.cmpi eq, %parallel_loop3A_631, %parallel_loop3A_632 : i32
          %parallel_loop3A_634 = arith.constant 1 : i32
          %parallel_loop3A_635 = arith.select %parallel_loop3A_633, %parallel_loop3A_634, %parallel_loop3A_631 : i32
          %parallel_loop3A_636 = vector.broadcast %parallel_loop3A_635 : i32 to vector<16xi32>
          %parallel_loop3A_637 = arith.remsi %parallel_loop3A_599, %parallel_loop3A_636 : vector<16xi32>
          %parallel_loop3A_638 = arith.constant 0 : i32
          %parallel_loop3A_639 = vector.broadcast %parallel_loop3A_638 : i32 to vector<16xi32>
          %parallel_loop3A_640 = arith.cmpi ne, %parallel_loop3A_637, %parallel_loop3A_639 : vector<16xi32>
          %parallel_loop3A_641 = arith.constant 0 : i32
          %parallel_loop3A_642 = vector.broadcast %parallel_loop3A_641 : i32 to vector<16xi32>
          %parallel_loop3A_643 = arith.cmpi slt, %parallel_loop3A_637, %parallel_loop3A_642 : vector<16xi32>
          %parallel_loop3A_644 = arith.constant 0 : i32
          %parallel_loop3A_645 = arith.cmpi slt, %parallel_loop3A_635, %parallel_loop3A_644 : i32
          %parallel_loop3A_646 = vector.broadcast %parallel_loop3A_645 : i1 to vector<16xi1>
          %parallel_loop3A_647 = vector.broadcast %parallel_loop3A_646 : vector<16xi1> to vector<16xi1>
          %parallel_loop3A_648 = arith.xori %parallel_loop3A_643, %parallel_loop3A_647 : vector<16xi1>
          %parallel_loop3A_649 = arith.andi %parallel_loop3A_648, %parallel_loop3A_640 : vector<16xi1>
          %parallel_loop3A_650 = vector.broadcast %parallel_loop3A_635 : i32 to vector<16xi32>
          %parallel_loop3A_651 = arith.addi %parallel_loop3A_637, %parallel_loop3A_650 : vector<16xi32>
          %parallel_loop3A_652 = arith.select %parallel_loop3A_649, %parallel_loop3A_651, %parallel_loop3A_637 : vector<16xi1>, vector<16xi32>
          %parallel_loop3A_653 = arith.index_cast %parallel_loop3A_476 : i32 to index
          %parallel_loop3A_654 = arith.constant 32 : index
          %parallel_loop3A_655 = tpu.vector_load %arg13[%parallel_loop3A_653, %parallel_loop3A_654] {strides = array<i32>} : memref<128x64xf32, #tpu.memory_space<vmem>>, vector<16xf32>,
          tpu.vector_store_idx %arg15[%parallel_loop3A_630, %parallel_loop3A_652, %parallel_loop3A_478], %parallel_loop3A_655 : memref<8x8x133xf32, #tpu.memory_space<vmem>>[vector<16xi32>, vector<16xi32>, vector<16xi32>], vector<16xf32>,
          %parallel_loop3A_656 = arith.constant 48 : i32
          %parallel_loop3A_657 = vector.broadcast %parallel_loop3A_656 : i32 to vector<16xi32>
          %parallel_loop3A_658 = arith.addi %iota3A, %parallel_loop3A_657 : vector<16xi32>
          %parallel_loop3A_659 = arith.constant 8 : i32
          %parallel_loop3A_660 = vector.broadcast %parallel_loop3A_659 : i32 to vector<16xi32>
          %parallel_loop3A_661 = arith.divsi %parallel_loop3A_658, %parallel_loop3A_660 : vector<16xi32>
          %parallel_loop3A_662 = arith.constant 0 : i32
          %parallel_loop3A_663 = vector.broadcast %parallel_loop3A_662 : i32 to vector<16xi32>
          %parallel_loop3A_664 = arith.cmpi sgt, %parallel_loop3A_658, %parallel_loop3A_663 : vector<16xi32>
          %parallel_loop3A_665 = arith.extui %parallel_loop3A_664 : vector<16xi1> to vector<16xi32>
          %parallel_loop3A_666 = arith.constant 0 : i32
          %parallel_loop3A_667 = vector.broadcast %parallel_loop3A_666 : i32 to vector<16xi32>
          %parallel_loop3A_668 = arith.cmpi slt, %parallel_loop3A_658, %parallel_loop3A_667 : vector<16xi32>
          %parallel_loop3A_669 = arith.extui %parallel_loop3A_668 : vector<16xi1> to vector<16xi32>
          %parallel_loop3A_670 = arith.subi %parallel_loop3A_665, %parallel_loop3A_669 : vector<16xi32>
          %parallel_loop3A_671 = arith.constant 0 : i32
          %parallel_loop3A_672 = arith.cmpi sgt, %parallel_loop3A_659, %parallel_loop3A_671 : i32
          %parallel_loop3A_673 = arith.extui %parallel_loop3A_672 : i1 to i32
          %parallel_loop3A_674 = arith.constant 0 : i32
          %parallel_loop3A_675 = arith.cmpi slt, %parallel_loop3A_659, %parallel_loop3A_674 : i32
          %parallel_loop3A_676 = arith.extui %parallel_loop3A_675 : i1 to i32
          %parallel_loop3A_677 = arith.subi %parallel_loop3A_673, %parallel_loop3A_676 : i32
          %parallel_loop3A_678 = vector.broadcast %parallel_loop3A_677 : i32 to vector<16xi32>
          %parallel_loop3A_679 = arith.cmpi ne, %parallel_loop3A_670, %parallel_loop3A_678 : vector<16xi32>
          %parallel_loop3A_680 = vector.broadcast %parallel_loop3A_659 : i32 to vector<16xi32>
          %parallel_loop3A_681 = arith.remsi %parallel_loop3A_658, %parallel_loop3A_680 : vector<16xi32>
          %parallel_loop3A_682 = arith.constant 0 : i32
          %parallel_loop3A_683 = vector.broadcast %parallel_loop3A_682 : i32 to vector<16xi32>
          %parallel_loop3A_684 = arith.cmpi ne, %parallel_loop3A_681, %parallel_loop3A_683 : vector<16xi32>
          %parallel_loop3A_685 = arith.andi %parallel_loop3A_679, %parallel_loop3A_684 : vector<16xi1>
          %parallel_loop3A_686 = arith.constant 1 : i32
          %parallel_loop3A_687 = vector.broadcast %parallel_loop3A_686 : i32 to vector<16xi32>
          %parallel_loop3A_688 = arith.subi %parallel_loop3A_661, %parallel_loop3A_687 : vector<16xi32>
          %parallel_loop3A_689 = arith.select %parallel_loop3A_685, %parallel_loop3A_688, %parallel_loop3A_661 : vector<16xi1>, vector<16xi32>
          %parallel_loop3A_690 = arith.constant 8 : i32
          %parallel_loop3A_691 = arith.constant 0 : i32
          %parallel_loop3A_692 = arith.cmpi eq, %parallel_loop3A_690, %parallel_loop3A_691 : i32
          %parallel_loop3A_693 = arith.constant 1 : i32
          %parallel_loop3A_694 = arith.select %parallel_loop3A_692, %parallel_loop3A_693, %parallel_loop3A_690 : i32
          %parallel_loop3A_695 = vector.broadcast %parallel_loop3A_694 : i32 to vector<16xi32>
          %parallel_loop3A_696 = arith.remsi %parallel_loop3A_658, %parallel_loop3A_695 : vector<16xi32>
          %parallel_loop3A_697 = arith.constant 0 : i32
          %parallel_loop3A_698 = vector.broadcast %parallel_loop3A_697 : i32 to vector<16xi32>
          %parallel_loop3A_699 = arith.cmpi ne, %parallel_loop3A_696, %parallel_loop3A_698 : vector<16xi32>
          %parallel_loop3A_700 = arith.constant 0 : i32
          %parallel_loop3A_701 = vector.broadcast %parallel_loop3A_700 : i32 to vector<16xi32>
          %parallel_loop3A_702 = arith.cmpi slt, %parallel_loop3A_696, %parallel_loop3A_701 : vector<16xi32>
          %parallel_loop3A_703 = arith.constant 0 : i32
          %parallel_loop3A_704 = arith.cmpi slt, %parallel_loop3A_694, %parallel_loop3A_703 : i32
          %parallel_loop3A_705 = vector.broadcast %parallel_loop3A_704 : i1 to vector<16xi1>
          %parallel_loop3A_706 = vector.broadcast %parallel_loop3A_705 : vector<16xi1> to vector<16xi1>
          %parallel_loop3A_707 = arith.xori %parallel_loop3A_702, %parallel_loop3A_706 : vector<16xi1>
          %parallel_loop3A_708 = arith.andi %parallel_loop3A_707, %parallel_loop3A_699 : vector<16xi1>
          %parallel_loop3A_709 = vector.broadcast %parallel_loop3A_694 : i32 to vector<16xi32>
          %parallel_loop3A_710 = arith.addi %parallel_loop3A_696, %parallel_loop3A_709 : vector<16xi32>
          %parallel_loop3A_711 = arith.select %parallel_loop3A_708, %parallel_loop3A_710, %parallel_loop3A_696 : vector<16xi1>, vector<16xi32>
          %parallel_loop3A_712 = arith.index_cast %parallel_loop3A_476 : i32 to index
          %parallel_loop3A_713 = arith.constant 48 : index
          %parallel_loop3A_714 = tpu.vector_load %arg13[%parallel_loop3A_712, %parallel_loop3A_713] {strides = array<i32>} : memref<128x64xf32, #tpu.memory_space<vmem>>, vector<16xf32>,
          tpu.vector_store_idx %arg15[%parallel_loop3A_689, %parallel_loop3A_711, %parallel_loop3A_478], %parallel_loop3A_714 : memref<8x8x133xf32, #tpu.memory_space<vmem>>[vector<16xi32>, vector<16xi32>, vector<16xi32>], vector<16xf32>,
        } {sc.loop_unroll_factor = 16 : i64, sc.parallel_access}
        %mul3A_449 = arith.constant 4 : i32
        %mul3A_450 = arith.muli %add3A, %mul3A_449 : i32
        %add3A_451 = arith.addi %mul3A_450, %scan3A_13 : i32
        %dma_start3A_452 = arith.constant 0 : i32
        %dma_start3A_453 = arith.constant 0 : i32
        %dma_start3A_454 = arith.constant 0 : i32
        %dma_start3A_455 = tpu.memref_slice %arg15[%dma_start3A_452, %dma_start3A_453, %dma_start3A_454] : memref<8x8x133xf32, #tpu.memory_space<vmem>> -> memref<8x8x128xf32, #tpu.memory_space<vmem>>
        %dma_start3A_456 = arith.constant 0 : i32
        %dma_start3A_457 = arith.constant 0 : i32
        %dma_start3A_458 = arith.constant 0 : i32
        %dma_start3A_459 = tpu.memref_slice %arg4[%add3A_419, %dma_start3A_456, %add3A_451, %dma_start3A_457, %dma_start3A_458] : memref<200x8x128x8x128xf32, #tpu.memory_space<hbm>> -> memref<1x8x1x8x128xf32, #tpu.memory_space<hbm>>
        %dma_start3A_460 = tpu.memref_squeeze %dma_start3A_459 : memref<1x8x1x8x128xf32, #tpu.memory_space<hbm>> -> memref<8x8x128xf32, #tpu.memory_space<hbm>>
        %dma_start3A_461 = arith.constant 0 : i32
        %dma_start3A_462 = arith.constant 0 : i32
        %dma_start3A_463 = arith.constant 0 : i32
        %dma_start3A_464 = tpu.memref_slice %arg4[%add3A_419, %dma_start3A_461, %add3A_451, %dma_start3A_462, %dma_start3A_463] : memref<200x8x128x8x128xf32, #tpu.memory_space<hbm>> -> memref<1x8x1x8x128xf32, #tpu.memory_space<hbm>>
        %dma_start3A_465 = tpu.memref_squeeze %dma_start3A_464 : memref<1x8x1x8x128xf32, #tpu.memory_space<hbm>> -> memref<8x8x128xf32, #tpu.memory_space<hbm>>
        %dma_start3A_466 = arith.constant 0 : i32
        %dma_start3A_467 = arith.constant 0 : i32
        %dma_start3A_468 = arith.constant 0 : i32
        %dma_start3A_469 = tpu.memref_slice %arg15[%dma_start3A_466, %dma_start3A_467, %dma_start3A_468] : memref<8x8x133xf32, #tpu.memory_space<vmem>> -> memref<8x8x128xf32, #tpu.memory_space<vmem>>
        tpu.enqueue_dma source(%dma_start3A_469 : memref<8x8x128xf32, #tpu.memory_space<vmem>>) target(%dma_start3A_465 : memref<8x8x128xf32, #tpu.memory_space<hbm>>) target_semaphore(%arg21 : memref<!tpu.dma_semaphore, #tpu.memory_space<semaphore_mem>>)
        %lt3A_470 = arith.constant 49 : i32
        %lt3A_471 = arith.cmpi slt, %scan3A_279, %lt3A_470 : i32
        %convert_element_type3A_472 = arith.extui %lt3A_471 : i1 to i32
        %cond3A_473 = arith.constant 0 : i32
        %cond3A_474 = arith.cmpi ne, %convert_element_type3A_472, %cond3A_473 : i32
        scf.if %cond3A_474 {
          %add3A_476 = arith.constant 4 : i32
          %add3A_477 = arith.addi %add3A_419, %add3A_476 : i32
          %add3A_478 = arith.constant 0 : i32
          %add3A_479 = arith.addi %add3A_478, %add3A_477 : i32
          %add3A_480 = vector.broadcast %add3A_479 : i32 to vector<16xi32>
          %add3A_481 = arith.addi %mul3A_3, %add3A_480 : vector<16xi32>
          %gather3A_482 = tpu.vector_load_idx %arg5[%add3A_481] : memref<25600xi32, #tpu.memory_space<vmem>>[vector<16xi32>], vector<16xi32>,
          %swap3A_483 = arith.constant 0 : index
          %swap3A_484 = tpu.vector_load %arg9[%swap3A_483] {strides = array<i32>} : memref<128xi32, #tpu.memory_space<vmem>>, vector<16xi32>,
          tpu.vector_store %arg9[%swap3A_483], %gather3A_482 {strides = array<i32>} : memref<128xi32, #tpu.memory_space<vmem>>, vector<16xi32>,
          %add3A_485 = arith.constant 3200 : i32
          %add3A_486 = arith.addi %add3A_485, %add3A_477 : i32
          %add3A_487 = vector.broadcast %add3A_486 : i32 to vector<16xi32>
          %add3A_488 = arith.addi %mul3A_3, %add3A_487 : vector<16xi32>
          %gather3A_489 = tpu.vector_load_idx %arg5[%add3A_488] : memref<25600xi32, #tpu.memory_space<vmem>>[vector<16xi32>], vector<16xi32>,
          %swap3A_490 = arith.constant 16 : index
          %swap3A_491 = tpu.vector_load %arg9[%swap3A_490] {strides = array<i32>} : memref<128xi32, #tpu.memory_space<vmem>>, vector<16xi32>,
          tpu.vector_store %arg9[%swap3A_490], %gather3A_489 {strides = array<i32>} : memref<128xi32, #tpu.memory_space<vmem>>, vector<16xi32>,
          %add3A_492 = arith.constant 6400 : i32
          %add3A_493 = arith.addi %add3A_492, %add3A_477 : i32
          %add3A_494 = vector.broadcast %add3A_493 : i32 to vector<16xi32>
          %add3A_495 = arith.addi %mul3A_3, %add3A_494 : vector<16xi32>
          %gather3A_496 = tpu.vector_load_idx %arg5[%add3A_495] : memref<25600xi32, #tpu.memory_space<vmem>>[vector<16xi32>], vector<16xi32>,
          %swap3A_497 = arith.constant 32 : index
          %swap3A_498 = tpu.vector_load %arg9[%swap3A_497] {strides = array<i32>} : memref<128xi32, #tpu.memory_space<vmem>>, vector<16xi32>,
          tpu.vector_store %arg9[%swap3A_497], %gather3A_496 {strides = array<i32>} : memref<128xi32, #tpu.memory_space<vmem>>, vector<16xi32>,
          %add3A_499 = arith.constant 9600 : i32
          %add3A_500 = arith.addi %add3A_499, %add3A_477 : i32
          %add3A_501 = vector.broadcast %add3A_500 : i32 to vector<16xi32>
          %add3A_502 = arith.addi %mul3A_3, %add3A_501 : vector<16xi32>
          %gather3A_503 = tpu.vector_load_idx %arg5[%add3A_502] : memref<25600xi32, #tpu.memory_space<vmem>>[vector<16xi32>], vector<16xi32>,
          %swap3A_504 = arith.constant 48 : index
          %swap3A_505 = tpu.vector_load %arg9[%swap3A_504] {strides = array<i32>} : memref<128xi32, #tpu.memory_space<vmem>>, vector<16xi32>,
          tpu.vector_store %arg9[%swap3A_504], %gather3A_503 {strides = array<i32>} : memref<128xi32, #tpu.memory_space<vmem>>, vector<16xi32>,
          %add3A_506 = arith.constant 12800 : i32
          %add3A_507 = arith.addi %add3A_506, %add3A_477 : i32
          %add3A_508 = vector.broadcast %add3A_507 : i32 to vector<16xi32>
          %add3A_509 = arith.addi %mul3A_3, %add3A_508 : vector<16xi32>
          %gather3A_510 = tpu.vector_load_idx %arg5[%add3A_509] : memref<25600xi32, #tpu.memory_space<vmem>>[vector<16xi32>], vector<16xi32>,
          %swap3A_511 = arith.constant 64 : index
          %swap3A_512 = tpu.vector_load %arg9[%swap3A_511] {strides = array<i32>} : memref<128xi32, #tpu.memory_space<vmem>>, vector<16xi32>,
          tpu.vector_store %arg9[%swap3A_511], %gather3A_510 {strides = array<i32>} : memref<128xi32, #tpu.memory_space<vmem>>, vector<16xi32>,
          %add3A_513 = arith.constant 16000 : i32
          %add3A_514 = arith.addi %add3A_513, %add3A_477 : i32
          %add3A_515 = vector.broadcast %add3A_514 : i32 to vector<16xi32>
          %add3A_516 = arith.addi %mul3A_3, %add3A_515 : vector<16xi32>
          %gather3A_517 = tpu.vector_load_idx %arg5[%add3A_516] : memref<25600xi32, #tpu.memory_space<vmem>>[vector<16xi32>], vector<16xi32>,
          %swap3A_518 = arith.constant 80 : index
          %swap3A_519 = tpu.vector_load %arg9[%swap3A_518] {strides = array<i32>} : memref<128xi32, #tpu.memory_space<vmem>>, vector<16xi32>,
          tpu.vector_store %arg9[%swap3A_518], %gather3A_517 {strides = array<i32>} : memref<128xi32, #tpu.memory_space<vmem>>, vector<16xi32>,
          %add3A_520 = arith.constant 19200 : i32
          %add3A_521 = arith.addi %add3A_520, %add3A_477 : i32
          %add3A_522 = vector.broadcast %add3A_521 : i32 to vector<16xi32>
          %add3A_523 = arith.addi %mul3A_3, %add3A_522 : vector<16xi32>
          %gather3A_524 = tpu.vector_load_idx %arg5[%add3A_523] : memref<25600xi32, #tpu.memory_space<vmem>>[vector<16xi32>], vector<16xi32>,
          %swap3A_525 = arith.constant 96 : index
          %swap3A_526 = tpu.vector_load %arg9[%swap3A_525] {strides = array<i32>} : memref<128xi32, #tpu.memory_space<vmem>>, vector<16xi32>,
          tpu.vector_store %arg9[%swap3A_525], %gather3A_524 {strides = array<i32>} : memref<128xi32, #tpu.memory_space<vmem>>, vector<16xi32>,
          %add3A_527 = arith.constant 22400 : i32
          %add3A_528 = arith.addi %add3A_527, %add3A_477 : i32
          %add3A_529 = vector.broadcast %add3A_528 : i32 to vector<16xi32>
          %add3A_530 = arith.addi %mul3A_3, %add3A_529 : vector<16xi32>
          %gather3A_531 = tpu.vector_load_idx %arg5[%add3A_530] : memref<25600xi32, #tpu.memory_space<vmem>>[vector<16xi32>], vector<16xi32>,
          %swap3A_532 = arith.constant 112 : index
          %swap3A_533 = tpu.vector_load %arg9[%swap3A_532] {strides = array<i32>} : memref<128xi32, #tpu.memory_space<vmem>>, vector<16xi32>,
          tpu.vector_store %arg9[%swap3A_532], %gather3A_531 {strides = array<i32>} : memref<128xi32, #tpu.memory_space<vmem>>, vector<16xi32>,
          %dma_start3A_534 = arith.constant 0 : i32
          %dma_start3A_535 = arith.constant 0 : i32
          %dma_start3A_536 = tpu.memref_slice %arg3[%dma_start3A_534, %dma_start3A_535] : memref<1000000x64xf32, #tpu.memory_space<hbm>> -> memref<1000000x64xf32, #tpu.memory_space<hbm>>
          tpu.enqueue_indirect_dma source(%dma_start3A_536 : memref<1000000x64xf32, #tpu.memory_space<hbm>>) target(%arg13 : memref<128x64xf32, #tpu.memory_space<vmem>>) offsets(%arg9 : memref<128xi32, #tpu.memory_space<vmem>>) semaphore(%arg19 : memref<!tpu.dma_semaphore, #tpu.memory_space<semaphore_mem>>)
        } else {
        }
        %scan3A_475 = arith.constant 0 : i32
        scf.yield %scan3A_475 : i32
      }
      %scan3A_234 = arith.constant 50 : i32
      %mul3A_235 = arith.constant 4 : i32
      %mul3A_236 = arith.muli %add3A, %mul3A_235 : i32
      %add3A_237 = arith.addi %mul3A_236, %scan3A_13 : i32
      %dma_wait3A = arith.constant 198 : i32
      %dma_wait3A_238 = arith.constant 0 : i32
      %dma_wait3A_239 = arith.constant 0 : i32
      %dma_wait3A_240 = arith.constant 0 : i32
      %dma_wait3A_241 = tpu.memref_slice %arg14[%dma_wait3A_238, %dma_wait3A_239, %dma_wait3A_240] : memref<8x8x133xf32, #tpu.memory_space<vmem>> -> memref<8x8x128xf32, #tpu.memory_space<vmem>>
      %dma_wait3A_242 = arith.constant 0 : i32
      %dma_wait3A_243 = arith.constant 0 : i32
      %dma_wait3A_244 = arith.constant 0 : i32
      %dma_wait3A_245 = tpu.memref_slice %arg4[%dma_wait3A, %dma_wait3A_242, %add3A_237, %dma_wait3A_243, %dma_wait3A_244] : memref<200x8x128x8x128xf32, #tpu.memory_space<hbm>> -> memref<1x8x1x8x128xf32, #tpu.memory_space<hbm>>
      %dma_wait3A_246 = tpu.memref_squeeze %dma_wait3A_245 : memref<1x8x1x8x128xf32, #tpu.memory_space<hbm>> -> memref<8x8x128xf32, #tpu.memory_space<hbm>>
      %dma_wait3A_247 = arith.constant 0 : i32
      %dma_wait3A_248 = arith.constant 0 : i32
      %dma_wait3A_249 = arith.constant 0 : i32
      %dma_wait3A_250 = tpu.memref_slice %arg4[%dma_wait3A, %dma_wait3A_247, %add3A_237, %dma_wait3A_248, %dma_wait3A_249] : memref<200x8x128x8x128xf32, #tpu.memory_space<hbm>> -> memref<1x8x1x8x128xf32, #tpu.memory_space<hbm>>
      %dma_wait3A_251 = tpu.memref_squeeze %dma_wait3A_250 : memref<1x8x1x8x128xf32, #tpu.memory_space<hbm>> -> memref<8x8x128xf32, #tpu.memory_space<hbm>>
      %dma_wait3A_252 = arith.constant 0 : i32
      %dma_wait3A_253 = arith.constant 0 : i32
      %dma_wait3A_254 = arith.constant 0 : i32
      %dma_wait3A_255 = tpu.memref_slice %arg14[%dma_wait3A_252, %dma_wait3A_253, %dma_wait3A_254] : memref<8x8x133xf32, #tpu.memory_space<vmem>> -> memref<8x8x128xf32, #tpu.memory_space<vmem>>
      tpu.wait_dma2 semaphore(%arg20 : memref<!tpu.dma_semaphore, #tpu.memory_space<semaphore_mem>>) src(%dma_wait3A_255 : memref<8x8x128xf32, #tpu.memory_space<vmem>>) dst(%dma_wait3A_251 : memref<8x8x128xf32, #tpu.memory_space<hbm>>)
      %mul3A_256 = arith.constant 4 : i32
      %mul3A_257 = arith.muli %add3A, %mul3A_256 : i32
      %add3A_258 = arith.addi %mul3A_257, %scan3A_13 : i32
      %dma_wait3A_259 = arith.constant 199 : i32
      %dma_wait3A_260 = arith.constant 0 : i32
      %dma_wait3A_261 = arith.constant 0 : i32
      %dma_wait3A_262 = arith.constant 0 : i32
      %dma_wait3A_263 = tpu.memref_slice %arg15[%dma_wait3A_260, %dma_wait3A_261, %dma_wait3A_262] : memref<8x8x133xf32, #tpu.memory_space<vmem>> -> memref<8x8x128xf32, #tpu.memory_space<vmem>>
      %dma_wait3A_264 = arith.constant 0 : i32
      %dma_wait3A_265 = arith.constant 0 : i32
      %dma_wait3A_266 = arith.constant 0 : i32
      %dma_wait3A_267 = tpu.memref_slice %arg4[%dma_wait3A_259, %dma_wait3A_264, %add3A_258, %dma_wait3A_265, %dma_wait3A_266] : memref<200x8x128x8x128xf32, #tpu.memory_space<hbm>> -> memref<1x8x1x8x128xf32, #tpu.memory_space<hbm>>
      %dma_wait3A_268 = tpu.memref_squeeze %dma_wait3A_267 : memref<1x8x1x8x128xf32, #tpu.memory_space<hbm>> -> memref<8x8x128xf32, #tpu.memory_space<hbm>>
      %dma_wait3A_269 = arith.constant 0 : i32
      %dma_wait3A_270 = arith.constant 0 : i32
      %dma_wait3A_271 = arith.constant 0 : i32
      %dma_wait3A_272 = tpu.memref_slice %arg4[%dma_wait3A_259, %dma_wait3A_269, %add3A_258, %dma_wait3A_270, %dma_wait3A_271] : memref<200x8x128x8x128xf32, #tpu.memory_space<hbm>> -> memref<1x8x1x8x128xf32, #tpu.memory_space<hbm>>
      %dma_wait3A_273 = tpu.memref_squeeze %dma_wait3A_272 : memref<1x8x1x8x128xf32, #tpu.memory_space<hbm>> -> memref<8x8x128xf32, #tpu.memory_space<hbm>>
      %dma_wait3A_274 = arith.constant 0 : i32
      %dma_wait3A_275 = arith.constant 0 : i32
      %dma_wait3A_276 = arith.constant 0 : i32
      %dma_wait3A_277 = tpu.memref_slice %arg15[%dma_wait3A_274, %dma_wait3A_275, %dma_wait3A_276] : memref<8x8x133xf32, #tpu.memory_space<vmem>> -> memref<8x8x128xf32, #tpu.memory_space<vmem>>
      tpu.wait_dma2 semaphore(%arg21 : memref<!tpu.dma_semaphore, #tpu.memory_space<semaphore_mem>>) src(%dma_wait3A_277 : memref<8x8x128xf32, #tpu.memory_space<vmem>>) dst(%dma_wait3A_273 : memref<8x8x128xf32, #tpu.memory_space<hbm>>)
      %scan3A_278 = arith.constant 0 : i32
      scf.yield %scan3A_278 : i32
    }
    %scan3A_12 = arith.constant 4 : i32
    return
  }
}

</mosaic_0001>

<sc_bundles>
// kernel: kernel.3.cloned.1.call-start
scs
__scs_entry_jumppad:
0x0: {  	(pc) =	sbr.rel $0x88, $3  }
0x1: {  	(tag) =	ssettag $0x0;
	lr =	simm.s32 $0x1  }
0x2: {  	[smem:$0x3F9F] =	sst lr;
	_ =	strace $0xD0000000  }
0x3: {  	_ = 	snop  }
0x4: {  	_ = 	snop  }
0x5: {  	_ = 	snop  }
0x6: {  	_ = 	snop  }
0x7: {  	_ = 	snop  }
__scs_overlays_trampoline_lowered:
0x8: {  	[smem:$0x3FAE] =	sst s0  }
0x9: {  	[smem:$0x3FAF] =	sst s1  }
0xa: {  	[smem:$0x3FB0] =	sst s2  }
0xb: {  	[smem:$0x3FB1] =	sst s3  }
0xc: {  	[smem:$0x3FB2] =	sst s4  }
0xd: {  	[smem:$0x3FB3] =	sst s5  }
0xe: {  	[smem:$0x3FB4] =	sst s6  }
0xf: {  	[smem:$0x3FB5] =	sst s7  }
0x10: {  	[smem:$0x3FB6] =	sst s8  }
0x11: {  	[smem:$0x3FB7] =	sst s9;
	s0 =	simm.s32 @!p0 $0x0  }
0x12: {  	s1 =	sld [smem:$0x3F9D];
	s0 =	simm.s32 @p0 $0x1  }
0x13: {  	[smem:$0x3FB8] =	sst s0;
	s0 =	simm.s32 @!p1 $0x0  }
0x14: {  	s2 =	sld [smem:$0x3F9C];
	s0 =	simm.s32 @p1 $0x1  }
0x15: {  	[smem:$0x3FB9] =	sst s0;
	s0 =	simm.s32 @!p2 $0x0  }
0x16: {  	s3 =	sld [smem:$0x3FDB];
	s0 =	simm.s32 @p2 $0x1  }
0x17: {  	s4 =	simm.s32 $0x1BF5;
	[smem:$0x3FBB] =	sst s0  }
0x18: {  	s0 =	sld [smem:$0x3F9E];
	_ =	swait.ge [sflag:s4], $0x0  }
0x19: {  	s7 =	sld [smem:$0x3F9F]  }
0x1a: {  	s8 =	sadd.s32 $0xFFFFE003, lr  }
0x1b: {  	s9 =	sadd.s32 $0xFFFFFEF7, lr;
	s5 =	simm.s32 $0xFFFFFFFF;
	p2 =	slt.u32 s8, $0xFFFFF086  }
0x1c: {  	p1 =	slt.u32 s9, $0xF7A;
	s5 =	simm.s32 @!p2 $0x0  }
0x1d: {  	s5 =	simm.s32 @p1 $0x1;
	p0 =	seq.s32 s7, s2  }
0x1e: {  	s7 =	smul.u32 @!p0 $0xF7A, s2;
	p2 =	seq.s32 @!p0 s5, $0x0  }
0x1f: {  	s9 =	smul.u32 $0xF7A, s1;
	s8 =	simm.s32 @!p0 $0x1BF5;
	p2 =	por !p2, p0  }
0x20: {  	[sflag:s8] =	ssyncset.s32 @!p0 $0xFFFFF086;
	s6 =	sadd.s32 @!p0 s3, s7;
	s7 =	simm.s32 @!p0 $0x108  }
0x21: {  	s3 =	sadd.s32 s3, s9;
	s6 =	sadd.s32 @!p0 $0x88, s6;
	s7 =	simm.s32 @p2 $0x1082  }
0x22: {  	[simem:s7], [sflag:s8] =	dma.local @!p0 [hbm:s6], $0xF7A  }
0x23: {  	s9 =	sor.u32 $0xD0000000, s2;
	s6 =	simm.s32 $0x108;
	_ =	swait.ge @!p0 [sflag:s8], $0x0  }
0x24: {  	s3 =	sadd.s32 $0x88, s3;
	s6 =	simm.s32 @!p1 $0x1082;
	[sflag:s4] =	ssyncset.s32 $0xFFFFF086  }
0x25: {  	[simem:s6], [sflag:s4] =	dma.local [hbm:s3], $0xF7A  }
0x26: {  	[smem:$0x3F9F] =	sst s1;
	(tag) =	ssettag s2;
	_ =	strace s9  }
0x27: {  	s1 =	sld [smem:$0x3FAF]  }
0x28: {  	s2 =	sld [smem:$0x3FB0]  }
0x29: {  	s4 =	sld [smem:$0x3FB2]  }
0x2a: {  	p0 =	seq.s32 s5, $0x0;
	s5 =	sld [smem:$0x3FB3]  }
0x2b: {  	s6 =	sld [smem:$0x3FB4]  }
0x2c: {  	s7 =	sld [smem:$0x3FB5]  }
0x2d: {  	s3 =	simm.s32 $0x108;
	s8 =	sld [smem:$0x3FB6]  }
0x2e: {  	s3 =	simm.s32 @!p0 $0x1082;
	s9 =	sld [smem:$0x3FB7]  }
0x2f: {  	lr =	sadd.s32 s0, s3;
	s0 =	sld [smem:$0x3FAE]  }
0x30: {  	s3 =	sld [smem:$0x3FB1]  }
0x31: {  	[smem:$0x3FBA] =	sst s10  }
0x32: {  	s10 =	sld [smem:$0x3FB8];
	_ =	sdelay $0x3  }
0x33: {  	p0 =	seq.s32 s10, $0x1;
	s10 =	sld [smem:$0x3FBA];
	_ =	sdelay $0x3  }
0x34: {  	[smem:$0x3FBA] =	sst s10  }
0x35: {  	s10 =	sld [smem:$0x3FB9];
	_ =	sdelay $0x3  }
0x36: {  	p1 =	seq.s32 s10, $0x1;
	s10 =	sld [smem:$0x3FBA];
	_ =	sdelay $0x3  }
0x37: {  	[smem:$0x3FBA] =	sst s10  }
0x38: {  	s10 =	sld [smem:$0x3FBB]  }
0x39: {  	_ = 	snop;
	(pc) =	sbr.ind lr, $3  }
0x3a: {  	_ = 	snop  }
0x3b: {  	_ = 	snop  }
0x3c: {  	p2 =	seq.s32 s10, $0x1;
	s10 =	sld [smem:$0x3FBA]  }
0x3d: {  	_ =	shalt  }
0x3e: {  	_ =	shalt  }
0x3f: {  	_ =	shalt  }
0x40: {  	_ =	shalt  }
0x41: {  	_ =	shalt  }
0x42: {  	_ =	shalt  }
0x43: {  	_ =	shalt  }
0x44: {  	_ =	shalt  }
0x45: {  	_ =	shalt  }
0x46: {  	_ =	shalt  }
0x47: {  	_ =	shalt  }
0x48: {  	_ =	shalt  }
0x49: {  	_ =	shalt  }
0x4a: {  	_ =	shalt  }
0x4b: {  	_ =	shalt  }
0x4c: {  	_ =	shalt  }
0x4d: {  	_ =	shalt  }
0x4e: {  	_ =	shalt  }
0x4f: {  	_ =	shalt  }
0x50: {  	_ =	shalt  }
0x51: {  	_ =	shalt  }
0x52: {  	_ =	shalt  }
0x53: {  	_ =	shalt  }
0x54: {  	_ =	shalt  }
0x55: {  	_ =	shalt  }
0x56: {  	_ =	shalt  }
0x57: {  	_ =	shalt  }
0x58: {  	_ =	shalt  }
0x59: {  	_ =	shalt  }
0x5a: {  	_ =	shalt  }
0x5b: {  	_ =	shalt  }
0x5c: {  	_ =	shalt  }
0x5d: {  	_ =	shalt  }
0x5e: {  	_ =	shalt  }
0x5f: {  	_ =	shalt  }
0x60: {  	_ =	shalt  }
0x61: {  	_ =	shalt  }
0x62: {  	_ =	shalt  }
0x63: {  	_ =	shalt  }
0x64: {  	_ =	shalt  }
0x65: {  	_ =	shalt  }
0x66: {  	_ =	shalt  }
0x67: {  	_ =	shalt  }
0x68: {  	_ =	shalt  }
0x69: {  	_ =	shalt  }
0x6a: {  	_ =	shalt  }
0x6b: {  	_ =	shalt  }
0x6c: {  	_ =	shalt  }
0x6d: {  	_ =	shalt  }
0x6e: {  	_ =	shalt  }
0x6f: {  	_ =	shalt  }
0x70: {  	_ =	shalt  }
0x71: {  	_ =	shalt  }
0x72: {  	_ =	shalt  }
0x73: {  	_ =	shalt  }
0x74: {  	_ =	shalt  }
0x75: {  	_ =	shalt  }
0x76: {  	_ =	shalt  }
0x77: {  	_ =	shalt  }
0x78: {  	_ =	shalt  }
0x79: {  	_ =	shalt  }
0x7a: {  	_ =	shalt  }
0x7b: {  	_ =	shalt  }
0x7c: {  	_ =	shalt  }
0x7d: {  	_ =	shalt  }
0x7e: {  	_ =	shalt  }
0x7f: {  	_ =	shalt  }
0x80: {  	_ =	shalt  }
0x81: {  	_ =	shalt  }
0x82: {  	_ =	shalt  }
0x83: {  	_ =	shalt  }
0x84: {  	_ =	shalt  }
0x85: {  	_ =	shalt  }
0x86: {  	_ =	shalt  }
0x87: {  	_ =	shalt  }
.Lfunc_end0:
.L_simem_size_0:
called_computation_lowered:
.L_overlay_start_0:
0x88: {  	s2 =	sld [smem:$0x3FD9]  }
0x89: {  	s3 =	sld [smem:$0x3FFE];
	_ =	sdelay $0x1  }
0x8a: {  	s1 =	srdreg.scid  }
0x8b: {  	s0 =	sand.u32 $0x1, s1  }
0x8c: {  	s17 =	sshll.u32 s0, $0xA;
	s2 =	sadd.s32 s3, s2  }
0x8d: {  	s2 =	sadd.s32 s2, s17  }
0x8e: {  	[smem:$0x3FC6] =	sst s2  }
0x8f: {  	_ = 	snop  }
0x90: {  	s2 =	sld [smem:$0x3FD0];
	(tm) =	ssettm $0x1  }
0x91: {  	s18 =	sld [smem:$0x3FFB];
	_ =	sdelay $0x3  }
0x92: {  	_ =	strace s18  }
0x93: {  	s3 =	sld [smem:$0x3FFC];
	_ =	sdelay $0x3  }
0x94: {  	_ =	strace s3  }
0x95: {  	s3 =	sld [smem:$0x3FFD];
	_ =	sdelay $0x3  }
0x96: {  	_ =	strace s3  }
0x97: {  	_ =	strace $0x8FFFFFFF  }
0x98: {  	s19 =	sld [smem:$0x3FDB];
	_ =	sdelay $0x1  }
0x99: {  	s4 =	simm.s32 $_scs_section_size  }
0x9a: {  	s5 =	simm.s32 $_size__tile_overlayer_lowered;
	s6 =	simm.s32 $_tile_overlayer_lowered  }
0x9b: {  	s22 =	simm.s32 $0x1BFF;
	s21 =	sshll.u32 s6, $0x1;
	s3 =	sadd.s32 s4, s19  }
0x9c: {  	s7 =	simm.s32 $0x0;
	s20 =	sshll.u32 s5, $0x1;
	s5 =	sadd.s32 s21, s3  }
0x9d: {  	[timem:s7], [sflag:s22] =	dma.local [hbm:s5], s20  }
0x9e: {  	_ =	swait.ge [sflag:s22], s20  }
0x9f: {  	s4 =	ssub.s32 $0x0, s20;
	[sflag:s22] =	ssyncset.done $0x0  }
0xa0: {  	[sflag:s22] =	ssyncadd.s32 s4;
	_ =	sdelay $0x1  }
0xa1: {  	s23 =	simm.s32 $0x1B8B  }
0xa2: {  	_ =	swait.ge [sflag:s23], $0x1  }
0xa3: {  	[sflag:s23] =	ssyncset.done $0x0  }
0xa4: {  	s25 =	simm.s32 $0x1B8E;
	s24 =	sld [smem:$0x3FFE];
	[sflag:s23] =	ssyncadd.s32 $0xFFFFFFFF  }
0xa5: {  	s26 =	simm.s32 $execute0_lowered;
	[smem:$0x3FD2] =	sst s25  }
0xa6: {  	s5 =	sshll.u32 s26, $0x1;
	_ =	strace $0x80000046;
	[dreg:$0x1] =	wrdreg $0xFFFFFFFF  }
0xa7: {  	s28 =	simm.s32 $_size_execute0_lowered;
	s3 =	sadd.s32 s3, s5;
	[dreg:$0x0] =	wrdreg $0x0  }
0xa8: {  	s5 =	sshll.u32 s28, $0x1;
	[dreg:$0x2] =	wrdreg s3  }
0xa9: {  	[dreg:$0x3] =	wrdreg s5  }
0xaa: {  	[dreg:$0x4] =	wrdreg $0xC0  }
0xab: {  	_ =	task [dreg:s7], $0x5FFFF  }
0xac: {  	[dreg:$0x1] =	wrdreg $0xFFFFFFFF  }
0xad: {  	[dreg:$0x0] =	wrdreg $0x60  }
0xae: {  	[dreg:$0x2] =	wrdreg s24  }
0xaf: {  	[dreg:$0x3] =	wrdreg s2  }
0xb0: {  	[dreg:$0x4] =	wrdreg $0x9  }
0xb1: {  	_ =	task.clear_ibuf [dreg:s7], $0x5FFFF;
	_ =	strace $0x90000046  }
0xb2: {  	s29 =	simm.s32 $0x9;
	_ =	strace $0x80000048  }
0xb3: {  	_ =	swait.ge [sflag:s29], $0x1  }
0xb4: {  	[sflag:s29] =	ssyncadd.s32 $0xFFFFFFFF  }
0xb5: {  	_ =	strace $0x90000048  }
0xb6: {  	_ =	sfence  }
0xb7: {  	s30 =	sld [smem:$0x0];
	_ =	sdelay $0x2  }
0xb8: {  	s31 =	sshll.u32 s1, $0xD;
	s1 =	sshrl.u32 s1, $0x2  }
0xb9: {  	s3 =	sand.u32 $0x4000, s31;
	s1 =	sadd.s32 s1, s30  }
0xba: {  	s0 =	sor.u32 s3, s0;
	s1 =	sshll.u32 s1, $0x11  }
0xbb: {  	s0 =	sor.u32 s1, s0  }
0xbc: {  	s0 =	sadd.s32 $0x8F2B, s0  }
0xbd: {  	[sflag:s0] =	ssyncadd.remote.s32 $0x1  }
0xbe: {  	_ =	sfence.sel $0xFFFF  }
0xbf: {  	[dreg:$0x0] =	wrdreg $0xFFFFFFFF;
	(pc) =	sbr.abs _section_cstart, $3  }
0xc0: {  	[dreg:$0x1] =	wrdreg $0xFFFFFFFF  }
0xc1: {  	_ =	task.clear_ibuf [dreg:s7], $0x2FFFF;
	_ =	strace $0x9FFFFFFF  }
0xc2: {  	(tm) =	ssettm $0x7FFFFFFF  }
0xc3: {  	_ =	shalt  }
tec
execute0_lowered:
.L_overlay_start_1:
0x0: {  	(tag) =	ssettag $0x1  }
0x1: {  	v0 =	vlaneseq.u32  }
0x2: {  	v2 =	vmul.u32 $0xC8, v0;
	_ =	sdelay $0x1  }
0x3: {  	v1 =	vadd.s32 $0xC80, v2;
	[tilespmem:$0x1FDF0] =	vst v2  }
0x4: {  	v40 =	vmul.u32 $0x88, v0;
	v0 =	vadd.s32 $0x4B03, v2;
	[tilespmem:$0x1FC10] =	vst v1  }
0x5: {  	v1 =	vadd.s32 $0x1900, v2;
	[tilespmem:$0x1FDE0] =	vst v0  }
0x6: {  	v0 =	vadd.s32 $0x5783, v2;
	[tilespmem:$0x1FC20] =	vst v1  }
0x7: {  	v1 =	vadd.s32 $0x2580, v2;
	[tilespmem:$0x1FE00] =	vst v0  }
0x8: {  	[tilespmem:$0x1FC30] =	vst v1;
	v1 =	vadd.s32 $0x3200, v2  }
0x9: {  	[tilespmem:$0x1FC40] =	vst v1;
	v1 =	vadd.s32 $0x3E80, v2  }
0xa: {  	[tilespmem:$0x1FC50] =	vst v1;
	v1 =	vadd.s32 $0x4B00, v2  }
0xb: {  	[tilespmem:$0x1FC60] =	vst v1;
	v1 =	vadd.s32 $0x5780, v2  }
0xc: {  	[tilespmem:$0x1FC70] =	vst v1;
	v1 =	vor.u32 $0x1, v2  }
0xd: {  	[tilespmem:$0x1FC80] =	vst v1;
	v1 =	vadd.s32 $0xC81, v2  }
0xe: {  	[tilespmem:$0x1FC90] =	vst v1;
	v1 =	vadd.s32 $0x1901, v2  }
0xf: {  	[tilespmem:$0x1FCA0] =	vst v1;
	v1 =	vadd.s32 $0x2581, v2  }
0x10: {  	[tilespmem:$0x1FCB0] =	vst v1;
	v1 =	vadd.s32 $0x3201, v2  }
0x11: {  	[tilespmem:$0x1FCC0] =	vst v1;
	v1 =	vadd.s32 $0x3E81, v2  }
0x12: {  	[tilespmem:$0x1FCD0] =	vst v1;
	v1 =	vadd.s32 $0x4B01, v2  }
0x13: {  	[tilespmem:$0x1FCE0] =	vst v1;
	v1 =	vadd.s32 $0x5781, v2  }
0x14: {  	[tilespmem:$0x1FCF0] =	vst v1;
	v1 =	vor.u32 $0x2, v2  }
0x15: {  	[tilespmem:$0x1FD00] =	vst v1;
	v1 =	vadd.s32 $0xC82, v2  }
0x16: {  	[tilespmem:$0x1FD10] =	vst v1;
	v1 =	vadd.s32 $0x1902, v2  }
0x17: {  	[tilespmem:$0x1FD20] =	vst v1;
	v1 =	vadd.s32 $0x2582, v2  }
0x18: {  	[tilespmem:$0x1FD30] =	vst v1;
	v1 =	vadd.s32 $0x3202, v2  }
0x19: {  	[tilespmem:$0x1FD40] =	vst v1;
	v1 =	vadd.s32 $0x3E82, v2  }
0x1a: {  	[tilespmem:$0x1FD50] =	vst v1;
	v1 =	vadd.s32 $0x4B02, v2  }
0x1b: {  	[tilespmem:$0x1FD60] =	vst v1;
	v1 =	vadd.s32 $0x5782, v2  }
0x1c: {  	[tilespmem:$0x1FD70] =	vst v1;
	v1 =	vor.u32 $0x3, v2  }
0x1d: {  	[tilespmem:$0x1FD80] =	vst v1;
	v1 =	vadd.s32 $0xC83, v2  }
0x1e: {  	[tilespmem:$0x1FD90] =	vst v1;
	v1 =	vadd.s32 $0x1903, v2  }
0x1f: {  	[tilespmem:$0x1FDA0] =	vst v1;
	v1 =	vadd.s32 $0x2583, v2  }
0x20: {  	[tilespmem:$0x1FDB0] =	vst v1;
	v1 =	vadd.s32 $0x3203, v2  }
0x21: {  	s0 =	rddreg [dreg:$0x0];
	s2 =	simm.s32 $0x0;
	[tilespmem:$0x1FDC0] =	vst v1;
	v1 =	vadd.s32 $0x3E83, v2  }
0x22: {  	[smem:$0x7FF] =	sst s2;
	v0 =	vor.u32 $0x6, v40;
	[tilespmem:$0x1FDD0] =	vst v1  }
0x23: {  	s1 =	rddreg [dreg:$0x1];
	v41 =	vadd.s32 $0x880, v40;
	_ =	strace $0x80000047;
	[tilespmem:$0x1FE10] =	vst v0  }
0x24: {  	v2 =	vadd.s32 $0x1980, v40;
	[tilespmem:$0x1FE20] =	vst v41  }
0x25: {  	v58 =	vor.u32 $0x1, v40;
	[tilespmem:$0x1FE30] =	vst v2  }
0x26: {  	v60 =	vadd.s32 $0x1101, v40;
	[tilespmem:$0x1FE40] =	vst v58  }
0x27: {  	v62 =	vor.u32 $0x2, v40;
	[tilespmem:$0x1FE50] =	vst v60  }
0x28: {  	v43 =	vadd.s32 $0x1102, v40;
	[tilespmem:$0x1FE60] =	vst v62  }
0x29: {  	v54 =	vor.u32 $0x3, v40;
	[tilespmem:$0x1FE70] =	vst v43  }
0x2a: {  	v59 =	vadd.s32 $0x1103, v40;
	[tilespmem:$0x1FE80] =	vst v54  }
0x2b: {  	v51 =	vor.u32 $0x4, v40;
	[tilespmem:$0x1FE90] =	vst v59  }
0x2c: {  	v45 =	vadd.s32 $0x1104, v40;
	[tilespmem:$0x1FEA0] =	vst v51  }
0x2d: {  	v53 =	vor.u32 $0x5, v40;
	[tilespmem:$0x1FEB0] =	vst v45  }
0x2e: {  	v57 =	vadd.s32 $0x1105, v40;
	[tilespmem:$0x1FEC0] =	vst v53  }
0x2f: {  	v49 =	vadd.s32 $0x1983, v40;
	[tilespmem:$0x1FED0] =	vst v57  }
0x30: {  	v42 =	vadd.s32 $0x1981, v40;
	[tilespmem:$0x1FEF0] =	vst v49  }
0x31: {  	v44 =	vadd.s32 $0x1982, v40;
	[tilespmem:$0x1FF10] =	vst v42  }
0x32: {  	v56 =	vadd.s32 $0x1985, v40;
	[tilespmem:$0x1FF20] =	vst v44  }
0x33: {  	v39 =	vadd.s32 $0x881, v40;
	[tilespmem:$0x1FF30] =	vst v56  }
0x34: {  	v55 =	vadd.s32 $0x882, v40;
	[tilespmem:$0x1FF40] =	vst v39  }
0x35: {  	v50 =	vadd.s32 $0x883, v40;
	[tilespmem:$0x1FF50] =	vst v55  }
0x36: {  	s3 =	srdreg.scid;
	s6 =	stileid.u32;
	v48 =	vadd.s32 $0x884, v40;
	[tilespmem:$0x1FF60] =	vst v50  }
0x37: {  	s9 =	simm.s32 $0x80;
	s10 =	simm.s32 $0x6400;
	s11 =	simm.s32 $0x6600;
	v32 =	vadd.s32 $0x1100, v40;
	[tilespmem:$0x1FF70] =	vst v48  }
0x38: {  	s12 =	simm.s32 $0x6480;
	s13 =	simm.s32 $0x8600;
	s14 =	simm.s32 $0x6500;
	v52 =	vadd.s32 $0x1984, v40;
	[tilespmem:$0x1FF80] =	vst v32  }
0x39: {  	s15 =	simm.s32 $0xA600;
	s16 =	simm.s32 $0x6580;
	s17 =	simm.s32 $0xC600;
	v34 =	vadd.s32 $0x886, v40;
	[tilespmem:$0x1FF90] =	vst v52  }
0x3a: {  	s18 =	simm.s32 $0x1;
	s19 =	simm.s32 $0xE600;
	s20 =	simm.s32 $0x2;
	v35 =	vadd.s32 $0x1106, v40;
	[tilespmem:$0x1FFA0] =	vst v34  }
0x3b: {  	s21 =	simm.s32 $0x6;
	s22 =	simm.s32 $0x10800;
	s23 =	simm.s32 $0x3;
	v36 =	vor.u32 $0x7, v40;
	[tilespmem:$0x1FFB0] =	vst v35  }
0x3c: {  	s24 =	simm.s32 $0x5;
	s3 =	sand.u32 $0x1, s3;
	s4 =	sadd.s32 $0x400, s0;
	v37 =	vadd.s32 $0x887, v40;
	[tilespmem:$0x1FFC0] =	vst v36  }
.Ltmp0:
0x3d: {  	s5 =	sadd.s32 $0x64400, s0;
	s28 =	ssub.s32 $0x2, s3;
	v38 =	vadd.s32 $0x1107, v40;
	[tilespmem:$0x1FFD0] =	vst v37;
	(pc) =	sbr.rel .LBB2_1-.Ltmp0, $4  }
0x3e: {  	s31 =	sshll.u32 s6, $0xA;
	s3 =	sshll.u32 s3, $0x9;
	s29 =	sshrl.u32 s28, $0x1;
	[tilespmem:$0x1FFE0] =	vst v38  }
0x3f: {  	vm0 =	vcmask $0x300;
	s3 =	sor.u32 s3, s31;
	s0 =	ssub.s32 s28, s29;
	v1 =	vimm.s32 $0x0;
	[dreg:$0x3] =	wrdreg s4;
	v0 =	vadd.s32 $0x1986, v40;
	[tilespmem:$0x1FFF0] =	vst v40  }
0x40: {  	s25 =	simm.s32 $0x4;
	s0 =	smax.u32 s0, $0x1;
	v33 =	vsel vm0, $0x3, v1;
	[dreg:$0x4] =	wrdreg s3;
	v1 =	vadd.s32 $0x885, v40;
	[tilespmem:$0x1FEE0] =	vst v0  }
0x41: {  	s30 =	simm.s32 $0x0;
	[dreg:$0x5] =	wrdreg s0;
	s3 =	simm.s32 $0x0;
	[tilespmem:$0x1FF00] =	vst v1  }
.LBB2_30:
0x42: {  	s3 =	rddreg [dreg:$0x6]  }
0x43: {  	s0 =	rddreg [dreg:$0x5];
	s3 =	sadd.s32 $0x1, s3  }
0x44: {  	p0 =	sne.s32 s3, s0  }
.Ltmp1:
0x45: {  	_ = 	snop;
	(pc) =	sbr.rel @!p0 .LBB2_31-.Ltmp1, $1  }
0x46: {  	_ =	sdelay $0x3  }
.LBB2_1:
.Ltmp2:
0x47: {  	(pc) =	sbr.rel .LBB2_2-.Ltmp2, $2  }
0x48: {  	_ =	sdelay $0x2  }
0x49: {  	[dreg:$0x6] =	wrdreg s3;
	s0 =	simm.s32 $0x0  }
.LBB2_29:
0x4a: {  	_ =	swait.ge [sflag:s24], $0x2000  }
0x4b: {  	[sflag:s24] =	ssyncset.done $0x0  }
0x4c: {  	[sflag:s24] =	ssyncadd.s32 $0xFFFFE000  }
0x4d: {  	_ =	swait.ge [sflag:s21], $0x2000  }
0x4e: {  	v41 =	vld [tilespmem:$0x1FE20]  }
0x4f: {  	v58 =	vld [tilespmem:$0x1FE40]  }
0x50: {  	v60 =	vld [tilespmem:$0x1FE50]  }
0x51: {  	s0 =	rddreg [dreg:$0x7];
	v62 =	vld [tilespmem:$0x1FE60]  }
0x52: {  	v43 =	vld [tilespmem:$0x1FE70];
	s0 =	sadd.s32 $0x1, s0  }
0x53: {  	v54 =	vld [tilespmem:$0x1FE80];
	p0 =	sne.s32 s0, $0x4  }
.Ltmp3:
0x54: {  	v59 =	vld [tilespmem:$0x1FE90];
	(pc) =	sbr.rel @!p0 .LBB2_30-.Ltmp3, $4  }
0x55: {  	v51 =	vld [tilespmem:$0x1FEA0]  }
0x56: {  	v45 =	vld [tilespmem:$0x1FEB0]  }
0x57: {  	[sflag:s21] =	ssyncset.done $0x0;
	v53 =	vld [tilespmem:$0x1FEC0]  }
0x58: {  	v32 =	vmov v3;
	v1 =	vmov v4;
	v57 =	vld [tilespmem:$0x1FED0];
	[sflag:s21] =	ssyncadd.s32 $0xFFFFE000  }
.LBB2_2:
0x59: {  	s8 =	sshll.u32 s0, $0x7;
	s3 =	rddreg [dreg:$0x4]  }
0x5a: {  	s29 =	sadd.s32 s3, s8  }
0x5b: {  	[dreg:$0x7] =	wrdreg s0;
	s0 =	smul.u32 $0x19, s29  }
0x5c: {  	s26 =	rddreg [dreg:$0x3]  }
0x5d: {  	s28 =	simm.s32 $0x7;
	s0 =	sadd.s32 s26, s0  }
0x5e: {  	[tilespmem:s30], [sflag:$0x7] =	stream.linear.gather [hbm4b:s0+s30], $0x6400, $0x38;
	[tilespmem:$0x12A00] =	vst v63  }
0x5f: {  	_ =	swait.ge [sflag:s28], $0x6400  }
0x60: {  	v0 =	vld [tilespmem:$0x1FDF0];
	_ =	sdelay $0x5  }
0x61: {  	[sflag:s28] =	ssyncset.done $0x0  }
0x62: {  	[sflag:s28] =	ssyncadd.s32 $0xFFFF9C00  }
0x63: {  	v0 =	vld.idx.msk [tilespmem:v0+s30+$0x0], $0xffff;
	_ =	sdelay $0x4  }
0x64: {  	[tilespmem:$0x6400] =	vst v0;
	v0 =	vld [tilespmem:$0x1FC10];
	_ =	sdelay $0x7  }
0x65: {  	v0 =	vld.idx.msk [tilespmem:v0+s30+$0x0], $0xffff;
	_ =	sdelay $0x4  }
0x66: {  	[tilespmem:$0x6410] =	vst v0;
	v0 =	vld [tilespmem:$0x1FC20];
	_ =	sdelay $0x7  }
0x67: {  	v0 =	vld.idx.msk [tilespmem:v0+s30+$0x0], $0xffff;
	_ =	sdelay $0x4  }
0x68: {  	[tilespmem:$0x6420] =	vst v0;
	v0 =	vld [tilespmem:$0x1FC30];
	_ =	sdelay $0x7  }
0x69: {  	v0 =	vld.idx.msk [tilespmem:v0+s30+$0x0], $0xffff;
	_ =	sdelay $0x4  }
0x6a: {  	[tilespmem:$0x6430] =	vst v0;
	v0 =	vld [tilespmem:$0x1FC40];
	_ =	sdelay $0x7  }
0x6b: {  	v0 =	vld.idx.msk [tilespmem:v0+s30+$0x0], $0xffff;
	_ =	sdelay $0x4  }
0x6c: {  	[tilespmem:$0x6440] =	vst v0;
	v0 =	vld [tilespmem:$0x1FC50];
	_ =	sdelay $0x7  }
0x6d: {  	v0 =	vld.idx.msk [tilespmem:v0+s30+$0x0], $0xffff;
	_ =	sdelay $0x4  }
0x6e: {  	[tilespmem:$0x6450] =	vst v0;
	v0 =	vld [tilespmem:$0x1FC60];
	_ =	sdelay $0x7  }
0x6f: {  	v0 =	vld.idx.msk [tilespmem:v0+s30+$0x0], $0xffff;
	_ =	sdelay $0x4  }
0x70: {  	[tilespmem:$0x6460] =	vst v0;
	v0 =	vld [tilespmem:$0x1FC70];
	_ =	sdelay $0x7  }
0x71: {  	v0 =	vld.idx.msk [tilespmem:v0+s30+$0x0], $0xffff;
	_ =	sdelay $0x4  }
0x72: {  	[tilespmem:$0x6470] =	vst v0;
	v0 =	vld [tilespmem:$0x1FC80];
	_ =	sdelay $0x6  }
0x73: {  	[tilespmem:s11], [sflag:$0x1] =	stream.indirect.gather [hbm4b:s5+s9], $0x40, s10, s9, $0xb8;
	[tilespmem:$0x12A00] =	vst v63  }
0x74: {  	v0 =	vld.idx.msk [tilespmem:v0+s30+$0x0], $0xffff;
	_ =	sdelay $0x4  }
0x75: {  	[tilespmem:$0x6480] =	vst v0;
	v0 =	vld [tilespmem:$0x1FC90];
	_ =	sdelay $0x7  }
0x76: {  	v0 =	vld.idx.msk [tilespmem:v0+s30+$0x0], $0xffff;
	_ =	sdelay $0x4  }
0x77: {  	[tilespmem:$0x6490] =	vst v0;
	v0 =	vld [tilespmem:$0x1FCA0];
	_ =	sdelay $0x7  }
0x78: {  	v0 =	vld.idx.msk [tilespmem:v0+s30+$0x0], $0xffff;
	_ =	sdelay $0x4  }
0x79: {  	[tilespmem:$0x64A0] =	vst v0;
	v0 =	vld [tilespmem:$0x1FCB0];
	_ =	sdelay $0x7  }
0x7a: {  	v0 =	vld.idx.msk [tilespmem:v0+s30+$0x0], $0xffff;
	_ =	sdelay $0x4  }
0x7b: {  	[tilespmem:$0x64B0] =	vst v0;
	v0 =	vld [tilespmem:$0x1FCC0];
	_ =	sdelay $0x7  }
0x7c: {  	v0 =	vld.idx.msk [tilespmem:v0+s30+$0x0], $0xffff;
	_ =	sdelay $0x4  }
0x7d: {  	[tilespmem:$0x64C0] =	vst v0;
	v0 =	vld [tilespmem:$0x1FCD0];
	_ =	sdelay $0x7  }
0x7e: {  	v0 =	vld.idx.msk [tilespmem:v0+s30+$0x0], $0xffff;
	_ =	sdelay $0x4  }
0x7f: {  	[tilespmem:$0x64D0] =	vst v0;
	v0 =	vld [tilespmem:$0x1FCE0];
	_ =	sdelay $0x7  }
0x80: {  	v0 =	vld.idx.msk [tilespmem:v0+s30+$0x0], $0xffff;
	_ =	sdelay $0x4  }
0x81: {  	[tilespmem:$0x64E0] =	vst v0;
	v0 =	vld [tilespmem:$0x1FCF0];
	_ =	sdelay $0x7  }
0x82: {  	v0 =	vld.idx.msk [tilespmem:v0+s30+$0x0], $0xffff;
	_ =	sdelay $0x4  }
0x83: {  	[tilespmem:$0x64F0] =	vst v0;
	v0 =	vld [tilespmem:$0x1FD00];
	_ =	sdelay $0x6  }
0x84: {  	[tilespmem:s13], [sflag:$0x2] =	stream.indirect.gather [hbm4b:s5+s9], $0x40, s12, s9, $0xb8;
	[tilespmem:$0x12A00] =	vst v63  }
0x85: {  	v0 =	vld.idx.msk [tilespmem:v0+s30+$0x0], $0xffff;
	_ =	sdelay $0x4  }
0x86: {  	[tilespmem:$0x6500] =	vst v0;
	v0 =	vld [tilespmem:$0x1FD10];
	_ =	sdelay $0x7  }
0x87: {  	v0 =	vld.idx.msk [tilespmem:v0+s30+$0x0], $0xffff;
	_ =	sdelay $0x4  }
0x88: {  	[tilespmem:$0x6510] =	vst v0;
	v0 =	vld [tilespmem:$0x1FD20];
	_ =	sdelay $0x7  }
0x89: {  	v0 =	vld.idx.msk [tilespmem:v0+s30+$0x0], $0xffff;
	_ =	sdelay $0x4  }
0x8a: {  	[tilespmem:$0x6520] =	vst v0;
	v0 =	vld [tilespmem:$0x1FD30];
	_ =	sdelay $0x7  }
0x8b: {  	v0 =	vld.idx.msk [tilespmem:v0+s30+$0x0], $0xffff;
	_ =	sdelay $0x4  }
0x8c: {  	[tilespmem:$0x6530] =	vst v0;
	v0 =	vld [tilespmem:$0x1FD40];
	_ =	sdelay $0x7  }
0x8d: {  	v0 =	vld.idx.msk [tilespmem:v0+s30+$0x0], $0xffff;
	_ =	sdelay $0x4  }
0x8e: {  	[tilespmem:$0x6540] =	vst v0;
	v0 =	vld [tilespmem:$0x1FD50];
	_ =	sdelay $0x7  }
0x8f: {  	v0 =	vld.idx.msk [tilespmem:v0+s30+$0x0], $0xffff;
	_ =	sdelay $0x4  }
0x90: {  	[tilespmem:$0x6550] =	vst v0;
	v0 =	vld [tilespmem:$0x1FD60];
	_ =	sdelay $0x7  }
0x91: {  	v0 =	vld.idx.msk [tilespmem:v0+s30+$0x0], $0xffff;
	_ =	sdelay $0x4  }
0x92: {  	[tilespmem:$0x6560] =	vst v0;
	v0 =	vld [tilespmem:$0x1FD70];
	_ =	sdelay $0x7  }
0x93: {  	v0 =	vld.idx.msk [tilespmem:v0+s30+$0x0], $0xffff;
	_ =	sdelay $0x4  }
0x94: {  	[tilespmem:$0x6570] =	vst v0;
	v0 =	vld [tilespmem:$0x1FD80];
	_ =	sdelay $0x6  }
0x95: {  	[tilespmem:s15], [sflag:$0x3] =	stream.indirect.gather [hbm4b:s5+s9], $0x40, s14, s9, $0xb8;
	[tilespmem:$0x12A00] =	vst v63  }
0x96: {  	v0 =	vld.idx.msk [tilespmem:v0+s30+$0x0], $0xffff;
	_ =	sdelay $0x4  }
0x97: {  	[tilespmem:$0x6580] =	vst v0;
	v0 =	vld [tilespmem:$0x1FD90];
	_ =	sdelay $0x7  }
0x98: {  	v0 =	vld.idx.msk [tilespmem:v0+s30+$0x0], $0xffff;
	_ =	sdelay $0x4  }
0x99: {  	[tilespmem:$0x6590] =	vst v0;
	v0 =	vld [tilespmem:$0x1FDA0];
	_ =	sdelay $0x7  }
0x9a: {  	v0 =	vld.idx.msk [tilespmem:v0+s30+$0x0], $0xffff;
	_ =	sdelay $0x4  }
0x9b: {  	[tilespmem:$0x65A0] =	vst v0;
	v0 =	vld [tilespmem:$0x1FDB0];
	_ =	sdelay $0x7  }
0x9c: {  	v0 =	vld.idx.msk [tilespmem:v0+s30+$0x0], $0xffff;
	_ =	sdelay $0x4  }
0x9d: {  	[tilespmem:$0x65B0] =	vst v0;
	v0 =	vld [tilespmem:$0x1FDC0];
	_ =	sdelay $0x7  }
0x9e: {  	v0 =	vld.idx.msk [tilespmem:v0+s30+$0x0], $0xffff;
	_ =	sdelay $0x4  }
0x9f: {  	[tilespmem:$0x65C0] =	vst v0;
	v0 =	vld [tilespmem:$0x1FDD0];
	_ =	sdelay $0x7  }
0xa0: {  	v0 =	vld.idx.msk [tilespmem:v0+s30+$0x0], $0xffff;
	_ =	sdelay $0x4  }
0xa1: {  	[tilespmem:$0x65D0] =	vst v0;
	v0 =	vld [tilespmem:$0x1FDE0];
	_ =	sdelay $0x7  }
0xa2: {  	v0 =	vld.idx.msk [tilespmem:v0+s30+$0x0], $0xffff;
	_ =	sdelay $0x4  }
0xa3: {  	[tilespmem:$0x65E0] =	vst v0;
	v0 =	vld [tilespmem:$0x1FE00];
	_ =	sdelay $0x7  }
0xa4: {  	v0 =	vld.idx.msk [tilespmem:v0+s30+$0x0], $0xffff;
	_ =	sdelay $0x4  }
0xa5: {  	s31 =	simm.s32 $0x0;
	[tilespmem:$0x65F0] =	vst v0  }
0xa6: {  	[tilespmem:s17], [sflag:$0x4] =	stream.indirect.gather [hbm4b:s5+s9], $0x40, s16, s9, $0xb8;
	[tilespmem:$0x12A00] =	vst v63  }
.LBB2_3:
0xa7: {  	v0 =	vmov s30  }
0xa8: {  	s0 =	simm.s32 $0x1;
	s3 =	simm.s32 $0x2;
	s7 =	simm.s32 $0x3;
	v0 =	vshrl.u32 v0, $0x3  }
0xa9: {  	s4 =	simm.s32 $0x4;
	s8 =	simm.s32 $0x5;
	v11 =	vmov s0;
	v2 =	vmov s3;
	v3 =	vmov s7;
	s7 =	simm.s32 $0x9  }
0xaa: {  	s6 =	simm.s32 $0x8;
	_ =	swait.ge [sflag:s18], $0x2000;
	v4 =	vmov s4;
	v5 =	vmov s8;
	v9 =	vmov s7;
	s7 =	simm.s32 $0xF  }
0xab: {  	p0 =	seq.s32 s31, $0x0;
	s8 =	simm.s32 $0xA;
	[sflag:s18] =	ssyncset.done $0x0;
	v14 =	vshrl.u32 v11, $0x3;
	v11 =	vshrl.u32 v2, $0x3;
	v2 =	vmov s7  }
0xac: {  	v8 =	vmov s6;
	s4 =	simm.s32 $0xD;
	s0 =	simm.s32 @!p0 $0x5;
	v10 =	vmov s8;
	[sflag:s18] =	ssyncadd.s32 $0xFFFFE000;
	v2 =	vshrl.u32 v2, $0x3  }
0xad: {  	v0 =	vshll.u32 v0, v33;
	v17 =	vmov s4;
	_ =	swait.ge @!p0 [sflag:s0], $0x2000;
	v2 =	vshll.u32 v2, v33  }
0xae: {  	v3 =	vshrl.u32 v3, $0x3;
	v19 =	vshrl.u32 v8, $0x3;
	[sflag:s0] =	ssyncset.done @!p0 $0x0;
	v21 =	vbroadcast v2, $0x0  }
0xaf: {  	s4 =	simm.s32 $0x6800;
	v20 =	vshrl.u32 v9, $0x3;
	[sflag:s0] =	ssyncadd.s32 @!p0 $0xFFFFE000;
	v2 =	vbroadcast v0, $0x0;
	v0 =	vshll.u32 v14, v33  }
0xb0: {  	v16 =	vbroadcast v0, $0x0;
	v0 =	vshll.u32 v11, v33;
	v11 =	vld [tilespmem:s4+$0x1C0];
	v8 =	vadd.s32 v36, v21  }
0xb1: {  	v22 =	vshrl.u32 v10, $0x3;
	v9 =	vld [tilespmem:s4+$0xFFFFFE00];
	v10 =	vadd.s32 v40, v2;
	v15 =	vbroadcast v0, $0x0  }
0xb2: {  	v4 =	vshrl.u32 v4, $0x3;
	v0 =	vshll.u32 v3, v33;
	v3 =	vld [tilespmem:s4+$0xFFFFFE40];
	v23 =	vadd.s32 v58, v16  }
0xb3: {  	s26 =	simm.s32 $0x6;
	v14 =	vbroadcast v0, $0x0;
	v0 =	vshll.u32 v4, v33;
	v4 =	vld [tilespmem:s4+$0xFFFFFE80];
	v24 =	vadd.s32 v62, v15  }
0xb4: {  	v6 =	vmov s26;
	v5 =	vshrl.u32 v5, $0x3  }
0xb5: {  	s28 =	simm.s32 $0x7;
	v6 =	vshrl.u32 v6, $0x3;
	v5 =	vshll.u32 v5, v33;
	[tilespmem:v8+s19+$0x0] =	vst.idx.msk $0xffff, v11  }
0xb6: {  	v7 =	vmov s28;
	s26 =	simm.s32 $0xB;
	v61 =	vbroadcast v5, $0x0;
	v5 =	vshll.u32 v6, v33;
	[tilespmem:v10+s19+$0x0] =	vst.idx.msk $0xffff, v9  }
0xb7: {  	s28 =	simm.s32 $0xC;
	v12 =	vmov s26;
	v46 =	vbroadcast v5, $0x0;
	v6 =	vadd.s32 v37, v21;
	v5 =	vld [tilespmem:s4+$0x1D0];
	[tilespmem:v23+s19+$0x0] =	vst.idx.msk $0xffff, v3  }
0xb8: {  	v13 =	vmov s28;
	v7 =	vshrl.u32 v7, $0x3;
	v3 =	vld [tilespmem:s4+$0xFFFFFF40];
	v23 =	vadd.s32 v53, v61;
	[tilespmem:v24+s19+$0x0] =	vst.idx.msk $0xffff, v4  }
0xb9: {  	v27 =	vshrl.u32 v13, $0x3;
	v7 =	vshll.u32 v7, v33;
	v31 =	vbroadcast v0, $0x0;
	v47 =	vld [tilespmem:$0x1FE10]  }
0xba: {  	v7 =	vbroadcast v7, $0x0;
	v25 =	vld [tilespmem:s4+$0xFFFFFEC0];
	v0 =	vshrl.u32 v12, $0x3;
	v26 =	vadd.s32 v54, v14  }
0xbb: {  	v13 =	vld [tilespmem:s4+$0xFFFFFF00];
	v0 =	vshll.u32 v0, v33;
	v28 =	vadd.s32 v51, v31;
	v9 =	vshll.u32 v19, v33  }
0xbc: {  	v10 =	vbroadcast v9, $0x0;
	v9 =	vshll.u32 v20, v33;
	v20 =	vld [tilespmem:s4+$0xFFFFFFC0];
	v24 =	vadd.s32 v36, v7;
	[tilespmem:v6+s19+$0x0] =	vst.idx.msk $0xffff, v5  }
0xbd: {  	[tilespmem:v23+s19+$0x0] =	vst.idx.msk $0xffff, v3;
	v3 =	vbroadcast v0, $0x0;
	v0 =	vshll.u32 v27, v33;
	v27 =	vadd.s32 v38, v21;
	v23 =	vld [tilespmem:s4+$0x1E0]  }
0xbe: {  	v4 =	vld [tilespmem:s4+$0xFFFFFF80];
	v19 =	vadd.s32 v47, v46  }
0xbf: {  	[tilespmem:v26+s19+$0x0] =	vst.idx.msk $0xffff, v25  }
0xc0: {  	v63 =	vbroadcast v9, $0x0;
	v9 =	vshrl.u32 v17, $0x3;
	v17 =	vld [tilespmem:s4+$0x0];
	v25 =	vadd.s32 v40, v10;
	[tilespmem:v28+s19+$0x0] =	vst.idx.msk $0xffff, v13  }
0xc1: {  	v13 =	vshll.u32 v22, v33;
	[tilespmem:v24+s19+$0x0] =	vst.idx.msk $0xffff, v20;
	v20 =	vld [tilespmem:s4+$0xC0];
	v24 =	vadd.s32 v54, v3  }
0xc2: {  	s6 =	simm.s32 $0xE;
	v22 =	vld [tilespmem:s4+$0x40];
	v26 =	vadd.s32 v58, v63;
	v30 =	vbroadcast v13, $0x0;
	[tilespmem:v27+s19+$0x0] =	vst.idx.msk $0xffff, v23  }
0xc3: {  	v18 =	vmov s6;
	v23 =	vld [tilespmem:s4+$0xFFFFFE50];
	v27 =	vadd.s32 v39, v16;
	[tilespmem:v19+s19+$0x0] =	vst.idx.msk $0xffff, v4;
	v4 =	vbroadcast v0, $0x0  }
0xc4: {  	v18 =	vshrl.u32 v18, $0x3;
	v28 =	vadd.s32 v62, v30;
	v19 =	vld [tilespmem:s4+$0x80];
	v0 =	vshll.u32 v9, v33  }
0xc5: {  	[tilespmem:v25+s19+$0x0] =	vst.idx.msk $0xffff, v17;
	v17 =	vld [tilespmem:s4+$0x100];
	v5 =	vbroadcast v0, $0x0;
	v0 =	vshll.u32 v18, v33;
	v18 =	vadd.s32 v51, v4  }
0xc6: {  	[tilespmem:v24+s19+$0x0] =	vst.idx.msk $0xffff, v20;
	v20 =	vld [tilespmem:s4+$0xFFFFFE90];
	v24 =	vadd.s32 v55, v15;
	v6 =	vbroadcast v0, $0x0  }
0xc7: {  	[tilespmem:v26+s19+$0x0] =	vst.idx.msk $0xffff, v22;
	v0 =	vld [tilespmem:s4+$0x140];
	v22 =	vadd.s32 v53, v5  }
0xc8: {  	v8 =	vadd.s32 $0x1987, v40;
	v25 =	vld [tilespmem:s4+$0x180];
	v26 =	vadd.s32 v47, v6;
	[tilespmem:v27+s19+$0x0] =	vst.idx.msk $0xffff, v23  }
0xc9: {  	v21 =	vadd.s32 v8, v21;
	[tilespmem:v28+s19+$0x0] =	vst.idx.msk $0xffff, v19;
	v19 =	vld [tilespmem:s4+$0x1F0]  }
0xca: {  	[tilespmem:v18+s19+$0x0] =	vst.idx.msk $0xffff, v17;
	v17 =	vld [tilespmem:s4+$0xFFFFFED0];
	v18 =	vadd.s32 v50, v14  }
0xcb: {  	[tilespmem:v24+s19+$0x0] =	vst.idx.msk $0xffff, v20  }
0xcc: {  	[tilespmem:v22+s19+$0x0] =	vst.idx.msk $0xffff, v0;
	v0 =	vld [tilespmem:s4+$0xFFFFFF10];
	v22 =	vadd.s32 v48, v31  }
0xcd: {  	v20 =	vld [tilespmem:s4+$0xFFFFFFD0];
	[tilespmem:v26+s19+$0x0] =	vst.idx.msk $0xffff, v25  }
0xce: {  	v25 =	vld [tilespmem:s4+$0xFFFFFF50];
	v26 =	vadd.s32 v1, v61;
	[tilespmem:v21+s19+$0x0] =	vst.idx.msk $0xffff, v19  }
0xcf: {  	v19 =	vld [tilespmem:s4+$0xFFFFFF90];
	v21 =	vadd.s32 v34, v46;
	[tilespmem:v18+s19+$0x0] =	vst.idx.msk $0xffff, v17  }
0xd0: {  	v23 =	vadd.s32 v37, v7;
	v17 =	vld [tilespmem:s4+$0x10];
	[tilespmem:$0x1FBD0] =	vst v10  }
0xd1: {  	v18 =	vadd.s32 v41, v10;
	[tilespmem:v22+s19+$0x0] =	vst.idx.msk $0xffff, v0  }
0xd2: {  	v0 =	vld [tilespmem:s4+$0x50];
	v22 =	vadd.s32 v39, v63;
	[tilespmem:$0x1FBF0] =	vst v63  }
0xd3: {  	[tilespmem:v26+s19+$0x0] =	vst.idx.msk $0xffff, v25;
	v24 =	vld [tilespmem:s4+$0x90];
	v25 =	vadd.s32 v55, v30  }
0xd4: {  	[tilespmem:v21+s19+$0x0] =	vst.idx.msk $0xffff, v19;
	v19 =	vld [tilespmem:s4+$0xD0];
	v21 =	vadd.s32 v50, v3  }
0xd5: {  	[tilespmem:v23+s19+$0x0] =	vst.idx.msk $0xffff, v20;
	v20 =	vld [tilespmem:s4+$0x110];
	v23 =	vadd.s32 v48, v4  }
0xd6: {  	v27 =	vadd.s32 v41, v2;
	v26 =	vld [tilespmem:s4+$0xFFFFFE10];
	[tilespmem:v18+s19+$0x0] =	vst.idx.msk $0xffff, v17  }
0xd7: {  	v17 =	vld [tilespmem:s4+$0x150];
	v18 =	vadd.s32 v1, v5;
	[tilespmem:v22+s19+$0x0] =	vst.idx.msk $0xffff, v0  }
0xd8: {  	v0 =	vld [tilespmem:s4+$0x190];
	v22 =	vadd.s32 v34, v6;
	[tilespmem:v25+s19+$0x0] =	vst.idx.msk $0xffff, v24  }
0xd9: {  	v24 =	vld [tilespmem:s4+$0xFFFFFE60];
	v25 =	vadd.s32 v60, v16;
	[tilespmem:v21+s19+$0x0] =	vst.idx.msk $0xffff, v19  }
0xda: {  	v19 =	vld [tilespmem:s4+$0xFFFFFEA0];
	v21 =	vadd.s32 v43, v15;
	[tilespmem:v23+s19+$0x0] =	vst.idx.msk $0xffff, v20  }
0xdb: {  	v20 =	vld [tilespmem:s4+$0xFFFFFEE0];
	v23 =	vadd.s32 v59, v14;
	[tilespmem:v27+s19+$0x0] =	vst.idx.msk $0xffff, v26  }
0xdc: {  	[tilespmem:v18+s19+$0x0] =	vst.idx.msk $0xffff, v17;
	v17 =	vld [tilespmem:s4+$0xFFFFFF20];
	v18 =	vadd.s32 v45, v31  }
0xdd: {  	[tilespmem:v22+s19+$0x0] =	vst.idx.msk $0xffff, v0;
	v0 =	vld [tilespmem:s4+$0xFFFFFF60];
	v22 =	vadd.s32 v57, v61  }
0xde: {  	[tilespmem:v25+s19+$0x0] =	vst.idx.msk $0xffff, v24;
	v24 =	vld [tilespmem:s4+$0xFFFFFFA0];
	v25 =	vadd.s32 v35, v46  }
0xdf: {  	[tilespmem:v21+s19+$0x0] =	vst.idx.msk $0xffff, v19;
	v19 =	vld [tilespmem:s4+$0xFFFFFFE0];
	v21 =	vadd.s32 v38, v7  }
0xe0: {  	[tilespmem:v23+s19+$0x0] =	vst.idx.msk $0xffff, v20;
	v20 =	vld [tilespmem:s4+$0x20];
	v23 =	vadd.s32 v32, v10  }
0xe1: {  	[tilespmem:v18+s19+$0x0] =	vst.idx.msk $0xffff, v17;
	v17 =	vld [tilespmem:s4+$0x60];
	v18 =	vadd.s32 v60, v63  }
0xe2: {  	[tilespmem:v22+s19+$0x0] =	vst.idx.msk $0xffff, v0  }
0xe3: {  	v0 =	vld [tilespmem:s4+$0xA0];
	v22 =	vadd.s32 v43, v30;
	[tilespmem:v25+s19+$0x0] =	vst.idx.msk $0xffff, v24  }
0xe4: {  	v24 =	vld [tilespmem:s4+$0xE0];
	[tilespmem:v21+s19+$0x0] =	vst.idx.msk $0xffff, v19  }
0xe5: {  	v19 =	vld [tilespmem:s4+$0x120];
	[tilespmem:v23+s19+$0x0] =	vst.idx.msk $0xffff, v20  }
0xe6: {  	v25 =	vadd.s32 v59, v3;
	v20 =	vld [tilespmem:s4+$0x160];
	[tilespmem:v18+s19+$0x0] =	vst.idx.msk $0xffff, v17  }
0xe7: {  	s26 =	simm.s32 $0x11;
	v17 =	vld [tilespmem:s4+$0x1A0];
	[tilespmem:$0x1FBA0] =	vst v8  }
0xe8: {  	s28 =	simm.s32 $0x12;
	v21 =	vadd.s32 v45, v4;
	[tilespmem:v22+s19+$0x0] =	vst.idx.msk $0xffff, v0;
	v0 =	vmov s26  }
0xe9: {  	v27 =	vld [tilespmem:s4+$0xFFFFFE20];
	[tilespmem:$0x1FBB0] =	vst v0;
	v0 =	vmov s28  }
0xea: {  	s6 =	simm.s32 $0x14;
	v23 =	vadd.s32 v57, v5;
	[tilespmem:$0x1FBC0] =	vst v0  }
0xeb: {  	v18 =	vadd.s32 v35, v6;
	v0 =	vmov s6;
	[tilespmem:v25+s19+$0x0] =	vst.idx.msk $0xffff, v24  }
0xec: {  	s7 =	simm.s32 $0x15;
	v28 =	vadd.s32 v32, v2;
	v29 =	vld [tilespmem:s4+$0xFFFFFE70];
	[tilespmem:$0x1FBE0] =	vst v0  }
0xed: {  	v16 =	vadd.s32 v42, v16;
	v0 =	vmov s7;
	[tilespmem:v21+s19+$0x0] =	vst.idx.msk $0xffff, v19  }
0xee: {  	v63 =	vmovc v55;
	v55 =	vmov v54;
	v54 =	vmov v32;
	v32 =	vadd.s32 v44, v15;
	v25 =	vld [tilespmem:s4+$0xFFFFFEB0];
	[tilespmem:$0x1FC00] =	vst v0  }
0xef: {  	v0 =	vadd.s32 v49, v14;
	v12 =	vld [tilespmem:s4+$0xFFFFFEF0];
	[tilespmem:v23+s19+$0x0] =	vst.idx.msk $0xffff, v20  }
0xf0: {  	[tilespmem:v18+s19+$0x0] =	vst.idx.msk $0xffff, v17  }
0xf1: {  	[tilespmem:v28+s19+$0x0] =	vst.idx.msk $0xffff, v27  }
0xf2: {  	[tilespmem:v16+s19+$0x0] =	vst.idx.msk $0xffff, v29  }
0xf3: {  	v9 =	vadd.s32 v56, v61;
	v61 =	vld [tilespmem:$0x1FEE0];
	[tilespmem:v32+s19+$0x0] =	vst.idx.msk $0xffff, v25  }
0xf4: {  	[tilespmem:v0+s19+$0x0] =	vst.idx.msk $0xffff, v12  }
0xf5: {  	v0 =	vld [tilespmem:$0x1FBB0];
	_ =	sdelay $0x1  }
0xf6: {  	s8 =	simm.s32 $0x10  }
0xf7: {  	v26 =	vmov s8  }
0xf8: {  	v26 =	vshrl.u32 v26, $0x3;
	v7 =	vadd.s32 v8, v7;
	v11 =	vld [tilespmem:s4+$0xFFFFFF30]  }
0xf9: {  	v8 =	vadd.s32 v52, v31;
	v23 =	vshll.u32 v26, v33;
	v26 =	vshrl.u32 v0, $0x3;
	v0 =	vld [tilespmem:$0x1FBC0];
	_ =	sdelay $0x1  }
0xfa: {  	v10 =	vld [tilespmem:s4+$0xFFFFFF70];
	_ =	sdelay $0x1  }
0xfb: {  	v12 =	vld [tilespmem:$0x1FBD0]  }
0xfc: {  	v25 =	vshrl.u32 v0, $0x3;
	v0 =	vld [tilespmem:$0x1FE30];
	[tilespmem:v8+s19+$0x0] =	vst.idx.msk $0xffff, v11  }
0xfd: {  	s3 =	simm.s32 $0x13;
	v8 =	vld [tilespmem:$0x1FBE0]  }
0xfe: {  	s8 =	simm.s32 $0x16;
	v22 =	vmov s3;
	v11 =	vld [tilespmem:$0x1FBF0];
	[tilespmem:v9+s19+$0x0] =	vst.idx.msk $0xffff, v10  }
0xff: {  	v13 =	vmov s8;
	s26 =	simm.s32 $0x17;
	s3 =	simm.s32 $0x19;
	s28 =	simm.s32 $0x18;
	v22 =	vshrl.u32 v22, $0x3;
	v9 =	vld [tilespmem:$0x1FC00]  }
0x100: {  	s8 =	simm.s32 $0x1C;
	v15 =	vmov s28;
	s6 =	simm.s32 $0x1A;
	v24 =	vmov s26;
	v21 =	vmov s3;
	v27 =	vld [tilespmem:s4+$0xFFFFFFB0]  }
0x101: {  	s28 =	simm.s32 $0x1E;
	s26 =	simm.s32 $0x1D;
	s7 =	simm.s32 $0x1B;
	v19 =	vmov s8;
	v14 =	vmov s6;
	v28 =	vld [tilespmem:s4+$0x30];
	v31 =	vadd.s32 v61, v46  }
0x102: {  	v20 =	vmov s7;
	v18 =	vmov s26;
	v17 =	vmov s28;
	v32 =	vld [tilespmem:s4+$0xFFFFFFF0]  }
0x103: {  	v29 =	vld [tilespmem:s4+$0x70];
	v0 =	vadd.s32 v0, v12;
	v8 =	vshrl.u32 v8, $0x3;
	v12 =	vadd.s32 v42, v11  }
0x104: {  	s0 =	sshll.u32 s31, $0x2;
	s3 =	simm.s32 $0x1F;
	s7 =	simm.s32 $0x20;
	v10 =	vld [tilespmem:s4+$0xB0];
	v11 =	vshrl.u32 v9, $0x3;
	v9 =	vshrl.u32 v13, $0x3;
	v13 =	vadd.s32 v44, v30  }
.LBB2_4:
0x105: {  	v46 =	vld [tilespmem:$0x1FE30]  }
0x106: {  	v16 =	vshrl.u32 v24, $0x3;
	v24 =	vmov s3;
	v3 =	vadd.s32 v49, v3;
	[tilespmem:v31+s19+$0x0] =	vst.idx.msk $0xffff, v27;
	v27 =	vld [tilespmem:s4+$0xF0]  }
0x107: {  	v4 =	vadd.s32 v52, v4;
	v31 =	vshrl.u32 v15, $0x3;
	v15 =	vshrl.u32 v24, $0x3;
	[tilespmem:v7+s19+$0x0] =	vst.idx.msk $0xffff, v32;
	v7 =	vld [tilespmem:s4+$0x130]  }
0x108: {  	v5 =	vadd.s32 v56, v5;
	[tilespmem:v0+s19+$0x0] =	vst.idx.msk $0xffff, v28;
	v0 =	vld [tilespmem:s4+$0x170];
	v15 =	vshll.u32 v15, v33  }
0x109: {  	v6 =	vadd.s32 v61, v6;
	v24 =	vshrl.u32 v14, $0x3;
	[tilespmem:v12+s19+$0x0] =	vst.idx.msk $0xffff, v29;
	v12 =	vld [tilespmem:s4+$0x1B0];
	v28 =	vbroadcast v15, $0x0  }
0x10a: {  	v14 =	vshll.u32 v26, v33;
	v26 =	vld [tilespmem:s4+$0xFFFFFE30];
	[tilespmem:v13+s19+$0x0] =	vst.idx.msk $0xffff, v10;
	s4 =	sadd.s32 $0x400, s4;
	v29 =	vadd.s32 v46, v2;
	v2 =	vbroadcast v23, $0x0  }
0x10b: {  	v10 =	vshll.u32 v25, v33;
	v14 =	vbroadcast v14, $0x0;
	v23 =	vld [tilespmem:s4+$0x1C0];
	v25 =	vadd.s32 v36, v28;
	[tilespmem:v3+s19+$0x0] =	vst.idx.msk $0xffff, v27  }
0x10c: {  	v15 =	vbroadcast v10, $0x0;
	v10 =	vshll.u32 v22, v33;
	v3 =	vld [tilespmem:s4+$0xFFFFFE00];
	v27 =	vadd.s32 v40, v2;
	[tilespmem:v4+s19+$0x0] =	vst.idx.msk $0xffff, v7  }
0x10d: {  	v8 =	vshll.u32 v8, v33;
	v10 =	vbroadcast v10, $0x0;
	v4 =	vld [tilespmem:s4+$0xFFFFFE40];
	v7 =	vadd.s32 v58, v14;
	[tilespmem:v5+s19+$0x0] =	vst.idx.msk $0xffff, v0  }
0x10e: {  	v11 =	vshll.u32 v11, v33;
	v8 =	vbroadcast v8, $0x0;
	v0 =	vld [tilespmem:s4+$0xFFFFFE80];
	v5 =	vadd.s32 v62, v15;
	[tilespmem:v6+s19+$0x0] =	vst.idx.msk $0xffff, v12  }
0x10f: {  	v21 =	vshrl.u32 v21, $0x3;
	v9 =	vshll.u32 v9, v33;
	v6 =	vld [tilespmem:s4+$0xFFFFFEC0];
	v12 =	vadd.s32 v55, v10;
	[tilespmem:v29+s19+$0x0] =	vst.idx.msk $0xffff, v26  }
0x110: {  	v9 =	vbroadcast v9, $0x0;
	v13 =	vbroadcast v11, $0x0;
	v26 =	vld [tilespmem:s4+$0xFFFFFF00];
	v29 =	vadd.s32 v51, v8;
	[tilespmem:v25+s19+$0x0] =	vst.idx.msk $0xffff, v23  }
0x111: {  	v22 =	vshrl.u32 v19, $0x3;
	v25 =	vadd.s32 v37, v28;
	[tilespmem:v27+s19+$0x0] =	vst.idx.msk $0xffff, v3;
	v3 =	vshll.u32 v16, v33;
	v23 =	vld [tilespmem:s4+$0x1D0]  }
0x112: {  	[tilespmem:v7+s19+$0x0] =	vst.idx.msk $0xffff, v4;
	v4 =	vld [tilespmem:s4+$0xFFFFFF40];
	v7 =	vadd.s32 v53, v13;
	v19 =	vbroadcast v3, $0x0;
	v3 =	vshll.u32 v31, v33  }
0x113: {  	[tilespmem:v5+s19+$0x0] =	vst.idx.msk $0xffff, v0;
	v0 =	vld [tilespmem:s4+$0xFFFFFF80];
	v5 =	vadd.s32 v47, v9;
	v11 =	vbroadcast v3, $0x0;
	v3 =	vshll.u32 v21, v33  }
0x114: {  	[tilespmem:v12+s19+$0x0] =	vst.idx.msk $0xffff, v6;
	v6 =	vld [tilespmem:s4+$0xFFFFFFC0];
	v21 =	vadd.s32 v36, v19;
	v12 =	vbroadcast v3, $0x0  }
0x115: {  	v20 =	vshrl.u32 v20, $0x3;
	v18 =	vshrl.u32 v18, $0x3;
	[tilespmem:v29+s19+$0x0] =	vst.idx.msk $0xffff, v26;
	v26 =	vld [tilespmem:s4+$0x0];
	v3 =	vshll.u32 v24, v33  }
0x116: {  	v24 =	vld [tilespmem:s4+$0x40];
	v16 =	vbroadcast v3, $0x0;
	v3 =	vshll.u32 v20, v33;
	v29 =	vadd.s32 v58, v12;
	[tilespmem:v25+s19+$0x0] =	vst.idx.msk $0xffff, v23  }
0x117: {  	v20 =	vadd.s32 v38, v28;
	[tilespmem:v7+s19+$0x0] =	vst.idx.msk $0xffff, v4;
	v3 =	vbroadcast v3, $0x0;
	v4 =	vshll.u32 v22, v33;
	v7 =	vld [tilespmem:s4+$0x1E0]  }
0x118: {  	v27 =	vadd.s32 v40, v11;
	[tilespmem:v5+s19+$0x0] =	vst.idx.msk $0xffff, v0;
	v0 =	vld [tilespmem:s4+$0x80];
	v5 =	vshll.u32 v18, v33;
	v4 =	vbroadcast v4, $0x0  }
0x119: {  	v17 =	vshrl.u32 v17, $0x3;
	v18 =	vld [tilespmem:s4+$0xC0];
	v5 =	vbroadcast v5, $0x0;
	[tilespmem:v21+s19+$0x0] =	vst.idx.msk $0xffff, v6;
	v21 =	vadd.s32 v55, v3  }
0x11a: {  	v6 =	vshll.u32 v17, v33;
	v17 =	vld [tilespmem:s4+$0x100];
	v23 =	vadd.s32 v51, v4  }
0x11b: {  	v25 =	vadd.s32 v53, v5;
	v6 =	vbroadcast v6, $0x0;
	[tilespmem:v29+s19+$0x0] =	vst.idx.msk $0xffff, v24;
	v24 =	vld [tilespmem:s4+$0x140]  }
0x11c: {  	v22 =	vadd.s32 v62, v16;
	[tilespmem:v20+s19+$0x0] =	vst.idx.msk $0xffff, v7;
	v20 =	vld [tilespmem:$0x1FBA0]  }
0x11d: {  	[tilespmem:v27+s19+$0x0] =	vst.idx.msk $0xffff, v26;
	v26 =	vld [tilespmem:s4+$0x180];
	v27 =	vadd.s32 v47, v6  }
0x11e: {  	[tilespmem:v21+s19+$0x0] =	vst.idx.msk $0xffff, v18;
	v18 =	vld [tilespmem:s4+$0xFFFFFE90];
	v21 =	vadd.s32 v63, v15  }
0x11f: {  	[tilespmem:v23+s19+$0x0] =	vst.idx.msk $0xffff, v17;
	v17 =	vld [tilespmem:s4+$0xFFFFFED0];
	v23 =	vadd.s32 v50, v10  }
0x120: {  	[tilespmem:v25+s19+$0x0] =	vst.idx.msk $0xffff, v24;
	v24 =	vld [tilespmem:s4+$0xFFFFFF10];
	v25 =	vadd.s32 v48, v8  }
0x121: {  	[tilespmem:v22+s19+$0x0] =	vst.idx.msk $0xffff, v0;
	v0 =	vld [tilespmem:s4+$0x1F0];
	v7 =	vadd.s32 v20, v19;
	v20 =	vadd.s32 v20, v28  }
0x122: {  	v22 =	vld [tilespmem:s4+$0xFFFFFE50];
	v28 =	vadd.s32 v39, v14;
	[tilespmem:v27+s19+$0x0] =	vst.idx.msk $0xffff, v26  }
0x123: {  	v26 =	vld [tilespmem:s4+$0xFFFFFF50];
	v27 =	vadd.s32 v1, v13;
	[tilespmem:v21+s19+$0x0] =	vst.idx.msk $0xffff, v18  }
0x124: {  	v18 =	vld [tilespmem:s4+$0xFFFFFFD0];
	v21 =	vadd.s32 v37, v19;
	[tilespmem:v23+s19+$0x0] =	vst.idx.msk $0xffff, v17  }
0x125: {  	v23 =	vld [tilespmem:s4+$0x50];
	[tilespmem:v25+s19+$0x0] =	vst.idx.msk $0xffff, v24;
	v24 =	vadd.s32 v39, v12  }
0x126: {  	[tilespmem:v20+s19+$0x0] =	vst.idx.msk $0xffff, v0;
	v0 =	vld [tilespmem:s4+$0xFFFFFF90];
	v20 =	vadd.s32 v34, v9  }
0x127: {  	v17 =	vld [tilespmem:s4+$0x10];
	[tilespmem:v28+s19+$0x0] =	vst.idx.msk $0xffff, v22;
	v22 =	vadd.s32 v41, v11  }
0x128: {  	v25 =	vld [tilespmem:s4+$0x90];
	[tilespmem:v27+s19+$0x0] =	vst.idx.msk $0xffff, v26;
	v26 =	vadd.s32 v63, v16  }
0x129: {  	v27 =	vld [tilespmem:s4+$0xFFFFFE10];
	v28 =	vadd.s32 v41, v2;
	[tilespmem:v21+s19+$0x0] =	vst.idx.msk $0xffff, v18  }
0x12a: {  	v18 =	vld [tilespmem:s4+$0x110];
	[tilespmem:v24+s19+$0x0] =	vst.idx.msk $0xffff, v23  }
0x12b: {  	v21 =	vadd.s32 v48, v4;
	v23 =	vld [tilespmem:s4+$0x190];
	[tilespmem:v20+s19+$0x0] =	vst.idx.msk $0xffff, v0  }
0x12c: {  	v24 =	vadd.s32 v34, v6;
	v0 =	vld [tilespmem:s4+$0xD0];
	[tilespmem:v22+s19+$0x0] =	vst.idx.msk $0xffff, v17  }
0x12d: {  	v20 =	vadd.s32 v50, v3;
	v17 =	vld [tilespmem:s4+$0x150];
	[tilespmem:v26+s19+$0x0] =	vst.idx.msk $0xffff, v25  }
0x12e: {  	v22 =	vadd.s32 v1, v5;
	v25 =	vld [tilespmem:s4+$0xFFFFFE60];
	[tilespmem:v28+s19+$0x0] =	vst.idx.msk $0xffff, v27  }
0x12f: {  	v26 =	vadd.s32 v60, v14;
	v27 =	vld [tilespmem:s4+$0xFFFFFE20]  }
0x130: {  	[tilespmem:v21+s19+$0x0] =	vst.idx.msk $0xffff, v18;
	v18 =	vld [tilespmem:s4+$0xFFFFFEE0];
	v21 =	vadd.s32 v59, v10  }
0x131: {  	[tilespmem:v24+s19+$0x0] =	vst.idx.msk $0xffff, v23;
	v23 =	vld [tilespmem:s4+$0xFFFFFF60];
	v24 =	vadd.s32 v57, v13  }
0x132: {  	[tilespmem:v20+s19+$0x0] =	vst.idx.msk $0xffff, v0;
	v0 =	vld [tilespmem:s4+$0xFFFFFEA0];
	v20 =	vadd.s32 v43, v15  }
0x133: {  	[tilespmem:v22+s19+$0x0] =	vst.idx.msk $0xffff, v17;
	v17 =	vld [tilespmem:s4+$0xFFFFFF20];
	v22 =	vadd.s32 v45, v8  }
0x134: {  	[tilespmem:v26+s19+$0x0] =	vst.idx.msk $0xffff, v25;
	v25 =	vld [tilespmem:s4+$0xFFFFFFA0]  }
0x135: {  	v26 =	vadd.s32 v35, v9;
	[tilespmem:v21+s19+$0x0] =	vst.idx.msk $0xffff, v18;
	v18 =	vld [tilespmem:s4+$0x20]  }
0x136: {  	v28 =	vadd.s32 v54, v2;
	[tilespmem:v24+s19+$0x0] =	vst.idx.msk $0xffff, v23;
	v24 =	vld [tilespmem:s4+$0xE0]  }
0x137: {  	v19 =	vadd.s32 v38, v19;
	[tilespmem:v20+s19+$0x0] =	vst.idx.msk $0xffff, v0;
	v0 =	vld [tilespmem:s4+$0xFFFFFFE0]  }
0x138: {  	v20 =	vadd.s32 v54, v11;
	[tilespmem:v22+s19+$0x0] =	vst.idx.msk $0xffff, v17;
	v17 =	vld [tilespmem:s4+$0x60]  }
0x139: {  	v21 =	vadd.s32 v60, v12;
	v22 =	vld [tilespmem:s4+$0xA0]  }
0x13a: {  	v31 =	vadd.s32 v42, v14;
	v42 =	vmov v37;
	v23 =	vadd.s32 v43, v16;
	[tilespmem:v26+s19+$0x0] =	vst.idx.msk $0xffff, v25;
	v37 =	vld [tilespmem:s4+$0xFFFFFF30]  }
0x13b: {  	[tilespmem:v28+s19+$0x0] =	vst.idx.msk $0xffff, v27;
	v25 =	vadd.s32 v59, v3;
	v27 =	vld [tilespmem:s4+$0xFFFFFFB0]  }
0x13c: {  	[tilespmem:v19+s19+$0x0] =	vst.idx.msk $0xffff, v0;
	v0 =	vld [tilespmem:s4+$0x120]  }
0x13d: {  	[tilespmem:v20+s19+$0x0] =	vst.idx.msk $0xffff, v18;
	v18 =	vld [tilespmem:s4+$0x160]  }
0x13e: {  	v53 =	vmov v38;
	v38 =	vadd.s32 v52, v8;
	[tilespmem:v21+s19+$0x0] =	vst.idx.msk $0xffff, v17;
	v17 =	vld [tilespmem:s4+$0x1A0]  }
0x13f: {  	v19 =	vadd.s32 v45, v4;
	[tilespmem:v23+s19+$0x0] =	vst.idx.msk $0xffff, v22;
	v23 =	vld [tilespmem:s4+$0xFFFFFE70]  }
0x140: {  	v20 =	vadd.s32 v57, v5;
	[tilespmem:v25+s19+$0x0] =	vst.idx.msk $0xffff, v24;
	v25 =	vld [tilespmem:s4+$0xFFFFFEB0]  }
0x141: {  	s8 =	sadd.s32 $0x4, s7;
	v21 =	vadd.s32 v35, v6;
	v57 =	vmov v39;
	v39 =	vld [tilespmem:s4+$0xFFFFFF70]  }
0x142: {  	s6 =	sadd.s32 $0x2, s7;
	v32 =	vadd.s32 v44, v15;
	v45 =	vmov v34;
	v34 =	vmov s8;
	v28 =	vld [tilespmem:s4+$0x30]  }
0x143: {  	v29 =	vmov s6;
	s6 =	sadd.s32 $0x3, s7;
	[tilespmem:v38+s19+$0x0] =	vst.idx.msk $0xffff, v37;
	v38 =	vmov v53;
	v53 =	vld [tilespmem:$0x1FEC0]  }
0x144: {  	s28 =	sadd.s32 $0x1, s7;
	s26 =	sadd.s32 $0x5, s7;
	v30 =	vmov s6;
	v13 =	vadd.s32 v56, v13;
	v26 =	vmov s7;
	v37 =	vmovc v42;
	v42 =	vld [tilespmem:$0x1FF10];
	[tilespmem:v19+s19+$0x0] =	vst.idx.msk $0xffff, v0  }
0x145: {  	v47 =	vmovc v35;
	s6 =	sadd.s32 $0x7, s7;
	v22 =	vmov s28;
	s28 =	sadd.s32 $0x6, s7;
	v35 =	vmov s26;
	v8 =	vshrl.u32 v34, $0x3;
	v34 =	vmovc v45;
	v45 =	vld [tilespmem:$0x1FEB0];
	[tilespmem:v20+s19+$0x0] =	vst.idx.msk $0xffff, v18  }
0x146: {  	v51 =	vmovc v36;
	v10 =	vadd.s32 v49, v10;
	s8 =	sadd.s32 $0x8, s7;
	v24 =	vmov s6;
	v36 =	vmov s28;
	s28 =	sadd.s32 $0xA, s7;
	v0 =	vld [tilespmem:s4+$0xFFFFFEF0];
	[tilespmem:v21+s19+$0x0] =	vst.idx.msk $0xffff, v17  }
0x147: {  	p1 =	slt.u32 s7, $0x70;
	v26 =	vshrl.u32 v26, $0x3;
	s26 =	sadd.s32 $0x9, s7;
	s6 =	sadd.s32 $0xB, s7;
	v15 =	vmov s8;
	v14 =	vmov s28;
	[tilespmem:v32+s19+$0x0] =	vst.idx.msk $0xffff, v25;
	v32 =	vld [tilespmem:s4+$0xFFFFFFF0]  }
.Ltmp4:
0x148: {  	s8 =	sadd.s32 $0xC, s7;
	v21 =	vmov s26;
	v20 =	vmov s6;
	[tilespmem:v31+s19+$0x0] =	vst.idx.msk $0xffff, v23;
	v25 =	vshrl.u32 v29, $0x3;
	v29 =	vld [tilespmem:s4+$0x70];
	(pc) =	sbr.rel @p1 .LBB2_4-.Ltmp4, $4  }
0x149: {  	s28 =	sadd.s32 $0xE, s7;
	v19 =	vmov s8;
	v31 =	vadd.s32 v61, v9;
	v23 =	vshll.u32 v26, v33;
	[tilespmem:v13+s19+$0x0] =	vst.idx.msk $0xffff, v39;
	v39 =	vmovc v57;
	v57 =	vld [tilespmem:$0x1FED0]  }
0x14a: {  	v17 =	vmov s28;
	v26 =	vshrl.u32 v22, $0x3;
	v9 =	vshrl.u32 v36, $0x3;
	v36 =	vmovc v51;
	v51 =	vld [tilespmem:$0x1FEA0]  }
0x14b: {  	s26 =	sadd.s32 $0xD, s7;
	v22 =	vshrl.u32 v30, $0x3;
	[tilespmem:v10+s19+$0x0] =	vst.idx.msk $0xffff, v0;
	v0 =	vadd.s32 v46, v11;
	v11 =	vshrl.u32 v35, $0x3;
	v35 =	vmovc v47;
	v47 =	vld [tilespmem:$0x1FE10]  }
0x14c: {  	s3 =	sadd.s32 $0xF, s7;
	s7 =	sadd.s32 $0x10, s7;
	v13 =	vadd.s32 v44, v16;
	v18 =	vmov s26;
	v12 =	vadd.s32 v42, v12;
	v10 =	vld [tilespmem:s4+$0xB0]  }
0x14d: {  	_ =	sdelay $0x3  }
0x14e: {  	[tilespmem:v31+s19+$0x0] =	vst.idx.msk $0xffff, v27  }
0x14f: {  	[tilespmem:v7+s19+$0x0] =	vst.idx.msk $0xffff, v32  }
0x150: {  	[tilespmem:v0+s19+$0x0] =	vst.idx.msk $0xffff, v28  }
0x151: {  	v46 =	vmov s3;
	v27 =	vld [tilespmem:s4+$0xF0];
	[tilespmem:v12+s19+$0x0] =	vst.idx.msk $0xffff, v29  }
0x152: {  	v30 =	vadd.s32 v49, v3;
	v46 =	vshrl.u32 v46, $0x3;
	v32 =	vld [tilespmem:$0x1FE30]  }
0x153: {  	v16 =	vshrl.u32 v24, $0x3;
	v7 =	vld [tilespmem:s4+$0x130];
	v24 =	vadd.s32 v52, v4;
	v3 =	vshll.u32 v46, v33  }
0x154: {  	v0 =	vld [tilespmem:s4+$0x170];
	v28 =	vadd.s32 v56, v5;
	v31 =	vbroadcast v3, $0x0  }
0x155: {  	v15 =	vshrl.u32 v15, $0x3;
	v12 =	vld [tilespmem:s4+$0x1B0];
	v29 =	vadd.s32 v61, v6;
	s3 =	sadd.s32 $0x400, s4  }
0x156: {  	v46 =	vshll.u32 v26, v33;
	v3 =	vbroadcast v23, $0x0;
	[tilespmem:v13+s19+$0x0] =	vst.idx.msk $0xffff, v10;
	v10 =	vld [tilespmem:s3+$0x1C0];
	v13 =	vadd.s32 v36, v31  }
0x157: {  	v23 =	vld [tilespmem:s4+$0xFFFFFE30];
	[tilespmem:v30+s19+$0x0] =	vst.idx.msk $0xffff, v27;
	v26 =	vadd.s32 v32, v2;
	v2 =	vbroadcast v46, $0x0;
	v46 =	vshll.u32 v25, v33  }
0x158: {  	v27 =	vadd.s32 v40, v3;
	[tilespmem:v24+s19+$0x0] =	vst.idx.msk $0xffff, v7;
	v25 =	vld [tilespmem:s3+$0xFFFFFE00];
	v4 =	vbroadcast v46, $0x0;
	v46 =	vshll.u32 v22, v33  }
0x159: {  	[tilespmem:v28+s19+$0x0] =	vst.idx.msk $0xffff, v0;
	v22 =	vld [tilespmem:s3+$0xFFFFFE40];
	v24 =	vadd.s32 v58, v2;
	v5 =	vbroadcast v46, $0x0;
	v46 =	vshll.u32 v8, v33  }
0x15a: {  	v21 =	vshrl.u32 v21, $0x3;
	v0 =	vld [tilespmem:s3+$0xFFFFFE80];
	[tilespmem:v29+s19+$0x0] =	vst.idx.msk $0xffff, v12;
	v28 =	vadd.s32 v62, v4;
	v6 =	vbroadcast v46, $0x0  }
0x15b: {  	v14 =	vshrl.u32 v14, $0x3;
	v11 =	vshll.u32 v11, v33;
	v12 =	vld [tilespmem:s3+$0xFFFFFEC0];
	v29 =	vadd.s32 v55, v5;
	[tilespmem:v13+s19+$0x0] =	vst.idx.msk $0xffff, v10  }
0x15c: {  	v7 =	vbroadcast v11, $0x0;
	v46 =	vshll.u32 v9, v33;
	[tilespmem:v26+s19+$0x0] =	vst.idx.msk $0xffff, v23;
	v23 =	vld [tilespmem:s3+$0xFFFFFF00];
	v26 =	vadd.s32 v51, v6  }
0x15d: {  	v8 =	vbroadcast v46, $0x0;
	v46 =	vshll.u32 v16, v33;
	v16 =	vadd.s32 v37, v31;
	[tilespmem:v27+s19+$0x0] =	vst.idx.msk $0xffff, v25;
	v13 =	vld [tilespmem:s3+$0x1D0]  }
0x15e: {  	v9 =	vbroadcast v46, $0x0;
	v46 =	vshll.u32 v21, v33;
	[tilespmem:v24+s19+$0x0] =	vst.idx.msk $0xffff, v22;
	v22 =	vld [tilespmem:s3+$0xFFFFFF40];
	v24 =	vadd.s32 v53, v7  }
0x15f: {  	v27 =	vshll.u32 v15, v33;
	v15 =	vadd.s32 v47, v8;
	v11 =	vbroadcast v46, $0x0;
	[tilespmem:v28+s19+$0x0] =	vst.idx.msk $0xffff, v0;
	v0 =	vld [tilespmem:s3+$0xFFFFFF80]  }
0x160: {  	v20 =	vshrl.u32 v20, $0x3;
	v21 =	vld [tilespmem:s3+$0xFFFFFFC0];
	v10 =	vbroadcast v27, $0x0;
	v25 =	vadd.s32 v36, v9;
	[tilespmem:v29+s19+$0x0] =	vst.idx.msk $0xffff, v12  }
0x161: {  	v19 =	vshrl.u32 v19, $0x3;
	v46 =	vshll.u32 v14, v33;
	v27 =	vld [tilespmem:s3+$0x40];
	v28 =	vadd.s32 v58, v11;
	[tilespmem:v26+s19+$0x0] =	vst.idx.msk $0xffff, v23  }
0x162: {  	v20 =	vshll.u32 v20, v33;
	v12 =	vbroadcast v46, $0x0;
	v23 =	vld [tilespmem:s3+$0x0];
	v26 =	vadd.s32 v40, v10;
	[tilespmem:v16+s19+$0x0] =	vst.idx.msk $0xffff, v13  }
0x163: {  	v46 =	vshll.u32 v19, v33;
	v13 =	vbroadcast v20, $0x0;
	v20 =	vadd.s32 v38, v31;
	v19 =	vld [tilespmem:s3+$0x1E0];
	[tilespmem:v24+s19+$0x0] =	vst.idx.msk $0xffff, v22  }
0x164: {  	v18 =	vshrl.u32 v18, $0x3;
	v22 =	vadd.s32 v62, v12;
	[tilespmem:v15+s19+$0x0] =	vst.idx.msk $0xffff, v0;
	v0 =	vld [tilespmem:s3+$0x80]  }
0x165: {  	v17 =	vshrl.u32 v17, $0x3;
	v14 =	vbroadcast v46, $0x0;
	v24 =	vshll.u32 v18, v33;
	[tilespmem:v25+s19+$0x0] =	vst.idx.msk $0xffff, v21;
	v18 =	vld [tilespmem:s3+$0xC0]  }
0x166: {  	v21 =	vadd.s32 v55, v13;
	v25 =	vshll.u32 v17, v33;
	v17 =	vld [tilespmem:s3+$0x100];
	v15 =	vbroadcast v24, $0x0;
	[tilespmem:v28+s19+$0x0] =	vst.idx.msk $0xffff, v27  }
0x167: {  	v16 =	vbroadcast v25, $0x0;
	v24 =	vld [tilespmem:s3+$0x140];
	[tilespmem:v26+s19+$0x0] =	vst.idx.msk $0xffff, v23;
	v23 =	vadd.s32 v51, v14  }
0x168: {  	v25 =	vadd.s32 v53, v15;
	v26 =	vld [tilespmem:s3+$0x180];
	[tilespmem:v20+s19+$0x0] =	vst.idx.msk $0xffff, v19  }
0x169: {  	v46 =	vadd.s32 v47, v16;
	v20 =	vld [tilespmem:s3+$0xFFFFFE50];
	[tilespmem:v22+s19+$0x0] =	vst.idx.msk $0xffff, v0  }
0x16a: {  	v22 =	vadd.s32 v39, v2;
	v29 =	vld [tilespmem:$0x1FBA0]  }
0x16b: {  	[tilespmem:v21+s19+$0x0] =	vst.idx.msk $0xffff, v18;
	v18 =	vld [tilespmem:s3+$0xFFFFFE90];
	v21 =	vadd.s32 v63, v4  }
0x16c: {  	[tilespmem:v23+s19+$0x0] =	vst.idx.msk $0xffff, v17;
	v17 =	vld [tilespmem:s3+$0xFFFFFED0];
	v23 =	vadd.s32 v50, v5  }
0x16d: {  	[tilespmem:v25+s19+$0x0] =	vst.idx.msk $0xffff, v24;
	v24 =	vld [tilespmem:s3+$0xFFFFFF10];
	v25 =	vadd.s32 v48, v6  }
0x16e: {  	[tilespmem:v46+s19+$0x0] =	vst.idx.msk $0xffff, v26;
	v26 =	vld [tilespmem:s3+$0xFFFFFF50];
	v46 =	vadd.s32 v1, v7  }
0x16f: {  	v0 =	vld [tilespmem:s3+$0x1F0];
	[tilespmem:v22+s19+$0x0] =	vst.idx.msk $0xffff, v20;
	v19 =	vadd.s32 v29, v31  }
0x170: {  	v20 =	vadd.s32 v37, v9;
	[tilespmem:v21+s19+$0x0] =	vst.idx.msk $0xffff, v18;
	v18 =	vld [tilespmem:s3+$0xFFFFFFD0]  }
0x171: {  	v21 =	vadd.s32 v41, v10;
	[tilespmem:v23+s19+$0x0] =	vst.idx.msk $0xffff, v17;
	v17 =	vld [tilespmem:s3+$0x10]  }
0x172: {  	v22 =	vld [tilespmem:s3+$0x50];
	[tilespmem:v25+s19+$0x0] =	vst.idx.msk $0xffff, v24;
	v23 =	vadd.s32 v39, v11  }
0x173: {  	[tilespmem:v46+s19+$0x0] =	vst.idx.msk $0xffff, v26;
	v24 =	vld [tilespmem:s3+$0x90];
	v46 =	vadd.s32 v63, v12  }
0x174: {  	v27 =	vadd.s32 v41, v3;
	v26 =	vld [tilespmem:s3+$0xFFFFFE10];
	[tilespmem:v19+s19+$0x0] =	vst.idx.msk $0xffff, v0  }
0x175: {  	v0 =	vld [tilespmem:s3+$0xFFFFFF90];
	v19 =	vadd.s32 v34, v8;
	[tilespmem:v20+s19+$0x0] =	vst.idx.msk $0xffff, v18  }
0x176: {  	v18 =	vld [tilespmem:s3+$0x110];
	v20 =	vadd.s32 v48, v14;
	[tilespmem:v21+s19+$0x0] =	vst.idx.msk $0xffff, v17  }
0x177: {  	v17 =	vld [tilespmem:s3+$0x150];
	v21 =	vadd.s32 v1, v15;
	[tilespmem:v23+s19+$0x0] =	vst.idx.msk $0xffff, v22  }
0x178: {  	v22 =	vld [tilespmem:s3+$0x190];
	v23 =	vadd.s32 v34, v16;
	[tilespmem:v46+s19+$0x0] =	vst.idx.msk $0xffff, v24  }
0x179: {  	v24 =	vld [tilespmem:s3+$0xFFFFFE60];
	v46 =	vadd.s32 v60, v2;
	[tilespmem:v27+s19+$0x0] =	vst.idx.msk $0xffff, v26  }
0x17a: {  	v27 =	vadd.s32 v54, v3;
	v26 =	vld [tilespmem:s3+$0xFFFFFE20];
	[tilespmem:v19+s19+$0x0] =	vst.idx.msk $0xffff, v0  }
0x17b: {  	v3 =	vadd.s32 v32, v3;
	v0 =	vld [tilespmem:s3+$0xD0];
	v19 =	vadd.s32 v50, v13;
	[tilespmem:v20+s19+$0x0] =	vst.idx.msk $0xffff, v18  }
0x17c: {  	v18 =	vld [tilespmem:s3+$0xFFFFFEE0];
	v20 =	vadd.s32 v59, v5;
	v5 =	vadd.s32 v49, v5;
	[tilespmem:v21+s19+$0x0] =	vst.idx.msk $0xffff, v17  }
0x17d: {  	v17 =	vld [tilespmem:s3+$0xFFFFFF20];
	v21 =	vadd.s32 v45, v6;
	[tilespmem:v23+s19+$0x0] =	vst.idx.msk $0xffff, v22;
	v23 =	vadd.s32 v57, v7  }
0x17e: {  	v22 =	vld [tilespmem:s3+$0xFFFFFF60];
	[tilespmem:v46+s19+$0x0] =	vst.idx.msk $0xffff, v24;
	v46 =	vadd.s32 v35, v8;
	v7 =	vadd.s32 v56, v7  }
0x17f: {  	v24 =	vld [tilespmem:s3+$0xFFFFFFA0];
	v8 =	vadd.s32 v61, v8;
	[tilespmem:v27+s19+$0x0] =	vst.idx.msk $0xffff, v26;
	v26 =	vadd.s32 v49, v13  }
0x180: {  	v49 =	vadd.s32 v56, v15;
	v56 =	vadd.s32 v61, v16;
	v61 =	vld [tilespmem:s3+$0xFFFFFE30];
	[tilespmem:v19+s19+$0x0] =	vst.idx.msk $0xffff, v0  }
0x181: {  	v1 =	vadd.s32 v43, v4;
	v0 =	vld [tilespmem:s3+$0xFFFFFEA0];
	[tilespmem:v20+s19+$0x0] =	vst.idx.msk $0xffff, v18  }
0x182: {  	v18 =	vld [tilespmem:s3+$0x20];
	v20 =	vadd.s32 v54, v10;
	[tilespmem:v21+s19+$0x0] =	vst.idx.msk $0xffff, v17  }
0x183: {  	v17 =	vld [tilespmem:s3+$0x60];
	v21 =	vadd.s32 v60, v11;
	[tilespmem:v23+s19+$0x0] =	vst.idx.msk $0xffff, v22  }
0x184: {  	v30 =	vmov v43;
	v43 =	vadd.s32 v43, v12;
	v22 =	vld [tilespmem:s3+$0xA0];
	[tilespmem:v46+s19+$0x0] =	vst.idx.msk $0xffff, v24  }
0x185: {  	v24 =	vld [tilespmem:s3+$0xE0];
	v46 =	vadd.s32 v59, v13;
	[tilespmem:v3+s19+$0x0] =	vst.idx.msk $0xffff, v61  }
0x186: {  	v6 =	vadd.s32 v52, v6;
	v25 =	vld [tilespmem:s3+$0xFFFFFF30];
	[tilespmem:v1+s19+$0x0] =	vst.idx.msk $0xffff, v0  }
0x187: {  	v27 =	vld [tilespmem:s3+$0xFFFFFF70];
	[tilespmem:v20+s19+$0x0] =	vst.idx.msk $0xffff, v18  }
0x188: {  	v0 =	vld [tilespmem:s3+$0xFFFFFFE0];
	v1 =	vadd.s32 v38, v9;
	[tilespmem:v21+s19+$0x0] =	vst.idx.msk $0xffff, v17  }
0x189: {  	v18 =	vld [tilespmem:s3+$0x160];
	v20 =	vadd.s32 v57, v15;
	[tilespmem:v43+s19+$0x0] =	vst.idx.msk $0xffff, v22  }
0x18a: {  	v17 =	vld [tilespmem:s3+$0x1A0];
	v21 =	vadd.s32 v35, v16;
	[tilespmem:v46+s19+$0x0] =	vst.idx.msk $0xffff, v24  }
0x18b: {  	v2 =	vadd.s32 v42, v2;
	v43 =	vld [tilespmem:s3+$0xFFFFFE70];
	[tilespmem:v6+s19+$0x0] =	vst.idx.msk $0xffff, v25  }
0x18c: {  	v4 =	vadd.s32 v44, v4;
	v46 =	vld [tilespmem:s3+$0xFFFFFEB0];
	[tilespmem:v7+s19+$0x0] =	vst.idx.msk $0xffff, v27  }
0x18d: {  	v24 =	vld [tilespmem:s3+$0xFFFFFEF0];
	[tilespmem:v1+s19+$0x0] =	vst.idx.msk $0xffff, v0  }
0x18e: {  	v25 =	vld [tilespmem:s3+$0xF0];
	[tilespmem:v20+s19+$0x0] =	vst.idx.msk $0xffff, v18  }
0x18f: {  	v19 =	vadd.s32 v45, v14;
	v0 =	vld [tilespmem:s3+$0x120];
	[tilespmem:v21+s19+$0x0] =	vst.idx.msk $0xffff, v17  }
0x190: {  	[tilespmem:v2+s19+$0x0] =	vst.idx.msk $0xffff, v43;
	v43 =	vld [tilespmem:s3+$0xFFFFFFB0]  }
0x191: {  	v9 =	vadd.s32 v29, v9;
	[tilespmem:v4+s19+$0x0] =	vst.idx.msk $0xffff, v46;
	v46 =	vld [tilespmem:s3+$0xFFFFFFF0]  }
0x192: {  	v22 =	vadd.s32 v42, v11;
	[tilespmem:v5+s19+$0x0] =	vst.idx.msk $0xffff, v24;
	v21 =	vld [tilespmem:s3+$0x70]  }
0x193: {  	v23 =	vld [tilespmem:s3+$0xB0];
	v24 =	vadd.s32 v44, v12;
	[tilespmem:v26+s19+$0x0] =	vst.idx.msk $0xffff, v25  }
0x194: {  	v20 =	vadd.s32 v32, v10;
	[tilespmem:v19+s19+$0x0] =	vst.idx.msk $0xffff, v0;
	v19 =	vld [tilespmem:s3+$0x30]  }
0x195: {  	[tilespmem:v8+s19+$0x0] =	vst.idx.msk $0xffff, v43;
	v27 =	vld [tilespmem:s3+$0x130];
	v43 =	vadd.s32 v52, v14  }
0x196: {  	[tilespmem:v9+s19+$0x0] =	vst.idx.msk $0xffff, v46;
	v46 =	vld [tilespmem:s3+$0x170]  }
0x197: {  	[tilespmem:v22+s19+$0x0] =	vst.idx.msk $0xffff, v21;
	v52 =	vld [tilespmem:s3+$0x1B0]  }
0x198: {  	[tilespmem:v24+s19+$0x0] =	vst.idx.msk $0xffff, v23  }
0x199: {  	[tilespmem:v20+s19+$0x0] =	vst.idx.msk $0xffff, v19  }
0x19a: {  	s4 =	sshll.u32 s31, $0x13;
	[tilespmem:v43+s19+$0x0] =	vst.idx.msk $0xffff, v27  }
0x19b: {  	s4 =	sadd.s32 s29, s4;
	[tilespmem:v49+s19+$0x0] =	vst.idx.msk $0xffff, v46  }
0x19c: {  	s6 =	simm.s32 $0xE600;
	s26 =	sadd.s32 s1, s4;
	[tilespmem:v56+s19+$0x0] =	vst.idx.msk $0xffff, v52  }
0x19d: {  	[hbm4b:s26+s2] =	stream.linear.scatter [tilespmem:s6], [sflag:$0x5], $0x80, $0x38;
	[tilespmem:$0x12A00] =	vst v63  }
0x19e: {  	s7 =	simm.s32 $0xE688;
	s6 =	sadd.s32 $0x10, s26  }
0x19f: {  	[hbm4b:s6+s2] =	stream.linear.scatter [tilespmem:s7], [sflag:$0x5], $0x80, $0x38;
	[tilespmem:$0x12A00] =	vst v63  }
0x1a0: {  	s8 =	simm.s32 $0xE710;
	s28 =	sadd.s32 $0x20, s26  }
0x1a1: {  	[hbm4b:s28+s2] =	stream.linear.scatter [tilespmem:s8], [sflag:$0x5], $0x80, $0x38;
	[tilespmem:$0x12A00] =	vst v63  }
0x1a2: {  	s6 =	simm.s32 $0xE798;
	s7 =	sadd.s32 $0x30, s26  }
0x1a3: {  	[hbm4b:s7+s2] =	stream.linear.scatter [tilespmem:s6], [sflag:$0x5], $0x80, $0x38;
	[tilespmem:$0x12A00] =	vst v63  }
0x1a4: {  	s8 =	simm.s32 $0xE820;
	s28 =	sadd.s32 $0x40, s26  }
0x1a5: {  	[hbm4b:s28+s2] =	stream.linear.scatter [tilespmem:s8], [sflag:$0x5], $0x80, $0x38;
	[tilespmem:$0x12A00] =	vst v63  }
0x1a6: {  	s3 =	simm.s32 $0x2200;
	s6 =	simm.s32 $0xE8A8;
	s7 =	sadd.s32 $0x50, s26  }
0x1a7: {  	[hbm4b:s7+s2] =	stream.linear.scatter [tilespmem:s6], [sflag:$0x5], $0x80, $0x38;
	[tilespmem:$0x12A00] =	vst v63  }
0x1a8: {  	s8 =	simm.s32 $0xE930;
	s28 =	sadd.s32 $0x60, s26;
	s7 =	simm.s32 $0x440  }
0x1a9: {  	[hbm4b:s28+s2] =	stream.linear.scatter [tilespmem:s8], [sflag:$0x5], $0x80, $0x38;
	[tilespmem:$0x12A00] =	vst v63  }
0x1aa: {  	v31 =	vmovc v29;
	v61 =	vmovc v63;
	v63 =	vmov v44;
	v32 =	vmov v54;
	v44 =	vmov v50;
	s6 =	simm.s32 $0xE9B8;
	s8 =	sadd.s32 $0x70, s26;
	s26 =	sadd.s32 $0x4000, s26  }
.LBB2_6:
0x1ab: {  	[hbm4b:s8+s2] =	stream.linear.scatter [tilespmem:s6], [sflag:$0x5], $0x80, $0x38;
	[tilespmem:$0x12A00] =	vst v63  }
0x1ac: {  	s6 =	smov.u32 s7;
	s7 =	smov.u32 s3  }
0x1ad: {  	s28 =	sadd.s32 $0x1100, s3;
	s7 =	sshra.s32 s7, $0x2;
	s8 =	sadd.s32 $0xE600, s6  }
0x1ae: {  	[hbm4b:s26+s2] =	stream.linear.scatter [tilespmem:s8], [sflag:$0x5], $0x80, $0x38;
	[tilespmem:$0x12A00] =	vst v63  }
0x1af: {  	p1 =	sne.s32 s3, $0x7700;
	s3 =	sadd.s32 $0xE688, s6;
	s8 =	sadd.s32 $0x10, s26  }
0x1b0: {  	[hbm4b:s8+s2] =	stream.linear.scatter [tilespmem:s3], [sflag:$0x5], $0x80, $0x38;
	[tilespmem:$0x12A00] =	vst v63  }
0x1b1: {  	s3 =	sadd.s32 $0xE710, s6;
	s8 =	sadd.s32 $0x20, s26  }
0x1b2: {  	[hbm4b:s8+s2] =	stream.linear.scatter [tilespmem:s3], [sflag:$0x5], $0x80, $0x38;
	[tilespmem:$0x12A00] =	vst v63  }
0x1b3: {  	s3 =	sadd.s32 $0xE798, s6;
	s8 =	sadd.s32 $0x30, s26  }
0x1b4: {  	[hbm4b:s8+s2] =	stream.linear.scatter [tilespmem:s3], [sflag:$0x5], $0x80, $0x38;
	[tilespmem:$0x12A00] =	vst v63  }
0x1b5: {  	s3 =	sadd.s32 $0xE820, s6;
	s8 =	sadd.s32 $0x40, s26  }
0x1b6: {  	[hbm4b:s8+s2] =	stream.linear.scatter [tilespmem:s3], [sflag:$0x5], $0x80, $0x38;
	[tilespmem:$0x12A00] =	vst v63  }
.Ltmp5:
0x1b7: {  	s3 =	sadd.s32 $0xE8A8, s6;
	s8 =	sadd.s32 $0x50, s26;
	(pc) =	sbr.rel @p1 .LBB2_6-.Ltmp5, $4  }
0x1b8: {  	[hbm4b:s8+s2] =	stream.linear.scatter [tilespmem:s3], [sflag:$0x5], $0x80, $0x38;
	[tilespmem:$0x12A00] =	vst v63  }
0x1b9: {  	s3 =	sadd.s32 $0xE930, s6;
	s8 =	sadd.s32 $0x60, s26;
	s6 =	sadd.s32 $0xE9B8, s6  }
0x1ba: {  	[hbm4b:s8+s2] =	stream.linear.scatter [tilespmem:s3], [sflag:$0x5], $0x80, $0x38;
	[tilespmem:$0x12A00] =	vst v63  }
0x1bb: {  	s8 =	sadd.s32 $0x70, s26;
	s26 =	sadd.s32 $0x4000, s26;
	s3 =	smov.u32 s28  }
0x1bc: {  	[hbm4b:s8+s2] =	stream.linear.scatter [tilespmem:s6], [sflag:$0x5], $0x80, $0x38;
	[tilespmem:$0x12A00] =	vst v63  }
0x1bd: {  	s3 =	sadd.s32 $0xE600, s7  }
0x1be: {  	[hbm4b:s26+s2] =	stream.linear.scatter [tilespmem:s3], [sflag:$0x5], $0x80, $0x38;
	[tilespmem:$0x12A00] =	vst v63  }
0x1bf: {  	s8 =	sadd.s32 $0xE688, s7;
	s28 =	sadd.s32 $0x10, s26  }
0x1c0: {  	[hbm4b:s28+s2] =	stream.linear.scatter [tilespmem:s8], [sflag:$0x5], $0x80, $0x38;
	[tilespmem:$0x12A00] =	vst v63  }
0x1c1: {  	s8 =	sadd.s32 $0xE710, s7;
	s28 =	sadd.s32 $0x20, s26  }
0x1c2: {  	[hbm4b:s28+s2] =	stream.linear.scatter [tilespmem:s8], [sflag:$0x5], $0x80, $0x38;
	[tilespmem:$0x12A00] =	vst v63  }
0x1c3: {  	s8 =	sadd.s32 $0xE798, s7;
	s28 =	sadd.s32 $0x30, s26  }
0x1c4: {  	[hbm4b:s28+s2] =	stream.linear.scatter [tilespmem:s8], [sflag:$0x5], $0x80, $0x38;
	[tilespmem:$0x12A00] =	vst v63  }
0x1c5: {  	s8 =	sadd.s32 $0xE820, s7;
	s28 =	sadd.s32 $0x40, s26  }
0x1c6: {  	[hbm4b:s28+s2] =	stream.linear.scatter [tilespmem:s8], [sflag:$0x5], $0x80, $0x38;
	[tilespmem:$0x12A00] =	vst v63  }
0x1c7: {  	p1 =	sne.s32 s31, $0x31;
	s8 =	sadd.s32 $0xE8A8, s7;
	s28 =	sadd.s32 $0x50, s26  }
0x1c8: {  	[hbm4b:s28+s2] =	stream.linear.scatter [tilespmem:s8], [sflag:$0x5], $0x80, $0x38;
	[tilespmem:$0x12A00] =	vst v63  }
.Ltmp6:
0x1c9: {  	_ = 	snop;
	(pc) =	sbr.rel @p1 .LBB2_9-.Ltmp6, $4  }
0x1ca: {  	s8 =	sadd.s32 $0xE930, s7;
	s28 =	sadd.s32 $0x60, s26  }
0x1cb: {  	[hbm4b:s28+s2] =	stream.linear.scatter [tilespmem:s8], [sflag:$0x5], $0x80, $0x38;
	[tilespmem:$0x12A00] =	vst v63  }
0x1cc: {  	s8 =	sadd.s32 $0xE9B8, s7;
	s28 =	sadd.s32 $0x70, s26  }
0x1cd: {  	[hbm4b:s28+s2] =	stream.linear.scatter [tilespmem:s8], [sflag:$0x5], $0x80, $0x38;
	[tilespmem:$0x12A00] =	vst v63  }
.Ltmp7:
0x1ce: {  	(pc) =	sbr.rel .LBB2_10-.Ltmp7, $4  }
0x1cf: {  	_ = 	snop  }
0x1d0: {  	_ =	swait.ge [sflag:s20], $0x2000  }
0x1d1: {  	[sflag:s20] =	ssyncset.done $0x0  }
0x1d2: {  	[sflag:s20] =	ssyncadd.s32 $0xFFFFE000  }
.LBB2_9:
0x1d3: {  	v4 =	vld [tilespmem:$0x1FDF0];
	_ =	sdelay $0x3  }
0x1d4: {  	s3 =	sadd.s32 $0x4, s0  }
0x1d5: {  	v0 =	vmov s3;
	v2 =	vadd.s32 s3, v4  }
0x1d6: {  	v0 =	vand.u32 $0x4, v0;
	v2 =	vand.u32 $0x1FF8, v2  }
0x1d7: {  	v0 =	vor.u32 v0, v2;
	_ =	sdelay $0x2  }
0x1d8: {  	s26 =	sadd.s32 $0xC84, s0  }
0x1d9: {  	v22 =	vmov s26;
	v3 =	vadd.s32 s26, v4  }
0x1da: {  	v3 =	vand.u32 $0x1FF8, v3;
	v2 =	vand.u32 $0x4, v22;
	v0 =	vld.idx.msk [tilespmem:v0+s2+$0x0], $0xffff  }
0x1db: {  	v2 =	vor.u32 v2, v3;
	_ =	sdelay $0x2  }
0x1dc: {  	s28 =	sadd.s32 $0x1904, s0  }
0x1dd: {  	v23 =	vmov s28;
	v24 =	vadd.s32 s28, v4;
	[tilespmem:$0x6400] =	vst v0  }
0x1de: {  	v3 =	vand.u32 $0x3FF8, v24;
	v0 =	vand.u32 $0x4, v23;
	v2 =	vld.idx.msk [tilespmem:v2+s2+$0x0], $0xffff  }
0x1df: {  	v0 =	vor.u32 v0, v3;
	_ =	sdelay $0x2  }
0x1e0: {  	s6 =	sadd.s32 $0x2584, s0  }
0x1e1: {  	v25 =	vmov s6;
	v26 =	vadd.s32 s6, v4;
	[tilespmem:$0x6410] =	vst v2  }
0x1e2: {  	v3 =	vand.u32 $0x3FF8, v26;
	v2 =	vand.u32 $0x4, v25;
	v0 =	vld.idx.msk [tilespmem:v0+s2+$0x0], $0xffff  }
0x1e3: {  	v2 =	vor.u32 v2, v3;
	_ =	sdelay $0x2  }
0x1e4: {  	s7 =	sadd.s32 $0x3204, s0  }
0x1e5: {  	v27 =	vmov s7;
	v43 =	vadd.s32 s7, v4;
	[tilespmem:$0x6420] =	vst v0  }
0x1e6: {  	v3 =	vand.u32 $0x7FF8, v43;
	v0 =	vand.u32 $0x4, v27;
	v2 =	vld.idx.msk [tilespmem:v2+s2+$0x0], $0xffff  }
0x1e7: {  	v0 =	vor.u32 v0, v3;
	_ =	sdelay $0x2  }
0x1e8: {  	s8 =	sadd.s32 $0x3E84, s0  }
0x1e9: {  	v46 =	vmov s8;
	v49 =	vadd.s32 s8, v4;
	[tilespmem:$0x6430] =	vst v2  }
0x1ea: {  	v3 =	vand.u32 $0x7FF8, v49;
	v2 =	vand.u32 $0x4, v46;
	v0 =	vld.idx.msk [tilespmem:v0+s2+$0x0], $0xffff  }
0x1eb: {  	v2 =	vor.u32 v2, v3;
	_ =	sdelay $0x2  }
0x1ec: {  	s26 =	sadd.s32 $0x4B04, s0  }
0x1ed: {  	v50 =	vmov s26;
	v52 =	vadd.s32 s26, v4;
	[tilespmem:$0x6440] =	vst v0  }
0x1ee: {  	v3 =	vand.u32 $0x5FF8, v52;
	v0 =	vand.u32 $0x4, v50;
	v2 =	vld.idx.msk [tilespmem:v2+s2+$0x0], $0xffff  }
0x1ef: {  	v0 =	vor.u32 v0, v3;
	_ =	sdelay $0x2  }
0x1f0: {  	s28 =	sadd.s32 $0x5784, s0  }
0x1f1: {  	v54 =	vmov s28;
	v56 =	vadd.s32 s28, v4;
	[tilespmem:$0x6450] =	vst v2  }
0x1f2: {  	v3 =	vand.u32 $0x7FF8, v56;
	v2 =	vand.u32 $0x4, v54;
	v0 =	vld.idx.msk [tilespmem:v0+s2+$0x0], $0xffff  }
0x1f3: {  	v2 =	vor.u32 v2, v3;
	_ =	sdelay $0x3  }
0x1f4: {  	[tilespmem:$0x6460] =	vst v0  }
0x1f5: {  	v0 =	vld.idx.msk [tilespmem:v2+s2+$0x0], $0xffff;
	_ =	sdelay $0x4  }
.Ltmp8:
0x1f6: {  	[tilespmem:$0x6470] =	vst v0;
	(pc) =	sbr.rel @p0 .LBB2_11-.Ltmp8, $4  }
0x1f7: {  	[tilespmem:s11], [sflag:$0x1] =	stream.indirect.gather [hbm4b:s5+s9], $0x40, s10, s9, $0xb8;
	[tilespmem:$0x12A00] =	vst v63  }
0x1f8: {  	_ =	swait.ge [sflag:s20], $0x2000  }
0x1f9: {  	[sflag:s20] =	ssyncset.done $0x0  }
0x1fa: {  	[sflag:s20] =	ssyncadd.s32 $0xFFFFE000  }
.LBB2_10:
0x1fb: {  	_ =	swait.ge [sflag:s21], $0x2000  }
0x1fc: {  	[sflag:s21] =	ssyncset.done $0x0  }
0x1fd: {  	[sflag:s21] =	ssyncadd.s32 $0xFFFFE000  }
.LBB2_11:
0x1fe: {  	s3 =	simm.s32 $0x0;
	s26 =	simm.s32 $0x1;
	s28 =	simm.s32 $0x2  }
0x1ff: {  	s6 =	simm.s32 $0x3;
	s7 =	simm.s32 $0x4;
	s8 =	simm.s32 $0x5;
	v0 =	vmov s3;
	v2 =	vmov s26;
	v3 =	vmov s28  }
0x200: {  	v4 =	vmov s6;
	v5 =	vmov s7;
	s26 =	simm.s32 $0x6;
	s28 =	simm.s32 $0x7;
	v6 =	vmov s8  }
0x201: {  	s8 =	simm.s32 $0x8;
	s6 =	simm.s32 $0xB;
	s7 =	simm.s32 $0xC;
	v0 =	vshrl.u32 v0, $0x3;
	v7 =	vmov s26;
	v8 =	vmov s28  }
0x202: {  	v9 =	vmov s8;
	v12 =	vmov s6;
	v13 =	vmov s7  }
0x203: {  	s28 =	simm.s32 $0xA;
	v14 =	vshrl.u32 v2, $0x3;
	v3 =	vshrl.u32 v3, $0x3;
	v4 =	vshrl.u32 v4, $0x3  }
0x204: {  	s26 =	simm.s32 $0x9;
	s8 =	simm.s32 $0xD;
	v5 =	vshrl.u32 v5, $0x3;
	v6 =	vshrl.u32 v6, $0x3;
	v11 =	vmov s28;
	s28 =	simm.s32 $0xF  }
0x205: {  	v10 =	vmov s26;
	v17 =	vmov s8;
	v2 =	vmov s28  }
0x206: {  	v0 =	vshll.u32 v0, v33;
	v7 =	vshrl.u32 v7, $0x3;
	v2 =	vshrl.u32 v2, $0x3  }
0x207: {  	v19 =	vshrl.u32 v8, $0x3;
	v20 =	vshrl.u32 v9, $0x3;
	v2 =	vshll.u32 v2, v33  }
0x208: {  	v6 =	vshll.u32 v6, v33;
	v21 =	vshrl.u32 v10, $0x3;
	v22 =	vbroadcast v2, $0x0  }
0x209: {  	s7 =	simm.s32 $0x8800;
	v23 =	vshrl.u32 v11, $0x3;
	v2 =	vbroadcast v0, $0x0;
	v0 =	vshll.u32 v14, v33  }
0x20a: {  	v16 =	vbroadcast v0, $0x0;
	v0 =	vshll.u32 v3, v33;
	v3 =	vld [tilespmem:s7+$0x1C0];
	v10 =	vadd.s32 v36, v22  }
0x20b: {  	v11 =	vld [tilespmem:s7+$0xFFFFFE00];
	v24 =	vadd.s32 v40, v2;
	v15 =	vbroadcast v0, $0x0;
	v0 =	vshll.u32 v4, v33  }
0x20c: {  	v4 =	vld [tilespmem:s7+$0xFFFFFE40];
	v25 =	vadd.s32 v58, v16;
	v14 =	vbroadcast v0, $0x0;
	v0 =	vshll.u32 v5, v33  }
0x20d: {  	s26 =	simm.s32 $0xE;
	v28 =	vshrl.u32 v13, $0x3;
	v5 =	vld [tilespmem:s7+$0xFFFFFE80];
	v26 =	vadd.s32 v62, v15;
	v8 =	vbroadcast v0, $0x0  }
0x20e: {  	v18 =	vmov s26;
	v0 =	vshrl.u32 v12, $0x3;
	v12 =	vld [tilespmem:s7+$0xFFFFFEC0];
	v27 =	vadd.s32 v55, v14  }
0x20f: {  	v13 =	vld [tilespmem:s7+$0xFFFFFF00];
	v9 =	vbroadcast v6, $0x0;
	v6 =	vshll.u32 v7, v33;
	v29 =	vadd.s32 v51, v8;
	[tilespmem:v10+s22+$0x0] =	vst.idx.msk $0xffff, v3  }
0x210: {  	v7 =	vbroadcast v6, $0x0;
	[tilespmem:v24+s22+$0x0] =	vst.idx.msk $0xffff, v11;
	v3 =	vshll.u32 v19, v33;
	v19 =	vadd.s32 v37, v22;
	v6 =	vld [tilespmem:s7+$0x1D0]  }
0x211: {  	v24 =	vadd.s32 v53, v9;
	[tilespmem:v25+s22+$0x0] =	vst.idx.msk $0xffff, v4;
	v4 =	vld [tilespmem:s7+$0xFFFFFF40];
	v10 =	vbroadcast v3, $0x0;
	v3 =	vshll.u32 v20, v33  }
0x212: {  	v20 =	vadd.s32 v47, v7;
	[tilespmem:v26+s22+$0x0] =	vst.idx.msk $0xffff, v5;
	v5 =	vld [tilespmem:s7+$0xFFFFFF80];
	v11 =	vbroadcast v3, $0x0;
	v3 =	vshll.u32 v21, v33  }
0x213: {  	v17 =	vshrl.u32 v17, $0x3;
	v21 =	vld [tilespmem:s7+$0xFFFFFFC0];
	[tilespmem:v27+s22+$0x0] =	vst.idx.msk $0xffff, v12;
	v25 =	vadd.s32 v36, v10;
	v12 =	vbroadcast v3, $0x0  }
0x214: {  	v18 =	vshrl.u32 v18, $0x3;
	v26 =	vld [tilespmem:s7+$0x0];
	v3 =	vshll.u32 v23, v33;
	[tilespmem:v29+s22+$0x0] =	vst.idx.msk $0xffff, v13;
	v27 =	vadd.s32 v40, v11  }
0x215: {  	v0 =	vshll.u32 v0, v33;
	v23 =	vld [tilespmem:s7+$0x40];
	v13 =	vbroadcast v3, $0x0;
	v29 =	vadd.s32 v58, v12;
	[tilespmem:v19+s22+$0x0] =	vst.idx.msk $0xffff, v6  }
0x216: {  	v3 =	vbroadcast v0, $0x0;
	v0 =	vshll.u32 v28, v33;
	[tilespmem:v24+s22+$0x0] =	vst.idx.msk $0xffff, v4;
	v24 =	vadd.s32 v38, v22;
	v19 =	vld [tilespmem:s7+$0x1E0]  }
0x217: {  	v28 =	vadd.s32 v62, v13;
	v4 =	vbroadcast v0, $0x0;
	v0 =	vshll.u32 v17, v33;
	[tilespmem:v20+s22+$0x0] =	vst.idx.msk $0xffff, v5;
	v20 =	vld [tilespmem:s7+$0x80]  }
0x218: {  	v17 =	vld [tilespmem:s7+$0xC0];
	v5 =	vbroadcast v0, $0x0;
	v0 =	vshll.u32 v18, v33;
	[tilespmem:v25+s22+$0x0] =	vst.idx.msk $0xffff, v21;
	v21 =	vadd.s32 v55, v3  }
0x219: {  	v18 =	vld [tilespmem:s7+$0x100];
	v25 =	vadd.s32 v51, v4;
	v6 =	vbroadcast v0, $0x0;
	[tilespmem:v27+s22+$0x0] =	vst.idx.msk $0xffff, v26  }
0x21a: {  	v0 =	vld [tilespmem:s7+$0x140];
	[tilespmem:v29+s22+$0x0] =	vst.idx.msk $0xffff, v23;
	v23 =	vadd.s32 v53, v5  }
0x21b: {  	v26 =	vld [tilespmem:s7+$0x180];
	v27 =	vadd.s32 v47, v6;
	[tilespmem:v24+s22+$0x0] =	vst.idx.msk $0xffff, v19  }
0x21c: {  	[tilespmem:v28+s22+$0x0] =	vst.idx.msk $0xffff, v20;
	v20 =	vadd.s32 v31, v22;
	v22 =	vld [tilespmem:s7+$0xFFFFFE50]  }
0x21d: {  	v24 =	vadd.s32 v39, v16;
	v19 =	vld [tilespmem:s7+$0x1F0];
	[tilespmem:v21+s22+$0x0] =	vst.idx.msk $0xffff, v17  }
0x21e: {  	v17 =	vld [tilespmem:s7+$0xFFFFFE90];
	[tilespmem:v25+s22+$0x0] =	vst.idx.msk $0xffff, v18  }
0x21f: {  	v18 =	vld [tilespmem:s7+$0xFFFFFED0];
	[tilespmem:v23+s22+$0x0] =	vst.idx.msk $0xffff, v0  }
0x220: {  	v21 =	vadd.s32 v61, v15;
	v0 =	vld [tilespmem:s7+$0xFFFFFF10];
	[tilespmem:v27+s22+$0x0] =	vst.idx.msk $0xffff, v26  }
0x221: {  	v25 =	vadd.s32 v44, v14;
	v26 =	vld [tilespmem:s7+$0xFFFFFF50];
	[tilespmem:$0x1FB80] =	vst v9  }
0x222: {  	v23 =	vadd.s32 v48, v8;
	v56 =	vld [tilespmem:$0x1FF00];
	[tilespmem:v24+s22+$0x0] =	vst.idx.msk $0xffff, v22  }
0x223: {  	[tilespmem:v20+s22+$0x0] =	vst.idx.msk $0xffff, v19  }
0x224: {  	v19 =	vld [tilespmem:s7+$0xFFFFFF90];
	v20 =	vadd.s32 v34, v7;
	[tilespmem:$0x1FB90] =	vst v7  }
0x225: {  	[tilespmem:v21+s22+$0x0] =	vst.idx.msk $0xffff, v17;
	v17 =	vld [tilespmem:s7+$0xFFFFFFD0];
	v21 =	vadd.s32 v37, v10  }
0x226: {  	v22 =	vadd.s32 v41, v11;
	[tilespmem:v25+s22+$0x0] =	vst.idx.msk $0xffff, v18;
	v18 =	vld [tilespmem:s7+$0x10]  }
0x227: {  	[tilespmem:v23+s22+$0x0] =	vst.idx.msk $0xffff, v0;
	v0 =	vld [tilespmem:s7+$0x50];
	v23 =	vadd.s32 v39, v12  }
0x228: {  	v24 =	vld [tilespmem:s7+$0x90];
	v25 =	vadd.s32 v61, v13  }
0x229: {  	v27 =	vadd.s32 v56, v9;
	[tilespmem:v20+s22+$0x0] =	vst.idx.msk $0xffff, v19  }
0x22a: {  	v19 =	vld [tilespmem:s7+$0xD0];
	v20 =	vadd.s32 v44, v3;
	[tilespmem:v21+s22+$0x0] =	vst.idx.msk $0xffff, v17  }
0x22b: {  	v17 =	vld [tilespmem:s7+$0x110];
	v21 =	vadd.s32 v48, v4;
	[tilespmem:v22+s22+$0x0] =	vst.idx.msk $0xffff, v18  }
0x22c: {  	v18 =	vld [tilespmem:s7+$0x150];
	v22 =	vadd.s32 v56, v5;
	[tilespmem:v23+s22+$0x0] =	vst.idx.msk $0xffff, v0  }
0x22d: {  	v0 =	vld [tilespmem:s7+$0x190];
	v23 =	vadd.s32 v34, v6;
	[tilespmem:v25+s22+$0x0] =	vst.idx.msk $0xffff, v24  }
0x22e: {  	v24 =	vld [tilespmem:s7+$0xFFFFFE60];
	v25 =	vadd.s32 v60, v16;
	[tilespmem:v27+s22+$0x0] =	vst.idx.msk $0xffff, v26  }
0x22f: {  	v26 =	vld [tilespmem:s7+$0xFFFFFE10];
	v27 =	vadd.s32 v41, v2;
	[tilespmem:v20+s22+$0x0] =	vst.idx.msk $0xffff, v19  }
0x230: {  	v19 =	vld [tilespmem:s7+$0xFFFFFEA0];
	v20 =	vadd.s32 v30, v15;
	[tilespmem:v21+s22+$0x0] =	vst.idx.msk $0xffff, v17  }
0x231: {  	v17 =	vld [tilespmem:s7+$0xFFFFFEE0];
	v21 =	vadd.s32 v59, v14;
	[tilespmem:v22+s22+$0x0] =	vst.idx.msk $0xffff, v18  }
0x232: {  	v18 =	vld [tilespmem:s7+$0xFFFFFF20];
	v22 =	vadd.s32 v45, v8;
	[tilespmem:v23+s22+$0x0] =	vst.idx.msk $0xffff, v0  }
0x233: {  	v0 =	vld [tilespmem:s7+$0xFFFFFF60];
	v23 =	vadd.s32 v57, v9;
	[tilespmem:v25+s22+$0x0] =	vst.idx.msk $0xffff, v24  }
0x234: {  	v24 =	vld [tilespmem:s7+$0xFFFFFFA0];
	v25 =	vadd.s32 v35, v7;
	[tilespmem:v27+s22+$0x0] =	vst.idx.msk $0xffff, v26  }
0x235: {  	[tilespmem:v20+s22+$0x0] =	vst.idx.msk $0xffff, v19;
	v19 =	vld [tilespmem:s7+$0xFFFFFFE0];
	v20 =	vadd.s32 v38, v10  }
0x236: {  	[tilespmem:v21+s22+$0x0] =	vst.idx.msk $0xffff, v17;
	v17 =	vld [tilespmem:s7+$0x20];
	v21 =	vadd.s32 v32, v11  }
0x237: {  	[tilespmem:v22+s22+$0x0] =	vst.idx.msk $0xffff, v18;
	v18 =	vld [tilespmem:s7+$0x60];
	v22 =	vadd.s32 v60, v12  }
0x238: {  	[tilespmem:v23+s22+$0x0] =	vst.idx.msk $0xffff, v0;
	v0 =	vld [tilespmem:s7+$0xA0];
	v23 =	vadd.s32 v30, v13  }
0x239: {  	[tilespmem:v25+s22+$0x0] =	vst.idx.msk $0xffff, v24;
	v24 =	vld [tilespmem:s7+$0xE0];
	v25 =	vadd.s32 v59, v3  }
0x23a: {  	[tilespmem:v20+s22+$0x0] =	vst.idx.msk $0xffff, v19;
	v19 =	vld [tilespmem:s7+$0x120];
	v20 =	vadd.s32 v45, v4  }
0x23b: {  	v26 =	vadd.s32 v57, v5;
	[tilespmem:v21+s22+$0x0] =	vst.idx.msk $0xffff, v17;
	v17 =	vld [tilespmem:s7+$0x160]  }
0x23c: {  	[tilespmem:v22+s22+$0x0] =	vst.idx.msk $0xffff, v18  }
0x23d: {  	[tilespmem:v23+s22+$0x0] =	vst.idx.msk $0xffff, v0  }
0x23e: {  	v27 =	vadd.s32 v35, v6;
	v18 =	vld [tilespmem:s7+$0x1A0];
	[tilespmem:v25+s22+$0x0] =	vst.idx.msk $0xffff, v24  }
0x23f: {  	v54 =	vadd.s32 v32, v2;
	v29 =	vld [tilespmem:s7+$0xFFFFFE20];
	[tilespmem:v20+s22+$0x0] =	vst.idx.msk $0xffff, v19  }
0x240: {  	v52 =	vld [tilespmem:$0x1FEF0];
	[tilespmem:v26+s22+$0x0] =	vst.idx.msk $0xffff, v17  }
0x241: {  	v7 =	vld [tilespmem:$0x1FF90]  }
0x242: {  	v0 =	vld [tilespmem:s7+$0xFFFFFE70];
	v23 =	vadd.s32 v42, v16  }
0x243: {  	v38 =	vld [tilespmem:s7+$0xFFFFFEF0];
	[tilespmem:v27+s22+$0x0] =	vst.idx.msk $0xffff, v18  }
0x244: {  	v24 =	vld [tilespmem:s7+$0xFFFFFEB0];
	v25 =	vadd.s32 v63, v15;
	[tilespmem:v54+s22+$0x0] =	vst.idx.msk $0xffff, v29  }
0x245: {  	v54 =	vld [tilespmem:$0x1FF30];
	v46 =	vadd.s32 v52, v14  }
0x246: {  	s26 =	simm.s32 $0x12;
	s28 =	simm.s32 $0x13;
	v7 =	vadd.s32 v7, v8;
	v8 =	vld [tilespmem:$0x1FB80]  }
0x247: {  	v50 =	vmovc v48;
	s8 =	simm.s32 $0x11;
	v48 =	vmov v32;
	v34 =	vmov s28;
	v32 =	vmov s26;
	s26 =	simm.s32 $0x16;
	v9 =	vld [tilespmem:s7+$0xFFFFFF30];
	[tilespmem:v23+s22+$0x0] =	vst.idx.msk $0xffff, v0  }
0x248: {  	v43 =	vmovc v30;
	s6 =	simm.s32 $0x10;
	v30 =	vmov s8;
	s8 =	simm.s32 $0x15;
	v13 =	vadd.s32 v63, v13;
	v37 =	vmov s26;
	s26 =	simm.s32 $0x1A;
	v49 =	vld [tilespmem:$0x1FEE0]  }
0x249: {  	s28 =	simm.s32 $0x17;
	v36 =	vmov s8;
	v21 =	vmov s6;
	s6 =	simm.s32 $0x14;
	v15 =	vmov s26;
	v0 =	vld [tilespmem:$0x1FB90];
	[tilespmem:v25+s22+$0x0] =	vst.idx.msk $0xffff, v24  }
0x24a: {  	v16 =	vld [tilespmem:s7+$0xFFFFFF70];
	v28 =	vshrl.u32 v21, $0x3;
	v35 =	vmov s6;
	v21 =	vmov s28;
	s6 =	simm.s32 $0x18;
	s28 =	simm.s32 $0x1B;
	[tilespmem:v46+s22+$0x0] =	vst.idx.msk $0xffff, v38  }
0x24b: {  	s8 =	simm.s32 $0x19;
	s26 =	simm.s32 $0x1D;
	v22 =	vmov s6;
	v19 =	vmov s28;
	s28 =	simm.s32 $0x1E;
	v46 =	vld [tilespmem:$0x1FE30];
	v8 =	vadd.s32 v54, v8  }
0x24c: {  	v17 =	vmov s26;
	v26 =	vld [tilespmem:s7+$0xFFFFFFB0];
	v18 =	vmov s28;
	v14 =	vmov s8;
	s8 =	simm.s32 $0x1C  }
0x24d: {  	v27 =	vld [tilespmem:s7+$0xFFFFFFF0];
	v29 =	vadd.s32 v31, v10;
	v10 =	vshrl.u32 v36, $0x3;
	v20 =	vmov s8  }
0x24e: {  	v23 =	vshll.u32 v28, v33;
	v28 =	vld [tilespmem:s7+$0x30];
	v25 =	vshrl.u32 v30, $0x3;
	v24 =	vshrl.u32 v32, $0x3  }
0x24f: {  	v32 =	vadd.s32 v42, v12;
	v12 =	vld [tilespmem:s7+$0xB0];
	[tilespmem:v7+s22+$0x0] =	vst.idx.msk $0xffff, v9;
	v9 =	vshrl.u32 v34, $0x3;
	v0 =	vadd.s32 v49, v0  }
0x250: {  	v1 =	vmovc v55;
	s3 =	simm.s32 $0x1F;
	s26 =	simm.s32 $0x20;
	v7 =	vshrl.u32 v35, $0x3;
	v31 =	vadd.s32 v46, v11;
	v11 =	vld [tilespmem:s7+$0x70];
	[tilespmem:v8+s22+$0x0] =	vst.idx.msk $0xffff, v16;
	v8 =	vshrl.u32 v37, $0x3  }
.LBB2_12:
0x251: {  	v39 =	vld [tilespmem:$0x1FF90]  }
0x252: {  	v38 =	vld [tilespmem:$0x1FFD0]  }
0x253: {  	v55 =	vld [tilespmem:$0x1FBA0]  }
0x254: {  	v16 =	vshrl.u32 v21, $0x3;
	v21 =	vmov s3;
	[tilespmem:v0+s22+$0x0] =	vst.idx.msk $0xffff, v26;
	v0 =	vld [tilespmem:s7+$0xF0]  }
0x255: {  	v3 =	vadd.s32 v52, v3;
	v21 =	vshrl.u32 v21, $0x3;
	[tilespmem:v31+s22+$0x0] =	vst.idx.msk $0xffff, v28;
	v31 =	vld [tilespmem:$0x1FFC0]  }
0x256: {  	v5 =	vadd.s32 v54, v5;
	[tilespmem:v29+s22+$0x0] =	vst.idx.msk $0xffff, v27;
	v27 =	vshrl.u32 v14, $0x3;
	v14 =	vshll.u32 v21, v33;
	v21 =	vld [tilespmem:s7+$0x170]  }
0x257: {  	v6 =	vadd.s32 v49, v6;
	v30 =	vadd.s32 v46, v2;
	[tilespmem:v32+s22+$0x0] =	vst.idx.msk $0xffff, v11;
	v11 =	vld [tilespmem:s7+$0x1B0]  }
0x258: {  	v26 =	vld [tilespmem:s7+$0x130];
	[tilespmem:v13+s22+$0x0] =	vst.idx.msk $0xffff, v12;
	v12 =	vshll.u32 v24, v33;
	v4 =	vadd.s32 v39, v4;
	v29 =	vbroadcast v14, $0x0  }
0x259: {  	v28 =	vshrl.u32 v15, $0x3;
	v14 =	vshll.u32 v25, v33;
	v25 =	vld [tilespmem:s7+$0xFFFFFE30];
	s7 =	sadd.s32 $0x400, s7;
	v15 =	vbroadcast v12, $0x0  }
0x25a: {  	v2 =	vbroadcast v23, $0x0;
	v13 =	vld [tilespmem:s7+$0x1C0];
	v23 =	vadd.s32 v31, v29;
	[tilespmem:v3+s22+$0x0] =	vst.idx.msk $0xffff, v0  }
0x25b: {  	v9 =	vshll.u32 v9, v33;
	v14 =	vbroadcast v14, $0x0;
	[tilespmem:v5+s22+$0x0] =	vst.idx.msk $0xffff, v21;
	v5 =	vld [tilespmem:s7+$0xFFFFFE80];
	v21 =	vadd.s32 v62, v15  }
0x25c: {  	v7 =	vshll.u32 v7, v33;
	v9 =	vbroadcast v9, $0x0;
	v0 =	vld [tilespmem:s7+$0xFFFFFE00];
	v3 =	vadd.s32 v40, v2;
	[tilespmem:v6+s22+$0x0] =	vst.idx.msk $0xffff, v11  }
0x25d: {  	v8 =	vshll.u32 v8, v33;
	v7 =	vbroadcast v7, $0x0;
	v12 =	vadd.s32 v58, v14;
	[tilespmem:v4+s22+$0x0] =	vst.idx.msk $0xffff, v26;
	v4 =	vld [tilespmem:s7+$0xFFFFFE40]  }
0x25e: {  	v8 =	vbroadcast v8, $0x0;
	v24 =	vadd.s32 v1, v9;
	v6 =	vld [tilespmem:s7+$0xFFFFFEC0];
	[tilespmem:v30+s22+$0x0] =	vst.idx.msk $0xffff, v25  }
0x25f: {  	v10 =	vshll.u32 v10, v33;
	v25 =	vld [tilespmem:s7+$0xFFFFFF00];
	v26 =	vadd.s32 v51, v7;
	[tilespmem:v23+s22+$0x0] =	vst.idx.msk $0xffff, v13  }
0x260: {  	v10 =	vbroadcast v10, $0x0;
	[tilespmem:v21+s22+$0x0] =	vst.idx.msk $0xffff, v5;
	v5 =	vld [tilespmem:s7+$0xFFFFFF80];
	v21 =	vadd.s32 v47, v8  }
0x261: {  	v22 =	vshrl.u32 v22, $0x3;
	[tilespmem:v3+s22+$0x0] =	vst.idx.msk $0xffff, v0;
	v0 =	vshll.u32 v16, v33;
	v23 =	vadd.s32 v38, v29;
	v3 =	vld [tilespmem:s7+$0x1D0]  }
0x262: {  	v30 =	vadd.s32 v53, v10;
	[tilespmem:v12+s22+$0x0] =	vst.idx.msk $0xffff, v4;
	v4 =	vld [tilespmem:s7+$0xFFFFFF40];
	v11 =	vbroadcast v0, $0x0;
	v0 =	vshll.u32 v22, v33  }
0x263: {  	[tilespmem:v24+s22+$0x0] =	vst.idx.msk $0xffff, v6;
	v6 =	vld [tilespmem:s7+$0xFFFFFFC0];
	v16 =	vshll.u32 v28, v33;
	v12 =	vbroadcast v0, $0x0  }
0x264: {  	v19 =	vshrl.u32 v19, $0x3;
	v28 =	vld [tilespmem:$0x1FFA0];
	[tilespmem:v26+s22+$0x0] =	vst.idx.msk $0xffff, v25;
	v0 =	vshll.u32 v27, v33;
	v22 =	vadd.s32 v31, v11  }
0x265: {  	v13 =	vbroadcast v0, $0x0;
	v0 =	vshrl.u32 v17, $0x3;
	v17 =	vld [tilespmem:s7+$0x0];
	v24 =	vadd.s32 v40, v12;
	[tilespmem:v21+s22+$0x0] =	vst.idx.msk $0xffff, v5  }
0x266: {  	v20 =	vshrl.u32 v20, $0x3;
	v19 =	vshll.u32 v19, v33;
	v25 =	vld [tilespmem:s7+$0x40];
	[tilespmem:v23+s22+$0x0] =	vst.idx.msk $0xffff, v3  }
0x267: {  	v26 =	vadd.s32 v58, v13;
	v21 =	vld [tilespmem:s7+$0x80];
	[tilespmem:v30+s22+$0x0] =	vst.idx.msk $0xffff, v4;
	v3 =	vbroadcast v19, $0x0;
	v4 =	vshll.u32 v20, v33  }
0x268: {  	v18 =	vshrl.u32 v18, $0x3;
	v0 =	vshll.u32 v0, v33;
	v30 =	vld [tilespmem:$0x1FFE0];
	v4 =	vbroadcast v4, $0x0  }
0x269: {  	v5 =	vbroadcast v0, $0x0;
	v0 =	vshll.u32 v18, v33;
	[tilespmem:v22+s22+$0x0] =	vst.idx.msk $0xffff, v6;
	v22 =	vld [tilespmem:s7+$0xC0];
	v27 =	vadd.s32 v1, v3  }
0x26a: {  	v6 =	vbroadcast v0, $0x0;
	[tilespmem:v24+s22+$0x0] =	vst.idx.msk $0xffff, v17;
	v17 =	vld [tilespmem:s7+$0x100];
	v18 =	vadd.s32 v51, v4  }
0x26b: {  	v0 =	vld [tilespmem:s7+$0x140];
	v24 =	vadd.s32 v53, v5  }
0x26c: {  	v16 =	vbroadcast v16, $0x0;
	[tilespmem:v26+s22+$0x0] =	vst.idx.msk $0xffff, v25;
	v25 =	vld [tilespmem:s7+$0x180];
	v26 =	vadd.s32 v47, v6  }
0x26d: {  	v19 =	vld [tilespmem:s7+$0x1E0];
	v20 =	vadd.s32 v30, v29  }
0x26e: {  	v23 =	vadd.s32 v62, v16;
	[tilespmem:v27+s22+$0x0] =	vst.idx.msk $0xffff, v22;
	v22 =	vld [tilespmem:s7+$0xFFFFFE90]  }
0x26f: {  	v27 =	vadd.s32 v61, v15;
	[tilespmem:v18+s22+$0x0] =	vst.idx.msk $0xffff, v17;
	v17 =	vld [tilespmem:s7+$0xFFFFFED0]  }
0x270: {  	v18 =	vadd.s32 v44, v9;
	[tilespmem:v24+s22+$0x0] =	vst.idx.msk $0xffff, v0;
	v0 =	vld [tilespmem:s7+$0xFFFFFF10]  }
0x271: {  	[tilespmem:v26+s22+$0x0] =	vst.idx.msk $0xffff, v25;
	v25 =	vld [tilespmem:s7+$0xFFFFFF50];
	v26 =	vadd.s32 v56, v10  }
0x272: {  	v24 =	vadd.s32 v50, v7;
	[tilespmem:v20+s22+$0x0] =	vst.idx.msk $0xffff, v19;
	v20 =	vadd.s32 v55, v29;
	v29 =	vld [tilespmem:$0x1FF40]  }
0x273: {  	[tilespmem:v23+s22+$0x0] =	vst.idx.msk $0xffff, v21;
	v21 =	vld [tilespmem:s7+$0xFFFFFE50]  }
0x274: {  	v19 =	vld [tilespmem:s7+$0x1F0];
	[tilespmem:v27+s22+$0x0] =	vst.idx.msk $0xffff, v22  }
0x275: {  	[tilespmem:v18+s22+$0x0] =	vst.idx.msk $0xffff, v17;
	v17 =	vld [tilespmem:s7+$0x10];
	v18 =	vadd.s32 v41, v12  }
0x276: {  	v27 =	vadd.s32 v41, v2;
	[tilespmem:v26+s22+$0x0] =	vst.idx.msk $0xffff, v25;
	v26 =	vld [tilespmem:s7+$0xFFFFFE10]  }
0x277: {  	[tilespmem:v24+s22+$0x0] =	vst.idx.msk $0xffff, v0;
	v0 =	vld [tilespmem:s7+$0x50];
	v23 =	vadd.s32 v29, v14  }
0x278: {  	v24 =	vld [tilespmem:s7+$0x90]  }
0x279: {  	[tilespmem:v20+s22+$0x0] =	vst.idx.msk $0xffff, v19;
	v19 =	vld [tilespmem:s7+$0xFFFFFF90];
	v20 =	vadd.s32 v28, v8  }
0x27a: {  	v25 =	vadd.s32 v61, v16;
	[tilespmem:v18+s22+$0x0] =	vst.idx.msk $0xffff, v17;
	v17 =	vld [tilespmem:s7+$0x150]  }
0x27b: {  	v18 =	vadd.s32 v56, v5;
	[tilespmem:v27+s22+$0x0] =	vst.idx.msk $0xffff, v26;
	v27 =	vld [tilespmem:$0x1FFB0]  }
0x27c: {  	v22 =	vadd.s32 v38, v11;
	[tilespmem:v23+s22+$0x0] =	vst.idx.msk $0xffff, v21;
	v21 =	vld [tilespmem:s7+$0xFFFFFFD0]  }
0x27d: {  	v23 =	vadd.s32 v29, v13;
	v29 =	vld [tilespmem:s7+$0xFFFFFE20]  }
0x27e: {  	[tilespmem:v20+s22+$0x0] =	vst.idx.msk $0xffff, v19;
	v19 =	vld [tilespmem:s7+$0xD0];
	v20 =	vadd.s32 v44, v3  }
0x27f: {  	[tilespmem:v25+s22+$0x0] =	vst.idx.msk $0xffff, v24;
	v25 =	vadd.s32 v60, v14;
	v24 =	vld [tilespmem:s7+$0xFFFFFE60]  }
0x280: {  	[tilespmem:v18+s22+$0x0] =	vst.idx.msk $0xffff, v17;
	v17 =	vld [tilespmem:s7+$0xFFFFFF20];
	v18 =	vadd.s32 v45, v7  }
0x281: {  	[tilespmem:v22+s22+$0x0] =	vst.idx.msk $0xffff, v21;
	v21 =	vld [tilespmem:s7+$0x110];
	v22 =	vadd.s32 v50, v4  }
0x282: {  	[tilespmem:v23+s22+$0x0] =	vst.idx.msk $0xffff, v0;
	v0 =	vld [tilespmem:s7+$0x190];
	v23 =	vadd.s32 v28, v6  }
0x283: {  	[tilespmem:v20+s22+$0x0] =	vst.idx.msk $0xffff, v19;
	v19 =	vld [tilespmem:s7+$0xFFFFFEA0];
	v20 =	vadd.s32 v43, v15  }
0x284: {  	[tilespmem:v25+s22+$0x0] =	vst.idx.msk $0xffff, v24;
	v24 =	vld [tilespmem:s7+$0xFFFFFFA0];
	v25 =	vadd.s32 v27, v8  }
0x285: {  	[tilespmem:v18+s22+$0x0] =	vst.idx.msk $0xffff, v17;
	v17 =	vld [tilespmem:s7+$0x60];
	v18 =	vadd.s32 v60, v13  }
0x286: {  	[tilespmem:v22+s22+$0x0] =	vst.idx.msk $0xffff, v21;
	v21 =	vld [tilespmem:s7+$0xFFFFFEE0];
	v22 =	vadd.s32 v59, v9  }
0x287: {  	[tilespmem:v23+s22+$0x0] =	vst.idx.msk $0xffff, v0;
	v0 =	vld [tilespmem:s7+$0xFFFFFF60];
	v23 =	vadd.s32 v57, v10  }
0x288: {  	[tilespmem:v20+s22+$0x0] =	vst.idx.msk $0xffff, v19;
	v19 =	vld [tilespmem:s7+$0xFFFFFFE0];
	v20 =	vadd.s32 v30, v11  }
0x289: {  	[tilespmem:v25+s22+$0x0] =	vst.idx.msk $0xffff, v24;
	v24 =	vld [tilespmem:s7+$0xE0];
	v25 =	vadd.s32 v59, v3  }
0x28a: {  	v38 =	vld [tilespmem:s7+$0xFFFFFF30];
	v30 =	vadd.s32 v48, v2;
	[tilespmem:v18+s22+$0x0] =	vst.idx.msk $0xffff, v17  }
0x28b: {  	v17 =	vld [tilespmem:s7+$0x1A0];
	v18 =	vadd.s32 v27, v6;
	[tilespmem:v22+s22+$0x0] =	vst.idx.msk $0xffff, v21  }
0x28c: {  	v21 =	vld [tilespmem:s7+$0x20];
	v22 =	vadd.s32 v48, v12;
	[tilespmem:v23+s22+$0x0] =	vst.idx.msk $0xffff, v0  }
0x28d: {  	s6 =	sadd.s32 $0x3, s26;
	v0 =	vld [tilespmem:s7+$0xA0];
	v23 =	vadd.s32 v43, v16;
	[tilespmem:v20+s22+$0x0] =	vst.idx.msk $0xffff, v19  }
0x28e: {  	s28 =	sadd.s32 $0x2, s26;
	v32 =	vmov s6;
	v19 =	vld [tilespmem:s7+$0x120];
	v20 =	vadd.s32 v45, v4;
	[tilespmem:v25+s22+$0x0] =	vst.idx.msk $0xffff, v24  }
0x28f: {  	s8 =	sadd.s32 $0x1, s26;
	v39 =	vadd.s32 v39, v7;
	v31 =	vmov s28;
	s28 =	sadd.s32 $0x5, s26;
	v24 =	vld [tilespmem:s7+$0xFFFFFEB0];
	v25 =	vadd.s32 v63, v15;
	[tilespmem:v30+s22+$0x0] =	vst.idx.msk $0xffff, v29  }
0x290: {  	v35 =	vmov s28;
	v28 =	vmov s8;
	s8 =	sadd.s32 $0x4, s26;
	v9 =	vadd.s32 v52, v9;
	v37 =	vld [tilespmem:s7+$0xFFFFFEF0];
	[tilespmem:v18+s22+$0x0] =	vst.idx.msk $0xffff, v17  }
0x291: {  	v41 =	vmovc v40;
	v40 =	vadd.s32 v54, v10;
	v26 =	vadd.s32 v57, v5;
	v34 =	vmov s8;
	s8 =	sadd.s32 $0x6, s26;
	v30 =	vld [tilespmem:s7+$0xFFFFFF70];
	[tilespmem:v22+s22+$0x0] =	vst.idx.msk $0xffff, v21  }
0x292: {  	v36 =	vmov s8;
	v7 =	vshrl.u32 v34, $0x3;
	v10 =	vshrl.u32 v35, $0x3;
	v22 =	vld [tilespmem:s7+$0x160];
	[tilespmem:v23+s22+$0x0] =	vst.idx.msk $0xffff, v0  }
0x293: {  	s6 =	sadd.s32 $0xC, s26;
	s28 =	sadd.s32 $0x7, s26;
	v29 =	vadd.s32 v55, v11;
	v21 =	vmov s26;
	v0 =	vld [tilespmem:s7+$0xFFFFFE70];
	v23 =	vadd.s32 v42, v14;
	[tilespmem:v20+s22+$0x0] =	vst.idx.msk $0xffff, v19  }
0x294: {  	p0 =	slt.u32 s26, $0x70;
	v11 =	vld [tilespmem:s7+$0x70];
	v27 =	vshrl.u32 v21, $0x3;
	v21 =	vmov s28;
	v20 =	vmov s6;
	[tilespmem:v25+s22+$0x0] =	vst.idx.msk $0xffff, v24  }
.Ltmp9:
0x295: {  	s28 =	sadd.s32 $0x9, s26;
	v25 =	vshrl.u32 v28, $0x3;
	v24 =	vshrl.u32 v31, $0x3;
	[tilespmem:v9+s22+$0x0] =	vst.idx.msk $0xffff, v37;
	v28 =	vld [tilespmem:s7+$0x30];
	v31 =	vadd.s32 v46, v12;
	(pc) =	sbr.rel @p0 .LBB2_12-.Ltmp9, $4  }
0x296: {  	s8 =	sadd.s32 $0x8, s26;
	v9 =	vshrl.u32 v32, $0x3;
	v32 =	vadd.s32 v42, v13;
	[tilespmem:v40+s22+$0x0] =	vst.idx.msk $0xffff, v30;
	v40 =	vmovc v41;
	v41 =	vld [tilespmem:$0x1FE20];
	v14 =	vmov s28;
	s28 =	sadd.s32 $0xB, s26  }
0x297: {  	v12 =	vld [tilespmem:s7+$0xB0];
	v13 =	vadd.s32 v63, v16;
	v19 =	vmov s28;
	s28 =	sadd.s32 $0xE, s26;
	[tilespmem:v26+s22+$0x0] =	vst.idx.msk $0xffff, v22;
	v22 =	vmov s8;
	s8 =	sadd.s32 $0xA, s26  }
0x298: {  	v18 =	vmov s28;
	[tilespmem:v23+s22+$0x0] =	vst.idx.msk $0xffff, v0;
	v26 =	vld [tilespmem:s7+$0xFFFFFFB0];
	v0 =	vadd.s32 v49, v8;
	v15 =	vmov s8;
	s8 =	sadd.s32 $0xD, s26  }
0x299: {  	s3 =	sadd.s32 $0xF, s26;
	[tilespmem:v39+s22+$0x0] =	vst.idx.msk $0xffff, v38;
	v23 =	vshll.u32 v27, v33;
	v27 =	vld [tilespmem:s7+$0xFFFFFFF0];
	v8 =	vshrl.u32 v36, $0x3;
	s26 =	sadd.s32 $0x10, s26;
	v17 =	vmov s8  }
0x29a: {  	_ =	sdelay $0x3  }
0x29b: {  	[tilespmem:v0+s22+$0x0] =	vst.idx.msk $0xffff, v26  }
0x29c: {  	[tilespmem:v29+s22+$0x0] =	vst.idx.msk $0xffff, v27  }
0x29d: {  	v34 =	vld [tilespmem:$0x1FF90];
	[tilespmem:v31+s22+$0x0] =	vst.idx.msk $0xffff, v28  }
0x29e: {  	v39 =	vmov s3;
	v0 =	vld [tilespmem:s7+$0xF0];
	v26 =	vadd.s32 v52, v3;
	[tilespmem:v32+s22+$0x0] =	vst.idx.msk $0xffff, v11  }
0x29f: {  	v55 =	vshrl.u32 v39, $0x3;
	v28 =	vld [tilespmem:s7+$0x170];
	[tilespmem:v13+s22+$0x0] =	vst.idx.msk $0xffff, v12  }
0x2a0: {  	v3 =	vshll.u32 v55, v33;
	v29 =	vadd.s32 v54, v5;
	v39 =	vld [tilespmem:$0x1FFC0]  }
0x2a1: {  	v30 =	vbroadcast v3, $0x0;
	v3 =	vbroadcast v23, $0x0;
	v11 =	vld [tilespmem:s7+$0x1B0];
	v31 =	vadd.s32 v49, v6  }
0x2a2: {  	s26 =	sadd.s32 $0x400, s7;
	v23 =	vld [tilespmem:s7+$0xFFFFFE30];
	v32 =	vshll.u32 v25, v33;
	v25 =	vadd.s32 v46, v2  }
0x2a3: {  	v55 =	vadd.s32 v40, v3;
	[tilespmem:v26+s22+$0x0] =	vst.idx.msk $0xffff, v0;
	v0 =	vld [tilespmem:s26+$0xFFFFFE00]  }
0x2a4: {  	v16 =	vshrl.u32 v21, $0x3;
	v21 =	vld [tilespmem:s7+$0x130];
	v27 =	vadd.s32 v34, v4  }
0x2a5: {  	v12 =	vld [tilespmem:s26+$0x1C0];
	[tilespmem:v29+s22+$0x0] =	vst.idx.msk $0xffff, v28;
	v13 =	vadd.s32 v39, v30  }
0x2a6: {  	[tilespmem:v31+s22+$0x0] =	vst.idx.msk $0xffff, v11  }
0x2a7: {  	[tilespmem:v25+s22+$0x0] =	vst.idx.msk $0xffff, v23  }
0x2a8: {  	v2 =	vbroadcast v32, $0x0;
	v32 =	vshll.u32 v9, v33;
	[tilespmem:v55+s22+$0x0] =	vst.idx.msk $0xffff, v0  }
0x2a9: {  	v35 =	vshll.u32 v24, v33;
	v5 =	vbroadcast v32, $0x0;
	[tilespmem:v27+s22+$0x0] =	vst.idx.msk $0xffff, v21  }
0x2aa: {  	v9 =	vld [tilespmem:s26+$0xFFFFFE40];
	v4 =	vbroadcast v35, $0x0;
	v35 =	vshll.u32 v7, v33;
	v21 =	vadd.s32 v58, v2;
	[tilespmem:v13+s22+$0x0] =	vst.idx.msk $0xffff, v12  }
0x2ab: {  	v6 =	vbroadcast v35, $0x0;
	v55 =	vld [tilespmem:$0x1FFD0]  }
0x2ac: {  	v37 =	vshll.u32 v10, v33;
	v11 =	vld [tilespmem:s26+$0xFFFFFEC0];
	v28 =	vadd.s32 v1, v5  }
0x2ad: {  	v23 =	vld [tilespmem:s26+$0xFFFFFF00];
	v7 =	vbroadcast v37, $0x0;
	v38 =	vadd.s32 v51, v6  }
0x2ae: {  	v36 =	vld [tilespmem:s26+$0xFFFFFE80];
	v27 =	vadd.s32 v62, v4  }
0x2af: {  	v24 =	vadd.s32 v53, v7;
	[tilespmem:v21+s22+$0x0] =	vst.idx.msk $0xffff, v9;
	v21 =	vld [tilespmem:s26+$0xFFFFFF40]  }
0x2b0: {  	v32 =	vshll.u32 v16, v33;
	v13 =	vld [tilespmem:s26+$0x1D0];
	v16 =	vadd.s32 v55, v30  }
0x2b1: {  	[tilespmem:v28+s22+$0x0] =	vst.idx.msk $0xffff, v11  }
0x2b2: {  	v8 =	vshll.u32 v8, v33;
	[tilespmem:v38+s22+$0x0] =	vst.idx.msk $0xffff, v23  }
0x2b3: {  	v8 =	vbroadcast v8, $0x0;
	[tilespmem:v27+s22+$0x0] =	vst.idx.msk $0xffff, v36  }
0x2b4: {  	v22 =	vshrl.u32 v22, $0x3;
	v14 =	vshrl.u32 v14, $0x3;
	[tilespmem:v24+s22+$0x0] =	vst.idx.msk $0xffff, v21  }
0x2b5: {  	v35 =	vshll.u32 v22, v33;
	v22 =	vld [tilespmem:s26+$0xFFFFFF80];
	v9 =	vbroadcast v32, $0x0;
	v36 =	vadd.s32 v47, v8;
	[tilespmem:v16+s22+$0x0] =	vst.idx.msk $0xffff, v13  }
0x2b6: {  	v15 =	vshrl.u32 v15, $0x3;
	v37 =	vshll.u32 v14, v33;
	v10 =	vbroadcast v35, $0x0;
	v32 =	vld [tilespmem:$0x1FFE0]  }
0x2b7: {  	v11 =	vbroadcast v37, $0x0;
	v38 =	vshll.u32 v15, v33;
	v27 =	vld [tilespmem:s26+$0xFFFFFFC0];
	v28 =	vadd.s32 v39, v9  }
0x2b8: {  	v0 =	vshrl.u32 v17, $0x3;
	v17 =	vld [tilespmem:s26+$0x0];
	v23 =	vadd.s32 v40, v10;
	v12 =	vbroadcast v38, $0x0  }
0x2b9: {  	v19 =	vshrl.u32 v19, $0x3;
	v25 =	vld [tilespmem:s26+$0x40];
	v29 =	vadd.s32 v58, v11  }
0x2ba: {  	v20 =	vshrl.u32 v20, $0x3;
	v19 =	vshll.u32 v19, v33;
	v21 =	vld [tilespmem:s26+$0x80];
	[tilespmem:v36+s22+$0x0] =	vst.idx.msk $0xffff, v22;
	v36 =	vadd.s32 v62, v12  }
0x2bb: {  	v24 =	vshll.u32 v20, v33;
	v13 =	vbroadcast v19, $0x0;
	v19 =	vld [tilespmem:s26+$0x1E0];
	v20 =	vadd.s32 v32, v30  }
0x2bc: {  	[tilespmem:v28+s22+$0x0] =	vst.idx.msk $0xffff, v27  }
0x2bd: {  	[tilespmem:v23+s22+$0x0] =	vst.idx.msk $0xffff, v17  }
0x2be: {  	[tilespmem:v29+s22+$0x0] =	vst.idx.msk $0xffff, v25  }
0x2bf: {  	v18 =	vshrl.u32 v18, $0x3;
	[tilespmem:v36+s22+$0x0] =	vst.idx.msk $0xffff, v21  }
0x2c0: {  	v37 =	vshll.u32 v18, v33;
	v14 =	vbroadcast v24, $0x0;
	v24 =	vld [tilespmem:s26+$0xC0];
	[tilespmem:v20+s22+$0x0] =	vst.idx.msk $0xffff, v19  }
0x2c1: {  	v0 =	vshll.u32 v0, v33;
	v16 =	vbroadcast v37, $0x0;
	v37 =	vld [tilespmem:$0x1FBA0]  }
0x2c2: {  	v15 =	vbroadcast v0, $0x0;
	v26 =	vadd.s32 v1, v13;
	v29 =	vld [tilespmem:$0x1FF40]  }
0x2c3: {  	v17 =	vld [tilespmem:s26+$0x100];
	v18 =	vadd.s32 v51, v14  }
0x2c4: {  	v35 =	vmov v58;
	v0 =	vld [tilespmem:s26+$0x140];
	v58 =	vadd.s32 v53, v15  }
0x2c5: {  	v25 =	vld [tilespmem:s26+$0x180];
	v27 =	vadd.s32 v47, v16  }
0x2c6: {  	v19 =	vld [tilespmem:s26+$0x1F0];
	v20 =	vadd.s32 v37, v30  }
0x2c7: {  	v38 =	vmov v62;
	v62 =	vld [tilespmem:s26+$0xFFFFFE50];
	[tilespmem:v26+s22+$0x0] =	vst.idx.msk $0xffff, v24;
	v36 =	vadd.s32 v29, v2  }
0x2c8: {  	[tilespmem:v18+s22+$0x0] =	vst.idx.msk $0xffff, v17  }
0x2c9: {  	v53 =	vadd.s32 v61, v4;
	v51 =	vld [tilespmem:s26+$0xFFFFFE90];
	[tilespmem:v58+s22+$0x0] =	vst.idx.msk $0xffff, v0  }
0x2ca: {  	v28 =	vmov v1;
	v1 =	vadd.s32 v50, v6;
	v58 =	vld [tilespmem:s26+$0xFFFFFF10];
	[tilespmem:v27+s22+$0x0] =	vst.idx.msk $0xffff, v25  }
0x2cb: {  	v47 =	vld [tilespmem:s26+$0xFFFFFF50];
	[tilespmem:v20+s22+$0x0] =	vst.idx.msk $0xffff, v19  }
0x2cc: {  	v17 =	vld [tilespmem:s26+$0xFFFFFED0];
	v27 =	vadd.s32 v56, v7;
	[tilespmem:v36+s22+$0x0] =	vst.idx.msk $0xffff, v62  }
0x2cd: {  	v18 =	vadd.s32 v44, v5;
	v62 =	vld [tilespmem:$0x1FFA0]  }
0x2ce: {  	[tilespmem:v53+s22+$0x0] =	vst.idx.msk $0xffff, v51;
	v51 =	vld [tilespmem:s26+$0xFFFFFFD0];
	v53 =	vadd.s32 v55, v9  }
0x2cf: {  	[tilespmem:v1+s22+$0x0] =	vst.idx.msk $0xffff, v58;
	v58 =	vld [tilespmem:s26+$0x50];
	v1 =	vadd.s32 v29, v11;
	_ =	sdelay $0x1  }
0x2d0: {  	v24 =	vld [tilespmem:s26+$0x90];
	[tilespmem:v27+s22+$0x0] =	vst.idx.msk $0xffff, v47;
	v47 =	vadd.s32 v61, v12  }
0x2d1: {  	v19 =	vld [tilespmem:s26+$0xFFFFFF90];
	[tilespmem:v18+s22+$0x0] =	vst.idx.msk $0xffff, v17;
	v36 =	vadd.s32 v62, v8  }
0x2d2: {  	v17 =	vld [tilespmem:s26+$0x10];
	v18 =	vadd.s32 v41, v10;
	[tilespmem:v53+s22+$0x0] =	vst.idx.msk $0xffff, v51  }
0x2d3: {  	v53 =	vadd.s32 v56, v15;
	[tilespmem:v1+s22+$0x0] =	vst.idx.msk $0xffff, v58;
	v56 =	vld [tilespmem:s26+$0x190];
	v58 =	vadd.s32 v62, v16  }
0x2d4: {  	v31 =	vmov v44;
	v27 =	vadd.s32 v41, v3;
	v1 =	vld [tilespmem:s26+$0xFFFFFE10]  }
0x2d5: {  	v30 =	vmov v61;
	v61 =	vadd.s32 v44, v13;
	v44 =	vld [tilespmem:s26+$0xFFFFFE60];
	[tilespmem:v47+s22+$0x0] =	vst.idx.msk $0xffff, v24;
	v47 =	vadd.s32 v60, v2  }
0x2d6: {  	[tilespmem:v36+s22+$0x0] =	vst.idx.msk $0xffff, v19;
	v19 =	vld [tilespmem:s26+$0xD0]  }
0x2d7: {  	v21 =	vld [tilespmem:s26+$0x110];
	[tilespmem:v18+s22+$0x0] =	vst.idx.msk $0xffff, v17;
	v36 =	vadd.s32 v50, v14  }
0x2d8: {  	v51 =	vmov v50;
	v50 =	vld [tilespmem:s26+$0x150];
	[tilespmem:v58+s22+$0x0] =	vst.idx.msk $0xffff, v56  }
0x2d9: {  	[tilespmem:v27+s22+$0x0] =	vst.idx.msk $0xffff, v1;
	v56 =	vld [tilespmem:s26+$0xFFFFFF60];
	v58 =	vadd.s32 v57, v7  }
0x2da: {  	[tilespmem:v47+s22+$0x0] =	vst.idx.msk $0xffff, v44;
	v27 =	vadd.s32 v48, v3;
	v26 =	vld [tilespmem:s26+$0xFFFFFE20]  }
0x2db: {  	[tilespmem:v61+s22+$0x0] =	vst.idx.msk $0xffff, v19;
	v19 =	vld [tilespmem:s26+$0xFFFFFEA0]  }
0x2dc: {  	v61 =	vadd.s32 v43, v4;
	[tilespmem:v36+s22+$0x0] =	vst.idx.msk $0xffff, v21;
	v21 =	vld [tilespmem:s26+$0xFFFFFEE0]  }
0x2dd: {  	v36 =	vadd.s32 v59, v5;
	[tilespmem:v53+s22+$0x0] =	vst.idx.msk $0xffff, v50;
	v50 =	vld [tilespmem:s26+$0xFFFFFF20]  }
0x2de: {  	v53 =	vadd.s32 v45, v6;
	v1 =	vld [tilespmem:$0x1FFB0];
	[tilespmem:v58+s22+$0x0] =	vst.idx.msk $0xffff, v56  }
0x2df: {  	v22 =	vadd.s32 v48, v10;
	v0 =	vld [tilespmem:s26+$0xA0];
	v56 =	vadd.s32 v43, v12;
	[tilespmem:v27+s22+$0x0] =	vst.idx.msk $0xffff, v26  }
0x2e0: {  	v48 =	vadd.s32 v63, v12;
	v3 =	vadd.s32 v46, v3;
	v4 =	vadd.s32 v63, v4;
	v63 =	vld [tilespmem:s26+$0xFFFFFE30]  }
0x2e1: {  	[tilespmem:v61+s22+$0x0] =	vst.idx.msk $0xffff, v19;
	v19 =	vld [tilespmem:s26+$0xFFFFFFE0];
	v61 =	vadd.s32 v32, v9  }
0x2e2: {  	[tilespmem:v36+s22+$0x0] =	vst.idx.msk $0xffff, v21;
	v21 =	vld [tilespmem:s26+$0x20]  }
0x2e3: {  	[tilespmem:v53+s22+$0x0] =	vst.idx.msk $0xffff, v50;
	v50 =	vld [tilespmem:s26+$0x60];
	v53 =	vadd.s32 v60, v11  }
0x2e4: {  	v24 =	vld [tilespmem:s26+$0xE0];
	v36 =	vmov v60;
	v60 =	vadd.s32 v59, v13;
	[tilespmem:v56+s22+$0x0] =	vst.idx.msk $0xffff, v0  }
0x2e5: {  	v44 =	vld [tilespmem:s26+$0xFFFFFFA0];
	v47 =	vadd.s32 v1, v8;
	[tilespmem:v3+s22+$0x0] =	vst.idx.msk $0xffff, v63  }
0x2e6: {  	v2 =	vadd.s32 v42, v2;
	v56 =	vld [tilespmem:s26+$0xFFFFFE70];
	[tilespmem:v61+s22+$0x0] =	vst.idx.msk $0xffff, v19  }
0x2e7: {  	v58 =	vmov v43;
	v43 =	vadd.s32 v45, v14;
	v45 =	vadd.s32 v57, v15;
	v57 =	vld [tilespmem:s26+$0xFFFFFEB0];
	[tilespmem:v22+s22+$0x0] =	vst.idx.msk $0xffff, v21  }
0x2e8: {  	v61 =	vld [tilespmem:s26+$0x120];
	[tilespmem:v53+s22+$0x0] =	vst.idx.msk $0xffff, v50  }
0x2e9: {  	v50 =	vld [tilespmem:s26+$0x1A0];
	v53 =	vadd.s32 v1, v16;
	[tilespmem:v60+s22+$0x0] =	vst.idx.msk $0xffff, v24  }
0x2ea: {  	v6 =	vadd.s32 v34, v6;
	v60 =	vld [tilespmem:s26+$0xFFFFFF30];
	[tilespmem:v47+s22+$0x0] =	vst.idx.msk $0xffff, v44  }
0x2eb: {  	v44 =	vld [tilespmem:s26+$0x160];
	[tilespmem:v2+s22+$0x0] =	vst.idx.msk $0xffff, v56  }
0x2ec: {  	v5 =	vadd.s32 v52, v5;
	v47 =	vmov v59;
	v59 =	vld [tilespmem:s26+$0xFFFFFEF0];
	[tilespmem:v4+s22+$0x0] =	vst.idx.msk $0xffff, v57  }
0x2ed: {  	v24 =	vadd.s32 v37, v9;
	v23 =	vld [tilespmem:s26+$0xFFFFFFF0];
	[tilespmem:v43+s22+$0x0] =	vst.idx.msk $0xffff, v61  }
0x2ee: {  	v26 =	vadd.s32 v46, v10;
	v25 =	vld [tilespmem:s26+$0x30];
	[tilespmem:v53+s22+$0x0] =	vst.idx.msk $0xffff, v50  }
0x2ef: {  	v22 =	vadd.s32 v49, v8;
	v21 =	vld [tilespmem:s26+$0xFFFFFFB0];
	[tilespmem:v6+s22+$0x0] =	vst.idx.msk $0xffff, v60  }
0x2f0: {  	v7 =	vadd.s32 v54, v7;
	v61 =	vld [tilespmem:s26+$0xFFFFFF70];
	[tilespmem:v45+s22+$0x0] =	vst.idx.msk $0xffff, v44  }
0x2f1: {  	v52 =	vadd.s32 v52, v13;
	v50 =	vld [tilespmem:s26+$0xF0];
	[tilespmem:v5+s22+$0x0] =	vst.idx.msk $0xffff, v59  }
0x2f2: {  	v43 =	vld [tilespmem:s26+$0x70];
	v44 =	vadd.s32 v42, v11;
	[tilespmem:v24+s22+$0x0] =	vst.idx.msk $0xffff, v23  }
0x2f3: {  	v45 =	vld [tilespmem:s26+$0xB0];
	[tilespmem:v26+s22+$0x0] =	vst.idx.msk $0xffff, v25  }
0x2f4: {  	v56 =	vadd.s32 v34, v14;
	v53 =	vld [tilespmem:s26+$0x130];
	[tilespmem:v22+s22+$0x0] =	vst.idx.msk $0xffff, v21  }
0x2f5: {  	v59 =	vadd.s32 v54, v15;
	v57 =	vld [tilespmem:s26+$0x170];
	[tilespmem:v7+s22+$0x0] =	vst.idx.msk $0xffff, v61  }
0x2f6: {  	v60 =	vld [tilespmem:s26+$0x1B0];
	v61 =	vadd.s32 v49, v16;
	[tilespmem:v52+s22+$0x0] =	vst.idx.msk $0xffff, v50  }
0x2f7: {  	[tilespmem:v44+s22+$0x0] =	vst.idx.msk $0xffff, v43  }
0x2f8: {  	[tilespmem:v48+s22+$0x0] =	vst.idx.msk $0xffff, v45  }
0x2f9: {  	[tilespmem:v56+s22+$0x0] =	vst.idx.msk $0xffff, v53  }
0x2fa: {  	s28 =	sor.u32 $0x20000, s4;
	[tilespmem:v59+s22+$0x0] =	vst.idx.msk $0xffff, v57  }
0x2fb: {  	s6 =	simm.s32 $0x10800;
	s26 =	sadd.s32 s1, s28;
	[tilespmem:v61+s22+$0x0] =	vst.idx.msk $0xffff, v60  }
0x2fc: {  	[hbm4b:s26+s2] =	stream.linear.scatter [tilespmem:s6], [sflag:$0x6], $0x80, $0x38;
	[tilespmem:$0x12A00] =	vst v63  }
0x2fd: {  	s7 =	simm.s32 $0x10888;
	s6 =	sadd.s32 $0x10, s26  }
0x2fe: {  	[hbm4b:s6+s2] =	stream.linear.scatter [tilespmem:s7], [sflag:$0x6], $0x80, $0x38;
	[tilespmem:$0x12A00] =	vst v63  }
0x2ff: {  	s8 =	simm.s32 $0x10910;
	s28 =	sadd.s32 $0x20, s26  }
0x300: {  	[hbm4b:s28+s2] =	stream.linear.scatter [tilespmem:s8], [sflag:$0x6], $0x80, $0x38;
	[tilespmem:$0x12A00] =	vst v63  }
0x301: {  	s6 =	simm.s32 $0x10998;
	s7 =	sadd.s32 $0x30, s26  }
0x302: {  	[hbm4b:s7+s2] =	stream.linear.scatter [tilespmem:s6], [sflag:$0x6], $0x80, $0x38;
	[tilespmem:$0x12A00] =	vst v63  }
0x303: {  	s8 =	simm.s32 $0x10A20;
	s28 =	sadd.s32 $0x40, s26  }
0x304: {  	[hbm4b:s28+s2] =	stream.linear.scatter [tilespmem:s8], [sflag:$0x6], $0x80, $0x38;
	[tilespmem:$0x12A00] =	vst v63  }
0x305: {  	s3 =	simm.s32 $0x2200;
	s6 =	simm.s32 $0x10AA8;
	s7 =	sadd.s32 $0x50, s26  }
0x306: {  	[hbm4b:s7+s2] =	stream.linear.scatter [tilespmem:s6], [sflag:$0x6], $0x80, $0x38;
	[tilespmem:$0x12A00] =	vst v63  }
0x307: {  	s8 =	simm.s32 $0x10B30;
	s28 =	sadd.s32 $0x60, s26;
	s7 =	simm.s32 $0x440  }
0x308: {  	[hbm4b:s28+s2] =	stream.linear.scatter [tilespmem:s8], [sflag:$0x6], $0x80, $0x38;
	[tilespmem:$0x12A00] =	vst v63  }
0x309: {  	v42 =	vmovc v55;
	v50 =	vmovc v34;
	v45 =	vmov v1;
	v59 =	vmov v29;
	v60 =	vmov v32;
	s6 =	simm.s32 $0x10BB8;
	s8 =	sadd.s32 $0x70, s26;
	s26 =	sadd.s32 $0x4000, s26  }
.LBB2_14:
0x30a: {  	[hbm4b:s8+s2] =	stream.linear.scatter [tilespmem:s6], [sflag:$0x6], $0x80, $0x38;
	[tilespmem:$0x12A00] =	vst v63  }
0x30b: {  	s6 =	smov.u32 s7;
	s7 =	smov.u32 s3  }
0x30c: {  	s28 =	sadd.s32 $0x1100, s3;
	s7 =	sshra.s32 s7, $0x2;
	s8 =	sadd.s32 $0x10800, s6  }
0x30d: {  	[hbm4b:s26+s2] =	stream.linear.scatter [tilespmem:s8], [sflag:$0x6], $0x80, $0x38;
	[tilespmem:$0x12A00] =	vst v63  }
0x30e: {  	p0 =	sne.s32 s3, $0x7700;
	s3 =	sadd.s32 $0x10888, s6;
	s8 =	sadd.s32 $0x10, s26  }
0x30f: {  	[hbm4b:s8+s2] =	stream.linear.scatter [tilespmem:s3], [sflag:$0x6], $0x80, $0x38;
	[tilespmem:$0x12A00] =	vst v63  }
0x310: {  	s3 =	sadd.s32 $0x10910, s6;
	s8 =	sadd.s32 $0x20, s26  }
0x311: {  	[hbm4b:s8+s2] =	stream.linear.scatter [tilespmem:s3], [sflag:$0x6], $0x80, $0x38;
	[tilespmem:$0x12A00] =	vst v63  }
0x312: {  	s3 =	sadd.s32 $0x10998, s6;
	s8 =	sadd.s32 $0x30, s26  }
0x313: {  	[hbm4b:s8+s2] =	stream.linear.scatter [tilespmem:s3], [sflag:$0x6], $0x80, $0x38;
	[tilespmem:$0x12A00] =	vst v63  }
0x314: {  	s3 =	sadd.s32 $0x10A20, s6;
	s8 =	sadd.s32 $0x40, s26  }
0x315: {  	[hbm4b:s8+s2] =	stream.linear.scatter [tilespmem:s3], [sflag:$0x6], $0x80, $0x38;
	[tilespmem:$0x12A00] =	vst v63  }
.Ltmp10:
0x316: {  	s3 =	sadd.s32 $0x10AA8, s6;
	s8 =	sadd.s32 $0x50, s26;
	(pc) =	sbr.rel @p0 .LBB2_14-.Ltmp10, $4  }
0x317: {  	[hbm4b:s8+s2] =	stream.linear.scatter [tilespmem:s3], [sflag:$0x6], $0x80, $0x38;
	[tilespmem:$0x12A00] =	vst v63  }
0x318: {  	s3 =	sadd.s32 $0x10B30, s6;
	s8 =	sadd.s32 $0x60, s26;
	s6 =	sadd.s32 $0x10BB8, s6  }
0x319: {  	[hbm4b:s8+s2] =	stream.linear.scatter [tilespmem:s3], [sflag:$0x6], $0x80, $0x38;
	[tilespmem:$0x12A00] =	vst v63  }
0x31a: {  	s8 =	sadd.s32 $0x70, s26;
	s26 =	sadd.s32 $0x4000, s26;
	s3 =	smov.u32 s28  }
0x31b: {  	[hbm4b:s8+s2] =	stream.linear.scatter [tilespmem:s6], [sflag:$0x6], $0x80, $0x38;
	[tilespmem:$0x12A00] =	vst v63  }
0x31c: {  	s3 =	sadd.s32 $0x10800, s7  }
0x31d: {  	[hbm4b:s26+s2] =	stream.linear.scatter [tilespmem:s3], [sflag:$0x6], $0x80, $0x38;
	[tilespmem:$0x12A00] =	vst v63  }
0x31e: {  	s8 =	sadd.s32 $0x10888, s7;
	s28 =	sadd.s32 $0x10, s26  }
0x31f: {  	[hbm4b:s28+s2] =	stream.linear.scatter [tilespmem:s8], [sflag:$0x6], $0x80, $0x38;
	[tilespmem:$0x12A00] =	vst v63  }
0x320: {  	s8 =	sadd.s32 $0x10910, s7;
	s28 =	sadd.s32 $0x20, s26  }
0x321: {  	[hbm4b:s28+s2] =	stream.linear.scatter [tilespmem:s8], [sflag:$0x6], $0x80, $0x38;
	[tilespmem:$0x12A00] =	vst v63  }
0x322: {  	s8 =	sadd.s32 $0x10998, s7;
	s28 =	sadd.s32 $0x30, s26  }
0x323: {  	[hbm4b:s28+s2] =	stream.linear.scatter [tilespmem:s8], [sflag:$0x6], $0x80, $0x38;
	[tilespmem:$0x12A00] =	vst v63  }
0x324: {  	s8 =	sadd.s32 $0x10A20, s7;
	s28 =	sadd.s32 $0x40, s26  }
0x325: {  	[hbm4b:s28+s2] =	stream.linear.scatter [tilespmem:s8], [sflag:$0x6], $0x80, $0x38;
	[tilespmem:$0x12A00] =	vst v63  }
0x326: {  	p0 =	seq.s32 s31, $0x31;
	s8 =	sadd.s32 $0x10AA8, s7;
	s28 =	sadd.s32 $0x50, s26  }
0x327: {  	[hbm4b:s28+s2] =	stream.linear.scatter [tilespmem:s8], [sflag:$0x6], $0x80, $0x38;
	[tilespmem:$0x12A00] =	vst v63  }
.Ltmp11:
0x328: {  	_ = 	snop;
	(pc) =	sbr.rel @p0 .LBB2_17-.Ltmp11, $4  }
0x329: {  	s8 =	sadd.s32 $0x10B30, s7;
	s28 =	sadd.s32 $0x60, s26  }
0x32a: {  	[hbm4b:s28+s2] =	stream.linear.scatter [tilespmem:s8], [sflag:$0x6], $0x80, $0x38;
	[tilespmem:$0x12A00] =	vst v63  }
0x32b: {  	s8 =	sadd.s32 $0x10BB8, s7;
	s28 =	sadd.s32 $0x70, s26  }
0x32c: {  	[hbm4b:s28+s2] =	stream.linear.scatter [tilespmem:s8], [sflag:$0x6], $0x80, $0x38;
	[tilespmem:$0x12A00] =	vst v63  }
0x32d: {  	v4 =	vld [tilespmem:$0x1FDF0];
	_ =	sdelay $0x3  }
0x32e: {  	s3 =	sadd.s32 $0x5, s0  }
0x32f: {  	v0 =	vmov s3;
	v2 =	vadd.s32 s3, v4  }
0x330: {  	v0 =	vand.u32 $0x5, v0;
	v2 =	vand.u32 $0x1FF8, v2  }
0x331: {  	v0 =	vor.u32 v0, v2;
	_ =	sdelay $0x2  }
0x332: {  	s26 =	sadd.s32 $0xC85, s0  }
0x333: {  	v34 =	vmov s26;
	v3 =	vadd.s32 s26, v4  }
0x334: {  	v3 =	vand.u32 $0x1FF8, v3;
	v2 =	vand.u32 $0x5, v34;
	v0 =	vld.idx.msk [tilespmem:v0+s2+$0x0], $0xffff  }
0x335: {  	v2 =	vor.u32 v2, v3;
	_ =	sdelay $0x2  }
0x336: {  	s28 =	sadd.s32 $0x1905, s0  }
0x337: {  	v43 =	vmov s28;
	v44 =	vadd.s32 s28, v4;
	[tilespmem:$0x6480] =	vst v0  }
0x338: {  	v3 =	vand.u32 $0x3FF8, v44;
	v0 =	vand.u32 $0x5, v43;
	v2 =	vld.idx.msk [tilespmem:v2+s2+$0x0], $0xffff  }
0x339: {  	v0 =	vor.u32 v0, v3;
	_ =	sdelay $0x2  }
0x33a: {  	s6 =	sadd.s32 $0x2585, s0  }
0x33b: {  	v46 =	vmov s6;
	v48 =	vadd.s32 s6, v4;
	[tilespmem:$0x6490] =	vst v2  }
0x33c: {  	v3 =	vand.u32 $0x3FF8, v48;
	v2 =	vand.u32 $0x5, v46;
	v0 =	vld.idx.msk [tilespmem:v0+s2+$0x0], $0xffff  }
0x33d: {  	v2 =	vor.u32 v2, v3;
	_ =	sdelay $0x2  }
0x33e: {  	s7 =	sadd.s32 $0x3205, s0  }
0x33f: {  	v49 =	vmov s7;
	v52 =	vadd.s32 s7, v4;
	[tilespmem:$0x64A0] =	vst v0  }
0x340: {  	v3 =	vand.u32 $0x7FF8, v52;
	v0 =	vand.u32 $0x5, v49;
	v2 =	vld.idx.msk [tilespmem:v2+s2+$0x0], $0xffff  }
0x341: {  	v0 =	vor.u32 v0, v3;
	_ =	sdelay $0x2  }
0x342: {  	s8 =	sadd.s32 $0x3E85, s0  }
0x343: {  	v53 =	vmov s8;
	v55 =	vadd.s32 s8, v4;
	[tilespmem:$0x64B0] =	vst v2  }
0x344: {  	v3 =	vand.u32 $0x7FF8, v55;
	v2 =	vand.u32 $0x5, v53;
	v0 =	vld.idx.msk [tilespmem:v0+s2+$0x0], $0xffff  }
0x345: {  	v2 =	vor.u32 v2, v3;
	_ =	sdelay $0x2  }
0x346: {  	s26 =	sadd.s32 $0x4B05, s0  }
0x347: {  	v56 =	vmov s26;
	v57 =	vadd.s32 s26, v4;
	[tilespmem:$0x64C0] =	vst v0  }
0x348: {  	v3 =	vand.u32 $0x5FF8, v57;
	v0 =	vand.u32 $0x5, v56;
	v2 =	vld.idx.msk [tilespmem:v2+s2+$0x0], $0xffff  }
0x349: {  	v0 =	vor.u32 v0, v3;
	_ =	sdelay $0x2  }
0x34a: {  	s28 =	sadd.s32 $0x5785, s0  }
0x34b: {  	v61 =	vmov s28;
	v63 =	vadd.s32 s28, v4;
	[tilespmem:$0x64D0] =	vst v2  }
0x34c: {  	v3 =	vand.u32 $0x7FF8, v63;
	v2 =	vand.u32 $0x5, v61;
	v0 =	vld.idx.msk [tilespmem:v0+s2+$0x0], $0xffff  }
0x34d: {  	v2 =	vor.u32 v2, v3;
	_ =	sdelay $0x3  }
0x34e: {  	[tilespmem:$0x64E0] =	vst v0  }
0x34f: {  	v0 =	vld.idx.msk [tilespmem:v2+s2+$0x0], $0xffff;
	_ =	sdelay $0x4  }
0x350: {  	[tilespmem:$0x64F0] =	vst v0  }
0x351: {  	[tilespmem:s13], [sflag:$0x2] =	stream.indirect.gather [hbm4b:s5+s9], $0x40, s12, s9, $0xb8;
	[tilespmem:$0x12A00] =	vst v63  }
.LBB2_17:
0x352: {  	s28 =	simm.s32 $0x2  }
0x353: {  	s3 =	simm.s32 $0x0;
	v3 =	vmov s28;
	s28 =	simm.s32 $0x7  }
0x354: {  	s26 =	simm.s32 $0x1;
	s6 =	simm.s32 $0x3;
	v0 =	vmov s3;
	v8 =	vmov s28;
	s28 =	simm.s32 $0xA  }
0x355: {  	s7 =	simm.s32 $0x4;
	_ =	swait.ge [sflag:s23], $0x2000;
	v2 =	vmov s26;
	v4 =	vmov s6;
	v11 =	vmov s28;
	s28 =	simm.s32 $0xF  }
0x356: {  	v5 =	vmov s7;
	s26 =	simm.s32 $0x6;
	[sflag:s23] =	ssyncset.done $0x0;
	v14 =	vshrl.u32 v2, $0x3;
	v2 =	vmov s28  }
0x357: {  	s7 =	simm.s32 $0xC;
	v0 =	vshrl.u32 v0, $0x3;
	v7 =	vmov s26;
	[sflag:s23] =	ssyncadd.s32 $0xFFFFE000;
	v2 =	vshrl.u32 v2, $0x3  }
0x358: {  	s26 =	simm.s32 $0x9;
	v13 =	vmov s7;
	v3 =	vshrl.u32 v3, $0x3;
	_ =	swait.ge [sflag:s24], $0x2000;
	v2 =	vshll.u32 v2, v33  }
0x359: {  	v10 =	vmov s26;
	v0 =	vshll.u32 v0, v33;
	[sflag:s24] =	ssyncset.done $0x0;
	v22 =	vbroadcast v2, $0x0  }
0x35a: {  	s7 =	simm.s32 $0xA800;
	v21 =	vshrl.u32 v10, $0x3;
	[sflag:s24] =	ssyncadd.s32 $0xFFFFE000;
	v2 =	vbroadcast v0, $0x0;
	v0 =	vshll.u32 v14, v33  }
0x35b: {  	v16 =	vbroadcast v0, $0x0;
	v0 =	vshll.u32 v3, v33;
	v3 =	vld [tilespmem:s7+$0x1C0];
	v10 =	vadd.s32 v39, v22  }
0x35c: {  	v4 =	vshrl.u32 v4, $0x3;
	v23 =	vshrl.u32 v11, $0x3;
	v11 =	vld [tilespmem:s7+$0xFFFFFE00];
	v24 =	vadd.s32 v40, v2  }
0x35d: {  	v15 =	vbroadcast v0, $0x0;
	v0 =	vshll.u32 v4, v33;
	v4 =	vld [tilespmem:s7+$0xFFFFFE40];
	v25 =	vadd.s32 v35, v16  }
0x35e: {  	v5 =	vshrl.u32 v5, $0x3  }
0x35f: {  	s8 =	simm.s32 $0x5;
	v14 =	vbroadcast v0, $0x0;
	v0 =	vshll.u32 v5, v33;
	v5 =	vld [tilespmem:s7+$0xFFFFFE80];
	v26 =	vadd.s32 v38, v15  }
0x360: {  	v6 =	vmov s8;
	s8 =	simm.s32 $0x8;
	v57 =	vld [tilespmem:$0x1FEA0];
	[tilespmem:v10+s19+$0x0] =	vst.idx.msk $0xffff, v3  }
0x361: {  	s6 =	simm.s32 $0xB;
	v9 =	vmov s8;
	s8 =	simm.s32 $0xD;
	[tilespmem:v24+s19+$0x0] =	vst.idx.msk $0xffff, v11  }
0x362: {  	v12 =	vmov s6;
	v6 =	vshrl.u32 v6, $0x3;
	v17 =	vmov s8;
	[tilespmem:v25+s19+$0x0] =	vst.idx.msk $0xffff, v4  }
0x363: {  	v7 =	vshrl.u32 v7, $0x3;
	v19 =	vshrl.u32 v8, $0x3;
	v20 =	vshrl.u32 v9, $0x3;
	v61 =	vld [tilespmem:$0x1FEC0]  }
0x364: {  	v6 =	vshll.u32 v6, v33;
	v8 =	vbroadcast v0, $0x0;
	v0 =	vshrl.u32 v12, $0x3;
	v12 =	vld [tilespmem:s7+$0xFFFFFEC0];
	[tilespmem:v26+s19+$0x0] =	vst.idx.msk $0xffff, v5  }
0x365: {  	v43 =	vbroadcast v6, $0x0;
	v6 =	vshll.u32 v7, v33;
	v27 =	vadd.s32 v28, v14;
	v1 =	vld [tilespmem:$0x1FE10]  }
0x366: {  	v53 =	vmovc v28;
	v28 =	vshrl.u32 v13, $0x3;
	v13 =	vld [tilespmem:s7+$0xFFFFFF00];
	v29 =	vadd.s32 v57, v8;
	v3 =	vshll.u32 v19, v33  }
0x367: {  	s26 =	simm.s32 $0xE;
	v52 =	vbroadcast v6, $0x0;
	v19 =	vadd.s32 v42, v22;
	v6 =	vld [tilespmem:s7+$0x1D0];
	v56 =	vbroadcast v3, $0x0  }
0x368: {  	v18 =	vmov s26;
	v4 =	vld [tilespmem:s7+$0xFFFFFF40];
	v3 =	vshll.u32 v20, v33;
	v24 =	vadd.s32 v61, v43  }
0x369: {  	v11 =	vbroadcast v3, $0x0;
	v3 =	vshll.u32 v21, v33;
	v21 =	vld [tilespmem:s7+$0xFFFFFFC0];
	v25 =	vadd.s32 v39, v56  }
0x36a: {  	v0 =	vshll.u32 v0, v33;
	v5 =	vld [tilespmem:s7+$0xFFFFFF80];
	[tilespmem:v27+s19+$0x0] =	vst.idx.msk $0xffff, v12;
	v12 =	vbroadcast v3, $0x0;
	v20 =	vadd.s32 v1, v52  }
0x36b: {  	v17 =	vshrl.u32 v17, $0x3;
	v26 =	vld [tilespmem:s7+$0x0];
	v3 =	vshll.u32 v23, v33;
	[tilespmem:v29+s19+$0x0] =	vst.idx.msk $0xffff, v13;
	v27 =	vadd.s32 v40, v11  }
0x36c: {  	v23 =	vld [tilespmem:s7+$0x40];
	v13 =	vbroadcast v3, $0x0;
	v3 =	vbroadcast v0, $0x0;
	v29 =	vadd.s32 v35, v12;
	[tilespmem:v19+s19+$0x0] =	vst.idx.msk $0xffff, v6  }
0x36d: {  	v18 =	vshrl.u32 v18, $0x3;
	v0 =	vshll.u32 v28, v33;
	v19 =	vld [tilespmem:s7+$0x1E0];
	[tilespmem:v24+s19+$0x0] =	vst.idx.msk $0xffff, v4;
	v24 =	vadd.s32 v60, v22  }
0x36e: {  	[tilespmem:v25+s19+$0x0] =	vst.idx.msk $0xffff, v21;
	v21 =	vadd.s32 v53, v3;
	v4 =	vbroadcast v0, $0x0;
	v0 =	vshll.u32 v17, v33;
	v17 =	vld [tilespmem:s7+$0xC0]  }
0x36f: {  	v28 =	vadd.s32 v38, v13;
	[tilespmem:v20+s19+$0x0] =	vst.idx.msk $0xffff, v5;
	v20 =	vld [tilespmem:s7+$0x80];
	v5 =	vbroadcast v0, $0x0;
	v0 =	vshll.u32 v18, v33  }
0x370: {  	[tilespmem:v27+s19+$0x0] =	vst.idx.msk $0xffff, v26;
	v18 =	vld [tilespmem:s7+$0x100];
	v25 =	vadd.s32 v57, v4;
	v6 =	vbroadcast v0, $0x0  }
0x371: {  	[tilespmem:v29+s19+$0x0] =	vst.idx.msk $0xffff, v23;
	v0 =	vld [tilespmem:s7+$0x140];
	v23 =	vadd.s32 v61, v5  }
0x372: {  	v26 =	vld [tilespmem:s7+$0x180];
	v27 =	vadd.s32 v1, v6;
	[tilespmem:v24+s19+$0x0] =	vst.idx.msk $0xffff, v19  }
0x373: {  	[tilespmem:v21+s19+$0x0] =	vst.idx.msk $0xffff, v17;
	v17 =	vld [tilespmem:s7+$0xFFFFFE90];
	v21 =	vadd.s32 v30, v15  }
0x374: {  	[tilespmem:v28+s19+$0x0] =	vst.idx.msk $0xffff, v20;
	v19 =	vld [tilespmem:s7+$0x1F0];
	v20 =	vadd.s32 v37, v22  }
0x375: {  	v24 =	vadd.s32 v59, v16;
	v22 =	vld [tilespmem:s7+$0xFFFFFE50];
	[tilespmem:v25+s19+$0x0] =	vst.idx.msk $0xffff, v18  }
0x376: {  	v18 =	vld [tilespmem:s7+$0xFFFFFED0];
	v25 =	vadd.s32 v31, v14;
	[tilespmem:v23+s19+$0x0] =	vst.idx.msk $0xffff, v0  }
0x377: {  	v0 =	vld [tilespmem:s7+$0xFFFFFF10];
	[tilespmem:v27+s19+$0x0] =	vst.idx.msk $0xffff, v26  }
0x378: {  	v23 =	vadd.s32 v51, v8;
	v7 =	vld [tilespmem:$0x1FF00];
	[tilespmem:v21+s19+$0x0] =	vst.idx.msk $0xffff, v17  }
0x379: {  	v17 =	vld [tilespmem:s7+$0xFFFFFFD0];
	v21 =	vadd.s32 v42, v56;
	[tilespmem:v20+s19+$0x0] =	vst.idx.msk $0xffff, v19  }
0x37a: {  	[tilespmem:v24+s19+$0x0] =	vst.idx.msk $0xffff, v22;
	v19 =	vld [tilespmem:s7+$0xFFFFFF90];
	v20 =	vadd.s32 v62, v52  }
0x37b: {  	v22 =	vadd.s32 v41, v11;
	[tilespmem:v25+s19+$0x0] =	vst.idx.msk $0xffff, v18;
	v18 =	vld [tilespmem:s7+$0x10]  }
0x37c: {  	v24 =	vld [tilespmem:s7+$0x90];
	v25 =	vadd.s32 v30, v13  }
0x37d: {  	[tilespmem:v23+s19+$0x0] =	vst.idx.msk $0xffff, v0;
	v0 =	vld [tilespmem:s7+$0x50];
	v23 =	vadd.s32 v59, v12  }
0x37e: {  	v26 =	vld [tilespmem:s7+$0xFFFFFF50];
	v27 =	vadd.s32 v7, v43;
	[tilespmem:v21+s19+$0x0] =	vst.idx.msk $0xffff, v17  }
0x37f: {  	v17 =	vld [tilespmem:s7+$0x110];
	v21 =	vadd.s32 v51, v4;
	[tilespmem:v20+s19+$0x0] =	vst.idx.msk $0xffff, v19  }
0x380: {  	v19 =	vld [tilespmem:s7+$0xD0];
	v20 =	vadd.s32 v31, v3;
	[tilespmem:v22+s19+$0x0] =	vst.idx.msk $0xffff, v18  }
0x381: {  	v18 =	vld [tilespmem:s7+$0x150];
	v22 =	vadd.s32 v7, v5;
	[tilespmem:v25+s19+$0x0] =	vst.idx.msk $0xffff, v24  }
0x382: {  	[tilespmem:v23+s19+$0x0] =	vst.idx.msk $0xffff, v0;
	v0 =	vld [tilespmem:s7+$0x190];
	v23 =	vadd.s32 v62, v6  }
0x383: {  	[tilespmem:v27+s19+$0x0] =	vst.idx.msk $0xffff, v26;
	v26 =	vld [tilespmem:s7+$0xFFFFFE10];
	v27 =	vadd.s32 v41, v2  }
0x384: {  	v24 =	vld [tilespmem:s7+$0xFFFFFE60];
	v25 =	vadd.s32 v36, v16;
	[tilespmem:v21+s19+$0x0] =	vst.idx.msk $0xffff, v17  }
0x385: {  	[tilespmem:v20+s19+$0x0] =	vst.idx.msk $0xffff, v19;
	v19 =	vld [tilespmem:s7+$0xFFFFFEA0];
	v20 =	vadd.s32 v58, v15  }
0x386: {  	v17 =	vld [tilespmem:s7+$0xFFFFFEE0];
	v21 =	vadd.s32 v47, v14;
	[tilespmem:v22+s19+$0x0] =	vst.idx.msk $0xffff, v18  }
0x387: {  	v48 =	vmov v51;
	v51 =	vmov v58;
	v58 =	vld [tilespmem:$0x1FEB0];
	[tilespmem:v23+s19+$0x0] =	vst.idx.msk $0xffff, v0  }
0x388: {  	[tilespmem:v27+s19+$0x0] =	vst.idx.msk $0xffff, v26  }
0x389: {  	v63 =	vld [tilespmem:$0x1FED0];
	[tilespmem:v25+s19+$0x0] =	vst.idx.msk $0xffff, v24  }
0x38a: {  	[tilespmem:v20+s19+$0x0] =	vst.idx.msk $0xffff, v19  }
0x38b: {  	[tilespmem:v21+s19+$0x0] =	vst.idx.msk $0xffff, v17  }
0x38c: {  	v7 =	vld [tilespmem:$0x1FF80]  }
0x38d: {  	v18 =	vld [tilespmem:s7+$0xFFFFFF20];
	v22 =	vadd.s32 v58, v8  }
0x38e: {  	v0 =	vld [tilespmem:s7+$0xFFFFFF60];
	v23 =	vadd.s32 v63, v43  }
0x38f: {  	v24 =	vld [tilespmem:s7+$0xFFFFFFA0];
	v25 =	vadd.s32 v45, v52  }
0x390: {  	v19 =	vld [tilespmem:s7+$0xFFFFFFE0];
	v20 =	vadd.s32 v60, v56  }
0x391: {  	v17 =	vld [tilespmem:s7+$0x20];
	v21 =	vadd.s32 v7, v11  }
0x392: {  	[tilespmem:v22+s19+$0x0] =	vst.idx.msk $0xffff, v18;
	v18 =	vld [tilespmem:s7+$0x60];
	v22 =	vadd.s32 v36, v12  }
0x393: {  	[tilespmem:v23+s19+$0x0] =	vst.idx.msk $0xffff, v0;
	v0 =	vld [tilespmem:s7+$0xA0];
	v23 =	vadd.s32 v51, v13  }
0x394: {  	[tilespmem:v25+s19+$0x0] =	vst.idx.msk $0xffff, v24;
	v24 =	vld [tilespmem:s7+$0xE0];
	v25 =	vadd.s32 v47, v3  }
0x395: {  	[tilespmem:v20+s19+$0x0] =	vst.idx.msk $0xffff, v19;
	v19 =	vld [tilespmem:s7+$0x120];
	v20 =	vadd.s32 v58, v4  }
0x396: {  	[tilespmem:v21+s19+$0x0] =	vst.idx.msk $0xffff, v17  }
0x397: {  	[tilespmem:v22+s19+$0x0] =	vst.idx.msk $0xffff, v18  }
0x398: {  	v17 =	vld [tilespmem:s7+$0x160];
	[tilespmem:v23+s19+$0x0] =	vst.idx.msk $0xffff, v0  }
0x399: {  	v9 =	vld [tilespmem:$0x1FF10];
	[tilespmem:v25+s19+$0x0] =	vst.idx.msk $0xffff, v24  }
0x39a: {  	v55 =	vmov v47;
	v47 =	vld [tilespmem:$0x1FF20];
	[tilespmem:v20+s19+$0x0] =	vst.idx.msk $0xffff, v19  }
0x39b: {  	v26 =	vadd.s32 v63, v5;
	v46 =	vld [tilespmem:$0x1FEF0]  }
0x39c: {  	v27 =	vadd.s32 v45, v6;
	v18 =	vld [tilespmem:s7+$0x1A0]  }
0x39d: {  	v44 =	vmov v31;
	v29 =	vld [tilespmem:s7+$0xFFFFFE20];
	v31 =	vadd.s32 v7, v2  }
0x39e: {  	v0 =	vld [tilespmem:s7+$0xFFFFFE70];
	v23 =	vadd.s32 v9, v16  }
0x39f: {  	v24 =	vld [tilespmem:s7+$0xFFFFFEB0];
	v25 =	vadd.s32 v47, v15  }
0x3a0: {  	s26 =	simm.s32 $0x12;
	s28 =	simm.s32 $0x13;
	v38 =	vld [tilespmem:s7+$0xFFFFFEF0];
	[tilespmem:v26+s19+$0x0] =	vst.idx.msk $0xffff, v17;
	v60 =	vadd.s32 v46, v14  }
0x3a1: {  	s8 =	simm.s32 $0x11;
	v32 =	vmov s26;
	v34 =	vmov s28;
	s26 =	simm.s32 $0x16;
	v40 =	vld [tilespmem:s7+$0xFFFFFF30];
	[tilespmem:v27+s19+$0x0] =	vst.idx.msk $0xffff, v18  }
0x3a2: {  	v49 =	vmov v30;
	s6 =	simm.s32 $0x10;
	v30 =	vmov s8;
	s8 =	simm.s32 $0x15;
	v62 =	vmov s26;
	[tilespmem:v31+s19+$0x0] =	vst.idx.msk $0xffff, v29;
	v26 =	vld [tilespmem:s7+$0xFFFFFFB0]  }
0x3a3: {  	s28 =	simm.s32 $0x17;
	v10 =	vmovc v36;
	v42 =	vmovc v41;
	v7 =	vadd.s32 v50, v8;
	v36 =	vmov s8;
	v21 =	vmov s6;
	s6 =	simm.s32 $0x14;
	v27 =	vld [tilespmem:s7+$0xFFFFFFF0];
	[tilespmem:v23+s19+$0x0] =	vst.idx.msk $0xffff, v0  }
0x3a4: {  	v45 =	vmovc v59;
	v59 =	vmovc v58;
	v28 =	vshrl.u32 v21, $0x3;
	v35 =	vmov s6;
	v21 =	vmov s28;
	s6 =	simm.s32 $0x18;
	s28 =	simm.s32 $0x1B;
	v41 =	vld [tilespmem:$0x1FEE0];
	[tilespmem:v25+s19+$0x0] =	vst.idx.msk $0xffff, v24  }
0x3a5: {  	v58 =	vmovc v48;
	v8 =	vadd.s32 v54, v43;
	v43 =	vmovc v54;
	v22 =	vmov s6;
	v19 =	vmov s28;
	s28 =	simm.s32 $0x1E;
	v16 =	vld [tilespmem:s7+$0xFFFFFF70];
	[tilespmem:v60+s19+$0x0] =	vst.idx.msk $0xffff, v38  }
0x3a6: {  	s26 =	simm.s32 $0x1A;
	v54 =	vmovc v44;
	s8 =	simm.s32 $0x19;
	v18 =	vmov s28;
	v29 =	vadd.s32 v37, v56;
	v48 =	vmovc v9;
	v9 =	vshrl.u32 v34, $0x3;
	v44 =	vld [tilespmem:$0x1FE30]  }
0x3a7: {  	v15 =	vmov s26;
	s26 =	simm.s32 $0x1D;
	v14 =	vmov s8;
	s8 =	simm.s32 $0x1C;
	v23 =	vshll.u32 v28, v33;
	v28 =	vld [tilespmem:s7+$0x30]  }
0x3a8: {  	v17 =	vmov s26;
	v56 =	vmovc v46;
	v20 =	vmov s8;
	v60 =	vmovc v50;
	v50 =	vmov v49;
	v49 =	vld [tilespmem:$0x1FE60]  }
0x3a9: {  	v46 =	vmovc v45;
	v25 =	vshrl.u32 v30, $0x3;
	v24 =	vshrl.u32 v32, $0x3;
	v32 =	vadd.s32 v48, v12;
	v45 =	vld [tilespmem:$0x1FE40];
	[tilespmem:v7+s19+$0x0] =	vst.idx.msk $0xffff, v40  }
0x3aa: {  	v12 =	vld [tilespmem:s7+$0xB0];
	v7 =	vshrl.u32 v35, $0x3;
	[tilespmem:v8+s19+$0x0] =	vst.idx.msk $0xffff, v16;
	v8 =	vshrl.u32 v62, $0x3;
	v0 =	vadd.s32 v41, v52;
	v52 =	vmovc v47  }
0x3ab: {  	s3 =	simm.s32 $0x1F;
	s26 =	simm.s32 $0x20;
	v47 =	vmovc v10;
	v10 =	vshrl.u32 v36, $0x3;
	v13 =	vadd.s32 v52, v13;
	v31 =	vadd.s32 v44, v11;
	v11 =	vld [tilespmem:s7+$0x70]  }
.LBB2_18:
0x3ac: {  	_ =	sdelay $0x1  }
0x3ad: {  	v34 =	vld [tilespmem:$0x1FFF0]  }
0x3ae: {  	v40 =	vld [tilespmem:$0x1FFD0]  }
0x3af: {  	[tilespmem:v0+s19+$0x0] =	vst.idx.msk $0xffff, v26;
	v0 =	vld [tilespmem:s7+$0xF0]  }
0x3b0: {  	v16 =	vshrl.u32 v21, $0x3;
	v21 =	vmov s3;
	v3 =	vadd.s32 v56, v3;
	[tilespmem:v31+s19+$0x0] =	vst.idx.msk $0xffff, v28;
	v31 =	vld [tilespmem:$0x1FFC0]  }
0x3b1: {  	v4 =	vadd.s32 v60, v4;
	v21 =	vshrl.u32 v21, $0x3;
	v26 =	vld [tilespmem:s7+$0x130]  }
0x3b2: {  	v5 =	vadd.s32 v43, v5;
	[tilespmem:v29+s19+$0x0] =	vst.idx.msk $0xffff, v27;
	v27 =	vshrl.u32 v14, $0x3;
	v14 =	vshll.u32 v21, v33;
	v21 =	vld [tilespmem:s7+$0x170]  }
0x3b3: {  	v6 =	vadd.s32 v41, v6;
	v30 =	vadd.s32 v44, v2;
	[tilespmem:v32+s19+$0x0] =	vst.idx.msk $0xffff, v11;
	v11 =	vld [tilespmem:s7+$0x1B0];
	v29 =	vbroadcast v14, $0x0  }
0x3b4: {  	v2 =	vbroadcast v23, $0x0;
	v9 =	vshll.u32 v9, v33;
	[tilespmem:v13+s19+$0x0] =	vst.idx.msk $0xffff, v12;
	v14 =	vshll.u32 v25, v33;
	v25 =	vld [tilespmem:s7+$0xFFFFFE30];
	s7 =	sadd.s32 $0x400, s7  }
0x3b5: {  	v12 =	vshll.u32 v24, v33;
	v14 =	vbroadcast v14, $0x0;
	v13 =	vld [tilespmem:s7+$0x1C0];
	v23 =	vadd.s32 v31, v29;
	[tilespmem:v3+s19+$0x0] =	vst.idx.msk $0xffff, v0  }
0x3b6: {  	v28 =	vshrl.u32 v15, $0x3;
	v15 =	vbroadcast v12, $0x0;
	v0 =	vld [tilespmem:s7+$0xFFFFFE00];
	v3 =	vadd.s32 v34, v2;
	[tilespmem:v4+s19+$0x0] =	vst.idx.msk $0xffff, v26  }
0x3b7: {  	v9 =	vbroadcast v9, $0x0;
	v12 =	vadd.s32 v45, v14;
	v4 =	vld [tilespmem:s7+$0xFFFFFE40];
	[tilespmem:v5+s19+$0x0] =	vst.idx.msk $0xffff, v21  }
0x3b8: {  	v5 =	vld [tilespmem:s7+$0xFFFFFE80];
	v21 =	vadd.s32 v49, v15;
	[tilespmem:v6+s19+$0x0] =	vst.idx.msk $0xffff, v11  }
0x3b9: {  	v7 =	vshll.u32 v7, v33;
	v24 =	vadd.s32 v53, v9;
	v6 =	vld [tilespmem:s7+$0xFFFFFEC0];
	[tilespmem:v30+s19+$0x0] =	vst.idx.msk $0xffff, v25  }
0x3ba: {  	v10 =	vshll.u32 v10, v33;
	v62 =	vld [tilespmem:$0x1FBA0];
	v7 =	vbroadcast v7, $0x0;
	[tilespmem:v23+s19+$0x0] =	vst.idx.msk $0xffff, v13  }
0x3bb: {  	v8 =	vshll.u32 v8, v33;
	v10 =	vbroadcast v10, $0x0;
	v25 =	vld [tilespmem:s7+$0xFFFFFF00];
	[tilespmem:v3+s19+$0x0] =	vst.idx.msk $0xffff, v0  }
0x3bc: {  	v8 =	vbroadcast v8, $0x0;
	v26 =	vadd.s32 v57, v7;
	[tilespmem:v12+s19+$0x0] =	vst.idx.msk $0xffff, v4;
	v4 =	vld [tilespmem:s7+$0xFFFFFF40]  }
0x3bd: {  	v30 =	vadd.s32 v61, v10;
	[tilespmem:v21+s19+$0x0] =	vst.idx.msk $0xffff, v5;
	v5 =	vld [tilespmem:s7+$0xFFFFFF80]  }
0x3be: {  	v22 =	vshrl.u32 v22, $0x3;
	v0 =	vshll.u32 v16, v33;
	v21 =	vadd.s32 v1, v8;
	[tilespmem:v24+s19+$0x0] =	vst.idx.msk $0xffff, v6;
	v6 =	vld [tilespmem:s7+$0xFFFFFFC0]  }
0x3bf: {  	v23 =	vadd.s32 v40, v29;
	v3 =	vld [tilespmem:s7+$0x1D0];
	v11 =	vbroadcast v0, $0x0;
	v0 =	vshll.u32 v22, v33  }
0x3c0: {  	v19 =	vshrl.u32 v19, $0x3;
	v16 =	vshll.u32 v28, v33;
	v28 =	vld [tilespmem:$0x1FFA0];
	v12 =	vbroadcast v0, $0x0  }
0x3c1: {  	v20 =	vshrl.u32 v20, $0x3;
	[tilespmem:v26+s19+$0x0] =	vst.idx.msk $0xffff, v25;
	v25 =	vld [tilespmem:s7+$0x40];
	v0 =	vshll.u32 v27, v33;
	v22 =	vadd.s32 v31, v11  }
0x3c2: {  	v13 =	vbroadcast v0, $0x0;
	v0 =	vshrl.u32 v17, $0x3;
	v17 =	vld [tilespmem:s7+$0x0];
	v24 =	vadd.s32 v34, v12;
	[tilespmem:v30+s19+$0x0] =	vst.idx.msk $0xffff, v4  }
0x3c3: {  	v18 =	vshrl.u32 v18, $0x3;
	v19 =	vshll.u32 v19, v33;
	v16 =	vbroadcast v16, $0x0;
	v30 =	vld [tilespmem:$0x1FFE0];
	[tilespmem:v21+s19+$0x0] =	vst.idx.msk $0xffff, v5  }
0x3c4: {  	v26 =	vadd.s32 v45, v13;
	v4 =	vshll.u32 v20, v33;
	v21 =	vld [tilespmem:s7+$0x80];
	[tilespmem:v23+s19+$0x0] =	vst.idx.msk $0xffff, v3;
	v3 =	vbroadcast v19, $0x0  }
0x3c5: {  	v0 =	vshll.u32 v0, v33;
	v23 =	vadd.s32 v49, v16;
	v4 =	vbroadcast v4, $0x0;
	v19 =	vld [tilespmem:s7+$0x1E0]  }
0x3c6: {  	v5 =	vbroadcast v0, $0x0;
	v0 =	vshll.u32 v18, v33;
	[tilespmem:v22+s19+$0x0] =	vst.idx.msk $0xffff, v6;
	v22 =	vld [tilespmem:s7+$0xC0];
	v27 =	vadd.s32 v53, v3  }
0x3c7: {  	v18 =	vadd.s32 v57, v4;
	v6 =	vbroadcast v0, $0x0;
	[tilespmem:v24+s19+$0x0] =	vst.idx.msk $0xffff, v17;
	v17 =	vld [tilespmem:s7+$0x100]  }
0x3c8: {  	v0 =	vld [tilespmem:s7+$0x140];
	v24 =	vadd.s32 v61, v5  }
0x3c9: {  	[tilespmem:v26+s19+$0x0] =	vst.idx.msk $0xffff, v25;
	v25 =	vld [tilespmem:s7+$0x180];
	v26 =	vadd.s32 v1, v6  }
0x3ca: {  	v20 =	vadd.s32 v30, v29;
	[tilespmem:v23+s19+$0x0] =	vst.idx.msk $0xffff, v21;
	v21 =	vld [tilespmem:s7+$0xFFFFFE50]  }
0x3cb: {  	v23 =	vadd.s32 v46, v14;
	[tilespmem:v27+s19+$0x0] =	vst.idx.msk $0xffff, v22;
	v22 =	vld [tilespmem:s7+$0xFFFFFE90]  }
0x3cc: {  	v27 =	vadd.s32 v50, v15;
	[tilespmem:v18+s19+$0x0] =	vst.idx.msk $0xffff, v17;
	v17 =	vld [tilespmem:s7+$0xFFFFFED0]  }
0x3cd: {  	v18 =	vadd.s32 v54, v9;
	[tilespmem:v24+s19+$0x0] =	vst.idx.msk $0xffff, v0;
	v0 =	vld [tilespmem:s7+$0xFFFFFF10]  }
0x3ce: {  	v24 =	vadd.s32 v58, v7;
	[tilespmem:v26+s19+$0x0] =	vst.idx.msk $0xffff, v25;
	v25 =	vld [tilespmem:s7+$0xFFFFFF50]  }
0x3cf: {  	[tilespmem:v20+s19+$0x0] =	vst.idx.msk $0xffff, v19;
	v20 =	vadd.s32 v62, v29;
	v29 =	vld [tilespmem:$0x1FF00]  }
0x3d0: {  	v19 =	vld [tilespmem:s7+$0x1F0];
	[tilespmem:v23+s19+$0x0] =	vst.idx.msk $0xffff, v21  }
0x3d1: {  	v21 =	vld [tilespmem:s7+$0xFFFFFFD0];
	[tilespmem:v27+s19+$0x0] =	vst.idx.msk $0xffff, v22;
	v22 =	vadd.s32 v40, v11  }
0x3d2: {  	[tilespmem:v18+s19+$0x0] =	vst.idx.msk $0xffff, v17;
	v17 =	vld [tilespmem:s7+$0x10];
	v18 =	vadd.s32 v42, v12  }
0x3d3: {  	v23 =	vadd.s32 v46, v13;
	[tilespmem:v24+s19+$0x0] =	vst.idx.msk $0xffff, v0;
	v0 =	vld [tilespmem:s7+$0x50]  }
0x3d4: {  	v24 =	vld [tilespmem:s7+$0x90];
	v26 =	vadd.s32 v29, v10  }
0x3d5: {  	[tilespmem:v20+s19+$0x0] =	vst.idx.msk $0xffff, v19;
	v19 =	vld [tilespmem:s7+$0xFFFFFF90];
	v20 =	vadd.s32 v28, v8  }
0x3d6: {  	[tilespmem:v22+s19+$0x0] =	vst.idx.msk $0xffff, v21;
	v21 =	vld [tilespmem:s7+$0x110];
	v22 =	vadd.s32 v58, v4  }
0x3d7: {  	[tilespmem:v18+s19+$0x0] =	vst.idx.msk $0xffff, v17;
	v17 =	vld [tilespmem:s7+$0x150];
	v18 =	vadd.s32 v29, v5  }
0x3d8: {  	[tilespmem:v23+s19+$0x0] =	vst.idx.msk $0xffff, v0;
	v0 =	vld [tilespmem:s7+$0x190];
	v23 =	vadd.s32 v28, v6  }
0x3d9: {  	[tilespmem:v26+s19+$0x0] =	vst.idx.msk $0xffff, v25;
	v25 =	vadd.s32 v50, v16;
	v26 =	vld [tilespmem:s7+$0xFFFFFE10]  }
0x3da: {  	v27 =	vadd.s32 v42, v2;
	[tilespmem:v20+s19+$0x0] =	vst.idx.msk $0xffff, v19;
	v19 =	vld [tilespmem:s7+$0xD0]  }
0x3db: {  	v20 =	vadd.s32 v54, v3;
	[tilespmem:v22+s19+$0x0] =	vst.idx.msk $0xffff, v21;
	v21 =	vld [tilespmem:s7+$0xFFFFFEE0]  }
0x3dc: {  	v22 =	vadd.s32 v55, v9;
	[tilespmem:v18+s19+$0x0] =	vst.idx.msk $0xffff, v17;
	v17 =	vld [tilespmem:s7+$0xFFFFFF20]  }
0x3dd: {  	v18 =	vadd.s32 v59, v7;
	[tilespmem:v23+s19+$0x0] =	vst.idx.msk $0xffff, v0;
	v0 =	vld [tilespmem:s7+$0xFFFFFF60]  }
0x3de: {  	v23 =	vadd.s32 v63, v10;
	[tilespmem:v25+s19+$0x0] =	vst.idx.msk $0xffff, v24;
	v24 =	vld [tilespmem:s7+$0xFFFFFE60]  }
0x3df: {  	v25 =	vadd.s32 v47, v14;
	[tilespmem:v27+s19+$0x0] =	vst.idx.msk $0xffff, v26;
	v27 =	vld [tilespmem:$0x1FFB0]  }
0x3e0: {  	[tilespmem:v20+s19+$0x0] =	vst.idx.msk $0xffff, v19;
	v19 =	vld [tilespmem:s7+$0xFFFFFEA0];
	v20 =	vadd.s32 v51, v15  }
0x3e1: {  	[tilespmem:v22+s19+$0x0] =	vst.idx.msk $0xffff, v21  }
0x3e2: {  	[tilespmem:v18+s19+$0x0] =	vst.idx.msk $0xffff, v17;
	v17 =	vld [tilespmem:s7+$0x60]  }
0x3e3: {  	v18 =	vadd.s32 v47, v13;
	[tilespmem:v23+s19+$0x0] =	vst.idx.msk $0xffff, v0;
	v0 =	vld [tilespmem:s7+$0xA0]  }
0x3e4: {  	[tilespmem:v25+s19+$0x0] =	vst.idx.msk $0xffff, v24;
	v24 =	vld [tilespmem:s7+$0xFFFFFFA0];
	v25 =	vadd.s32 v27, v8  }
0x3e5: {  	v23 =	vadd.s32 v51, v16;
	[tilespmem:v20+s19+$0x0] =	vst.idx.msk $0xffff, v19;
	v20 =	vadd.s32 v30, v11;
	v30 =	vld [tilespmem:$0x1FF80]  }
0x3e6: {  	v9 =	vadd.s32 v56, v9;
	v37 =	vld [tilespmem:s7+$0xFFFFFEF0]  }
0x3e7: {  	v39 =	vadd.s32 v60, v7;
	v38 =	vld [tilespmem:s7+$0xFFFFFF30]  }
0x3e8: {  	v19 =	vld [tilespmem:s7+$0xFFFFFFE0];
	[tilespmem:v18+s19+$0x0] =	vst.idx.msk $0xffff, v17  }
0x3e9: {  	[tilespmem:v25+s19+$0x0] =	vst.idx.msk $0xffff, v24;
	v24 =	vld [tilespmem:s7+$0xE0];
	v25 =	vadd.s32 v55, v3  }
0x3ea: {  	s6 =	sadd.s32 $0x3, s26;
	v21 =	vld [tilespmem:s7+$0x20];
	[tilespmem:v23+s19+$0x0] =	vst.idx.msk $0xffff, v0;
	v22 =	vadd.s32 v30, v12  }
0x3eb: {  	s8 =	sadd.s32 $0x1, s26;
	s28 =	sadd.s32 $0x2, s26;
	v32 =	vmov s6;
	v0 =	vld [tilespmem:s7+$0xFFFFFE70];
	v23 =	vadd.s32 v48, v14;
	[tilespmem:v9+s19+$0x0] =	vst.idx.msk $0xffff, v37  }
0x3ec: {  	v31 =	vmov s28;
	s28 =	sadd.s32 $0x5, s26;
	v28 =	vmov s8;
	s8 =	sadd.s32 $0x4, s26;
	v29 =	vld [tilespmem:s7+$0xFFFFFE20];
	[tilespmem:v39+s19+$0x0] =	vst.idx.msk $0xffff, v38;
	v30 =	vadd.s32 v30, v2  }
0x3ed: {  	v35 =	vmov s28;
	v34 =	vmov s8;
	s8 =	sadd.s32 $0x6, s26;
	[tilespmem:v20+s19+$0x0] =	vst.idx.msk $0xffff, v19;
	v19 =	vld [tilespmem:s7+$0x120];
	v20 =	vadd.s32 v59, v4  }
0x3ee: {  	v40 =	vadd.s32 v43, v10;
	v36 =	vmov s8;
	[tilespmem:v25+s19+$0x0] =	vst.idx.msk $0xffff, v24;
	v24 =	vld [tilespmem:s7+$0xFFFFFEB0];
	v25 =	vadd.s32 v52, v15  }
0x3ef: {  	v7 =	vshrl.u32 v34, $0x3;
	v10 =	vshrl.u32 v35, $0x3;
	v26 =	vadd.s32 v63, v5;
	[tilespmem:v22+s19+$0x0] =	vst.idx.msk $0xffff, v21;
	v22 =	vld [tilespmem:s7+$0x160]  }
0x3f0: {  	v17 =	vld [tilespmem:s7+$0x1A0];
	v18 =	vadd.s32 v27, v6;
	v9 =	vshrl.u32 v32, $0x3;
	v32 =	vadd.s32 v48, v13;
	[tilespmem:v23+s19+$0x0] =	vst.idx.msk $0xffff, v0  }
0x3f1: {  	p1 =	slt.u32 s26, $0x70;
	s28 =	sadd.s32 $0x7, s26;
	v13 =	vadd.s32 v52, v16;
	v0 =	vadd.s32 v41, v8;
	v21 =	vmov s26;
	[tilespmem:v30+s19+$0x0] =	vst.idx.msk $0xffff, v29;
	v30 =	vld [tilespmem:s7+$0xFFFFFF70]  }
.Ltmp12:
0x3f2: {  	s6 =	sadd.s32 $0xC, s26;
	[tilespmem:v20+s19+$0x0] =	vst.idx.msk $0xffff, v19;
	v29 =	vadd.s32 v62, v11;
	v11 =	vld [tilespmem:s7+$0x70];
	v27 =	vshrl.u32 v21, $0x3;
	v21 =	vmov s28;
	s28 =	sadd.s32 $0x9, s26;
	(pc) =	sbr.rel @p1 .LBB2_18-.Ltmp12, $4  }
0x3f3: {  	s8 =	sadd.s32 $0x8, s26;
	v20 =	vmov s6;
	v14 =	vmov s28;
	s28 =	sadd.s32 $0xB, s26;
	v23 =	vshll.u32 v27, v33;
	v27 =	vld [tilespmem:s7+$0xFFFFFFF0];
	[tilespmem:v25+s19+$0x0] =	vst.idx.msk $0xffff, v24  }
0x3f4: {  	v19 =	vmov s28;
	v25 =	vshrl.u32 v28, $0x3;
	v28 =	vld [tilespmem:s7+$0x30];
	[tilespmem:v26+s19+$0x0] =	vst.idx.msk $0xffff, v22;
	v22 =	vmov s8;
	s8 =	sadd.s32 $0xA, s26  }
0x3f5: {  	[tilespmem:v18+s19+$0x0] =	vst.idx.msk $0xffff, v17;
	s28 =	sadd.s32 $0xE, s26;
	v24 =	vshrl.u32 v31, $0x3;
	v31 =	vadd.s32 v44, v12;
	v12 =	vld [tilespmem:s7+$0xB0];
	v15 =	vmov s8;
	s8 =	sadd.s32 $0xD, s26  }
0x3f6: {  	s3 =	sadd.s32 $0xF, s26;
	v8 =	vshrl.u32 v36, $0x3;
	v18 =	vmov s28;
	v26 =	vld [tilespmem:s7+$0xFFFFFFB0];
	[tilespmem:v40+s19+$0x0] =	vst.idx.msk $0xffff, v30;
	s26 =	sadd.s32 $0x10, s26;
	v17 =	vmov s8  }
0x3f7: {  	_ =	sdelay $0x3  }
0x3f8: {  	v35 =	vadd.s32 v56, v3;
	[tilespmem:v0+s19+$0x0] =	vst.idx.msk $0xffff, v26;
	v0 =	vld [tilespmem:s7+$0xF0]  }
0x3f9: {  	[tilespmem:v32+s19+$0x0] =	vst.idx.msk $0xffff, v11  }
0x3fa: {  	[tilespmem:v29+s19+$0x0] =	vst.idx.msk $0xffff, v27  }
0x3fb: {  	[tilespmem:v31+s19+$0x0] =	vst.idx.msk $0xffff, v28  }
0x3fc: {  	v16 =	vshrl.u32 v21, $0x3;
	v21 =	vld [tilespmem:s7+$0x130];
	[tilespmem:v13+s19+$0x0] =	vst.idx.msk $0xffff, v12  }
0x3fd: {  	v34 =	vmov s3;
	v36 =	vld [tilespmem:$0x1FFC0];
	[tilespmem:v35+s19+$0x0] =	vst.idx.msk $0xffff, v0  }
0x3fe: {  	v3 =	vshrl.u32 v34, $0x3;
	v27 =	vadd.s32 v60, v4;
	v32 =	vld [tilespmem:$0x1FFF0]  }
0x3ff: {  	v29 =	vadd.s32 v43, v5;
	v3 =	vshll.u32 v3, v33;
	v28 =	vld [tilespmem:s7+$0x170]  }
0x400: {  	v11 =	vld [tilespmem:s7+$0x1B0];
	v31 =	vadd.s32 v41, v6;
	v30 =	vbroadcast v3, $0x0  }
0x401: {  	v40 =	vadd.s32 v44, v2;
	s26 =	sadd.s32 $0x400, s7;
	v3 =	vbroadcast v23, $0x0;
	v23 =	vld [tilespmem:s7+$0xFFFFFE30]  }
0x402: {  	v12 =	vld [tilespmem:s26+$0x1C0];
	v37 =	vadd.s32 v36, v30  }
0x403: {  	v0 =	vld [tilespmem:s26+$0xFFFFFE00];
	[tilespmem:v27+s19+$0x0] =	vst.idx.msk $0xffff, v21;
	v38 =	vadd.s32 v32, v3  }
0x404: {  	[tilespmem:v29+s19+$0x0] =	vst.idx.msk $0xffff, v28  }
0x405: {  	[tilespmem:v31+s19+$0x0] =	vst.idx.msk $0xffff, v11  }
0x406: {  	v39 =	vshll.u32 v25, v33;
	[tilespmem:v40+s19+$0x0] =	vst.idx.msk $0xffff, v23  }
0x407: {  	v62 =	vshll.u32 v24, v33;
	v2 =	vbroadcast v39, $0x0;
	[tilespmem:v37+s19+$0x0] =	vst.idx.msk $0xffff, v12  }
0x408: {  	v4 =	vbroadcast v62, $0x0;
	v26 =	vshll.u32 v9, v33;
	v9 =	vld [tilespmem:s26+$0xFFFFFE40];
	[tilespmem:v38+s19+$0x0] =	vst.idx.msk $0xffff, v0  }
0x409: {  	v34 =	vshll.u32 v7, v33;
	v5 =	vbroadcast v26, $0x0;
	v21 =	vadd.s32 v45, v2;
	v37 =	vld [tilespmem:$0x1FFD0]  }
0x40a: {  	v39 =	vshll.u32 v10, v33;
	v6 =	vbroadcast v34, $0x0;
	v26 =	vld [tilespmem:s26+$0xFFFFFE80];
	v35 =	vadd.s32 v49, v4  }
0x40b: {  	v7 =	vbroadcast v39, $0x0;
	v11 =	vld [tilespmem:s26+$0xFFFFFEC0];
	v28 =	vadd.s32 v53, v5  }
0x40c: {  	v62 =	vadd.s32 v57, v6;
	v40 =	vld [tilespmem:s26+$0xFFFFFF00]  }
0x40d: {  	v39 =	vld [tilespmem:s26+$0xFFFFFF40];
	v34 =	vadd.s32 v61, v7  }
0x40e: {  	v13 =	vld [tilespmem:s26+$0x1D0];
	[tilespmem:v21+s19+$0x0] =	vst.idx.msk $0xffff, v9;
	v38 =	vadd.s32 v37, v30  }
0x40f: {  	[tilespmem:v35+s19+$0x0] =	vst.idx.msk $0xffff, v26  }
0x410: {  	v8 =	vshll.u32 v8, v33;
	[tilespmem:v28+s19+$0x0] =	vst.idx.msk $0xffff, v11  }
0x411: {  	v8 =	vbroadcast v8, $0x0;
	[tilespmem:v62+s19+$0x0] =	vst.idx.msk $0xffff, v40  }
0x412: {  	v22 =	vshrl.u32 v22, $0x3;
	v14 =	vshrl.u32 v14, $0x3;
	v0 =	vshll.u32 v16, v33;
	[tilespmem:v34+s19+$0x0] =	vst.idx.msk $0xffff, v39  }
0x413: {  	v9 =	vbroadcast v0, $0x0;
	v0 =	vshll.u32 v22, v33;
	v22 =	vld [tilespmem:s26+$0xFFFFFF80];
	v35 =	vadd.s32 v1, v8;
	[tilespmem:v38+s19+$0x0] =	vst.idx.msk $0xffff, v13  }
0x414: {  	v15 =	vshrl.u32 v15, $0x3;
	v10 =	vbroadcast v0, $0x0;
	v0 =	vshll.u32 v14, v33;
	v38 =	vld [tilespmem:$0x1FFE0]  }
0x415: {  	v27 =	vld [tilespmem:s26+$0xFFFFFFC0];
	v40 =	vshll.u32 v15, v33;
	v28 =	vadd.s32 v36, v9;
	v11 =	vbroadcast v0, $0x0  }
0x416: {  	v12 =	vbroadcast v40, $0x0;
	v0 =	vshrl.u32 v17, $0x3;
	v17 =	vld [tilespmem:s26+$0x0];
	v23 =	vadd.s32 v32, v10  }
0x417: {  	v19 =	vshrl.u32 v19, $0x3;
	v62 =	vld [tilespmem:s26+$0x40];
	v29 =	vadd.s32 v45, v11  }
0x418: {  	v20 =	vshrl.u32 v20, $0x3;
	v19 =	vshll.u32 v19, v33;
	v21 =	vld [tilespmem:s26+$0x80];
	[tilespmem:v35+s19+$0x0] =	vst.idx.msk $0xffff, v22;
	v35 =	vadd.s32 v49, v12  }
0x419: {  	v34 =	vshll.u32 v20, v33;
	v13 =	vbroadcast v19, $0x0;
	v19 =	vld [tilespmem:s26+$0x1E0];
	v20 =	vadd.s32 v38, v30  }
0x41a: {  	[tilespmem:v28+s19+$0x0] =	vst.idx.msk $0xffff, v27  }
0x41b: {  	v18 =	vshrl.u32 v18, $0x3;
	v24 =	vld [tilespmem:s26+$0xC0];
	v14 =	vbroadcast v34, $0x0;
	v0 =	vshll.u32 v0, v33;
	[tilespmem:v23+s19+$0x0] =	vst.idx.msk $0xffff, v17  }
0x41c: {  	v40 =	vld [tilespmem:s26+$0x100];
	v15 =	vbroadcast v0, $0x0;
	v0 =	vshll.u32 v18, v33;
	[tilespmem:v29+s19+$0x0] =	vst.idx.msk $0xffff, v62;
	v39 =	vadd.s32 v53, v13  }
0x41d: {  	v45 =	vadd.s32 v57, v14;
	v16 =	vbroadcast v0, $0x0;
	v0 =	vld [tilespmem:s26+$0x140];
	[tilespmem:v35+s19+$0x0] =	vst.idx.msk $0xffff, v21  }
0x41e: {  	v61 =	vadd.s32 v61, v15;
	v62 =	vld [tilespmem:s26+$0x180];
	[tilespmem:v20+s19+$0x0] =	vst.idx.msk $0xffff, v19  }
0x41f: {  	v34 =	vadd.s32 v1, v16;
	v31 =	vld [tilespmem:$0x1FBA0];
	_ =	sdelay $0x1  }
0x420: {  	[tilespmem:v39+s19+$0x0] =	vst.idx.msk $0xffff, v24  }
0x421: {  	[tilespmem:v45+s19+$0x0] =	vst.idx.msk $0xffff, v40  }
0x422: {  	v49 =	vld [tilespmem:s26+$0xFFFFFE50];
	v53 =	vadd.s32 v46, v2;
	[tilespmem:v61+s19+$0x0] =	vst.idx.msk $0xffff, v0  }
0x423: {  	v19 =	vld [tilespmem:s26+$0x1F0];
	[tilespmem:v34+s19+$0x0] =	vst.idx.msk $0xffff, v62;
	v35 =	vadd.s32 v31, v30  }
0x424: {  	v62 =	vld [tilespmem:$0x1FF00]  }
0x425: {  	v57 =	vadd.s32 v50, v4;
	v24 =	vld [tilespmem:s26+$0xFFFFFE90]  }
0x426: {  	v17 =	vld [tilespmem:s26+$0xFFFFFED0];
	v39 =	vadd.s32 v54, v5  }
0x427: {  	v0 =	vld [tilespmem:s26+$0xFFFFFF10];
	v40 =	vadd.s32 v58, v6;
	[tilespmem:v53+s19+$0x0] =	vst.idx.msk $0xffff, v49  }
0x428: {  	v25 =	vld [tilespmem:s26+$0xFFFFFF50];
	[tilespmem:v35+s19+$0x0] =	vst.idx.msk $0xffff, v19  }
0x429: {  	v45 =	vadd.s32 v62, v7;
	v34 =	vld [tilespmem:$0x1FFA0]  }
0x42a: {  	v61 =	vadd.s32 v37, v9;
	[tilespmem:v57+s19+$0x0] =	vst.idx.msk $0xffff, v24;
	v57 =	vld [tilespmem:s26+$0xFFFFFFD0]  }
0x42b: {  	v35 =	vld [tilespmem:s26+$0x10];
	[tilespmem:v39+s19+$0x0] =	vst.idx.msk $0xffff, v17;
	v39 =	vadd.s32 v42, v10  }
0x42c: {  	[tilespmem:v40+s19+$0x0] =	vst.idx.msk $0xffff, v0;
	v0 =	vld [tilespmem:s26+$0x50];
	v40 =	vadd.s32 v46, v11;
	_ =	sdelay $0x1  }
0x42d: {  	[tilespmem:v45+s19+$0x0] =	vst.idx.msk $0xffff, v25;
	v24 =	vld [tilespmem:s26+$0x90];
	v45 =	vadd.s32 v50, v12  }
0x42e: {  	v49 =	vld [tilespmem:s26+$0xFFFFFF90];
	v53 =	vadd.s32 v34, v8;
	[tilespmem:v61+s19+$0x0] =	vst.idx.msk $0xffff, v57  }
0x42f: {  	[tilespmem:v39+s19+$0x0] =	vst.idx.msk $0xffff, v35;
	v39 =	vld [tilespmem:s26+$0x150];
	v61 =	vadd.s32 v62, v15  }
0x430: {  	[tilespmem:v40+s19+$0x0] =	vst.idx.msk $0xffff, v0;
	v0 =	vld [tilespmem:s26+$0x190];
	v23 =	vadd.s32 v34, v16  }
0x431: {  	v35 =	vld [tilespmem:s26+$0xFFFFFE10];
	v40 =	vadd.s32 v42, v3  }
0x432: {  	[tilespmem:v45+s19+$0x0] =	vst.idx.msk $0xffff, v24;
	v42 =	vld [tilespmem:s26+$0xFFFFFE60];
	v45 =	vadd.s32 v47, v2  }
0x433: {  	v19 =	vld [tilespmem:s26+$0xD0];
	[tilespmem:v53+s19+$0x0] =	vst.idx.msk $0xffff, v49;
	v49 =	vadd.s32 v54, v13  }
0x434: {  	v57 =	vadd.s32 v58, v14;
	v53 =	vld [tilespmem:s26+$0x110];
	[tilespmem:v61+s19+$0x0] =	vst.idx.msk $0xffff, v39  }
0x435: {  	[tilespmem:v23+s19+$0x0] =	vst.idx.msk $0xffff, v0  }
0x436: {  	[tilespmem:v40+s19+$0x0] =	vst.idx.msk $0xffff, v35  }
0x437: {  	[tilespmem:v45+s19+$0x0] =	vst.idx.msk $0xffff, v42  }
0x438: {  	[tilespmem:v49+s19+$0x0] =	vst.idx.msk $0xffff, v19;
	v19 =	vld [tilespmem:s26+$0xFFFFFEA0];
	v49 =	vadd.s32 v51, v4  }
0x439: {  	[tilespmem:v57+s19+$0x0] =	vst.idx.msk $0xffff, v53;
	v53 =	vld [tilespmem:s26+$0xFFFFFEE0];
	v57 =	vadd.s32 v55, v5  }
0x43a: {  	v35 =	vld [tilespmem:$0x1FFB0]  }
0x43b: {  	v61 =	vld [tilespmem:s26+$0xFFFFFF20];
	v39 =	vadd.s32 v59, v6  }
0x43c: {  	v0 =	vld [tilespmem:s26+$0xFFFFFF60];
	v40 =	vadd.s32 v63, v7  }
0x43d: {  	v42 =	vld [tilespmem:s26+$0xFFFFFFA0];
	[tilespmem:v49+s19+$0x0] =	vst.idx.msk $0xffff, v19  }
0x43e: {  	v19 =	vld [tilespmem:s26+$0xFFFFFFE0];
	v49 =	vadd.s32 v38, v9;
	[tilespmem:v57+s19+$0x0] =	vst.idx.msk $0xffff, v53  }
0x43f: {  	v45 =	vadd.s32 v35, v8;
	v1 =	vld [tilespmem:$0x1FF80]  }
0x440: {  	[tilespmem:v39+s19+$0x0] =	vst.idx.msk $0xffff, v61;
	v61 =	vld [tilespmem:s26+$0x60];
	v39 =	vadd.s32 v47, v11  }
0x441: {  	[tilespmem:v40+s19+$0x0] =	vst.idx.msk $0xffff, v0;
	v0 =	vld [tilespmem:s26+$0xA0];
	v40 =	vadd.s32 v51, v12  }
0x442: {  	v6 =	vadd.s32 v60, v6;
	v24 =	vld [tilespmem:s26+$0xFFFFFF30]  }
0x443: {  	v7 =	vadd.s32 v43, v7;
	v25 =	vld [tilespmem:s26+$0xFFFFFF70];
	[tilespmem:v49+s19+$0x0] =	vst.idx.msk $0xffff, v19  }
0x444: {  	v47 =	vld [tilespmem:s26+$0x120];
	v49 =	vadd.s32 v59, v14;
	[tilespmem:v45+s19+$0x0] =	vst.idx.msk $0xffff, v42  }
0x445: {  	v53 =	vld [tilespmem:s26+$0x20];
	v57 =	vadd.s32 v1, v10;
	[tilespmem:v39+s19+$0x0] =	vst.idx.msk $0xffff, v61  }
0x446: {  	v42 =	vld [tilespmem:s26+$0xE0];
	v45 =	vadd.s32 v55, v13;
	[tilespmem:v40+s19+$0x0] =	vst.idx.msk $0xffff, v0  }
0x447: {  	v26 =	vld [tilespmem:s26+$0xFFFFFE20];
	v59 =	vadd.s32 v1, v3;
	[tilespmem:v6+s19+$0x0] =	vst.idx.msk $0xffff, v24  }
0x448: {  	v2 =	vadd.s32 v48, v2;
	v0 =	vld [tilespmem:s26+$0xFFFFFE70];
	[tilespmem:v7+s19+$0x0] =	vst.idx.msk $0xffff, v25  }
0x449: {  	v4 =	vadd.s32 v52, v4;
	v61 =	vld [tilespmem:s26+$0xFFFFFEB0];
	[tilespmem:v49+s19+$0x0] =	vst.idx.msk $0xffff, v47  }
0x44a: {  	v47 =	vld [tilespmem:s26+$0xB0];
	v49 =	vadd.s32 v52, v12;
	[tilespmem:v57+s19+$0x0] =	vst.idx.msk $0xffff, v53  }
0x44b: {  	v51 =	vld [tilespmem:s26+$0x160];
	v53 =	vadd.s32 v63, v15;
	[tilespmem:v45+s19+$0x0] =	vst.idx.msk $0xffff, v42  }
0x44c: {  	v55 =	vld [tilespmem:s26+$0x1A0];
	v57 =	vadd.s32 v35, v16;
	[tilespmem:v59+s19+$0x0] =	vst.idx.msk $0xffff, v26  }
0x44d: {  	[tilespmem:v2+s19+$0x0] =	vst.idx.msk $0xffff, v0;
	v0 =	vld [tilespmem:s26+$0xFFFFFFB0];
	v2 =	vadd.s32 v41, v8  }
0x44e: {  	v5 =	vadd.s32 v56, v5;
	v63 =	vld [tilespmem:s26+$0xFFFFFEF0];
	[tilespmem:v4+s19+$0x0] =	vst.idx.msk $0xffff, v61  }
0x44f: {  	v27 =	vadd.s32 v31, v9;
	v26 =	vld [tilespmem:s26+$0xFFFFFFF0];
	[tilespmem:v49+s19+$0x0] =	vst.idx.msk $0xffff, v47  }
0x450: {  	v42 =	vld [tilespmem:s26+$0x70];
	v45 =	vadd.s32 v48, v11;
	[tilespmem:v53+s19+$0x0] =	vst.idx.msk $0xffff, v51  }
0x451: {  	v40 =	vadd.s32 v44, v10;
	v39 =	vld [tilespmem:s26+$0x30];
	[tilespmem:v57+s19+$0x0] =	vst.idx.msk $0xffff, v55  }
0x452: {  	[tilespmem:v2+s19+$0x0] =	vst.idx.msk $0xffff, v0;
	v0 =	vld [tilespmem:s26+$0xF0];
	v2 =	vadd.s32 v56, v13  }
0x453: {  	[tilespmem:v5+s19+$0x0] =	vst.idx.msk $0xffff, v63;
	v51 =	vld [tilespmem:s26+$0x130];
	v53 =	vadd.s32 v60, v14  }
0x454: {  	v3 =	vadd.s32 v44, v3;
	[tilespmem:v27+s19+$0x0] =	vst.idx.msk $0xffff, v26;
	v63 =	vld [tilespmem:s26+$0xFFFFFE30]  }
0x455: {  	v57 =	vadd.s32 v43, v15;
	[tilespmem:v45+s19+$0x0] =	vst.idx.msk $0xffff, v42;
	v55 =	vld [tilespmem:s26+$0x170]  }
0x456: {  	v61 =	vadd.s32 v41, v16;
	[tilespmem:v40+s19+$0x0] =	vst.idx.msk $0xffff, v39;
	v59 =	vld [tilespmem:s26+$0x1B0]  }
0x457: {  	[tilespmem:v2+s19+$0x0] =	vst.idx.msk $0xffff, v0  }
0x458: {  	[tilespmem:v53+s19+$0x0] =	vst.idx.msk $0xffff, v51  }
0x459: {  	[tilespmem:v3+s19+$0x0] =	vst.idx.msk $0xffff, v63  }
0x45a: {  	s28 =	sor.u32 $0x40000, s4;
	[tilespmem:v57+s19+$0x0] =	vst.idx.msk $0xffff, v55  }
0x45b: {  	s6 =	simm.s32 $0xE600;
	s26 =	sadd.s32 s1, s28;
	[tilespmem:v61+s19+$0x0] =	vst.idx.msk $0xffff, v59  }
0x45c: {  	[hbm4b:s26+s2] =	stream.linear.scatter [tilespmem:s6], [sflag:$0x5], $0x80, $0x38;
	[tilespmem:$0x12A00] =	vst v63  }
0x45d: {  	s7 =	simm.s32 $0xE688;
	s6 =	sadd.s32 $0x10, s26  }
0x45e: {  	[hbm4b:s6+s2] =	stream.linear.scatter [tilespmem:s7], [sflag:$0x5], $0x80, $0x38;
	[tilespmem:$0x12A00] =	vst v63  }
0x45f: {  	s8 =	simm.s32 $0xE710;
	s28 =	sadd.s32 $0x20, s26  }
0x460: {  	[hbm4b:s28+s2] =	stream.linear.scatter [tilespmem:s8], [sflag:$0x5], $0x80, $0x38;
	[tilespmem:$0x12A00] =	vst v63  }
0x461: {  	s6 =	simm.s32 $0xE798;
	s7 =	sadd.s32 $0x30, s26  }
0x462: {  	[hbm4b:s7+s2] =	stream.linear.scatter [tilespmem:s6], [sflag:$0x5], $0x80, $0x38;
	[tilespmem:$0x12A00] =	vst v63  }
0x463: {  	s8 =	simm.s32 $0xE820;
	s28 =	sadd.s32 $0x40, s26  }
0x464: {  	[hbm4b:s28+s2] =	stream.linear.scatter [tilespmem:s8], [sflag:$0x5], $0x80, $0x38;
	[tilespmem:$0x12A00] =	vst v63  }
0x465: {  	s3 =	simm.s32 $0x2200;
	s6 =	simm.s32 $0xE8A8;
	s7 =	sadd.s32 $0x50, s26  }
0x466: {  	[hbm4b:s7+s2] =	stream.linear.scatter [tilespmem:s6], [sflag:$0x5], $0x80, $0x38;
	[tilespmem:$0x12A00] =	vst v63  }
0x467: {  	s8 =	simm.s32 $0xE930;
	s28 =	sadd.s32 $0x60, s26;
	s7 =	simm.s32 $0x440  }
0x468: {  	[hbm4b:s28+s2] =	stream.linear.scatter [tilespmem:s8], [sflag:$0x5], $0x80, $0x38;
	[tilespmem:$0x12A00] =	vst v63  }
0x469: {  	v41 =	vmov v32;
	v0 =	vmov v1;
	s6 =	simm.s32 $0xE9B8;
	s8 =	sadd.s32 $0x70, s26;
	s26 =	sadd.s32 $0x4000, s26  }
.LBB2_20:
0x46a: {  	[hbm4b:s8+s2] =	stream.linear.scatter [tilespmem:s6], [sflag:$0x5], $0x80, $0x38;
	[tilespmem:$0x12A00] =	vst v63  }
0x46b: {  	s6 =	smov.u32 s7;
	s7 =	smov.u32 s3  }
0x46c: {  	s28 =	sadd.s32 $0x1100, s3;
	s7 =	sshra.s32 s7, $0x2;
	s8 =	sadd.s32 $0xE600, s6  }
0x46d: {  	[hbm4b:s26+s2] =	stream.linear.scatter [tilespmem:s8], [sflag:$0x5], $0x80, $0x38;
	[tilespmem:$0x12A00] =	vst v63  }
0x46e: {  	p1 =	sne.s32 s3, $0x7700;
	s3 =	sadd.s32 $0xE688, s6;
	s8 =	sadd.s32 $0x10, s26  }
0x46f: {  	[hbm4b:s8+s2] =	stream.linear.scatter [tilespmem:s3], [sflag:$0x5], $0x80, $0x38;
	[tilespmem:$0x12A00] =	vst v63  }
0x470: {  	s3 =	sadd.s32 $0xE710, s6;
	s8 =	sadd.s32 $0x20, s26  }
0x471: {  	[hbm4b:s8+s2] =	stream.linear.scatter [tilespmem:s3], [sflag:$0x5], $0x80, $0x38;
	[tilespmem:$0x12A00] =	vst v63  }
0x472: {  	s3 =	sadd.s32 $0xE798, s6;
	s8 =	sadd.s32 $0x30, s26  }
0x473: {  	[hbm4b:s8+s2] =	stream.linear.scatter [tilespmem:s3], [sflag:$0x5], $0x80, $0x38;
	[tilespmem:$0x12A00] =	vst v63  }
0x474: {  	s3 =	sadd.s32 $0xE820, s6;
	s8 =	sadd.s32 $0x40, s26  }
0x475: {  	[hbm4b:s8+s2] =	stream.linear.scatter [tilespmem:s3], [sflag:$0x5], $0x80, $0x38;
	[tilespmem:$0x12A00] =	vst v63  }
.Ltmp13:
0x476: {  	s3 =	sadd.s32 $0xE8A8, s6;
	s8 =	sadd.s32 $0x50, s26;
	(pc) =	sbr.rel @p1 .LBB2_20-.Ltmp13, $4  }
0x477: {  	[hbm4b:s8+s2] =	stream.linear.scatter [tilespmem:s3], [sflag:$0x5], $0x80, $0x38;
	[tilespmem:$0x12A00] =	vst v63  }
0x478: {  	s3 =	sadd.s32 $0xE930, s6;
	s8 =	sadd.s32 $0x60, s26;
	s6 =	sadd.s32 $0xE9B8, s6  }
0x479: {  	[hbm4b:s8+s2] =	stream.linear.scatter [tilespmem:s3], [sflag:$0x5], $0x80, $0x38;
	[tilespmem:$0x12A00] =	vst v63  }
0x47a: {  	s8 =	sadd.s32 $0x70, s26;
	s26 =	sadd.s32 $0x4000, s26;
	s3 =	smov.u32 s28  }
0x47b: {  	[hbm4b:s8+s2] =	stream.linear.scatter [tilespmem:s6], [sflag:$0x5], $0x80, $0x38;
	[tilespmem:$0x12A00] =	vst v63  }
0x47c: {  	s3 =	sadd.s32 $0xE600, s7  }
0x47d: {  	[hbm4b:s26+s2] =	stream.linear.scatter [tilespmem:s3], [sflag:$0x5], $0x80, $0x38;
	[tilespmem:$0x12A00] =	vst v63  }
0x47e: {  	s8 =	sadd.s32 $0xE688, s7;
	s28 =	sadd.s32 $0x10, s26  }
0x47f: {  	[hbm4b:s28+s2] =	stream.linear.scatter [tilespmem:s8], [sflag:$0x5], $0x80, $0x38;
	[tilespmem:$0x12A00] =	vst v63  }
0x480: {  	s8 =	sadd.s32 $0xE710, s7;
	s28 =	sadd.s32 $0x20, s26  }
0x481: {  	[hbm4b:s28+s2] =	stream.linear.scatter [tilespmem:s8], [sflag:$0x5], $0x80, $0x38;
	[tilespmem:$0x12A00] =	vst v63  }
0x482: {  	s8 =	sadd.s32 $0xE798, s7;
	s28 =	sadd.s32 $0x30, s26  }
0x483: {  	[hbm4b:s28+s2] =	stream.linear.scatter [tilespmem:s8], [sflag:$0x5], $0x80, $0x38;
	[tilespmem:$0x12A00] =	vst v63  }
0x484: {  	s8 =	sadd.s32 $0xE820, s7;
	s28 =	sadd.s32 $0x40, s26  }
0x485: {  	[hbm4b:s28+s2] =	stream.linear.scatter [tilespmem:s8], [sflag:$0x5], $0x80, $0x38;
	[tilespmem:$0x12A00] =	vst v63  }
0x486: {  	s8 =	sadd.s32 $0xE8A8, s7;
	s28 =	sadd.s32 $0x50, s26  }
0x487: {  	[hbm4b:s28+s2] =	stream.linear.scatter [tilespmem:s8], [sflag:$0x5], $0x80, $0x38;
	[tilespmem:$0x12A00] =	vst v63  }
.Ltmp14:
0x488: {  	_ = 	snop;
	(pc) =	sbr.rel @p0 .LBB2_23-.Ltmp14, $4  }
0x489: {  	s8 =	sadd.s32 $0xE930, s7;
	s28 =	sadd.s32 $0x60, s26  }
0x48a: {  	[hbm4b:s28+s2] =	stream.linear.scatter [tilespmem:s8], [sflag:$0x5], $0x80, $0x38;
	[tilespmem:$0x12A00] =	vst v63  }
0x48b: {  	s8 =	sadd.s32 $0xE9B8, s7;
	s28 =	sadd.s32 $0x70, s26  }
0x48c: {  	v1 =	vmov v43;
	v30 =	vmov v46;
	v43 =	vmov v0;
	[hbm4b:s28+s2] =	stream.linear.scatter [tilespmem:s8], [sflag:$0x5], $0x80, $0x38;
	[tilespmem:$0x12A00] =	vst v63  }
0x48d: {  	v4 =	vld [tilespmem:$0x1FDF0];
	_ =	sdelay $0x3  }
0x48e: {  	s3 =	sadd.s32 $0x6, s0  }
0x48f: {  	v0 =	vmov s3;
	v2 =	vadd.s32 s3, v4  }
0x490: {  	v0 =	vand.u32 $0x6, v0;
	v2 =	vand.u32 $0x1FF8, v2  }
0x491: {  	v0 =	vor.u32 v0, v2;
	_ =	sdelay $0x2  }
0x492: {  	s26 =	sadd.s32 $0xC86, s0  }
0x493: {  	v3 =	vadd.s32 s26, v4;
	v2 =	vmov s26  }
0x494: {  	v3 =	vand.u32 $0x1FF8, v3;
	v2 =	vand.u32 $0x6, v2;
	v0 =	vld.idx.msk [tilespmem:v0+s2+$0x0], $0xffff  }
0x495: {  	v2 =	vor.u32 v2, v3;
	_ =	sdelay $0x2  }
0x496: {  	s28 =	sadd.s32 $0x1906, s0  }
0x497: {  	v3 =	vadd.s32 s28, v4;
	[tilespmem:$0x6500] =	vst v0;
	v0 =	vmov s28  }
0x498: {  	v3 =	vand.u32 $0x3FF8, v3;
	v2 =	vld.idx.msk [tilespmem:v2+s2+$0x0], $0xffff;
	v0 =	vand.u32 $0x6, v0  }
0x499: {  	v0 =	vor.u32 v0, v3;
	_ =	sdelay $0x2  }
0x49a: {  	s6 =	sadd.s32 $0x2586, s0  }
0x49b: {  	v3 =	vadd.s32 s6, v4;
	[tilespmem:$0x6510] =	vst v2;
	v2 =	vmov s6  }
0x49c: {  	v3 =	vand.u32 $0x3FF8, v3;
	v0 =	vld.idx.msk [tilespmem:v0+s2+$0x0], $0xffff;
	v2 =	vand.u32 $0x6, v2  }
0x49d: {  	v2 =	vor.u32 v2, v3;
	_ =	sdelay $0x2  }
0x49e: {  	s7 =	sadd.s32 $0x3206, s0  }
0x49f: {  	v3 =	vadd.s32 s7, v4;
	[tilespmem:$0x6520] =	vst v0;
	v0 =	vmov s7  }
0x4a0: {  	v3 =	vand.u32 $0x7FF8, v3;
	v2 =	vld.idx.msk [tilespmem:v2+s2+$0x0], $0xffff;
	v0 =	vand.u32 $0x6, v0  }
0x4a1: {  	v0 =	vor.u32 v0, v3;
	_ =	sdelay $0x2  }
0x4a2: {  	s8 =	sadd.s32 $0x3E86, s0  }
0x4a3: {  	v3 =	vadd.s32 s8, v4;
	[tilespmem:$0x6530] =	vst v2;
	v2 =	vmov s8  }
0x4a4: {  	v3 =	vand.u32 $0x7FF8, v3;
	v0 =	vld.idx.msk [tilespmem:v0+s2+$0x0], $0xffff;
	v2 =	vand.u32 $0x6, v2  }
0x4a5: {  	v2 =	vor.u32 v2, v3;
	_ =	sdelay $0x2  }
0x4a6: {  	s26 =	sadd.s32 $0x4B06, s0  }
0x4a7: {  	v3 =	vadd.s32 s26, v4;
	[tilespmem:$0x6540] =	vst v0;
	v0 =	vmov s26  }
0x4a8: {  	v3 =	vand.u32 $0x5FF8, v3;
	v2 =	vld.idx.msk [tilespmem:v2+s2+$0x0], $0xffff;
	v0 =	vand.u32 $0x6, v0  }
0x4a9: {  	v0 =	vor.u32 v0, v3;
	_ =	sdelay $0x2  }
0x4aa: {  	s28 =	sadd.s32 $0x5786, s0  }
0x4ab: {  	v3 =	vadd.s32 s28, v4;
	[tilespmem:$0x6550] =	vst v2;
	v2 =	vmov s28  }
0x4ac: {  	v3 =	vand.u32 $0x7FF8, v3;
	v0 =	vld.idx.msk [tilespmem:v0+s2+$0x0], $0xffff;
	v2 =	vand.u32 $0x6, v2  }
0x4ad: {  	v2 =	vor.u32 v2, v3;
	_ =	sdelay $0x3  }
0x4ae: {  	[tilespmem:$0x6560] =	vst v0  }
0x4af: {  	v0 =	vld.idx.msk [tilespmem:v2+s2+$0x0], $0xffff;
	_ =	sdelay $0x4  }
0x4b0: {  	[tilespmem:$0x6570] =	vst v0  }
0x4b1: {  	[tilespmem:s15], [sflag:$0x3] =	stream.indirect.gather [hbm4b:s5+s9], $0x40, s14, s9, $0xb8;
	[tilespmem:$0x12A00] =	vst v63  }
.LBB2_23:
0x4b2: {  	s28 =	simm.s32 $0x2  }
0x4b3: {  	s3 =	simm.s32 $0x0;
	s26 =	simm.s32 $0x1;
	v3 =	vmov s28;
	s28 =	simm.s32 $0x7  }
0x4b4: {  	s6 =	simm.s32 $0x3;
	_ =	swait.ge [sflag:s25], $0x2000;
	v0 =	vmov s3;
	v8 =	vmov s28;
	s28 =	simm.s32 $0xA  }
0x4b5: {  	s7 =	simm.s32 $0x4;
	v2 =	vmov s26;
	v4 =	vmov s6;
	[sflag:s25] =	ssyncset.done $0x0;
	v11 =	vmov s28;
	s28 =	simm.s32 $0xF  }
0x4b6: {  	v5 =	vmov s7;
	s26 =	simm.s32 $0x6;
	v14 =	vshrl.u32 v2, $0x3;
	[sflag:s25] =	ssyncadd.s32 $0xFFFFE000;
	v2 =	vmov s28  }
0x4b7: {  	s7 =	simm.s32 $0xC;
	v0 =	vshrl.u32 v0, $0x3;
	v7 =	vmov s26;
	_ =	swait.ge [sflag:s21], $0x2000;
	v2 =	vshrl.u32 v2, $0x3  }
0x4b8: {  	s26 =	simm.s32 $0x9;
	v13 =	vmov s7;
	v3 =	vshrl.u32 v3, $0x3;
	v45 =	vld [tilespmem:$0x1FE40];
	v2 =	vshll.u32 v2, v33  }
0x4b9: {  	v10 =	vmov s26;
	v0 =	vshll.u32 v0, v33;
	[sflag:s21] =	ssyncset.done $0x0;
	v22 =	vbroadcast v2, $0x0  }
0x4ba: {  	s7 =	simm.s32 $0xC800;
	v21 =	vshrl.u32 v10, $0x3;
	v49 =	vld [tilespmem:$0x1FE60];
	[sflag:s21] =	ssyncadd.s32 $0xFFFFE000;
	v2 =	vbroadcast v0, $0x0;
	v0 =	vshll.u32 v14, v33  }
0x4bb: {  	v16 =	vbroadcast v0, $0x0;
	v0 =	vshll.u32 v3, v33;
	v3 =	vld [tilespmem:s7+$0x1C0];
	v10 =	vadd.s32 v36, v22  }
0x4bc: {  	v4 =	vshrl.u32 v4, $0x3;
	v23 =	vshrl.u32 v11, $0x3;
	v11 =	vld [tilespmem:s7+$0xFFFFFE00];
	v24 =	vadd.s32 v41, v2  }
0x4bd: {  	v15 =	vbroadcast v0, $0x0;
	v0 =	vshll.u32 v4, v33;
	v4 =	vld [tilespmem:s7+$0xFFFFFE40];
	v25 =	vadd.s32 v45, v16  }
0x4be: {  	v5 =	vshrl.u32 v5, $0x3;
	v53 =	vld [tilespmem:$0x1FE80]  }
0x4bf: {  	s8 =	simm.s32 $0x5;
	v14 =	vbroadcast v0, $0x0;
	v0 =	vshll.u32 v5, v33;
	v5 =	vld [tilespmem:s7+$0xFFFFFE80];
	v26 =	vadd.s32 v49, v15  }
0x4c0: {  	v6 =	vmov s8;
	s8 =	simm.s32 $0x8;
	v46 =	vld [tilespmem:$0x1FEA0];
	[tilespmem:v10+s22+$0x0] =	vst.idx.msk $0xffff, v3  }
0x4c1: {  	s6 =	simm.s32 $0xB;
	v9 =	vmov s8;
	s8 =	simm.s32 $0xD;
	[tilespmem:v24+s22+$0x0] =	vst.idx.msk $0xffff, v11  }
0x4c2: {  	v12 =	vmov s6;
	v6 =	vshrl.u32 v6, $0x3;
	v17 =	vmov s8;
	[tilespmem:v25+s22+$0x0] =	vst.idx.msk $0xffff, v4  }
0x4c3: {  	v7 =	vshrl.u32 v7, $0x3;
	v19 =	vshrl.u32 v8, $0x3;
	v20 =	vshrl.u32 v9, $0x3;
	v61 =	vld [tilespmem:$0x1FEC0]  }
0x4c4: {  	v6 =	vshll.u32 v6, v33;
	v8 =	vbroadcast v0, $0x0;
	v0 =	vshrl.u32 v12, $0x3;
	v12 =	vld [tilespmem:s7+$0xFFFFFEC0];
	[tilespmem:v26+s22+$0x0] =	vst.idx.msk $0xffff, v5  }
0x4c5: {  	v28 =	vshrl.u32 v13, $0x3;
	v9 =	vbroadcast v6, $0x0;
	v27 =	vadd.s32 v53, v14;
	v57 =	vld [tilespmem:$0x1FE10]  }
0x4c6: {  	v6 =	vshll.u32 v7, v33;
	v13 =	vld [tilespmem:s7+$0xFFFFFF00];
	v29 =	vadd.s32 v46, v8;
	v3 =	vshll.u32 v19, v33  }
0x4c7: {  	s26 =	simm.s32 $0xE;
	v44 =	vbroadcast v6, $0x0;
	v19 =	vadd.s32 v37, v22;
	v6 =	vld [tilespmem:s7+$0x1D0];
	v10 =	vbroadcast v3, $0x0  }
0x4c8: {  	v18 =	vmov s26;
	v4 =	vld [tilespmem:s7+$0xFFFFFF40];
	v3 =	vshll.u32 v20, v33;
	v24 =	vadd.s32 v61, v9  }
0x4c9: {  	v11 =	vbroadcast v3, $0x0;
	v3 =	vshll.u32 v21, v33;
	v21 =	vld [tilespmem:s7+$0xFFFFFFC0];
	v25 =	vadd.s32 v36, v10  }
0x4ca: {  	v0 =	vshll.u32 v0, v33;
	v5 =	vld [tilespmem:s7+$0xFFFFFF80];
	[tilespmem:v27+s22+$0x0] =	vst.idx.msk $0xffff, v12;
	v12 =	vbroadcast v3, $0x0;
	v20 =	vadd.s32 v57, v44  }
0x4cb: {  	v17 =	vshrl.u32 v17, $0x3;
	v26 =	vld [tilespmem:s7+$0x0];
	v3 =	vshll.u32 v23, v33;
	[tilespmem:v29+s22+$0x0] =	vst.idx.msk $0xffff, v13;
	v27 =	vadd.s32 v41, v11  }
0x4cc: {  	v23 =	vld [tilespmem:s7+$0x40];
	v13 =	vbroadcast v3, $0x0;
	v3 =	vbroadcast v0, $0x0;
	v29 =	vadd.s32 v45, v12;
	[tilespmem:v19+s22+$0x0] =	vst.idx.msk $0xffff, v6  }
0x4cd: {  	v18 =	vshrl.u32 v18, $0x3;
	v0 =	vshll.u32 v28, v33;
	v19 =	vld [tilespmem:s7+$0x1E0];
	[tilespmem:v24+s22+$0x0] =	vst.idx.msk $0xffff, v4;
	v24 =	vadd.s32 v38, v22  }
0x4ce: {  	[tilespmem:v25+s22+$0x0] =	vst.idx.msk $0xffff, v21;
	v21 =	vadd.s32 v53, v3;
	v4 =	vbroadcast v0, $0x0;
	v0 =	vshll.u32 v17, v33;
	v17 =	vld [tilespmem:s7+$0xC0]  }
0x4cf: {  	v28 =	vadd.s32 v49, v13;
	[tilespmem:v20+s22+$0x0] =	vst.idx.msk $0xffff, v5;
	v20 =	vld [tilespmem:s7+$0x80];
	v5 =	vbroadcast v0, $0x0;
	v0 =	vshll.u32 v18, v33  }
0x4d0: {  	[tilespmem:v27+s22+$0x0] =	vst.idx.msk $0xffff, v26;
	v18 =	vld [tilespmem:s7+$0x100];
	v25 =	vadd.s32 v46, v4;
	v6 =	vbroadcast v0, $0x0  }
0x4d1: {  	[tilespmem:v29+s22+$0x0] =	vst.idx.msk $0xffff, v23;
	v0 =	vld [tilespmem:s7+$0x140];
	v23 =	vadd.s32 v61, v5  }
0x4d2: {  	v26 =	vld [tilespmem:s7+$0x180];
	v27 =	vadd.s32 v57, v6;
	[tilespmem:v24+s22+$0x0] =	vst.idx.msk $0xffff, v19  }
0x4d3: {  	[tilespmem:v21+s22+$0x0] =	vst.idx.msk $0xffff, v17;
	v17 =	vld [tilespmem:s7+$0xFFFFFE90];
	v21 =	vadd.s32 v50, v15  }
0x4d4: {  	[tilespmem:v28+s22+$0x0] =	vst.idx.msk $0xffff, v20;
	v19 =	vld [tilespmem:s7+$0x1F0];
	v20 =	vadd.s32 v31, v22  }
0x4d5: {  	v24 =	vadd.s32 v30, v16;
	v22 =	vld [tilespmem:s7+$0xFFFFFE50];
	[tilespmem:v25+s22+$0x0] =	vst.idx.msk $0xffff, v18  }
0x4d6: {  	v18 =	vld [tilespmem:s7+$0xFFFFFED0];
	v25 =	vadd.s32 v54, v14;
	[tilespmem:v23+s22+$0x0] =	vst.idx.msk $0xffff, v0  }
0x4d7: {  	[tilespmem:v27+s22+$0x0] =	vst.idx.msk $0xffff, v26  }
0x4d8: {  	[tilespmem:v21+s22+$0x0] =	vst.idx.msk $0xffff, v17  }
0x4d9: {  	[tilespmem:v20+s22+$0x0] =	vst.idx.msk $0xffff, v19  }
0x4da: {  	[tilespmem:v24+s22+$0x0] =	vst.idx.msk $0xffff, v22  }
0x4db: {  	[tilespmem:v25+s22+$0x0] =	vst.idx.msk $0xffff, v18  }
0x4dc: {  	v42 =	vld [tilespmem:$0x1FE20]  }
0x4dd: {  	v0 =	vld [tilespmem:s7+$0xFFFFFF10];
	v23 =	vadd.s32 v58, v8  }
0x4de: {  	v26 =	vld [tilespmem:s7+$0xFFFFFF50];
	v27 =	vadd.s32 v62, v9  }
0x4df: {  	v19 =	vld [tilespmem:s7+$0xFFFFFF90];
	v20 =	vadd.s32 v34, v44  }
0x4e0: {  	v17 =	vld [tilespmem:s7+$0xFFFFFFD0];
	v21 =	vadd.s32 v37, v10  }
0x4e1: {  	v18 =	vld [tilespmem:s7+$0x10];
	v22 =	vadd.s32 v42, v11  }
0x4e2: {  	[tilespmem:v23+s22+$0x0] =	vst.idx.msk $0xffff, v0;
	v0 =	vld [tilespmem:s7+$0x50];
	v23 =	vadd.s32 v30, v12  }
0x4e3: {  	v24 =	vld [tilespmem:s7+$0x90];
	v25 =	vadd.s32 v50, v13;
	[tilespmem:v27+s22+$0x0] =	vst.idx.msk $0xffff, v26  }
0x4e4: {  	[tilespmem:v20+s22+$0x0] =	vst.idx.msk $0xffff, v19;
	v19 =	vld [tilespmem:s7+$0xD0];
	v20 =	vadd.s32 v54, v3  }
0x4e5: {  	[tilespmem:v21+s22+$0x0] =	vst.idx.msk $0xffff, v17;
	v17 =	vld [tilespmem:s7+$0x110];
	v21 =	vadd.s32 v58, v4  }
0x4e6: {  	[tilespmem:v22+s22+$0x0] =	vst.idx.msk $0xffff, v18;
	v18 =	vld [tilespmem:s7+$0x150];
	v22 =	vadd.s32 v62, v5  }
0x4e7: {  	[tilespmem:v23+s22+$0x0] =	vst.idx.msk $0xffff, v0;
	v0 =	vld [tilespmem:s7+$0x190];
	v23 =	vadd.s32 v34, v6  }
0x4e8: {  	v26 =	vld [tilespmem:s7+$0xFFFFFE10];
	[tilespmem:v25+s22+$0x0] =	vst.idx.msk $0xffff, v24;
	v27 =	vadd.s32 v42, v2  }
0x4e9: {  	v47 =	vld [tilespmem:$0x1FE50];
	[tilespmem:v20+s22+$0x0] =	vst.idx.msk $0xffff, v19  }
0x4ea: {  	v51 =	vld [tilespmem:$0x1FE70];
	[tilespmem:v21+s22+$0x0] =	vst.idx.msk $0xffff, v17  }
0x4eb: {  	v55 =	vld [tilespmem:$0x1FE90];
	[tilespmem:v22+s22+$0x0] =	vst.idx.msk $0xffff, v18  }
0x4ec: {  	v59 =	vld [tilespmem:$0x1FEB0];
	[tilespmem:v23+s22+$0x0] =	vst.idx.msk $0xffff, v0  }
0x4ed: {  	v24 =	vld [tilespmem:s7+$0xFFFFFE60];
	[tilespmem:v27+s22+$0x0] =	vst.idx.msk $0xffff, v26  }
0x4ee: {  	v25 =	vadd.s32 v47, v16;
	v63 =	vld [tilespmem:$0x1FED0]  }
0x4ef: {  	v19 =	vld [tilespmem:s7+$0xFFFFFEA0];
	v20 =	vadd.s32 v51, v15  }
0x4f0: {  	v50 =	vmov v31;
	v31 =	vadd.s32 v43, v2;
	v29 =	vld [tilespmem:s7+$0xFFFFFE20]  }
0x4f1: {  	v17 =	vld [tilespmem:s7+$0xFFFFFEE0];
	v21 =	vadd.s32 v55, v14  }
0x4f2: {  	v18 =	vld [tilespmem:s7+$0xFFFFFF20];
	v22 =	vadd.s32 v59, v8  }
0x4f3: {  	v0 =	vld [tilespmem:s7+$0xFFFFFF60];
	[tilespmem:v25+s22+$0x0] =	vst.idx.msk $0xffff, v24;
	v23 =	vadd.s32 v63, v9  }
0x4f4: {  	v24 =	vld [tilespmem:s7+$0xFFFFFFA0];
	v25 =	vadd.s32 v35, v44;
	[tilespmem:v20+s22+$0x0] =	vst.idx.msk $0xffff, v19  }
0x4f5: {  	v19 =	vld [tilespmem:s7+$0xFFFFFFE0];
	v20 =	vadd.s32 v38, v10;
	[tilespmem:v31+s22+$0x0] =	vst.idx.msk $0xffff, v29  }
0x4f6: {  	[tilespmem:v21+s22+$0x0] =	vst.idx.msk $0xffff, v17;
	v17 =	vld [tilespmem:s7+$0x20];
	v21 =	vadd.s32 v43, v11  }
0x4f7: {  	[tilespmem:v22+s22+$0x0] =	vst.idx.msk $0xffff, v18;
	v18 =	vld [tilespmem:s7+$0x60];
	v22 =	vadd.s32 v47, v12  }
0x4f8: {  	[tilespmem:v23+s22+$0x0] =	vst.idx.msk $0xffff, v0;
	v0 =	vld [tilespmem:s7+$0xA0];
	v23 =	vadd.s32 v51, v13  }
0x4f9: {  	[tilespmem:v25+s22+$0x0] =	vst.idx.msk $0xffff, v24;
	v24 =	vld [tilespmem:s7+$0xE0];
	v25 =	vadd.s32 v55, v3  }
0x4fa: {  	[tilespmem:v20+s22+$0x0] =	vst.idx.msk $0xffff, v19;
	v19 =	vld [tilespmem:s7+$0x120];
	v20 =	vadd.s32 v59, v4  }
0x4fb: {  	v26 =	vadd.s32 v63, v5;
	[tilespmem:v21+s22+$0x0] =	vst.idx.msk $0xffff, v17;
	v17 =	vld [tilespmem:s7+$0x160]  }
0x4fc: {  	v27 =	vadd.s32 v35, v6;
	[tilespmem:v22+s22+$0x0] =	vst.idx.msk $0xffff, v18;
	v18 =	vld [tilespmem:s7+$0x1A0]  }
0x4fd: {  	[tilespmem:v23+s22+$0x0] =	vst.idx.msk $0xffff, v0;
	v0 =	vld [tilespmem:s7+$0xFFFFFE70];
	v23 =	vadd.s32 v48, v16  }
0x4fe: {  	[tilespmem:v25+s22+$0x0] =	vst.idx.msk $0xffff, v24  }
0x4ff: {  	[tilespmem:v20+s22+$0x0] =	vst.idx.msk $0xffff, v19  }
0x500: {  	[tilespmem:v26+s22+$0x0] =	vst.idx.msk $0xffff, v17  }
0x501: {  	v24 =	vld [tilespmem:s7+$0xFFFFFEB0];
	v25 =	vadd.s32 v52, v15;
	[tilespmem:v27+s22+$0x0] =	vst.idx.msk $0xffff, v18  }
0x502: {  	v39 =	vadd.s32 v56, v14;
	v43 =	vmov v38;
	v38 =	vld [tilespmem:s7+$0xFFFFFEF0];
	[tilespmem:v23+s22+$0x0] =	vst.idx.msk $0xffff, v0  }
0x503: {  	s8 =	simm.s32 $0x11;
	s26 =	simm.s32 $0x12;
	v54 =	vld [tilespmem:$0x1FEE0]  }
0x504: {  	s28 =	simm.s32 $0x13;
	v32 =	vmov s26;
	s26 =	simm.s32 $0x16;
	v7 =	vadd.s32 v60, v8;
	v30 =	vmov s8;
	s8 =	simm.s32 $0x15  }
0x505: {  	v58 =	vmovc v36;
	v36 =	vmov s8;
	s8 =	simm.s32 $0x19;
	v34 =	vmov s28;
	v62 =	vmovc v37;
	v37 =	vmov s26  }
0x506: {  	s6 =	simm.s32 $0x10;
	v14 =	vmov s8;
	v8 =	vadd.s32 v1, v9;
	v29 =	vadd.s32 v50, v10;
	v40 =	vld [tilespmem:s7+$0xFFFFFF30];
	[tilespmem:v25+s22+$0x0] =	vst.idx.msk $0xffff, v24  }
0x507: {  	v9 =	vshrl.u32 v34, $0x3;
	v10 =	vshrl.u32 v36, $0x3;
	v21 =	vmov s6;
	s6 =	simm.s32 $0x14;
	v16 =	vld [tilespmem:s7+$0xFFFFFF70];
	[tilespmem:v39+s22+$0x0] =	vst.idx.msk $0xffff, v38  }
0x508: {  	s28 =	simm.s32 $0x17;
	v13 =	vadd.s32 v52, v13;
	v35 =	vmov s6;
	s6 =	simm.s32 $0x18;
	v0 =	vadd.s32 v54, v44;
	v44 =	vld [tilespmem:$0x1FE30]  }
0x509: {  	s26 =	simm.s32 $0x1A;
	s8 =	simm.s32 $0x1C;
	v28 =	vshrl.u32 v21, $0x3;
	v21 =	vmov s28;
	s28 =	simm.s32 $0x1B;
	v22 =	vmov s6;
	v26 =	vld [tilespmem:s7+$0xFFFFFFB0]  }
0x50a: {  	v15 =	vmov s26;
	s26 =	simm.s32 $0x1D;
	v19 =	vmov s28;
	v20 =	vmov s8;
	s28 =	simm.s32 $0x1E;
	v27 =	vld [tilespmem:s7+$0xFFFFFFF0]  }
0x50b: {  	v17 =	vmov s26;
	v18 =	vmov s28;
	v23 =	vshll.u32 v28, v33;
	v28 =	vld [tilespmem:s7+$0x30]  }
0x50c: {  	v25 =	vshrl.u32 v30, $0x3;
	v24 =	vshrl.u32 v32, $0x3;
	v32 =	vadd.s32 v48, v12;
	v12 =	vld [tilespmem:s7+$0xB0];
	[tilespmem:v7+s22+$0x0] =	vst.idx.msk $0xffff, v40  }
0x50d: {  	s3 =	simm.s32 $0x1F;
	s26 =	simm.s32 $0x20;
	v7 =	vshrl.u32 v35, $0x3;
	[tilespmem:v8+s22+$0x0] =	vst.idx.msk $0xffff, v16;
	v8 =	vshrl.u32 v37, $0x3;
	v31 =	vadd.s32 v44, v11;
	v11 =	vld [tilespmem:s7+$0x70]  }
.LBB2_24:
0x50e: {  	v40 =	vld [tilespmem:$0x1FF00]  }
0x50f: {  	v34 =	vld [tilespmem:$0x1FFA0]  }
0x510: {  	v16 =	vshrl.u32 v21, $0x3;
	v21 =	vmov s3;
	[tilespmem:v0+s22+$0x0] =	vst.idx.msk $0xffff, v26;
	v0 =	vld [tilespmem:s7+$0xF0]  }
0x511: {  	v3 =	vadd.s32 v56, v3;
	v21 =	vshrl.u32 v21, $0x3;
	v26 =	vld [tilespmem:s7+$0x130]  }
0x512: {  	v4 =	vadd.s32 v60, v4;
	[tilespmem:v29+s22+$0x0] =	vst.idx.msk $0xffff, v27;
	v27 =	vshrl.u32 v14, $0x3;
	v14 =	vshll.u32 v21, v33;
	v21 =	vld [tilespmem:s7+$0x170]  }
0x513: {  	v5 =	vadd.s32 v1, v5;
	[tilespmem:v32+s22+$0x0] =	vst.idx.msk $0xffff, v11;
	v11 =	vld [tilespmem:s7+$0x1B0]  }
0x514: {  	v6 =	vadd.s32 v54, v6;
	v30 =	vadd.s32 v44, v2;
	[tilespmem:v31+s22+$0x0] =	vst.idx.msk $0xffff, v28;
	v31 =	vld [tilespmem:$0x1FF70];
	v29 =	vbroadcast v14, $0x0  }
0x515: {  	v2 =	vbroadcast v23, $0x0;
	v9 =	vshll.u32 v9, v33;
	[tilespmem:v13+s22+$0x0] =	vst.idx.msk $0xffff, v12;
	v14 =	vshll.u32 v25, v33;
	v25 =	vld [tilespmem:s7+$0xFFFFFE30];
	s7 =	sadd.s32 $0x400, s7  }
0x516: {  	v12 =	vshll.u32 v24, v33;
	v14 =	vbroadcast v14, $0x0;
	v13 =	vld [tilespmem:s7+$0x1C0];
	v23 =	vadd.s32 v58, v29;
	[tilespmem:v3+s22+$0x0] =	vst.idx.msk $0xffff, v0  }
0x517: {  	v28 =	vshrl.u32 v15, $0x3;
	v15 =	vbroadcast v12, $0x0;
	v0 =	vld [tilespmem:s7+$0xFFFFFE00];
	v3 =	vadd.s32 v41, v2;
	[tilespmem:v4+s22+$0x0] =	vst.idx.msk $0xffff, v26  }
0x518: {  	v9 =	vbroadcast v9, $0x0;
	v12 =	vadd.s32 v45, v14;
	v4 =	vld [tilespmem:s7+$0xFFFFFE40];
	[tilespmem:v5+s22+$0x0] =	vst.idx.msk $0xffff, v21  }
0x519: {  	v7 =	vshll.u32 v7, v33;
	v5 =	vld [tilespmem:s7+$0xFFFFFE80];
	v21 =	vadd.s32 v49, v15;
	[tilespmem:v6+s22+$0x0] =	vst.idx.msk $0xffff, v11  }
0x51a: {  	v7 =	vbroadcast v7, $0x0;
	v24 =	vadd.s32 v53, v9;
	v6 =	vld [tilespmem:s7+$0xFFFFFEC0];
	[tilespmem:v30+s22+$0x0] =	vst.idx.msk $0xffff, v25  }
0x51b: {  	v8 =	vshll.u32 v8, v33;
	v25 =	vld [tilespmem:s7+$0xFFFFFF00];
	[tilespmem:v23+s22+$0x0] =	vst.idx.msk $0xffff, v13  }
0x51c: {  	v10 =	vshll.u32 v10, v33;
	v8 =	vbroadcast v8, $0x0;
	v26 =	vadd.s32 v46, v7;
	[tilespmem:v3+s22+$0x0] =	vst.idx.msk $0xffff, v0;
	v3 =	vld [tilespmem:s7+$0x1D0]  }
0x51d: {  	v10 =	vbroadcast v10, $0x0;
	v23 =	vadd.s32 v62, v29;
	[tilespmem:v12+s22+$0x0] =	vst.idx.msk $0xffff, v4;
	v4 =	vld [tilespmem:s7+$0xFFFFFF40]  }
0x51e: {  	v0 =	vshll.u32 v16, v33;
	[tilespmem:v21+s22+$0x0] =	vst.idx.msk $0xffff, v5;
	v5 =	vld [tilespmem:s7+$0xFFFFFF80];
	v21 =	vadd.s32 v57, v8  }
0x51f: {  	v22 =	vshrl.u32 v22, $0x3;
	v30 =	vadd.s32 v61, v10;
	[tilespmem:v24+s22+$0x0] =	vst.idx.msk $0xffff, v6;
	v6 =	vld [tilespmem:s7+$0xFFFFFFC0];
	v11 =	vbroadcast v0, $0x0  }
0x520: {  	v19 =	vshrl.u32 v19, $0x3;
	v16 =	vshll.u32 v28, v33;
	v28 =	vld [tilespmem:$0x1FF40];
	v0 =	vshll.u32 v22, v33  }
0x521: {  	[tilespmem:v26+s22+$0x0] =	vst.idx.msk $0xffff, v25;
	v25 =	vld [tilespmem:s7+$0x40];
	v12 =	vbroadcast v0, $0x0;
	v0 =	vshll.u32 v27, v33;
	v22 =	vadd.s32 v58, v11  }
0x522: {  	v20 =	vshrl.u32 v20, $0x3;
	v13 =	vbroadcast v0, $0x0;
	v0 =	vshrl.u32 v17, $0x3;
	v17 =	vld [tilespmem:s7+$0x0];
	[tilespmem:v23+s22+$0x0] =	vst.idx.msk $0xffff, v3  }
0x523: {  	v19 =	vshll.u32 v19, v33;
	v16 =	vbroadcast v16, $0x0;
	v24 =	vadd.s32 v41, v12;
	[tilespmem:v21+s22+$0x0] =	vst.idx.msk $0xffff, v5;
	v21 =	vld [tilespmem:s7+$0x80]  }
0x524: {  	v18 =	vshrl.u32 v18, $0x3;
	v0 =	vshll.u32 v0, v33;
	v26 =	vadd.s32 v45, v13;
	[tilespmem:v30+s22+$0x0] =	vst.idx.msk $0xffff, v4;
	v30 =	vld [tilespmem:$0x1FF60]  }
0x525: {  	v3 =	vbroadcast v19, $0x0;
	v4 =	vshll.u32 v20, v33;
	v23 =	vadd.s32 v49, v16;
	v19 =	vld [tilespmem:s7+$0x1E0]  }
0x526: {  	v20 =	vadd.s32 v43, v29;
	v5 =	vbroadcast v0, $0x0;
	v0 =	vshll.u32 v18, v33;
	[tilespmem:v22+s22+$0x0] =	vst.idx.msk $0xffff, v6;
	v22 =	vld [tilespmem:s7+$0xC0]  }
0x527: {  	v4 =	vbroadcast v4, $0x0;
	v6 =	vbroadcast v0, $0x0;
	v0 =	vld [tilespmem:s7+$0x140]  }
0x528: {  	v27 =	vadd.s32 v53, v3;
	[tilespmem:v24+s22+$0x0] =	vst.idx.msk $0xffff, v17;
	v17 =	vld [tilespmem:s7+$0x100]  }
0x529: {  	v18 =	vadd.s32 v46, v4;
	[tilespmem:v26+s22+$0x0] =	vst.idx.msk $0xffff, v25;
	v25 =	vld [tilespmem:s7+$0x180]  }
0x52a: {  	v24 =	vadd.s32 v61, v5;
	[tilespmem:v23+s22+$0x0] =	vst.idx.msk $0xffff, v21;
	v21 =	vld [tilespmem:s7+$0xFFFFFE50]  }
0x52b: {  	v26 =	vadd.s32 v57, v6;
	[tilespmem:v20+s22+$0x0] =	vst.idx.msk $0xffff, v19;
	v20 =	vadd.s32 v50, v29;
	v29 =	vld [tilespmem:$0x1FF50]  }
0x52c: {  	v23 =	vadd.s32 v28, v14;
	v19 =	vld [tilespmem:s7+$0x1F0]  }
0x52d: {  	[tilespmem:v27+s22+$0x0] =	vst.idx.msk $0xffff, v22;
	v22 =	vld [tilespmem:s7+$0xFFFFFE90]  }
0x52e: {  	[tilespmem:v18+s22+$0x0] =	vst.idx.msk $0xffff, v17;
	v17 =	vld [tilespmem:s7+$0xFFFFFED0];
	v18 =	vadd.s32 v30, v9  }
0x52f: {  	[tilespmem:v24+s22+$0x0] =	vst.idx.msk $0xffff, v0;
	v0 =	vld [tilespmem:s7+$0xFFFFFF10];
	v24 =	vadd.s32 v31, v7  }
0x530: {  	[tilespmem:v26+s22+$0x0] =	vst.idx.msk $0xffff, v25;
	v25 =	vld [tilespmem:s7+$0xFFFFFF50];
	v26 =	vadd.s32 v40, v10  }
0x531: {  	[tilespmem:v23+s22+$0x0] =	vst.idx.msk $0xffff, v21;
	v21 =	vld [tilespmem:s7+$0xFFFFFFD0];
	v27 =	vadd.s32 v29, v15  }
0x532: {  	[tilespmem:v20+s22+$0x0] =	vst.idx.msk $0xffff, v19;
	v19 =	vld [tilespmem:s7+$0xFFFFFF90];
	v20 =	vadd.s32 v34, v8  }
0x533: {  	[tilespmem:v18+s22+$0x0] =	vst.idx.msk $0xffff, v17;
	v17 =	vld [tilespmem:s7+$0x10]  }
0x534: {  	v18 =	vadd.s32 v42, v12;
	[tilespmem:v24+s22+$0x0] =	vst.idx.msk $0xffff, v0;
	v0 =	vld [tilespmem:s7+$0x50]  }
0x535: {  	v23 =	vadd.s32 v28, v13;
	v24 =	vld [tilespmem:s7+$0x90];
	[tilespmem:v26+s22+$0x0] =	vst.idx.msk $0xffff, v25  }
0x536: {  	v25 =	vadd.s32 v29, v16;
	v26 =	vld [tilespmem:s7+$0xFFFFFE10];
	[tilespmem:v27+s22+$0x0] =	vst.idx.msk $0xffff, v22  }
0x537: {  	v22 =	vadd.s32 v62, v11;
	[tilespmem:v20+s22+$0x0] =	vst.idx.msk $0xffff, v19;
	v19 =	vld [tilespmem:s7+$0xD0]  }
0x538: {  	v27 =	vadd.s32 v42, v2;
	v20 =	vadd.s32 v30, v3;
	v30 =	vld [tilespmem:$0x1FF80]  }
0x539: {  	[tilespmem:v18+s22+$0x0] =	vst.idx.msk $0xffff, v17;
	v17 =	vld [tilespmem:s7+$0x150]  }
0x53a: {  	v18 =	vadd.s32 v40, v5;
	[tilespmem:v23+s22+$0x0] =	vst.idx.msk $0xffff, v0;
	v0 =	vld [tilespmem:s7+$0x190]  }
0x53b: {  	v23 =	vadd.s32 v34, v6;
	[tilespmem:v25+s22+$0x0] =	vst.idx.msk $0xffff, v24;
	v24 =	vld [tilespmem:s7+$0xFFFFFE60]  }
0x53c: {  	[tilespmem:v22+s22+$0x0] =	vst.idx.msk $0xffff, v21;
	v21 =	vld [tilespmem:s7+$0x110];
	v22 =	vadd.s32 v31, v4  }
0x53d: {  	v25 =	vadd.s32 v47, v14;
	[tilespmem:v27+s22+$0x0] =	vst.idx.msk $0xffff, v26;
	v27 =	vld [tilespmem:$0x1FFB0]  }
0x53e: {  	[tilespmem:v20+s22+$0x0] =	vst.idx.msk $0xffff, v19;
	v19 =	vld [tilespmem:s7+$0xFFFFFEA0];
	v20 =	vadd.s32 v51, v15  }
0x53f: {  	[tilespmem:v18+s22+$0x0] =	vst.idx.msk $0xffff, v17;
	v17 =	vld [tilespmem:s7+$0xFFFFFF20];
	v18 =	vadd.s32 v59, v7  }
0x540: {  	[tilespmem:v23+s22+$0x0] =	vst.idx.msk $0xffff, v0;
	v0 =	vld [tilespmem:s7+$0xFFFFFF60];
	v23 =	vadd.s32 v63, v10  }
0x541: {  	[tilespmem:v22+s22+$0x0] =	vst.idx.msk $0xffff, v21;
	v21 =	vld [tilespmem:s7+$0xFFFFFEE0];
	v22 =	vadd.s32 v55, v9  }
0x542: {  	[tilespmem:v25+s22+$0x0] =	vst.idx.msk $0xffff, v24;
	v24 =	vld [tilespmem:s7+$0xFFFFFFA0];
	v25 =	vadd.s32 v27, v8  }
0x543: {  	[tilespmem:v20+s22+$0x0] =	vst.idx.msk $0xffff, v19;
	v19 =	vld [tilespmem:s7+$0xFFFFFFE0];
	v20 =	vadd.s32 v43, v11  }
0x544: {  	[tilespmem:v18+s22+$0x0] =	vst.idx.msk $0xffff, v17;
	v17 =	vld [tilespmem:s7+$0x60];
	v18 =	vadd.s32 v47, v13  }
0x545: {  	[tilespmem:v23+s22+$0x0] =	vst.idx.msk $0xffff, v0;
	v0 =	vld [tilespmem:s7+$0xA0];
	v23 =	vadd.s32 v51, v16  }
0x546: {  	v39 =	vadd.s32 v60, v7;
	v38 =	vld [tilespmem:s7+$0xFFFFFF30];
	[tilespmem:v22+s22+$0x0] =	vst.idx.msk $0xffff, v21  }
0x547: {  	v21 =	vld [tilespmem:s7+$0x20];
	v22 =	vadd.s32 v30, v12;
	[tilespmem:v25+s22+$0x0] =	vst.idx.msk $0xffff, v24  }
0x548: {  	v24 =	vld [tilespmem:s7+$0xE0];
	v25 =	vadd.s32 v55, v3;
	[tilespmem:v20+s22+$0x0] =	vst.idx.msk $0xffff, v19  }
0x549: {  	s8 =	sadd.s32 $0x1, s26;
	v29 =	vld [tilespmem:s7+$0xFFFFFE20];
	v30 =	vadd.s32 v30, v2;
	[tilespmem:v18+s22+$0x0] =	vst.idx.msk $0xffff, v17  }
0x54a: {  	s6 =	sadd.s32 $0x3, s26;
	v28 =	vmov s8;
	s8 =	sadd.s32 $0x4, s26;
	v19 =	vld [tilespmem:s7+$0x120];
	v20 =	vadd.s32 v59, v4;
	[tilespmem:v23+s22+$0x0] =	vst.idx.msk $0xffff, v0  }
0x54b: {  	s28 =	sadd.s32 $0x2, s26;
	v32 =	vmov s6;
	v34 =	vmov s8;
	v9 =	vadd.s32 v56, v9;
	v37 =	vld [tilespmem:s7+$0xFFFFFEF0];
	[tilespmem:v39+s22+$0x0] =	vst.idx.msk $0xffff, v38  }
0x54c: {  	s8 =	sadd.s32 $0x6, s26;
	v40 =	vadd.s32 v1, v10;
	v31 =	vmov s28;
	s28 =	sadd.s32 $0x5, s26;
	v17 =	vld [tilespmem:s7+$0x1A0];
	v18 =	vadd.s32 v27, v6;
	[tilespmem:v22+s22+$0x0] =	vst.idx.msk $0xffff, v21  }
0x54d: {  	v36 =	vmov s8;
	v35 =	vmov s28;
	v0 =	vld [tilespmem:s7+$0xFFFFFE70];
	v23 =	vadd.s32 v48, v14;
	[tilespmem:v25+s22+$0x0] =	vst.idx.msk $0xffff, v24  }
0x54e: {  	v26 =	vadd.s32 v63, v5;
	v7 =	vshrl.u32 v34, $0x3;
	v10 =	vshrl.u32 v35, $0x3;
	v22 =	vld [tilespmem:s7+$0x160];
	[tilespmem:v30+s22+$0x0] =	vst.idx.msk $0xffff, v29  }
0x54f: {  	s6 =	sadd.s32 $0xC, s26;
	s28 =	sadd.s32 $0x7, s26;
	v21 =	vmov s26;
	v24 =	vld [tilespmem:s7+$0xFFFFFEB0];
	v25 =	vadd.s32 v52, v15;
	v29 =	vadd.s32 v50, v11;
	[tilespmem:v20+s22+$0x0] =	vst.idx.msk $0xffff, v19  }
0x550: {  	p1 =	slt.u32 s26, $0x70;
	v30 =	vld [tilespmem:s7+$0xFFFFFF70];
	v27 =	vshrl.u32 v21, $0x3;
	v21 =	vmov s28;
	s28 =	sadd.s32 $0x9, s26;
	v20 =	vmov s6;
	[tilespmem:v9+s22+$0x0] =	vst.idx.msk $0xffff, v37  }
.Ltmp15:
0x551: {  	v11 =	vld [tilespmem:s7+$0x70];
	v9 =	vshrl.u32 v32, $0x3;
	v32 =	vadd.s32 v48, v13;
	v14 =	vmov s28;
	s28 =	sadd.s32 $0xB, s26;
	[tilespmem:v18+s22+$0x0] =	vst.idx.msk $0xffff, v17;
	(pc) =	sbr.rel @p1 .LBB2_24-.Ltmp15, $4  }
0x552: {  	s8 =	sadd.s32 $0x8, s26;
	v13 =	vadd.s32 v52, v16;
	v19 =	vmov s28;
	[tilespmem:v23+s22+$0x0] =	vst.idx.msk $0xffff, v0;
	v23 =	vshll.u32 v27, v33;
	v27 =	vld [tilespmem:s7+$0xFFFFFFF0]  }
0x553: {  	s28 =	sadd.s32 $0xE, s26;
	v0 =	vadd.s32 v54, v8;
	v8 =	vshrl.u32 v36, $0x3;
	[tilespmem:v26+s22+$0x0] =	vst.idx.msk $0xffff, v22;
	v22 =	vmov s8;
	s8 =	sadd.s32 $0xA, s26;
	v26 =	vld [tilespmem:s7+$0xFFFFFFB0]  }
0x554: {  	v18 =	vmov s28;
	[tilespmem:v25+s22+$0x0] =	vst.idx.msk $0xffff, v24;
	v25 =	vshrl.u32 v28, $0x3;
	v28 =	vld [tilespmem:s7+$0x30];
	v15 =	vmov s8;
	s8 =	sadd.s32 $0xD, s26  }
0x555: {  	s3 =	sadd.s32 $0xF, s26;
	v24 =	vshrl.u32 v31, $0x3;
	v31 =	vadd.s32 v44, v12;
	[tilespmem:v40+s22+$0x0] =	vst.idx.msk $0xffff, v30;
	v12 =	vld [tilespmem:s7+$0xB0];
	s26 =	sadd.s32 $0x10, s26;
	v17 =	vmov s8  }
0x556: {  	_ =	sdelay $0x3  }
0x557: {  	v36 =	vmov s3;
	v38 =	vld [tilespmem:s7+$0x130];
	v39 =	vadd.s32 v60, v4;
	[tilespmem:v32+s22+$0x0] =	vst.idx.msk $0xffff, v11  }
0x558: {  	v37 =	vadd.s32 v56, v3;
	v3 =	vshrl.u32 v36, $0x3;
	[tilespmem:v0+s22+$0x0] =	vst.idx.msk $0xffff, v26;
	v0 =	vld [tilespmem:s7+$0xF0]  }
0x559: {  	v11 =	vld [tilespmem:s7+$0x1B0];
	v34 =	vadd.s32 v54, v6;
	[tilespmem:v29+s22+$0x0] =	vst.idx.msk $0xffff, v27;
	v3 =	vshll.u32 v3, v33  }
0x55a: {  	v16 =	vshrl.u32 v21, $0x3;
	v40 =	vadd.s32 v1, v5;
	[tilespmem:v31+s22+$0x0] =	vst.idx.msk $0xffff, v28;
	v28 =	vld [tilespmem:s7+$0x170];
	v30 =	vbroadcast v3, $0x0  }
0x55b: {  	v4 =	vshll.u32 v25, v33;
	v35 =	vld [tilespmem:s7+$0xFFFFFE30];
	s26 =	sadd.s32 $0x400, s7;
	v36 =	vadd.s32 v44, v2;
	v3 =	vbroadcast v23, $0x0;
	[tilespmem:v13+s22+$0x0] =	vst.idx.msk $0xffff, v12  }
0x55c: {  	v2 =	vbroadcast v4, $0x0;
	v4 =	vshll.u32 v24, v33;
	v12 =	vld [tilespmem:s26+$0x1C0];
	v13 =	vadd.s32 v58, v30;
	[tilespmem:v39+s22+$0x0] =	vst.idx.msk $0xffff, v38  }
0x55d: {  	v5 =	vshll.u32 v9, v33;
	v4 =	vbroadcast v4, $0x0;
	[tilespmem:v37+s22+$0x0] =	vst.idx.msk $0xffff, v0;
	v0 =	vld [tilespmem:s26+$0xFFFFFE00];
	v37 =	vadd.s32 v41, v3  }
0x55e: {  	v6 =	vshll.u32 v7, v33;
	v5 =	vbroadcast v5, $0x0;
	v38 =	vld [tilespmem:s26+$0xFFFFFE40];
	v39 =	vadd.s32 v45, v2;
	[tilespmem:v34+s22+$0x0] =	vst.idx.msk $0xffff, v11  }
0x55f: {  	v22 =	vshrl.u32 v22, $0x3;
	v6 =	vbroadcast v6, $0x0;
	v26 =	vld [tilespmem:s26+$0xFFFFFE80];
	[tilespmem:v40+s22+$0x0] =	vst.idx.msk $0xffff, v28;
	v40 =	vadd.s32 v49, v4  }
0x560: {  	v14 =	vshrl.u32 v14, $0x3;
	v7 =	vshll.u32 v10, v33;
	v32 =	vld [tilespmem:s26+$0xFFFFFEC0];
	v34 =	vadd.s32 v53, v5;
	[tilespmem:v36+s22+$0x0] =	vst.idx.msk $0xffff, v35  }
0x561: {  	v8 =	vshll.u32 v8, v33;
	v7 =	vbroadcast v7, $0x0;
	v35 =	vld [tilespmem:s26+$0xFFFFFF00];
	v36 =	vadd.s32 v46, v6;
	[tilespmem:v13+s22+$0x0] =	vst.idx.msk $0xffff, v12  }
0x562: {  	v8 =	vbroadcast v8, $0x0;
	v13 =	vld [tilespmem:s26+$0x1D0];
	[tilespmem:v37+s22+$0x0] =	vst.idx.msk $0xffff, v0;
	v0 =	vshll.u32 v16, v33;
	v37 =	vadd.s32 v62, v30  }
0x563: {  	[tilespmem:v39+s22+$0x0] =	vst.idx.msk $0xffff, v38;
	v38 =	vld [tilespmem:s26+$0xFFFFFF40];
	v39 =	vadd.s32 v61, v7;
	v9 =	vbroadcast v0, $0x0;
	v0 =	vshll.u32 v22, v33  }
0x564: {  	[tilespmem:v40+s22+$0x0] =	vst.idx.msk $0xffff, v26;
	v22 =	vld [tilespmem:s26+$0xFFFFFF80];
	v40 =	vadd.s32 v57, v8;
	v10 =	vbroadcast v0, $0x0;
	v0 =	vshll.u32 v14, v33  }
0x565: {  	v15 =	vshrl.u32 v15, $0x3;
	[tilespmem:v34+s22+$0x0] =	vst.idx.msk $0xffff, v32;
	v32 =	vld [tilespmem:s26+$0xFFFFFFC0];
	v34 =	vadd.s32 v58, v9;
	v11 =	vbroadcast v0, $0x0  }
0x566: {  	[tilespmem:v36+s22+$0x0] =	vst.idx.msk $0xffff, v35;
	v35 =	vshll.u32 v15, v33;
	v0 =	vshrl.u32 v17, $0x3;
	v17 =	vld [tilespmem:s26+$0x0];
	v23 =	vadd.s32 v41, v10  }
0x567: {  	v19 =	vshrl.u32 v19, $0x3;
	v25 =	vld [tilespmem:s26+$0x40];
	v12 =	vbroadcast v35, $0x0;
	v29 =	vadd.s32 v45, v11;
	[tilespmem:v37+s22+$0x0] =	vst.idx.msk $0xffff, v13  }
0x568: {  	v20 =	vshrl.u32 v20, $0x3;
	v36 =	vshll.u32 v19, v33;
	[tilespmem:v39+s22+$0x0] =	vst.idx.msk $0xffff, v38;
	v39 =	vadd.s32 v43, v30;
	v38 =	vld [tilespmem:s26+$0x1E0]  }
0x569: {  	v31 =	vadd.s32 v49, v12;
	v13 =	vbroadcast v36, $0x0;
	v37 =	vshll.u32 v20, v33;
	[tilespmem:v40+s22+$0x0] =	vst.idx.msk $0xffff, v22;
	v40 =	vld [tilespmem:s26+$0x80]  }
0x56a: {  	v0 =	vshll.u32 v0, v33;
	v14 =	vbroadcast v37, $0x0;
	[tilespmem:v34+s22+$0x0] =	vst.idx.msk $0xffff, v32  }
0x56b: {  	v18 =	vshrl.u32 v18, $0x3;
	v15 =	vbroadcast v0, $0x0;
	v32 =	vld [tilespmem:s26+$0xC0];
	v34 =	vadd.s32 v53, v13;
	[tilespmem:v23+s22+$0x0] =	vst.idx.msk $0xffff, v17  }
0x56c: {  	v35 =	vld [tilespmem:s26+$0x100];
	v0 =	vshll.u32 v18, v33;
	v45 =	vadd.s32 v46, v14;
	[tilespmem:v29+s22+$0x0] =	vst.idx.msk $0xffff, v25  }
0x56d: {  	v16 =	vbroadcast v0, $0x0;
	v0 =	vld [tilespmem:s26+$0x140];
	v46 =	vadd.s32 v61, v15;
	[tilespmem:v39+s22+$0x0] =	vst.idx.msk $0xffff, v38  }
0x56e: {  	v49 =	vld [tilespmem:s26+$0x180];
	[tilespmem:v31+s22+$0x0] =	vst.idx.msk $0xffff, v40  }
0x56f: {  	v39 =	vld [tilespmem:$0x1FF40]  }
0x570: {  	v53 =	vadd.s32 v57, v16;
	v19 =	vld [tilespmem:s26+$0x1F0];
	[tilespmem:v34+s22+$0x0] =	vst.idx.msk $0xffff, v32  }
0x571: {  	v28 =	vld [tilespmem:$0x1FF50];
	[tilespmem:v45+s22+$0x0] =	vst.idx.msk $0xffff, v35  }
0x572: {  	v29 =	vld [tilespmem:$0x1FF60];
	[tilespmem:v46+s22+$0x0] =	vst.idx.msk $0xffff, v0  }
0x573: {  	v57 =	vadd.s32 v50, v30;
	v31 =	vld [tilespmem:$0x1FF70]  }
0x574: {  	v61 =	vld [tilespmem:s26+$0xFFFFFE50];
	v36 =	vadd.s32 v39, v2  }
0x575: {  	v37 =	vld [tilespmem:s26+$0xFFFFFE90];
	[tilespmem:v53+s22+$0x0] =	vst.idx.msk $0xffff, v49  }
0x576: {  	v32 =	vld [tilespmem:$0x1FF00]  }
0x577: {  	v30 =	vld [tilespmem:s26+$0xFFFFFFD0];
	v38 =	vadd.s32 v28, v4  }
0x578: {  	v0 =	vld [tilespmem:s26+$0xFFFFFF10];
	[tilespmem:v57+s22+$0x0] =	vst.idx.msk $0xffff, v19;
	v46 =	vadd.s32 v31, v6  }
0x579: {  	v40 =	vld [tilespmem:s26+$0xFFFFFED0];
	v45 =	vadd.s32 v29, v5;
	[tilespmem:v36+s22+$0x0] =	vst.idx.msk $0xffff, v61  }
0x57a: {  	v35 =	vadd.s32 v62, v9;
	v34 =	vld [tilespmem:$0x1FFA0]  }
0x57b: {  	v49 =	vld [tilespmem:s26+$0xFFFFFF50];
	v53 =	vadd.s32 v32, v7  }
0x57c: {  	v36 =	vld [tilespmem:s26+$0x10];
	[tilespmem:v38+s22+$0x0] =	vst.idx.msk $0xffff, v37;
	v37 =	vadd.s32 v42, v10  }
0x57d: {  	v38 =	vadd.s32 v39, v11;
	[tilespmem:v46+s22+$0x0] =	vst.idx.msk $0xffff, v0;
	v0 =	vld [tilespmem:s26+$0x50]  }
0x57e: {  	[tilespmem:v45+s22+$0x0] =	vst.idx.msk $0xffff, v40;
	v40 =	vld [tilespmem:s26+$0x90];
	v45 =	vadd.s32 v28, v12  }
0x57f: {  	v57 =	vld [tilespmem:s26+$0xFFFFFF90];
	[tilespmem:v35+s22+$0x0] =	vst.idx.msk $0xffff, v30;
	v61 =	vadd.s32 v34, v8  }
0x580: {  	v46 =	vld [tilespmem:s26+$0xD0];
	[tilespmem:v53+s22+$0x0] =	vst.idx.msk $0xffff, v49;
	v49 =	vadd.s32 v29, v13  }
0x581: {  	[tilespmem:v37+s22+$0x0] =	vst.idx.msk $0xffff, v36;
	v36 =	vld [tilespmem:s26+$0xFFFFFE10];
	v37 =	vadd.s32 v42, v3  }
0x582: {  	v35 =	vadd.s32 v34, v16;
	[tilespmem:v38+s22+$0x0] =	vst.idx.msk $0xffff, v0;
	v0 =	vld [tilespmem:s26+$0x190]  }
0x583: {  	[tilespmem:v45+s22+$0x0] =	vst.idx.msk $0xffff, v40;
	v40 =	vadd.s32 v47, v2;
	v38 =	vld [tilespmem:s26+$0xFFFFFE60]  }
0x584: {  	v30 =	vadd.s32 v32, v15;
	[tilespmem:v61+s22+$0x0] =	vst.idx.msk $0xffff, v57;
	v61 =	vld [tilespmem:s26+$0x150]  }
0x585: {  	v53 =	vld [tilespmem:s26+$0x110];
	[tilespmem:v49+s22+$0x0] =	vst.idx.msk $0xffff, v46;
	v57 =	vadd.s32 v31, v14  }
0x586: {  	v42 =	vld [tilespmem:s26+$0xFFFFFEA0];
	v45 =	vadd.s32 v51, v4;
	[tilespmem:v37+s22+$0x0] =	vst.idx.msk $0xffff, v36  }
0x587: {  	v46 =	vld [tilespmem:s26+$0xFFFFFEE0];
	v49 =	vadd.s32 v55, v5;
	[tilespmem:v35+s22+$0x0] =	vst.idx.msk $0xffff, v0  }
0x588: {  	v0 =	vld [tilespmem:s26+$0xFFFFFF60];
	[tilespmem:v40+s22+$0x0] =	vst.idx.msk $0xffff, v38  }
0x589: {  	v38 =	vld [tilespmem:s26+$0xFFFFFFE0];
	[tilespmem:v30+s22+$0x0] =	vst.idx.msk $0xffff, v61;
	v61 =	vadd.s32 v63, v7  }
0x58a: {  	[tilespmem:v57+s22+$0x0] =	vst.idx.msk $0xffff, v53;
	v53 =	vld [tilespmem:s26+$0xFFFFFF20];
	v57 =	vadd.s32 v59, v6  }
0x58b: {  	v35 =	vld [tilespmem:$0x1FFB0];
	[tilespmem:v45+s22+$0x0] =	vst.idx.msk $0xffff, v42  }
0x58c: {  	v40 =	vadd.s32 v43, v9;
	[tilespmem:v49+s22+$0x0] =	vst.idx.msk $0xffff, v46;
	v46 =	vld [tilespmem:s26+$0x60]  }
0x58d: {  	v49 =	vadd.s32 v47, v11;
	v30 =	vld [tilespmem:$0x1FF80]  }
0x58e: {  	v51 =	vadd.s32 v51, v12;
	[tilespmem:v61+s22+$0x0] =	vst.idx.msk $0xffff, v0;
	v0 =	vld [tilespmem:s26+$0xA0]  }
0x58f: {  	v55 =	vadd.s32 v55, v13;
	[tilespmem:v57+s22+$0x0] =	vst.idx.msk $0xffff, v53;
	v53 =	vld [tilespmem:s26+$0xE0]  }
0x590: {  	v57 =	vld [tilespmem:s26+$0x120];
	v61 =	vadd.s32 v59, v14  }
0x591: {  	v36 =	vld [tilespmem:s26+$0xFFFFFFA0];
	[tilespmem:v40+s22+$0x0] =	vst.idx.msk $0xffff, v38;
	v37 =	vadd.s32 v35, v8  }
0x592: {  	v38 =	vld [tilespmem:s26+$0x1A0];
	[tilespmem:v49+s22+$0x0] =	vst.idx.msk $0xffff, v46;
	v40 =	vadd.s32 v35, v16  }
0x593: {  	v5 =	vadd.s32 v56, v5;
	v46 =	vld [tilespmem:s26+$0xFFFFFEF0];
	[tilespmem:v51+s22+$0x0] =	vst.idx.msk $0xffff, v0  }
0x594: {  	v6 =	vadd.s32 v60, v6;
	v47 =	vld [tilespmem:s26+$0xFFFFFF30];
	[tilespmem:v55+s22+$0x0] =	vst.idx.msk $0xffff, v53  }
0x595: {  	v42 =	vld [tilespmem:s26+$0x20];
	v45 =	vadd.s32 v30, v10;
	[tilespmem:v61+s22+$0x0] =	vst.idx.msk $0xffff, v57  }
0x596: {  	v7 =	vadd.s32 v1, v7;
	v49 =	vld [tilespmem:s26+$0xFFFFFF70];
	[tilespmem:v37+s22+$0x0] =	vst.idx.msk $0xffff, v36  }
0x597: {  	v2 =	vadd.s32 v48, v2;
	v0 =	vld [tilespmem:s26+$0xFFFFFE70];
	[tilespmem:v40+s22+$0x0] =	vst.idx.msk $0xffff, v38  }
0x598: {  	v36 =	vld [tilespmem:s26+$0x160];
	v37 =	vadd.s32 v63, v15;
	[tilespmem:v5+s22+$0x0] =	vst.idx.msk $0xffff, v46  }
0x599: {  	v53 =	vadd.s32 v48, v11;
	[tilespmem:v6+s22+$0x0] =	vst.idx.msk $0xffff, v47;
	v6 =	vld [tilespmem:s26+$0x70]  }
0x59a: {  	v4 =	vadd.s32 v52, v4;
	[tilespmem:v45+s22+$0x0] =	vst.idx.msk $0xffff, v42;
	v45 =	vld [tilespmem:s26+$0xFFFFFEB0]  }
0x59b: {  	v26 =	vld [tilespmem:s26+$0xFFFFFE20];
	[tilespmem:v7+s22+$0x0] =	vst.idx.msk $0xffff, v49;
	v42 =	vadd.s32 v30, v3  }
0x59c: {  	v51 =	vadd.s32 v44, v10;
	v5 =	vld [tilespmem:s26+$0x30];
	[tilespmem:v2+s22+$0x0] =	vst.idx.msk $0xffff, v0  }
0x59d: {  	v55 =	vadd.s32 v52, v12;
	v7 =	vld [tilespmem:s26+$0xB0];
	[tilespmem:v37+s22+$0x0] =	vst.idx.msk $0xffff, v36  }
0x59e: {  	v0 =	vld [tilespmem:s26+$0xFFFFFFB0];
	v2 =	vadd.s32 v54, v8;
	[tilespmem:v53+s22+$0x0] =	vst.idx.msk $0xffff, v6  }
0x59f: {  	v50 =	vadd.s32 v50, v9;
	[tilespmem:v4+s22+$0x0] =	vst.idx.msk $0xffff, v45;
	v4 =	vld [tilespmem:s26+$0xFFFFFFF0]  }
0x5a0: {  	v61 =	vadd.s32 v54, v16;
	v6 =	vld [tilespmem:s26+$0x1B0];
	[tilespmem:v42+s22+$0x0] =	vst.idx.msk $0xffff, v26  }
0x5a1: {  	v59 =	vadd.s32 v1, v15;
	[tilespmem:v51+s22+$0x0] =	vst.idx.msk $0xffff, v5;
	v5 =	vld [tilespmem:s26+$0x170]  }
0x5a2: {  	v3 =	vadd.s32 v44, v3;
	[tilespmem:v55+s22+$0x0] =	vst.idx.msk $0xffff, v7;
	v63 =	vld [tilespmem:s26+$0xFFFFFE30]  }
0x5a3: {  	[tilespmem:v2+s22+$0x0] =	vst.idx.msk $0xffff, v0;
	v0 =	vld [tilespmem:s26+$0xF0];
	v2 =	vadd.s32 v56, v13  }
0x5a4: {  	v57 =	vld [tilespmem:s26+$0x130];
	[tilespmem:v50+s22+$0x0] =	vst.idx.msk $0xffff, v4;
	v4 =	vadd.s32 v60, v14  }
0x5a5: {  	[tilespmem:v61+s22+$0x0] =	vst.idx.msk $0xffff, v6  }
0x5a6: {  	[tilespmem:v59+s22+$0x0] =	vst.idx.msk $0xffff, v5  }
0x5a7: {  	[tilespmem:v3+s22+$0x0] =	vst.idx.msk $0xffff, v63  }
0x5a8: {  	s28 =	sor.u32 $0x60000, s4;
	[tilespmem:v2+s22+$0x0] =	vst.idx.msk $0xffff, v0  }
0x5a9: {  	s4 =	simm.s32 $0x10800;
	s7 =	sadd.s32 s1, s28;
	[tilespmem:v4+s22+$0x0] =	vst.idx.msk $0xffff, v57  }
0x5aa: {  	[hbm4b:s7+s2] =	stream.linear.scatter [tilespmem:s4], [sflag:$0x6], $0x80, $0x38;
	[tilespmem:$0x12A00] =	vst v63  }
0x5ab: {  	s6 =	simm.s32 $0x10888;
	s8 =	sadd.s32 $0x10, s7  }
0x5ac: {  	[hbm4b:s8+s2] =	stream.linear.scatter [tilespmem:s6], [sflag:$0x6], $0x80, $0x38;
	[tilespmem:$0x12A00] =	vst v63  }
0x5ad: {  	s3 =	simm.s32 $0x2200;
	s28 =	sadd.s32 $0x20, s7;
	s26 =	simm.s32 $0x10910  }
0x5ae: {  	[hbm4b:s28+s2] =	stream.linear.scatter [tilespmem:s26], [sflag:$0x6], $0x80, $0x38;
	[tilespmem:$0x12A00] =	vst v63  }
0x5af: {  	s4 =	simm.s32 $0x440;
	s6 =	simm.s32 $0x10998;
	s8 =	sadd.s32 $0x30, s7  }
0x5b0: {  	[hbm4b:s8+s2] =	stream.linear.scatter [tilespmem:s6], [sflag:$0x6], $0x80, $0x38;
	[tilespmem:$0x12A00] =	vst v63  }
0x5b1: {  	s26 =	simm.s32 $0x10A20;
	s28 =	sadd.s32 $0x40, s7;
	s6 =	simm.s32 $0x10AA8  }
0x5b2: {  	[hbm4b:s28+s2] =	stream.linear.scatter [tilespmem:s26], [sflag:$0x6], $0x80, $0x38;
	[tilespmem:$0x12A00] =	vst v63  }
0x5b3: {  	s8 =	sadd.s32 $0x50, s7;
	s26 =	simm.s32 $0x10B30;
	s28 =	sadd.s32 $0x60, s7  }
0x5b4: {  	v40 =	vmovc v41;
	v49 =	vmov v56;
	v38 =	vmov v43;
	v44 =	vmov v52;
	[hbm4b:s8+s2] =	stream.linear.scatter [tilespmem:s6], [sflag:$0x6], $0x80, $0x38;
	[tilespmem:$0x12A00] =	vst v63  }
0x5b5: {  	v52 =	vmovc v60;
	v55 =	vmovc v28;
	v36 =	vmov v58;
	v37 =	vmov v62;
	v42 =	vmov v48;
	s6 =	simm.s32 $0x10BB8;
	s8 =	sadd.s32 $0x70, s7;
	s7 =	sadd.s32 $0x4000, s7  }
0x5b6: {  	v48 =	vmovc v31;
	v56 =	vmovc v1;
	v50 =	vmov v29;
	v3 =	vmov v30;
	v4 =	vmov v32;
	[hbm4b:s28+s2] =	stream.linear.scatter [tilespmem:s26], [sflag:$0x6], $0x80, $0x38;
	[tilespmem:$0x12A00] =	vst v63  }
.LBB2_26:
0x5b7: {  	[hbm4b:s8+s2] =	stream.linear.scatter [tilespmem:s6], [sflag:$0x6], $0x80, $0x38;
	[tilespmem:$0x12A00] =	vst v63  }
0x5b8: {  	s6 =	smov.u32 s4;
	s4 =	smov.u32 s3  }
0x5b9: {  	s26 =	sadd.s32 $0x1100, s3;
	s4 =	sshra.s32 s4, $0x2;
	s8 =	sadd.s32 $0x10800, s6  }
0x5ba: {  	[hbm4b:s7+s2] =	stream.linear.scatter [tilespmem:s8], [sflag:$0x6], $0x80, $0x38;
	[tilespmem:$0x12A00] =	vst v63  }
0x5bb: {  	p1 =	sne.s32 s3, $0x7700;
	s3 =	sadd.s32 $0x10888, s6;
	s8 =	sadd.s32 $0x10, s7  }
0x5bc: {  	[hbm4b:s8+s2] =	stream.linear.scatter [tilespmem:s3], [sflag:$0x6], $0x80, $0x38;
	[tilespmem:$0x12A00] =	vst v63  }
0x5bd: {  	s3 =	sadd.s32 $0x10910, s6;
	s8 =	sadd.s32 $0x20, s7  }
0x5be: {  	[hbm4b:s8+s2] =	stream.linear.scatter [tilespmem:s3], [sflag:$0x6], $0x80, $0x38;
	[tilespmem:$0x12A00] =	vst v63  }
0x5bf: {  	s3 =	sadd.s32 $0x10998, s6;
	s8 =	sadd.s32 $0x30, s7  }
0x5c0: {  	[hbm4b:s8+s2] =	stream.linear.scatter [tilespmem:s3], [sflag:$0x6], $0x80, $0x38;
	[tilespmem:$0x12A00] =	vst v63  }
0x5c1: {  	s3 =	sadd.s32 $0x10A20, s6;
	s8 =	sadd.s32 $0x40, s7  }
0x5c2: {  	[hbm4b:s8+s2] =	stream.linear.scatter [tilespmem:s3], [sflag:$0x6], $0x80, $0x38;
	[tilespmem:$0x12A00] =	vst v63  }
.Ltmp16:
0x5c3: {  	s3 =	sadd.s32 $0x10AA8, s6;
	s8 =	sadd.s32 $0x50, s7;
	(pc) =	sbr.rel @p1 .LBB2_26-.Ltmp16, $4  }
0x5c4: {  	[hbm4b:s8+s2] =	stream.linear.scatter [tilespmem:s3], [sflag:$0x6], $0x80, $0x38;
	[tilespmem:$0x12A00] =	vst v63  }
0x5c5: {  	s3 =	sadd.s32 $0x10B30, s6;
	s8 =	sadd.s32 $0x60, s7;
	s6 =	sadd.s32 $0x10BB8, s6  }
0x5c6: {  	[hbm4b:s8+s2] =	stream.linear.scatter [tilespmem:s3], [sflag:$0x6], $0x80, $0x38;
	[tilespmem:$0x12A00] =	vst v63  }
0x5c7: {  	s8 =	sadd.s32 $0x70, s7;
	s7 =	sadd.s32 $0x4000, s7;
	s3 =	smov.u32 s26  }
0x5c8: {  	[hbm4b:s8+s2] =	stream.linear.scatter [tilespmem:s6], [sflag:$0x6], $0x80, $0x38;
	[tilespmem:$0x12A00] =	vst v63  }
0x5c9: {  	s3 =	sadd.s32 $0x10800, s4  }
0x5ca: {  	[hbm4b:s7+s2] =	stream.linear.scatter [tilespmem:s3], [sflag:$0x6], $0x80, $0x38;
	[tilespmem:$0x12A00] =	vst v63  }
0x5cb: {  	s26 =	sadd.s32 $0x10888, s4;
	s28 =	sadd.s32 $0x10, s7  }
0x5cc: {  	[hbm4b:s28+s2] =	stream.linear.scatter [tilespmem:s26], [sflag:$0x6], $0x80, $0x38;
	[tilespmem:$0x12A00] =	vst v63  }
0x5cd: {  	s6 =	sadd.s32 $0x10910, s4;
	s8 =	sadd.s32 $0x20, s7  }
0x5ce: {  	[hbm4b:s8+s2] =	stream.linear.scatter [tilespmem:s6], [sflag:$0x6], $0x80, $0x38;
	[tilespmem:$0x12A00] =	vst v63  }
0x5cf: {  	s26 =	sadd.s32 $0x10998, s4;
	s28 =	sadd.s32 $0x30, s7  }
0x5d0: {  	[hbm4b:s28+s2] =	stream.linear.scatter [tilespmem:s26], [sflag:$0x6], $0x80, $0x38;
	[tilespmem:$0x12A00] =	vst v63  }
0x5d1: {  	s6 =	sadd.s32 $0x10A20, s4;
	s8 =	sadd.s32 $0x40, s7  }
0x5d2: {  	[hbm4b:s8+s2] =	stream.linear.scatter [tilespmem:s6], [sflag:$0x6], $0x80, $0x38;
	[tilespmem:$0x12A00] =	vst v63  }
0x5d3: {  	s26 =	sadd.s32 $0x10AA8, s4;
	s28 =	sadd.s32 $0x50, s7  }
0x5d4: {  	[hbm4b:s28+s2] =	stream.linear.scatter [tilespmem:s26], [sflag:$0x6], $0x80, $0x38;
	[tilespmem:$0x12A00] =	vst v63  }
.Ltmp17:
0x5d5: {  	_ = 	snop;
	(pc) =	sbr.rel @p0 .LBB2_29-.Ltmp17, $4  }
0x5d6: {  	s6 =	sadd.s32 $0x10B30, s4;
	s8 =	sadd.s32 $0x60, s7  }
0x5d7: {  	[hbm4b:s8+s2] =	stream.linear.scatter [tilespmem:s6], [sflag:$0x6], $0x80, $0x38;
	[tilespmem:$0x12A00] =	vst v63  }
0x5d8: {  	s26 =	sadd.s32 $0x10BB8, s4;
	s28 =	sadd.s32 $0x70, s7  }
0x5d9: {  	[hbm4b:s28+s2] =	stream.linear.scatter [tilespmem:s26], [sflag:$0x6], $0x80, $0x38;
	[tilespmem:$0x12A00] =	vst v63  }
0x5da: {  	v2 =	vld [tilespmem:$0x1FDF0];
	_ =	sdelay $0x3  }
0x5db: {  	s3 =	sadd.s32 $0x7, s0  }
0x5dc: {  	v0 =	vadd.s32 s3, v2;
	_ =	sdelay $0x4  }
0x5dd: {  	s28 =	sadd.s32 $0xC87, s0;
	v0 =	vld.idx.msk [tilespmem:v0+s2+$0x0], $0xffff  }
0x5de: {  	v5 =	vadd.s32 s28, v2;
	_ =	sdelay $0x3  }
0x5df: {  	[tilespmem:$0x6580] =	vst v0  }
0x5e0: {  	s4 =	sadd.s32 $0x1907, s0;
	v0 =	vld.idx.msk [tilespmem:v5+s2+$0x0], $0xffff  }
0x5e1: {  	v59 =	vadd.s32 s4, v2;
	_ =	sdelay $0x3  }
0x5e2: {  	[tilespmem:$0x6590] =	vst v0  }
0x5e3: {  	s6 =	sadd.s32 $0x2587, s0;
	v0 =	vld.idx.msk [tilespmem:v59+s2+$0x0], $0xffff  }
0x5e4: {  	v60 =	vadd.s32 s6, v2;
	_ =	sdelay $0x3  }
0x5e5: {  	[tilespmem:$0x65A0] =	vst v0  }
0x5e6: {  	s7 =	sadd.s32 $0x3207, s0;
	v0 =	vld.idx.msk [tilespmem:v60+s2+$0x0], $0xffff  }
0x5e7: {  	v61 =	vadd.s32 s7, v2;
	_ =	sdelay $0x3  }
0x5e8: {  	[tilespmem:$0x65B0] =	vst v0  }
0x5e9: {  	s8 =	sadd.s32 $0x3E87, s0;
	v0 =	vld.idx.msk [tilespmem:v61+s2+$0x0], $0xffff  }
0x5ea: {  	v62 =	vadd.s32 s8, v2;
	_ =	sdelay $0x3  }
0x5eb: {  	[tilespmem:$0x65C0] =	vst v0  }
0x5ec: {  	s26 =	sadd.s32 $0x4B07, s0;
	v0 =	vld.idx.msk [tilespmem:v62+s2+$0x0], $0xffff  }
0x5ed: {  	v63 =	vadd.s32 s26, v2;
	_ =	sdelay $0x3  }
0x5ee: {  	[tilespmem:$0x65D0] =	vst v0  }
0x5ef: {  	s28 =	sadd.s32 $0x5787, s0;
	v0 =	vld.idx.msk [tilespmem:v63+s2+$0x0], $0xffff  }
0x5f0: {  	v41 =	vld [tilespmem:$0x1FE20];
	v2 =	vadd.s32 s28, v2  }
0x5f1: {  	v58 =	vld [tilespmem:$0x1FE40]  }
0x5f2: {  	v43 =	vld [tilespmem:$0x1FE70]  }
0x5f3: {  	v54 =	vld [tilespmem:$0x1FE80]  }
0x5f4: {  	v51 =	vld [tilespmem:$0x1FEA0];
	[tilespmem:$0x65E0] =	vst v0  }
0x5f5: {  	v0 =	vld.idx.msk [tilespmem:v2+s2+$0x0], $0xffff  }
0x5f6: {  	v45 =	vld [tilespmem:$0x1FEB0]  }
.Ltmp18:
0x5f7: {  	v53 =	vld [tilespmem:$0x1FEC0];
	(pc) =	sbr.rel .LBB2_3-.Ltmp18, $4  }
0x5f8: {  	v57 =	vld [tilespmem:$0x1FED0]  }
0x5f9: {  	v59 =	vld [tilespmem:$0x1FE90]  }
0x5fa: {  	s31 =	sadd.s32 $0x1, s31;
	v60 =	vld [tilespmem:$0x1FE50];
	[tilespmem:$0x65F0] =	vst v0  }
0x5fb: {  	v32 =	vmov v3;
	v1 =	vmov v4;
	v62 =	vld [tilespmem:$0x1FE60];
	[tilespmem:s17], [sflag:$0x4] =	stream.indirect.gather [hbm4b:s5+s9], $0x40, s16, s9, $0xb8  }
.LBB2_31:
0x5fc: {  	_ =	sfence.sel $0x180000  }
0x5fd: {  	[bflag:$0x0] =	sbarrier.arrive $0xFFFF  }
0x5fe: {  	_ =	strace $0x90000047  }
0x5ff: {  	s0 =	stileid.u32;
	[bflag:$0x2] =	sbarrier.arrive $0xFFFF  }
0x600: {  	p0 =	sne.s32 s0, $0x0;
	s0 =	rddreg [dreg:$0x2]  }
0x601: {  	s0 =	sadd.s32 @!p0 $0x100000, s0  }
0x602: {  	[sflag:s0] =	ssyncadd.tile.s32 @!p0 $0x1;
	_ =	shalt  }
.Lfunc_end2:
_tile_overlayer_lowered:
.L_overlay_start_2:
0x603: {  	(tag) =	ssettag $0x2  }
0x604: {  	s0 =	rddreg [dreg:$0x0];
	s2 =	stileid.u32  }
0x605: {  	s1 =	rddreg [dreg:$0x1];
	p0 =	sne.s32 s2, $0x0  }
0x606: {  	s3 =	rddreg [dreg:$0x2];
	[bflag:$0x3] =	sbarrier.arrive $0xFFFF;
	s2 =	simm.s32 @!p0 $0x1C07  }
0x607: {  	[timem:s3], [sflag:s2] =	dma.local @!p0 [hbm:s0], s1  }
0x608: {  	s0 =	simm.s32 @!p0 $0x7  }
0x609: {  	_ =	swait.ge @!p0 [sflag:s0], s1  }
0x60a: {  	s1 =	ssub.s32 @!p0 $0x0, s1;
	[sflag:s0] =	ssyncset.done @!p0 $0x0  }
0x60b: {  	[sflag:s0] =	ssyncadd.s32 @!p0 s1  }
0x60c: {  	[bflag:$0x3] =	sbarrier.arrive $0xFFFF  }
0x60d: {  	_ =	shalt  }

</sc_bundles>
